<compile_context>
chip_gen: v7x
topology: tpu7x:2x2x1
jax: 0.10.2.dev20260603
libtpu: 0.0.44.dev20260713+nightly
codegen_flags: <defaults>
</compile_context>

<pallas_src>
import functools

import jax
import jax.numpy as jnp
from jax import lax
from jax.experimental import pallas as pl
from jax.experimental.pallas import tpu as pltpu
from jax.experimental.pallas import tpu_sc as plsc

N = 10000
E = 160000
C = 128
T = 8
NT = N * T
TC = T * C
L = 3
EPS = 1e-5

NTILES = 32
EW = E // NTILES
K = 32
VCH = TC // 16
ZR = 8

RB = 1600
NB = NT // RB

def _sc_spmm(h_nodes, src_s, dst_s, w_s, bounds):
    _mesh = plsc.VectorSubcoreMesh(
        core_axis_name="c", subcore_axis_name="s", num_cores=2, num_subcores=16
    )

    @functools.partial(
        pl.kernel,
        out_type=jax.ShapeDtypeStruct((N, TC), jnp.float32),
        mesh=_mesh,
        scratch_types=[
            pltpu.VMEM((K,), jnp.int32),
            pltpu.VMEM((K, TC), jnp.float32),
            pltpu.VMEM((ZR, TC), jnp.float32),
            pltpu.VMEM((ZR, TC), jnp.float32),
            pltpu.VMEM((NTILES, 16), jnp.int32),
            pltpu.VMEM((K + 16,), jnp.int32),
            pltpu.VMEM((K + 16,), jnp.float32),
        ],
    )
    def kern(h_hbm, src_hbm, dst_hbm, w_hbm, b_hbm, agg_hbm,
             idx_v, rows_v, stg_v, zero_v, b_sm, dst_sm, w_sm):
        wid = lax.axis_index("s") * 2 + lax.axis_index("c")
        pltpu.sync_copy(b_hbm, b_sm)
        brow = b_sm[wid, pl.ds(0, 16)]
        nlo = brow[0]
        nhi = brow[1]
        est = brow[2]
        een = brow[3]

        zvec = jnp.zeros((16,), jnp.float32)

        @pl.loop(0, ZR)
        def _(r):
            @pl.loop(0, VCH)
            def _(cc):
                zero_v[r, pl.ds(cc * 16, 16)] = zvec
                stg_v[r, pl.ds(cc * 16, 16)] = zvec

        @pl.when(nlo < nhi)
        def _():
            @pl.loop(nlo, nhi, step=ZR)
            def _(n):
                pltpu.sync_copy(zero_v, agg_hbm.at[pl.ds(pl.multiple_of(n, ZR), ZR)])

            base0 = (est // 8) * 8
            nch = (een - base0 + (K - 1)) // K

            def chunk_body(cidx, cur_g):
                base = base0 + cidx * K
                pltpu.sync_copy(src_hbm.at[pl.ds(base, K)], idx_v)
                pltpu.sync_copy(dst_hbm.at[pl.ds(base, K)], dst_sm.at[pl.ds(0, K)])
                pltpu.sync_copy(w_hbm.at[pl.ds(base, K)], w_sm.at[pl.ds(0, K)])
                pltpu.sync_copy(h_hbm.at[idx_v], rows_v)

                def edge_body(j, cur_g_in):
                    e = base + j
                    valid = jnp.logical_and(e >= est, e < een)
                    wj = jnp.where(valid, w_sm[pl.ds(j, 16)][0], 0.0)
                    d = jnp.where(valid, dst_sm[pl.ds(j, 16)][0], cur_g_in * ZR)
                    d = jnp.clip(d, nlo, nhi - 1)
                    g = d // ZR

                    @pl.when(g != cur_g_in)
                    def _():
                        pltpu.sync_copy(
                            stg_v,
                            agg_hbm.at[pl.ds(pl.multiple_of(cur_g_in * ZR, ZR), ZR)])

                        @pl.loop(0, ZR)
                        def _(r):
                            @pl.loop(0, VCH)
                            def _(cc):
                                stg_v[r, pl.ds(cc * 16, 16)] = zvec

                    @pl.when(wj != 0.0)
                    def _():
                        r = d - g * ZR

                        @pl.loop(0, VCH, unroll=8)
                        def _(cc):
                            sl = pl.ds(cc * 16, 16)
                            plsc.addupdate(stg_v.at[r, sl], wj * rows_v[j, sl])

                    return g

                return pl.loop(0, K, init_carry=cur_g)(edge_body)

            cur_g_fin = pl.loop(0, nch, init_carry=nlo // ZR)(chunk_body)
            pltpu.sync_copy(
                stg_v, agg_hbm.at[pl.ds(pl.multiple_of(cur_g_fin * ZR, ZR), ZR)])

    return kern(h_nodes, src_s, dst_s, w_s, bounds)


def _tc_gate(X, Sin, Wtap, Wx, bvec, WskipT, d):

    def body(x_ref, s_ref, wt_ref, wx_ref, b_ref, wsk_ref, h_ref, so_ref):
        xb = x_ref[...]
        sh = jnp.concatenate(
            [jnp.zeros((d, C), jnp.float32), xb[: RB - d, :]], axis=0)
        tmask = (lax.broadcasted_iota(jnp.int32, (RB, 1), 0) % T) >= d
        tap = jnp.where(tmask, sh, 0.0)
        fg = (jnp.dot(tap, wt_ref[...], preferred_element_type=jnp.float32)
              + jnp.dot(xb, wx_ref[...], preferred_element_type=jnp.float32)
              + b_ref[...])
        h = jnp.tanh(fg[:, :C]) * jax.nn.sigmoid(fg[:, C:])
        h_ref[...] = h
        so_ref[...] = s_ref[...] + jnp.dot(
            h, wsk_ref[...], preferred_element_type=jnp.float32)

    return pl.pallas_call(
        body,
        grid=(NB,),
        in_specs=[
            pl.BlockSpec((RB, C), lambda i: (i, 0)),
            pl.BlockSpec((RB, C), lambda i: (i, 0)),
            pl.BlockSpec((C, 2 * C), lambda i: (0, 0)),
            pl.BlockSpec((C, 2 * C), lambda i: (0, 0)),
            pl.BlockSpec((1, 2 * C), lambda i: (0, 0)),
            pl.BlockSpec((C, C), lambda i: (0, 0)),
        ],
        out_specs=[
            pl.BlockSpec((RB, C), lambda i: (i, 0)),
            pl.BlockSpec((RB, C), lambda i: (i, 0)),
        ],
        out_shape=[
            jax.ShapeDtypeStruct((NT, C), jnp.float32),
            jax.ShapeDtypeStruct((NT, C), jnp.float32),
        ],
    )(X, Sin, Wtap, Wx, bvec, WskipT)


def _tc_gnn_bn(AGG, X, WgT, gb):

    def body(agg_ref, x_ref, wg_ref, gb_ref, o_ref, sum_ref, ssq_ref):
        ph = pl.program_id(0)
        j = pl.program_id(1)
        v = x_ref[...] + jnp.dot(
            agg_ref[...], wg_ref[...], preferred_element_type=jnp.float32)

        @pl.when(jnp.logical_and(ph == 0, j == 0))
        def _():
            sum_ref[...] = jnp.zeros_like(sum_ref)
            ssq_ref[...] = jnp.zeros_like(ssq_ref)

        @pl.when(ph == 0)
        def _():
            sum_ref[...] += jnp.sum(v, axis=0, keepdims=True)
            ssq_ref[...] += jnp.sum(v * v, axis=0, keepdims=True)

        @pl.when(ph == 1)
        def _():
            mean = sum_ref[...] * (1.0 / NT)
            var = ssq_ref[...] * (1.0 / NT) - mean * mean
            scale = gb_ref[0:1, :] * lax.rsqrt(var + EPS)
            o_ref[...] = scale * (v - mean) + gb_ref[1:2, :]

    return pl.pallas_call(
        body,
        grid=(2, NB),
        in_specs=[
            pl.BlockSpec((RB, C), lambda p, i: (i, 0)),
            pl.BlockSpec((RB, C), lambda p, i: (i, 0)),
            pl.BlockSpec((C, C), lambda p, i: (0, 0)),
            pl.BlockSpec((2, C), lambda p, i: (0, 0)),
        ],
        out_specs=pl.BlockSpec((RB, C), lambda p, i: (i, 0)),
        out_shape=jax.ShapeDtypeStruct((NT, C), jnp.float32),
        scratch_shapes=[
            pltpu.VMEM((1, C), jnp.float32),
            pltpu.VMEM((1, C), jnp.float32),
        ],
    )(AGG, X, WgT, gb)


def kernel(x, edge_index, edge_weight, Wf, bf, Wg, bg, Wskip, Wgnn, gamma, beta):
    X = x[0].transpose(1, 2, 0).reshape(NT, C)

    src = edge_index[0].astype(jnp.int32)
    dst = edge_index[1].astype(jnp.int32)
    order = jnp.argsort(dst)
    src_s = src[order]
    dst_s = dst[order]
    w_s = edge_weight[order]
    rp = jnp.searchsorted(
        dst_s, jnp.arange(N + 1, dtype=jnp.int32), side="left").astype(jnp.int32)
    cuts = jnp.arange(NTILES, dtype=jnp.int32) * EW
    nlo = jnp.searchsorted(rp, cuts, side="left").astype(jnp.int32)
    nlo = (nlo // ZR) * ZR
    nlo_ext = jnp.concatenate([nlo, jnp.array([N], jnp.int32)])
    estart = rp[nlo_ext[:NTILES]]
    eend = rp[nlo_ext[1:]]
    bounds = jnp.zeros((NTILES, 16), jnp.int32)
    bounds = bounds.at[:, 0].set(nlo_ext[:NTILES])
    bounds = bounds.at[:, 1].set(nlo_ext[1:])
    bounds = bounds.at[:, 2].set(estart)
    bounds = bounds.at[:, 3].set(eend)
    src_p = jnp.concatenate([src_s, jnp.zeros((K,), jnp.int32)])
    dst_p = jnp.concatenate([dst_s, jnp.full((K,), N - 1, jnp.int32)])
    w_p = jnp.concatenate([w_s, jnp.zeros((K,), jnp.float32)])

    S = jnp.zeros((NT, C), jnp.float32)
    for l in range(L):
        Wtap = jnp.concatenate([Wf[l, :, :, 0].T, Wg[l, :, :, 0].T], axis=1)
        Wx = jnp.concatenate([Wf[l, :, :, 1].T, Wg[l, :, :, 1].T], axis=1)
        bvec = jnp.concatenate([bf[l], bg[l]]).reshape(1, 2 * C)
        H, S = _tc_gate(X, S, Wtap, Wx, bvec, Wskip[l].T, 2 ** l)
        AGG = _sc_spmm(H.reshape(N, TC), src_p, dst_p, w_p, bounds)
        gbmat = jnp.stack([gamma[l], beta[l]], axis=0)
        X = _tc_gnn_bn(AGG.reshape(NT, C), X, Wgnn[l].T, gbmat)

    x_out = X.reshape(N, T, C).transpose(2, 0, 1)[None]
    s_out = S.reshape(N, T, C).transpose(2, 0, 1)[None]
    return (x_out, s_out)

# --- scband reference (transcript-rebuilt; emitter-appended) ---
"""Pipeline reference for scband-encoder-21363167330376 (READ-ONLY COPY).

The authoritative reference and input builder live on the scoring server;
editing this copy changes nothing except your own understanding.
"""

import jax, jax.numpy as jnp
import numpy as np

N = 10000
E = 160000
C = 128
T = 8
B = 1
L = 3
EPS = 1e-5


def setup_inputs(seed: int = 0) -> dict:
    key = jax.random.key(seed)
    ks = jax.random.split(key, 16)
    x = jax.random.normal(ks[0], (B, C, N, T), dtype=jnp.float32)
    edge_index = jax.random.randint(ks[1], (2, E), 0, N, dtype=jnp.int32)
    edge_weight = jax.random.uniform(ks[2], (E,), dtype=jnp.float32)
    Wf = jax.random.normal(ks[3], (L, C, C, 2), dtype=jnp.float32) * 0.05
    bf = jnp.zeros((L, C), dtype=jnp.float32)
    Wg = jax.random.normal(ks[4], (L, C, C, 2), dtype=jnp.float32) * 0.05
    bg = jnp.zeros((L, C), dtype=jnp.float32)
    Wskip = jax.random.normal(ks[5], (L, C, C), dtype=jnp.float32) * 0.05
    Wgnn = jax.random.normal(ks[6], (L, C, C), dtype=jnp.float32) * 0.05
    gamma = jnp.ones((L, C), dtype=jnp.float32)
    beta = jnp.zeros((L, C), dtype=jnp.float32)
    return {"x": x, "edge_index": edge_index, "edge_weight": edge_weight,
            "Wf": Wf, "bf": bf, "Wg": Wg, "bg": bg,
            "Wskip": Wskip, "Wgnn": Wgnn, "gamma": gamma, "beta": beta}


def _gated_temporal_conv(x, Wf_l, bf_l, Wg_l, bg_l, Wskip_l, dilation):
    Tlen = x.shape[-1]
    xp = jnp.pad(x, ((0, 0), (0, 0), (0, 0), (dilation, 0)))
    tap = xp[..., :Tlen]
    f = jnp.tanh(jnp.einsum('oc,bcnt->bont', Wf_l[:, :, 0], tap)
                 + jnp.einsum('oc,bcnt->bont', Wf_l[:, :, 1], x)
                 + bf_l[None, :, None, None])
    g = jax.nn.sigmoid(jnp.einsum('oc,bcnt->bont', Wg_l[:, :, 0], tap)
                       + jnp.einsum('oc,bcnt->bont', Wg_l[:, :, 1], x)
                       + bg_l[None, :, None, None])
    h = f * g
    skip = jnp.einsum('oc,bcnt->bont', Wskip_l, h)
    return h, skip


def _spatial_conv(h, src, dst, w, Wgnn_l):
    ht = jnp.transpose(h, (2, 0, 1, 3))  # [N, B, C, T]
    aggs = []
    for t in range(h.shape[-1]):
        msg = ht[src, :, :, t] * w[:, None, None]  # gather + edge weight
        aggs.append(jax.ops.segment_sum(msg, dst, num_segments=ht.shape[0]))
    agg = jnp.stack(aggs, axis=-1)  # [N, B, C, T]
    agg = jnp.transpose(agg, (1, 2, 0, 3))  # [B, C, N, T]
    return jnp.einsum('oc,bcnt->bont', Wgnn_l, agg)


def _batch_norm(x, gamma_l, beta_l):
    mean = jnp.mean(x, axis=(0, 2, 3), keepdims=True)
    var = jnp.var(x, axis=(0, 2, 3), keepdims=True)
    return gamma_l[None, :, None, None] * (x - mean) / jnp.sqrt(var + EPS) + beta_l[None, :, None, None]


def reference(x, edge_index, edge_weight, Wf, bf, Wg, bg, Wskip, Wgnn, gamma, beta):
    src = edge_index[0]
    dst = edge_index[1]
    skip = jnp.zeros_like(x)
    for l in range(L):
        res = x
        h, s = _gated_temporal_conv(x, Wf[l], bf[l], Wg[l], bg[l], Wskip[l], 2 ** l)
        out = _spatial_conv(h, src, dst, edge_weight, Wgnn[l])
        x = res + out
        x = _batch_norm(x, gamma[l], beta[l])
        skip = skip + s
    return (x, skip)

if __name__ == "__main__":
    import jax
    _d = setup_inputs()
    print(jax.jit(kernel)(*tuple(_d.values())))

</pallas_src>

<mosaic_0001>
#map = affine_map<(d0, d1) -> (0, 0)>
#map1 = affine_map<(d0, d1) -> (0)>
module attributes {stable_mosaic.version = 14 : i64} {
  func.func @kern(%arg0: i32, %arg1: i32, %arg2: memref<10000x1024xf32, #tpu.memory_space<hbm>>, %arg3: memref<160032xi32, #tpu.memory_space<hbm>>, %arg4: memref<160032xi32, #tpu.memory_space<hbm>>, %arg5: memref<160032xf32, #tpu.memory_space<hbm>>, %arg6: memref<32x16xi32, #tpu.memory_space<hbm>>, %arg7: memref<10000x1024xf32, #tpu.memory_space<hbm>>, %arg8: memref<32xi32, #tpu.memory_space<vmem>>, %arg9: memref<32x1024xf32, #tpu.memory_space<vmem>>, %arg10: memref<8x1024xf32, #tpu.memory_space<vmem>>, %arg11: memref<8x1024xf32, #tpu.memory_space<vmem>>, %arg12: memref<32x16xi32, #tpu.memory_space<vmem>>, %arg13: memref<48xi32, #tpu.memory_space<vmem>>, %arg14: memref<48xf32, #tpu.memory_space<vmem>>) attributes {dimension_semantics = [#tpu.dimension_semantics<core_parallel>, #tpu.dimension_semantics<subcore_parallel>], iteration_bounds = array<i64: 2, 16>, scalar_prefetch = 0 : i64, scratch_operands = 7 : i64, tpu.core_type = #tpu.core_type<sc_vector_subcore>, window_params = [{transform_indices = #map}, {transform_indices = #map1}, {transform_indices = #map1}, {transform_indices = #map1}, {transform_indices = #map}, {transform_indices = #map}]} {
    %mul3A = arith.constant 2 : i32
    %mul3A_0 = arith.muli %arg1, %mul3A : i32
    %add3A = arith.addi %mul3A_0, %arg0 : i32
    "tpu.region"() ({
      %run_scoped3A = tpu.sem_alloc : memref<!tpu.dma_semaphore, #tpu.memory_space<semaphore_mem>>
      tpu.enqueue_dma source(%arg6 : memref<32x16xi32, #tpu.memory_space<hbm>>) target(%arg12 : memref<32x16xi32, #tpu.memory_space<vmem>>) target_semaphore(%run_scoped3A : memref<!tpu.dma_semaphore, #tpu.memory_space<semaphore_mem>>)
      tpu.wait_dma2 semaphore(%run_scoped3A : memref<!tpu.dma_semaphore, #tpu.memory_space<semaphore_mem>>) src(%arg6 : memref<32x16xi32, #tpu.memory_space<hbm>>) dst(%arg12 : memref<32x16xi32, #tpu.memory_space<vmem>>)
      tpu.yield
    }) : () -> ()
    %get3A = arith.index_cast %add3A : i32 to index
    %get3A_1 = arith.constant 0 : index
    %get3A_2 = tpu.vector_load %arg12[%get3A, %get3A_1] {strides = array<i32>} : memref<32x16xi32, #tpu.memory_space<vmem>>, vector<1x16xi32>,
    %get3A_3 = vector.shape_cast %get3A_2 : vector<1x16xi32> to vector<16xi32>
    %slice3A = vector.extract_strided_slice %get3A_3 {offsets = [0], sizes = [1], strides = [1]} : vector<16xi32> to vector<1xi32>
    %squeeze3A = vector.extract %slice3A[0] : i32 from vector<1xi32>
    %slice3A_4 = vector.extract_strided_slice %get3A_3 {offsets = [1], sizes = [1], strides = [1]} : vector<16xi32> to vector<1xi32>
    %squeeze3A_5 = vector.extract %slice3A_4[0] : i32 from vector<1xi32>
    %slice3A_6 = vector.extract_strided_slice %get3A_3 {offsets = [2], sizes = [1], strides = [1]} : vector<16xi32> to vector<1xi32>
    %squeeze3A_7 = vector.extract %slice3A_6[0] : i32 from vector<1xi32>
    %slice3A_8 = vector.extract_strided_slice %get3A_3 {offsets = [3], sizes = [1], strides = [1]} : vector<16xi32> to vector<1xi32>
    %squeeze3A_9 = vector.extract %slice3A_8[0] : i32 from vector<1xi32>
    %broadcast_in_dim3A = arith.constant 0.000000e+00 : f32
    %broadcast_in_dim3A_10 = vector.broadcast %broadcast_in_dim3A : f32 to vector<16xf32>
    %scan3A = arith.constant 0 : i32
    %scan3A_11 = arith.constant 8 : i32
    %scan3A_12 = arith.addi %scan3A, %scan3A_11 : i32
    %scan3A_13 = arith.constant 1 : i32
    scf.for %scan3A_16 = %scan3A to %scan3A_12 step %scan3A_13  : i32 {
      %mul3A_17 = arith.constant 1 : i32
      %mul3A_18 = arith.muli %scan3A_16, %mul3A_17 : i32
      %add3A_19 = arith.constant 0 : i32
      %add3A_20 = arith.addi %add3A_19, %mul3A_18 : i32
      %scan3A_21 = arith.constant 0 : i32
      %scan3A_22 = arith.constant 64 : i32
      %scan3A_23 = arith.addi %scan3A_21, %scan3A_22 : i32
      %scan3A_24 = arith.constant 1 : i32
      scf.for %scan3A_26 = %scan3A_21 to %scan3A_23 step %scan3A_24  : i32 {
        %mul3A_27 = arith.constant 1 : i32
        %mul3A_28 = arith.muli %scan3A_26, %mul3A_27 : i32
        %add3A_29 = arith.constant 0 : i32
        %add3A_30 = arith.addi %add3A_29, %mul3A_28 : i32
        %mul3A_31 = arith.constant 16 : i32
        %mul3A_32 = arith.muli %add3A_30, %mul3A_31 : i32
        %swap3A = arith.index_cast %add3A_20 : i32 to index
        %swap3A_33 = arith.index_cast %mul3A_32 : i32 to index
        %swap3A_34 = tpu.vector_load %arg11[%swap3A, %swap3A_33] {strides = array<i32>} : memref<8x1024xf32, #tpu.memory_space<vmem>>, vector<1x16xf32>,
        %swap3A_35 = vector.shape_cast %swap3A_34 : vector<1x16xf32> to vector<16xf32>
        %swap3A_36 = vector.shape_cast %broadcast_in_dim3A_10 : vector<16xf32> to vector<1x16xf32>
        tpu.vector_store %arg11[%swap3A, %swap3A_33], %swap3A_36 {strides = array<i32>} : memref<8x1024xf32, #tpu.memory_space<vmem>>, vector<1x16xf32>,
        %mul3A_37 = arith.constant 16 : i32
        %mul3A_38 = arith.muli %add3A_30, %mul3A_37 : i32
        %swap3A_39 = arith.index_cast %add3A_20 : i32 to index
        %swap3A_40 = arith.index_cast %mul3A_38 : i32 to index
        %swap3A_41 = tpu.vector_load %arg10[%swap3A_39, %swap3A_40] {strides = array<i32>} : memref<8x1024xf32, #tpu.memory_space<vmem>>, vector<1x16xf32>,
        %swap3A_42 = vector.shape_cast %swap3A_41 : vector<1x16xf32> to vector<16xf32>
        %swap3A_43 = vector.shape_cast %broadcast_in_dim3A_10 : vector<16xf32> to vector<1x16xf32>
        tpu.vector_store %arg10[%swap3A_39, %swap3A_40], %swap3A_43 {strides = array<i32>} : memref<8x1024xf32, #tpu.memory_space<vmem>>, vector<1x16xf32>,
      }
      %scan3A_25 = arith.constant 64 : i32
    }
    %scan3A_14 = arith.constant 8 : i32
    %lt3A = arith.cmpi slt, %squeeze3A, %squeeze3A_5 : i32
    %convert_element_type3A = arith.extui %lt3A : i1 to i32
    %cond3A = arith.constant 0 : i32
    %cond3A_15 = arith.cmpi ne, %convert_element_type3A, %cond3A : i32
    scf.if %cond3A_15 {
      %sub3A = arith.subi %squeeze3A_5, %squeeze3A : i32
      %sub3A_16 = arith.constant 8 : i32
      %sub3A_17 = arith.constant 1 : i32
      %sub3A_18 = arith.subi %sub3A_16, %sub3A_17 : i32
      %add3A_19 = arith.addi %sub3A, %sub3A_18 : i32
      %div3A = arith.constant 8 : i32
      %div3A_20 = arith.divsi %add3A_19, %div3A : i32
      %while3A = arith.constant 8 : i32
      %while3A_21 = arith.constant 0 : i32
      %while3A_22 = arith.subi %div3A_20, %while3A_21 : i32
      %while3A_23 = arith.addi %while3A_21, %while3A_22 : i32
      %while3A_24 = arith.constant 1 : i32
      %while3A_25 = arith.divsi %while3A_22, %while3A_24 : i32
      %while3A_26 = arith.muli %while3A_25, %while3A_24 : i32
      %while3A_27 = arith.addi %while3A_21, %while3A_26 : i32
      %while3A_28 = arith.constant 1 : i32
      scf.for %while3A_124 = %while3A_21 to %while3A_27 step %while3A_28  : i32 {
        %mul3A_125 = arith.muli %while3A_124, %while3A : i32
        %add3A_126 = arith.addi %squeeze3A, %mul3A_125 : i32
        %multiple_of3A_127 = tpu.assume_multiple %add3A_126, 8 : i32
        "tpu.region"() ({
          %run_scoped3A = tpu.sem_alloc : memref<!tpu.dma_semaphore, #tpu.memory_space<semaphore_mem>>
          %dma_start3A = arith.constant 0 : i32
          %dma_start3A_128 = tpu.memref_slice %arg7[%multiple_of3A_127, %dma_start3A] : memref<10000x1024xf32, #tpu.memory_space<hbm>> -> memref<8x1024xf32, #tpu.memory_space<hbm>>
          %dma_start3A_129 = arith.constant 0 : i32
          %dma_start3A_130 = tpu.memref_slice %arg7[%multiple_of3A_127, %dma_start3A_129] : memref<10000x1024xf32, #tpu.memory_space<hbm>> -> memref<8x1024xf32, #tpu.memory_space<hbm>>
          tpu.enqueue_dma source(%arg11 : memref<8x1024xf32, #tpu.memory_space<vmem>>) target(%dma_start3A_130 : memref<8x1024xf32, #tpu.memory_space<hbm>>) target_semaphore(%run_scoped3A : memref<!tpu.dma_semaphore, #tpu.memory_space<semaphore_mem>>)
          %dma_wait3A = arith.constant 0 : i32
          %dma_wait3A_131 = tpu.memref_slice %arg7[%multiple_of3A_127, %dma_wait3A] : memref<10000x1024xf32, #tpu.memory_space<hbm>> -> memref<8x1024xf32, #tpu.memory_space<hbm>>
          %dma_wait3A_132 = arith.constant 0 : i32
          %dma_wait3A_133 = tpu.memref_slice %arg7[%multiple_of3A_127, %dma_wait3A_132] : memref<10000x1024xf32, #tpu.memory_space<hbm>> -> memref<8x1024xf32, #tpu.memory_space<hbm>>
          tpu.wait_dma2 semaphore(%run_scoped3A : memref<!tpu.dma_semaphore, #tpu.memory_space<semaphore_mem>>) src(%arg11 : memref<8x1024xf32, #tpu.memory_space<vmem>>) dst(%dma_wait3A_133 : memref<8x1024xf32, #tpu.memory_space<hbm>>)
          tpu.yield
        }) : () -> ()
      }
      %while3A_29 = arith.constant 1 : i32
      scf.for %while3A_124 = %while3A_27 to %while3A_23 step %while3A_29  : i32 {
        %mul3A_125 = arith.muli %while3A_124, %while3A : i32
        %add3A_126 = arith.addi %squeeze3A, %mul3A_125 : i32
        %multiple_of3A_127 = tpu.assume_multiple %add3A_126, 8 : i32
        "tpu.region"() ({
          %run_scoped3A = tpu.sem_alloc : memref<!tpu.dma_semaphore, #tpu.memory_space<semaphore_mem>>
          %dma_start3A = arith.constant 0 : i32
          %dma_start3A_128 = tpu.memref_slice %arg7[%multiple_of3A_127, %dma_start3A] : memref<10000x1024xf32, #tpu.memory_space<hbm>> -> memref<8x1024xf32, #tpu.memory_space<hbm>>
          %dma_start3A_129 = arith.constant 0 : i32
          %dma_start3A_130 = tpu.memref_slice %arg7[%multiple_of3A_127, %dma_start3A_129] : memref<10000x1024xf32, #tpu.memory_space<hbm>> -> memref<8x1024xf32, #tpu.memory_space<hbm>>
          tpu.enqueue_dma source(%arg11 : memref<8x1024xf32, #tpu.memory_space<vmem>>) target(%dma_start3A_130 : memref<8x1024xf32, #tpu.memory_space<hbm>>) target_semaphore(%run_scoped3A : memref<!tpu.dma_semaphore, #tpu.memory_space<semaphore_mem>>)
          %dma_wait3A = arith.constant 0 : i32
          %dma_wait3A_131 = tpu.memref_slice %arg7[%multiple_of3A_127, %dma_wait3A] : memref<10000x1024xf32, #tpu.memory_space<hbm>> -> memref<8x1024xf32, #tpu.memory_space<hbm>>
          %dma_wait3A_132 = arith.constant 0 : i32
          %dma_wait3A_133 = tpu.memref_slice %arg7[%multiple_of3A_127, %dma_wait3A_132] : memref<10000x1024xf32, #tpu.memory_space<hbm>> -> memref<8x1024xf32, #tpu.memory_space<hbm>>
          tpu.wait_dma2 semaphore(%run_scoped3A : memref<!tpu.dma_semaphore, #tpu.memory_space<semaphore_mem>>) src(%arg11 : memref<8x1024xf32, #tpu.memory_space<vmem>>) dst(%dma_wait3A_133 : memref<8x1024xf32, #tpu.memory_space<hbm>>)
          tpu.yield
        }) : () -> ()
      }
      %jit3A = arith.constant 8 : i32
      %div3A_30 = arith.divsi %squeeze3A_7, %jit3A : i32
      %sign3A = arith.constant 0 : i32
      %sign3A_31 = arith.cmpi sgt, %squeeze3A_7, %sign3A : i32
      %sign3A_32 = arith.extui %sign3A_31 : i1 to i32
      %sign3A_33 = arith.constant 0 : i32
      %sign3A_34 = arith.cmpi slt, %squeeze3A_7, %sign3A_33 : i32
      %sign3A_35 = arith.extui %sign3A_34 : i1 to i32
      %sign3A_36 = arith.subi %sign3A_32, %sign3A_35 : i32
      %sign3A_37 = arith.constant 0 : i32
      %sign3A_38 = arith.cmpi sgt, %jit3A, %sign3A_37 : i32
      %sign3A_39 = arith.extui %sign3A_38 : i1 to i32
      %sign3A_40 = arith.constant 0 : i32
      %sign3A_41 = arith.cmpi slt, %jit3A, %sign3A_40 : i32
      %sign3A_42 = arith.extui %sign3A_41 : i1 to i32
      %sign3A_43 = arith.subi %sign3A_39, %sign3A_42 : i32
      %ne3A = arith.cmpi ne, %sign3A_36, %sign3A_43 : i32
      %rem3A = arith.remsi %squeeze3A_7, %jit3A : i32
      %ne3A_44 = arith.constant 0 : i32
      %ne3A_45 = arith.cmpi ne, %rem3A, %ne3A_44 : i32
      %and3A = arith.andi %ne3A, %ne3A_45 : i1
      %sub3A_46 = arith.constant 1 : i32
      %sub3A_47 = arith.subi %div3A_30, %sub3A_46 : i32
      %select_n3A = arith.select %and3A, %sub3A_47, %div3A_30 : i32
      %mul3A_48 = arith.constant 8 : i32
      %mul3A_49 = arith.muli %select_n3A, %mul3A_48 : i32
      %sub3A_50 = arith.subi %squeeze3A_9, %mul3A_49 : i32
      %add3A_51 = arith.constant 31 : i32
      %add3A_52 = arith.addi %sub3A_50, %add3A_51 : i32
      %jit3A_53 = arith.constant 32 : i32
      %div3A_54 = arith.divsi %add3A_52, %jit3A_53 : i32
      %sign3A_55 = arith.constant 0 : i32
      %sign3A_56 = arith.cmpi sgt, %add3A_52, %sign3A_55 : i32
      %sign3A_57 = arith.extui %sign3A_56 : i1 to i32
      %sign3A_58 = arith.constant 0 : i32
      %sign3A_59 = arith.cmpi slt, %add3A_52, %sign3A_58 : i32
      %sign3A_60 = arith.extui %sign3A_59 : i1 to i32
      %sign3A_61 = arith.subi %sign3A_57, %sign3A_60 : i32
      %sign3A_62 = arith.constant 0 : i32
      %sign3A_63 = arith.cmpi sgt, %jit3A_53, %sign3A_62 : i32
      %sign3A_64 = arith.extui %sign3A_63 : i1 to i32
      %sign3A_65 = arith.constant 0 : i32
      %sign3A_66 = arith.cmpi slt, %jit3A_53, %sign3A_65 : i32
      %sign3A_67 = arith.extui %sign3A_66 : i1 to i32
      %sign3A_68 = arith.subi %sign3A_64, %sign3A_67 : i32
      %ne3A_69 = arith.cmpi ne, %sign3A_61, %sign3A_68 : i32
      %rem3A_70 = arith.remsi %add3A_52, %jit3A_53 : i32
      %ne3A_71 = arith.constant 0 : i32
      %ne3A_72 = arith.cmpi ne, %rem3A_70, %ne3A_71 : i32
      %and3A_73 = arith.andi %ne3A_69, %ne3A_72 : i1
      %sub3A_74 = arith.constant 1 : i32
      %sub3A_75 = arith.subi %div3A_54, %sub3A_74 : i32
      %select_n3A_76 = arith.select %and3A_73, %sub3A_75, %div3A_54 : i32
      %jit3A_77 = arith.constant 8 : i32
      %div3A_78 = arith.divsi %squeeze3A, %jit3A_77 : i32
      %sign3A_79 = arith.constant 0 : i32
      %sign3A_80 = arith.cmpi sgt, %squeeze3A, %sign3A_79 : i32
      %sign3A_81 = arith.extui %sign3A_80 : i1 to i32
      %sign3A_82 = arith.constant 0 : i32
      %sign3A_83 = arith.cmpi slt, %squeeze3A, %sign3A_82 : i32
      %sign3A_84 = arith.extui %sign3A_83 : i1 to i32
      %sign3A_85 = arith.subi %sign3A_81, %sign3A_84 : i32
      %sign3A_86 = arith.constant 0 : i32
      %sign3A_87 = arith.cmpi sgt, %jit3A_77, %sign3A_86 : i32
      %sign3A_88 = arith.extui %sign3A_87 : i1 to i32
      %sign3A_89 = arith.constant 0 : i32
      %sign3A_90 = arith.cmpi slt, %jit3A_77, %sign3A_89 : i32
      %sign3A_91 = arith.extui %sign3A_90 : i1 to i32
      %sign3A_92 = arith.subi %sign3A_88, %sign3A_91 : i32
      %ne3A_93 = arith.cmpi ne, %sign3A_85, %sign3A_92 : i32
      %rem3A_94 = arith.remsi %squeeze3A, %jit3A_77 : i32
      %ne3A_95 = arith.constant 0 : i32
      %ne3A_96 = arith.cmpi ne, %rem3A_94, %ne3A_95 : i32
      %and3A_97 = arith.andi %ne3A_93, %ne3A_96 : i1
      %sub3A_98 = arith.constant 1 : i32
      %sub3A_99 = arith.subi %div3A_78, %sub3A_98 : i32
      %select_n3A_100 = arith.select %and3A_97, %sub3A_99, %div3A_78 : i32
      %sub3A_101 = arith.constant 0 : i32
      %sub3A_102 = arith.subi %select_n3A_76, %sub3A_101 : i32
      %sub3A_103 = arith.constant 1 : i32
      %sub3A_104 = arith.constant 1 : i32
      %sub3A_105 = arith.subi %sub3A_103, %sub3A_104 : i32
      %add3A_106 = arith.addi %sub3A_102, %sub3A_105 : i32
      %div3A_107 = arith.constant 1 : i32
      %div3A_108 = arith.divsi %add3A_106, %div3A_107 : i32
      %while3A_109 = arith.constant 1 : i32
      %while3A_110 = arith.constant 0 : i32
      %while3A_111 = arith.constant 0 : i32
      %while3A_112 = arith.subi %div3A_108, %while3A_111 : i32
      %while3A_113 = arith.addi %while3A_111, %while3A_112 : i32
      %while3A_114 = arith.constant 1 : i32
      %while3A_115 = arith.divsi %while3A_112, %while3A_114 : i32
      %while3A_116 = arith.muli %while3A_115, %while3A_114 : i32
      %while3A_117 = arith.addi %while3A_111, %while3A_116 : i32
      %while3A_118 = arith.constant 1 : i32
      %while3A_119 = scf.for %while3A_124 = %while3A_111 to %while3A_117 step %while3A_118 iter_args(%while3A_125 = %select_n3A_100) -> (i32)  : i32 {
        %mul3A_126 = arith.muli %while3A_124, %while3A_109 : i32
        %add3A_127 = arith.addi %while3A_110, %mul3A_126 : i32
        %mul3A_128 = arith.constant 32 : i32
        %mul3A_129 = arith.muli %add3A_127, %mul3A_128 : i32
        %add3A_130 = arith.addi %mul3A_49, %mul3A_129 : i32
        "tpu.region"() ({
          %run_scoped3A = tpu.sem_alloc : memref<!tpu.dma_semaphore, #tpu.memory_space<semaphore_mem>>
          %dma_start3A = tpu.memref_slice %arg3[%add3A_130] : memref<160032xi32, #tpu.memory_space<hbm>> -> memref<32xi32, #tpu.memory_space<hbm>>
          %dma_start3A_137 = tpu.memref_slice %arg3[%add3A_130] : memref<160032xi32, #tpu.memory_space<hbm>> -> memref<32xi32, #tpu.memory_space<hbm>>
          tpu.enqueue_dma source(%dma_start3A_137 : memref<32xi32, #tpu.memory_space<hbm>>) target(%arg8 : memref<32xi32, #tpu.memory_space<vmem>>) target_semaphore(%run_scoped3A : memref<!tpu.dma_semaphore, #tpu.memory_space<semaphore_mem>>)
          %dma_wait3A = tpu.memref_slice %arg3[%add3A_130] : memref<160032xi32, #tpu.memory_space<hbm>> -> memref<32xi32, #tpu.memory_space<hbm>>
          %dma_wait3A_138 = tpu.memref_slice %arg3[%add3A_130] : memref<160032xi32, #tpu.memory_space<hbm>> -> memref<32xi32, #tpu.memory_space<hbm>>
          tpu.wait_dma2 semaphore(%run_scoped3A : memref<!tpu.dma_semaphore, #tpu.memory_space<semaphore_mem>>) src(%dma_wait3A_138 : memref<32xi32, #tpu.memory_space<hbm>>) dst(%arg8 : memref<32xi32, #tpu.memory_space<vmem>>)
          tpu.yield
        }) : () -> ()
        "tpu.region"() ({
          %run_scoped3A = tpu.sem_alloc : memref<!tpu.dma_semaphore, #tpu.memory_space<semaphore_mem>>
          %dma_start3A = arith.constant 0 : i32
          %dma_start3A_137 = tpu.memref_slice %arg13[%dma_start3A] : memref<48xi32, #tpu.memory_space<vmem>> -> memref<32xi32, #tpu.memory_space<vmem>>
          %dma_start3A_138 = tpu.memref_slice %arg4[%add3A_130] : memref<160032xi32, #tpu.memory_space<hbm>> -> memref<32xi32, #tpu.memory_space<hbm>>
          %dma_start3A_139 = arith.constant 0 : i32
          %dma_start3A_140 = tpu.memref_slice %arg13[%dma_start3A_139] : memref<48xi32, #tpu.memory_space<vmem>> -> memref<32xi32, #tpu.memory_space<vmem>>
          %dma_start3A_141 = tpu.memref_slice %arg4[%add3A_130] : memref<160032xi32, #tpu.memory_space<hbm>> -> memref<32xi32, #tpu.memory_space<hbm>>
          tpu.enqueue_dma source(%dma_start3A_141 : memref<32xi32, #tpu.memory_space<hbm>>) target(%dma_start3A_140 : memref<32xi32, #tpu.memory_space<vmem>>) target_semaphore(%run_scoped3A : memref<!tpu.dma_semaphore, #tpu.memory_space<semaphore_mem>>)
          %dma_wait3A = arith.constant 0 : i32
          %dma_wait3A_142 = tpu.memref_slice %arg13[%dma_wait3A] : memref<48xi32, #tpu.memory_space<vmem>> -> memref<32xi32, #tpu.memory_space<vmem>>
          %dma_wait3A_143 = tpu.memref_slice %arg4[%add3A_130] : memref<160032xi32, #tpu.memory_space<hbm>> -> memref<32xi32, #tpu.memory_space<hbm>>
          %dma_wait3A_144 = arith.constant 0 : i32
          %dma_wait3A_145 = tpu.memref_slice %arg13[%dma_wait3A_144] : memref<48xi32, #tpu.memory_space<vmem>> -> memref<32xi32, #tpu.memory_space<vmem>>
          %dma_wait3A_146 = tpu.memref_slice %arg4[%add3A_130] : memref<160032xi32, #tpu.memory_space<hbm>> -> memref<32xi32, #tpu.memory_space<hbm>>
          tpu.wait_dma2 semaphore(%run_scoped3A : memref<!tpu.dma_semaphore, #tpu.memory_space<semaphore_mem>>) src(%dma_wait3A_146 : memref<32xi32, #tpu.memory_space<hbm>>) dst(%dma_wait3A_145 : memref<32xi32, #tpu.memory_space<vmem>>)
          tpu.yield
        }) : () -> ()
        "tpu.region"() ({
          %run_scoped3A = tpu.sem_alloc : memref<!tpu.dma_semaphore, #tpu.memory_space<semaphore_mem>>
          %dma_start3A = arith.constant 0 : i32
          %dma_start3A_137 = tpu.memref_slice %arg14[%dma_start3A] : memref<48xf32, #tpu.memory_space<vmem>> -> memref<32xf32, #tpu.memory_space<vmem>>
          %dma_start3A_138 = tpu.memref_slice %arg5[%add3A_130] : memref<160032xf32, #tpu.memory_space<hbm>> -> memref<32xf32, #tpu.memory_space<hbm>>
          %dma_start3A_139 = arith.constant 0 : i32
          %dma_start3A_140 = tpu.memref_slice %arg14[%dma_start3A_139] : memref<48xf32, #tpu.memory_space<vmem>> -> memref<32xf32, #tpu.memory_space<vmem>>
          %dma_start3A_141 = tpu.memref_slice %arg5[%add3A_130] : memref<160032xf32, #tpu.memory_space<hbm>> -> memref<32xf32, #tpu.memory_space<hbm>>
          tpu.enqueue_dma source(%dma_start3A_141 : memref<32xf32, #tpu.memory_space<hbm>>) target(%dma_start3A_140 : memref<32xf32, #tpu.memory_space<vmem>>) target_semaphore(%run_scoped3A : memref<!tpu.dma_semaphore, #tpu.memory_space<semaphore_mem>>)
          %dma_wait3A = arith.constant 0 : i32
          %dma_wait3A_142 = tpu.memref_slice %arg14[%dma_wait3A] : memref<48xf32, #tpu.memory_space<vmem>> -> memref<32xf32, #tpu.memory_space<vmem>>
          %dma_wait3A_143 = tpu.memref_slice %arg5[%add3A_130] : memref<160032xf32, #tpu.memory_space<hbm>> -> memref<32xf32, #tpu.memory_space<hbm>>
          %dma_wait3A_144 = arith.constant 0 : i32
          %dma_wait3A_145 = tpu.memref_slice %arg14[%dma_wait3A_144] : memref<48xf32, #tpu.memory_space<vmem>> -> memref<32xf32, #tpu.memory_space<vmem>>
          %dma_wait3A_146 = tpu.memref_slice %arg5[%add3A_130] : memref<160032xf32, #tpu.memory_space<hbm>> -> memref<32xf32, #tpu.memory_space<hbm>>
          tpu.wait_dma2 semaphore(%run_scoped3A : memref<!tpu.dma_semaphore, #tpu.memory_space<semaphore_mem>>) src(%dma_wait3A_146 : memref<32xf32, #tpu.memory_space<hbm>>) dst(%dma_wait3A_145 : memref<32xf32, #tpu.memory_space<vmem>>)
          tpu.yield
        }) : () -> ()
        "tpu.region"() ({
          %run_scoped3A = tpu.sem_alloc : memref<!tpu.dma_semaphore, #tpu.memory_space<semaphore_mem>>
          %dma_start3A = arith.constant 0 : i32
          %dma_start3A_137 = arith.constant 0 : i32
          %dma_start3A_138 = tpu.memref_slice %arg2[%dma_start3A, %dma_start3A_137] : memref<10000x1024xf32, #tpu.memory_space<hbm>> -> memref<10000x1024xf32, #tpu.memory_space<hbm>>
          tpu.enqueue_indirect_dma source(%dma_start3A_138 : memref<10000x1024xf32, #tpu.memory_space<hbm>>) target(%arg9 : memref<32x1024xf32, #tpu.memory_space<vmem>>) offsets(%arg8 : memref<32xi32, #tpu.memory_space<vmem>>) semaphore(%run_scoped3A : memref<!tpu.dma_semaphore, #tpu.memory_space<semaphore_mem>>)
          %dma_wait3A = arith.constant 0 : i32
          %dma_wait3A_139 = arith.constant 0 : i32
          %dma_wait3A_140 = tpu.memref_slice %arg2[%dma_wait3A, %dma_wait3A_139] : memref<10000x1024xf32, #tpu.memory_space<hbm>> -> memref<10000x1024xf32, #tpu.memory_space<hbm>>
          tpu.wait_indirect_dma semaphore(%run_scoped3A : memref<!tpu.dma_semaphore, #tpu.memory_space<semaphore_mem>>) src(%dma_wait3A_140 : memref<10000x1024xf32, #tpu.memory_space<hbm>>) dst(%arg9 : memref<32x1024xf32, #tpu.memory_space<vmem>>)
          tpu.yield
        }) : () -> ()
        %scan3A_131 = arith.constant 0 : i32
        %scan3A_132 = arith.constant 32 : i32
        %scan3A_133 = arith.addi %scan3A_131, %scan3A_132 : i32
        %scan3A_134 = arith.constant 1 : i32
        %scan3A_135 = scf.for %scan3A_137 = %scan3A_131 to %scan3A_133 step %scan3A_134 iter_args(%scan3A_138 = %while3A_125) -> (i32)  : i32 {
          %mul3A_139 = arith.constant 1 : i32
          %mul3A_140 = arith.muli %scan3A_137, %mul3A_139 : i32
          %add3A_141 = arith.constant 0 : i32
          %add3A_142 = arith.addi %add3A_141, %mul3A_140 : i32
          %add3A_143 = arith.addi %add3A_130, %add3A_142 : i32
          %ge3A = arith.cmpi sge, %add3A_143, %squeeze3A_7 : i32
          %lt3A_144 = arith.cmpi slt, %add3A_143, %squeeze3A_9 : i32
          %and3A_145 = arith.andi %ge3A, %lt3A_144 : i1
          %get3A_146 = arith.index_cast %add3A_142 : i32 to index
          %get3A_147 = tpu.vector_load %arg14[%get3A_146] {strides = array<i32>} : memref<48xf32, #tpu.memory_space<vmem>>, vector<16xf32>,
          %get3A_148 = vector.shape_cast %get3A_147 : vector<16xf32> to vector<16xf32>
          %slice3A_149 = vector.extract_strided_slice %get3A_148 {offsets = [0], sizes = [1], strides = [1]} : vector<16xf32> to vector<1xf32>
          %squeeze3A_150 = vector.extract %slice3A_149[0] : f32 from vector<1xf32>
          %jit3A_151 = arith.constant 0.000000e+00 : f32
          %select_n3A_152 = arith.select %and3A_145, %squeeze3A_150, %jit3A_151 : f32
          %get3A_153 = arith.index_cast %add3A_142 : i32 to index
          %get3A_154 = tpu.vector_load %arg13[%get3A_153] {strides = array<i32>} : memref<48xi32, #tpu.memory_space<vmem>>, vector<16xi32>,
          %get3A_155 = vector.shape_cast %get3A_154 : vector<16xi32> to vector<16xi32>
          %slice3A_156 = vector.extract_strided_slice %get3A_155 {offsets = [0], sizes = [1], strides = [1]} : vector<16xi32> to vector<1xi32>
          %squeeze3A_157 = vector.extract %slice3A_156[0] : i32 from vector<1xi32>
          %mul3A_158 = arith.constant 8 : i32
          %mul3A_159 = arith.muli %scan3A_138, %mul3A_158 : i32
          %select_n3A_160 = arith.select %and3A_145, %squeeze3A_157, %mul3A_159 : i32
          %sub3A_161 = arith.constant 1 : i32
          %sub3A_162 = arith.subi %squeeze3A_5, %sub3A_161 : i32
          %max3A = arith.maxsi %squeeze3A, %select_n3A_160 : i32
          %min3A = arith.minsi %sub3A_162, %max3A : i32
          %jit3A_163 = arith.constant 8 : i32
          %div3A_164 = arith.divsi %min3A, %jit3A_163 : i32
          %sign3A_165 = arith.constant 0 : i32
          %sign3A_166 = arith.cmpi sgt, %min3A, %sign3A_165 : i32
          %sign3A_167 = arith.extui %sign3A_166 : i1 to i32
          %sign3A_168 = arith.constant 0 : i32
          %sign3A_169 = arith.cmpi slt, %min3A, %sign3A_168 : i32
          %sign3A_170 = arith.extui %sign3A_169 : i1 to i32
          %sign3A_171 = arith.subi %sign3A_167, %sign3A_170 : i32
          %sign3A_172 = arith.constant 0 : i32
          %sign3A_173 = arith.cmpi sgt, %jit3A_163, %sign3A_172 : i32
          %sign3A_174 = arith.extui %sign3A_173 : i1 to i32
          %sign3A_175 = arith.constant 0 : i32
          %sign3A_176 = arith.cmpi slt, %jit3A_163, %sign3A_175 : i32
          %sign3A_177 = arith.extui %sign3A_176 : i1 to i32
          %sign3A_178 = arith.subi %sign3A_174, %sign3A_177 : i32
          %ne3A_179 = arith.cmpi ne, %sign3A_171, %sign3A_178 : i32
          %rem3A_180 = arith.remsi %min3A, %jit3A_163 : i32
          %ne3A_181 = arith.constant 0 : i32
          %ne3A_182 = arith.cmpi ne, %rem3A_180, %ne3A_181 : i32
          %and3A_183 = arith.andi %ne3A_179, %ne3A_182 : i1
          %sub3A_184 = arith.constant 1 : i32
          %sub3A_185 = arith.subi %div3A_164, %sub3A_184 : i32
          %select_n3A_186 = arith.select %and3A_183, %sub3A_185, %div3A_164 : i32
          %ne3A_187 = arith.cmpi ne, %select_n3A_186, %scan3A_138 : i32
          %convert_element_type3A_188 = arith.extui %ne3A_187 : i1 to i32
          %cond3A_189 = arith.constant 0 : i32
          %cond3A_190 = arith.cmpi ne, %convert_element_type3A_188, %cond3A_189 : i32
          scf.if %cond3A_190 {
            %mul3A_196 = arith.constant 8 : i32
            %mul3A_197 = arith.muli %scan3A_138, %mul3A_196 : i32
            %multiple_of3A_198 = tpu.assume_multiple %mul3A_197, 8 : i32
            "tpu.region"() ({
              %run_scoped3A = tpu.sem_alloc : memref<!tpu.dma_semaphore, #tpu.memory_space<semaphore_mem>>
              %dma_start3A = arith.constant 0 : i32
              %dma_start3A_204 = tpu.memref_slice %arg7[%multiple_of3A_198, %dma_start3A] : memref<10000x1024xf32, #tpu.memory_space<hbm>> -> memref<8x1024xf32, #tpu.memory_space<hbm>>
              %dma_start3A_205 = arith.constant 0 : i32
              %dma_start3A_206 = tpu.memref_slice %arg7[%multiple_of3A_198, %dma_start3A_205] : memref<10000x1024xf32, #tpu.memory_space<hbm>> -> memref<8x1024xf32, #tpu.memory_space<hbm>>
              tpu.enqueue_dma source(%arg10 : memref<8x1024xf32, #tpu.memory_space<vmem>>) target(%dma_start3A_206 : memref<8x1024xf32, #tpu.memory_space<hbm>>) target_semaphore(%run_scoped3A : memref<!tpu.dma_semaphore, #tpu.memory_space<semaphore_mem>>)
              %dma_wait3A = arith.constant 0 : i32
              %dma_wait3A_207 = tpu.memref_slice %arg7[%multiple_of3A_198, %dma_wait3A] : memref<10000x1024xf32, #tpu.memory_space<hbm>> -> memref<8x1024xf32, #tpu.memory_space<hbm>>
              %dma_wait3A_208 = arith.constant 0 : i32
              %dma_wait3A_209 = tpu.memref_slice %arg7[%multiple_of3A_198, %dma_wait3A_208] : memref<10000x1024xf32, #tpu.memory_space<hbm>> -> memref<8x1024xf32, #tpu.memory_space<hbm>>
              tpu.wait_dma2 semaphore(%run_scoped3A : memref<!tpu.dma_semaphore, #tpu.memory_space<semaphore_mem>>) src(%arg10 : memref<8x1024xf32, #tpu.memory_space<vmem>>) dst(%dma_wait3A_209 : memref<8x1024xf32, #tpu.memory_space<hbm>>)
              tpu.yield
            }) : () -> ()
            %scan3A_199 = arith.constant 0 : i32
            %scan3A_200 = arith.constant 8 : i32
            %scan3A_201 = arith.addi %scan3A_199, %scan3A_200 : i32
            %scan3A_202 = arith.constant 1 : i32
            scf.for %scan3A_204 = %scan3A_199 to %scan3A_201 step %scan3A_202  : i32 {
              %mul3A_205 = arith.constant 1 : i32
              %mul3A_206 = arith.muli %scan3A_204, %mul3A_205 : i32
              %add3A_207 = arith.constant 0 : i32
              %add3A_208 = arith.addi %add3A_207, %mul3A_206 : i32
              %scan3A_209 = arith.constant 0 : i32
              %scan3A_210 = arith.constant 64 : i32
              %scan3A_211 = arith.addi %scan3A_209, %scan3A_210 : i32
              %scan3A_212 = arith.constant 1 : i32
              scf.for %scan3A_214 = %scan3A_209 to %scan3A_211 step %scan3A_212  : i32 {
                %mul3A_215 = arith.constant 1 : i32
                %mul3A_216 = arith.muli %scan3A_214, %mul3A_215 : i32
                %add3A_217 = arith.constant 0 : i32
                %add3A_218 = arith.addi %add3A_217, %mul3A_216 : i32
                %mul3A_219 = arith.constant 16 : i32
                %mul3A_220 = arith.muli %add3A_218, %mul3A_219 : i32
                %swap3A = arith.index_cast %add3A_208 : i32 to index
                %swap3A_221 = arith.index_cast %mul3A_220 : i32 to index
                %swap3A_222 = tpu.vector_load %arg10[%swap3A, %swap3A_221] {strides = array<i32>} : memref<8x1024xf32, #tpu.memory_space<vmem>>, vector<1x16xf32>,
                %swap3A_223 = vector.shape_cast %swap3A_222 : vector<1x16xf32> to vector<16xf32>
                %swap3A_224 = vector.shape_cast %broadcast_in_dim3A_10 : vector<16xf32> to vector<1x16xf32>
                tpu.vector_store %arg10[%swap3A, %swap3A_221], %swap3A_224 {strides = array<i32>} : memref<8x1024xf32, #tpu.memory_space<vmem>>, vector<1x16xf32>,
              }
              %scan3A_213 = arith.constant 64 : i32
            }
            %scan3A_203 = arith.constant 8 : i32
          } else {
          }
          %ne3A_191 = arith.constant 0.000000e+00 : f32
          %ne3A_192 = arith.cmpf one, %select_n3A_152, %ne3A_191 : f32
          %convert_element_type3A_193 = arith.extui %ne3A_192 : i1 to i32
          %cond3A_194 = arith.constant 0 : i32
          %cond3A_195 = arith.cmpi ne, %convert_element_type3A_193, %cond3A_194 : i32
          scf.if %cond3A_195 {
            %mul3A_196 = arith.constant 8 : i32
            %mul3A_197 = arith.muli %select_n3A_186, %mul3A_196 : i32
            %sub3A_198 = arith.subi %min3A, %mul3A_197 : i32
            %scan3A_199 = arith.constant 0 : i32
            %scan3A_200 = arith.constant 64 : i32
            %scan3A_201 = arith.addi %scan3A_199, %scan3A_200 : i32
            %scan3A_202 = arith.constant 8 : i32
            scf.for %scan3A_204 = %scan3A_199 to %scan3A_201 step %scan3A_202  : i32 {
              %mul3A_205 = arith.constant 1 : i32
              %mul3A_206 = arith.muli %scan3A_204, %mul3A_205 : i32
              %add3A_207 = arith.constant 0 : i32
              %add3A_208 = arith.addi %add3A_207, %mul3A_206 : i32
              %mul3A_209 = arith.constant 16 : i32
              %mul3A_210 = arith.muli %add3A_208, %mul3A_209 : i32
              %get3A_211 = arith.index_cast %add3A_142 : i32 to index
              %get3A_212 = arith.index_cast %mul3A_210 : i32 to index
              %get3A_213 = tpu.vector_load %arg9[%get3A_211, %get3A_212] {strides = array<i32>} : memref<32x1024xf32, #tpu.memory_space<vmem>>, vector<1x16xf32>,
              %get3A_214 = vector.shape_cast %get3A_213 : vector<1x16xf32> to vector<16xf32>
              %mul3A_215 = vector.broadcast %select_n3A_152 : f32 to vector<16xf32>
              %mul3A_216 = arith.mulf %mul3A_215, %get3A_214 : vector<16xf32>
              %swap3A = arith.index_cast %sub3A_198 : i32 to index
              %swap3A_217 = arith.index_cast %mul3A_210 : i32 to index
              %swap3A_218 = tpu.vector_load %arg10[%swap3A, %swap3A_217] {strides = array<i32>} : memref<8x1024xf32, #tpu.memory_space<vmem>>, vector<1x16xf32>,
              %swap3A_219 = vector.shape_cast %swap3A_218 : vector<1x16xf32> to vector<16xf32>
              %swap3A_220 = vector.shape_cast %mul3A_216 : vector<16xf32> to vector<1x16xf32>
              tpu.vector_store %arg10[%swap3A, %swap3A_217], %swap3A_220 {add = true, strides = array<i32>} : memref<8x1024xf32, #tpu.memory_space<vmem>>, vector<1x16xf32>,
              %scan3A_221 = arith.constant 1 : i32
              %scan3A_222 = arith.addi %scan3A_204, %scan3A_221 : i32
              %mul3A_223 = arith.constant 1 : i32
              %mul3A_224 = arith.muli %scan3A_222, %mul3A_223 : i32
              %add3A_225 = arith.constant 0 : i32
              %add3A_226 = arith.addi %add3A_225, %mul3A_224 : i32
              %mul3A_227 = arith.constant 16 : i32
              %mul3A_228 = arith.muli %add3A_226, %mul3A_227 : i32
              %get3A_229 = arith.index_cast %add3A_142 : i32 to index
              %get3A_230 = arith.index_cast %mul3A_228 : i32 to index
              %get3A_231 = tpu.vector_load %arg9[%get3A_229, %get3A_230] {strides = array<i32>} : memref<32x1024xf32, #tpu.memory_space<vmem>>, vector<1x16xf32>,
              %get3A_232 = vector.shape_cast %get3A_231 : vector<1x16xf32> to vector<16xf32>
              %mul3A_233 = vector.broadcast %select_n3A_152 : f32 to vector<16xf32>
              %mul3A_234 = arith.mulf %mul3A_233, %get3A_232 : vector<16xf32>
              %swap3A_235 = arith.index_cast %sub3A_198 : i32 to index
              %swap3A_236 = arith.index_cast %mul3A_228 : i32 to index
              %swap3A_237 = tpu.vector_load %arg10[%swap3A_235, %swap3A_236] {strides = array<i32>} : memref<8x1024xf32, #tpu.memory_space<vmem>>, vector<1x16xf32>,
              %swap3A_238 = vector.shape_cast %swap3A_237 : vector<1x16xf32> to vector<16xf32>
              %swap3A_239 = vector.shape_cast %mul3A_234 : vector<16xf32> to vector<1x16xf32>
              tpu.vector_store %arg10[%swap3A_235, %swap3A_236], %swap3A_239 {add = true, strides = array<i32>} : memref<8x1024xf32, #tpu.memory_space<vmem>>, vector<1x16xf32>,
              %scan3A_240 = arith.constant 2 : i32
              %scan3A_241 = arith.addi %scan3A_204, %scan3A_240 : i32
              %mul3A_242 = arith.constant 1 : i32
              %mul3A_243 = arith.muli %scan3A_241, %mul3A_242 : i32
              %add3A_244 = arith.constant 0 : i32
              %add3A_245 = arith.addi %add3A_244, %mul3A_243 : i32
              %mul3A_246 = arith.constant 16 : i32
              %mul3A_247 = arith.muli %add3A_245, %mul3A_246 : i32
              %get3A_248 = arith.index_cast %add3A_142 : i32 to index
              %get3A_249 = arith.index_cast %mul3A_247 : i32 to index
              %get3A_250 = tpu.vector_load %arg9[%get3A_248, %get3A_249] {strides = array<i32>} : memref<32x1024xf32, #tpu.memory_space<vmem>>, vector<1x16xf32>,
              %get3A_251 = vector.shape_cast %get3A_250 : vector<1x16xf32> to vector<16xf32>
              %mul3A_252 = vector.broadcast %select_n3A_152 : f32 to vector<16xf32>
              %mul3A_253 = arith.mulf %mul3A_252, %get3A_251 : vector<16xf32>
              %swap3A_254 = arith.index_cast %sub3A_198 : i32 to index
              %swap3A_255 = arith.index_cast %mul3A_247 : i32 to index
              %swap3A_256 = tpu.vector_load %arg10[%swap3A_254, %swap3A_255] {strides = array<i32>} : memref<8x1024xf32, #tpu.memory_space<vmem>>, vector<1x16xf32>,
              %swap3A_257 = vector.shape_cast %swap3A_256 : vector<1x16xf32> to vector<16xf32>
              %swap3A_258 = vector.shape_cast %mul3A_253 : vector<16xf32> to vector<1x16xf32>
              tpu.vector_store %arg10[%swap3A_254, %swap3A_255], %swap3A_258 {add = true, strides = array<i32>} : memref<8x1024xf32, #tpu.memory_space<vmem>>, vector<1x16xf32>,
              %scan3A_259 = arith.constant 3 : i32
              %scan3A_260 = arith.addi %scan3A_204, %scan3A_259 : i32
              %mul3A_261 = arith.constant 1 : i32
              %mul3A_262 = arith.muli %scan3A_260, %mul3A_261 : i32
              %add3A_263 = arith.constant 0 : i32
              %add3A_264 = arith.addi %add3A_263, %mul3A_262 : i32
              %mul3A_265 = arith.constant 16 : i32
              %mul3A_266 = arith.muli %add3A_264, %mul3A_265 : i32
              %get3A_267 = arith.index_cast %add3A_142 : i32 to index
              %get3A_268 = arith.index_cast %mul3A_266 : i32 to index
              %get3A_269 = tpu.vector_load %arg9[%get3A_267, %get3A_268] {strides = array<i32>} : memref<32x1024xf32, #tpu.memory_space<vmem>>, vector<1x16xf32>,
              %get3A_270 = vector.shape_cast %get3A_269 : vector<1x16xf32> to vector<16xf32>
              %mul3A_271 = vector.broadcast %select_n3A_152 : f32 to vector<16xf32>
              %mul3A_272 = arith.mulf %mul3A_271, %get3A_270 : vector<16xf32>
              %swap3A_273 = arith.index_cast %sub3A_198 : i32 to index
              %swap3A_274 = arith.index_cast %mul3A_266 : i32 to index
              %swap3A_275 = tpu.vector_load %arg10[%swap3A_273, %swap3A_274] {strides = array<i32>} : memref<8x1024xf32, #tpu.memory_space<vmem>>, vector<1x16xf32>,
              %swap3A_276 = vector.shape_cast %swap3A_275 : vector<1x16xf32> to vector<16xf32>
              %swap3A_277 = vector.shape_cast %mul3A_272 : vector<16xf32> to vector<1x16xf32>
              tpu.vector_store %arg10[%swap3A_273, %swap3A_274], %swap3A_277 {add = true, strides = array<i32>} : memref<8x1024xf32, #tpu.memory_space<vmem>>, vector<1x16xf32>,
              %scan3A_278 = arith.constant 4 : i32
              %scan3A_279 = arith.addi %scan3A_204, %scan3A_278 : i32
              %mul3A_280 = arith.constant 1 : i32
              %mul3A_281 = arith.muli %scan3A_279, %mul3A_280 : i32
              %add3A_282 = arith.constant 0 : i32
              %add3A_283 = arith.addi %add3A_282, %mul3A_281 : i32
              %mul3A_284 = arith.constant 16 : i32
              %mul3A_285 = arith.muli %add3A_283, %mul3A_284 : i32
              %get3A_286 = arith.index_cast %add3A_142 : i32 to index
              %get3A_287 = arith.index_cast %mul3A_285 : i32 to index
              %get3A_288 = tpu.vector_load %arg9[%get3A_286, %get3A_287] {strides = array<i32>} : memref<32x1024xf32, #tpu.memory_space<vmem>>, vector<1x16xf32>,
              %get3A_289 = vector.shape_cast %get3A_288 : vector<1x16xf32> to vector<16xf32>
              %mul3A_290 = vector.broadcast %select_n3A_152 : f32 to vector<16xf32>
              %mul3A_291 = arith.mulf %mul3A_290, %get3A_289 : vector<16xf32>
              %swap3A_292 = arith.index_cast %sub3A_198 : i32 to index
              %swap3A_293 = arith.index_cast %mul3A_285 : i32 to index
              %swap3A_294 = tpu.vector_load %arg10[%swap3A_292, %swap3A_293] {strides = array<i32>} : memref<8x1024xf32, #tpu.memory_space<vmem>>, vector<1x16xf32>,
              %swap3A_295 = vector.shape_cast %swap3A_294 : vector<1x16xf32> to vector<16xf32>
              %swap3A_296 = vector.shape_cast %mul3A_291 : vector<16xf32> to vector<1x16xf32>
              tpu.vector_store %arg10[%swap3A_292, %swap3A_293], %swap3A_296 {add = true, strides = array<i32>} : memref<8x1024xf32, #tpu.memory_space<vmem>>, vector<1x16xf32>,
              %scan3A_297 = arith.constant 5 : i32
              %scan3A_298 = arith.addi %scan3A_204, %scan3A_297 : i32
              %mul3A_299 = arith.constant 1 : i32
              %mul3A_300 = arith.muli %scan3A_298, %mul3A_299 : i32
              %add3A_301 = arith.constant 0 : i32
              %add3A_302 = arith.addi %add3A_301, %mul3A_300 : i32
              %mul3A_303 = arith.constant 16 : i32
              %mul3A_304 = arith.muli %add3A_302, %mul3A_303 : i32
              %get3A_305 = arith.index_cast %add3A_142 : i32 to index
              %get3A_306 = arith.index_cast %mul3A_304 : i32 to index
              %get3A_307 = tpu.vector_load %arg9[%get3A_305, %get3A_306] {strides = array<i32>} : memref<32x1024xf32, #tpu.memory_space<vmem>>, vector<1x16xf32>,
              %get3A_308 = vector.shape_cast %get3A_307 : vector<1x16xf32> to vector<16xf32>
              %mul3A_309 = vector.broadcast %select_n3A_152 : f32 to vector<16xf32>
              %mul3A_310 = arith.mulf %mul3A_309, %get3A_308 : vector<16xf32>
              %swap3A_311 = arith.index_cast %sub3A_198 : i32 to index
              %swap3A_312 = arith.index_cast %mul3A_304 : i32 to index
              %swap3A_313 = tpu.vector_load %arg10[%swap3A_311, %swap3A_312] {strides = array<i32>} : memref<8x1024xf32, #tpu.memory_space<vmem>>, vector<1x16xf32>,
              %swap3A_314 = vector.shape_cast %swap3A_313 : vector<1x16xf32> to vector<16xf32>
              %swap3A_315 = vector.shape_cast %mul3A_310 : vector<16xf32> to vector<1x16xf32>
              tpu.vector_store %arg10[%swap3A_311, %swap3A_312], %swap3A_315 {add = true, strides = array<i32>} : memref<8x1024xf32, #tpu.memory_space<vmem>>, vector<1x16xf32>,
              %scan3A_316 = arith.constant 6 : i32
              %scan3A_317 = arith.addi %scan3A_204, %scan3A_316 : i32
              %mul3A_318 = arith.constant 1 : i32
              %mul3A_319 = arith.muli %scan3A_317, %mul3A_318 : i32
              %add3A_320 = arith.constant 0 : i32
              %add3A_321 = arith.addi %add3A_320, %mul3A_319 : i32
              %mul3A_322 = arith.constant 16 : i32
              %mul3A_323 = arith.muli %add3A_321, %mul3A_322 : i32
              %get3A_324 = arith.index_cast %add3A_142 : i32 to index
              %get3A_325 = arith.index_cast %mul3A_323 : i32 to index
              %get3A_326 = tpu.vector_load %arg9[%get3A_324, %get3A_325] {strides = array<i32>} : memref<32x1024xf32, #tpu.memory_space<vmem>>, vector<1x16xf32>,
              %get3A_327 = vector.shape_cast %get3A_326 : vector<1x16xf32> to vector<16xf32>
              %mul3A_328 = vector.broadcast %select_n3A_152 : f32 to vector<16xf32>
              %mul3A_329 = arith.mulf %mul3A_328, %get3A_327 : vector<16xf32>
              %swap3A_330 = arith.index_cast %sub3A_198 : i32 to index
              %swap3A_331 = arith.index_cast %mul3A_323 : i32 to index
              %swap3A_332 = tpu.vector_load %arg10[%swap3A_330, %swap3A_331] {strides = array<i32>} : memref<8x1024xf32, #tpu.memory_space<vmem>>, vector<1x16xf32>,
              %swap3A_333 = vector.shape_cast %swap3A_332 : vector<1x16xf32> to vector<16xf32>
              %swap3A_334 = vector.shape_cast %mul3A_329 : vector<16xf32> to vector<1x16xf32>
              tpu.vector_store %arg10[%swap3A_330, %swap3A_331], %swap3A_334 {add = true, strides = array<i32>} : memref<8x1024xf32, #tpu.memory_space<vmem>>, vector<1x16xf32>,
              %scan3A_335 = arith.constant 7 : i32
              %scan3A_336 = arith.addi %scan3A_204, %scan3A_335 : i32
              %mul3A_337 = arith.constant 1 : i32
              %mul3A_338 = arith.muli %scan3A_336, %mul3A_337 : i32
              %add3A_339 = arith.constant 0 : i32
              %add3A_340 = arith.addi %add3A_339, %mul3A_338 : i32
              %mul3A_341 = arith.constant 16 : i32
              %mul3A_342 = arith.muli %add3A_340, %mul3A_341 : i32
              %get3A_343 = arith.index_cast %add3A_142 : i32 to index
              %get3A_344 = arith.index_cast %mul3A_342 : i32 to index
              %get3A_345 = tpu.vector_load %arg9[%get3A_343, %get3A_344] {strides = array<i32>} : memref<32x1024xf32, #tpu.memory_space<vmem>>, vector<1x16xf32>,
              %get3A_346 = vector.shape_cast %get3A_345 : vector<1x16xf32> to vector<16xf32>
              %mul3A_347 = vector.broadcast %select_n3A_152 : f32 to vector<16xf32>
              %mul3A_348 = arith.mulf %mul3A_347, %get3A_346 : vector<16xf32>
              %swap3A_349 = arith.index_cast %sub3A_198 : i32 to index
              %swap3A_350 = arith.index_cast %mul3A_342 : i32 to index
              %swap3A_351 = tpu.vector_load %arg10[%swap3A_349, %swap3A_350] {strides = array<i32>} : memref<8x1024xf32, #tpu.memory_space<vmem>>, vector<1x16xf32>,
              %swap3A_352 = vector.shape_cast %swap3A_351 : vector<1x16xf32> to vector<16xf32>
              %swap3A_353 = vector.shape_cast %mul3A_348 : vector<16xf32> to vector<1x16xf32>
              tpu.vector_store %arg10[%swap3A_349, %swap3A_350], %swap3A_353 {add = true, strides = array<i32>} : memref<8x1024xf32, #tpu.memory_space<vmem>>, vector<1x16xf32>,
            }
            %scan3A_203 = arith.constant 64 : i32
          } else {
          }
          scf.yield %select_n3A_186 : i32
        }
        %scan3A_136 = arith.constant 32 : i32
        scf.yield %scan3A_135 : i32
      }
      %while3A_120 = arith.constant 1 : i32
      %while3A_121 = scf.for %while3A_124 = %while3A_117 to %while3A_113 step %while3A_120 iter_args(%while3A_125 = %while3A_119) -> (i32)  : i32 {
        %mul3A_126 = arith.muli %while3A_124, %while3A_109 : i32
        %add3A_127 = arith.addi %while3A_110, %mul3A_126 : i32
        %mul3A_128 = arith.constant 32 : i32
        %mul3A_129 = arith.muli %add3A_127, %mul3A_128 : i32
        %add3A_130 = arith.addi %mul3A_49, %mul3A_129 : i32
        "tpu.region"() ({
          %run_scoped3A = tpu.sem_alloc : memref<!tpu.dma_semaphore, #tpu.memory_space<semaphore_mem>>
          %dma_start3A = tpu.memref_slice %arg3[%add3A_130] : memref<160032xi32, #tpu.memory_space<hbm>> -> memref<32xi32, #tpu.memory_space<hbm>>
          %dma_start3A_137 = tpu.memref_slice %arg3[%add3A_130] : memref<160032xi32, #tpu.memory_space<hbm>> -> memref<32xi32, #tpu.memory_space<hbm>>
          tpu.enqueue_dma source(%dma_start3A_137 : memref<32xi32, #tpu.memory_space<hbm>>) target(%arg8 : memref<32xi32, #tpu.memory_space<vmem>>) target_semaphore(%run_scoped3A : memref<!tpu.dma_semaphore, #tpu.memory_space<semaphore_mem>>)
          %dma_wait3A = tpu.memref_slice %arg3[%add3A_130] : memref<160032xi32, #tpu.memory_space<hbm>> -> memref<32xi32, #tpu.memory_space<hbm>>
          %dma_wait3A_138 = tpu.memref_slice %arg3[%add3A_130] : memref<160032xi32, #tpu.memory_space<hbm>> -> memref<32xi32, #tpu.memory_space<hbm>>
          tpu.wait_dma2 semaphore(%run_scoped3A : memref<!tpu.dma_semaphore, #tpu.memory_space<semaphore_mem>>) src(%dma_wait3A_138 : memref<32xi32, #tpu.memory_space<hbm>>) dst(%arg8 : memref<32xi32, #tpu.memory_space<vmem>>)
          tpu.yield
        }) : () -> ()
        "tpu.region"() ({
          %run_scoped3A = tpu.sem_alloc : memref<!tpu.dma_semaphore, #tpu.memory_space<semaphore_mem>>
          %dma_start3A = arith.constant 0 : i32
          %dma_start3A_137 = tpu.memref_slice %arg13[%dma_start3A] : memref<48xi32, #tpu.memory_space<vmem>> -> memref<32xi32, #tpu.memory_space<vmem>>
          %dma_start3A_138 = tpu.memref_slice %arg4[%add3A_130] : memref<160032xi32, #tpu.memory_space<hbm>> -> memref<32xi32, #tpu.memory_space<hbm>>
          %dma_start3A_139 = arith.constant 0 : i32
          %dma_start3A_140 = tpu.memref_slice %arg13[%dma_start3A_139] : memref<48xi32, #tpu.memory_space<vmem>> -> memref<32xi32, #tpu.memory_space<vmem>>
          %dma_start3A_141 = tpu.memref_slice %arg4[%add3A_130] : memref<160032xi32, #tpu.memory_space<hbm>> -> memref<32xi32, #tpu.memory_space<hbm>>
          tpu.enqueue_dma source(%dma_start3A_141 : memref<32xi32, #tpu.memory_space<hbm>>) target(%dma_start3A_140 : memref<32xi32, #tpu.memory_space<vmem>>) target_semaphore(%run_scoped3A : memref<!tpu.dma_semaphore, #tpu.memory_space<semaphore_mem>>)
          %dma_wait3A = arith.constant 0 : i32
          %dma_wait3A_142 = tpu.memref_slice %arg13[%dma_wait3A] : memref<48xi32, #tpu.memory_space<vmem>> -> memref<32xi32, #tpu.memory_space<vmem>>
          %dma_wait3A_143 = tpu.memref_slice %arg4[%add3A_130] : memref<160032xi32, #tpu.memory_space<hbm>> -> memref<32xi32, #tpu.memory_space<hbm>>
          %dma_wait3A_144 = arith.constant 0 : i32
          %dma_wait3A_145 = tpu.memref_slice %arg13[%dma_wait3A_144] : memref<48xi32, #tpu.memory_space<vmem>> -> memref<32xi32, #tpu.memory_space<vmem>>
          %dma_wait3A_146 = tpu.memref_slice %arg4[%add3A_130] : memref<160032xi32, #tpu.memory_space<hbm>> -> memref<32xi32, #tpu.memory_space<hbm>>
          tpu.wait_dma2 semaphore(%run_scoped3A : memref<!tpu.dma_semaphore, #tpu.memory_space<semaphore_mem>>) src(%dma_wait3A_146 : memref<32xi32, #tpu.memory_space<hbm>>) dst(%dma_wait3A_145 : memref<32xi32, #tpu.memory_space<vmem>>)
          tpu.yield
        }) : () -> ()
        "tpu.region"() ({
          %run_scoped3A = tpu.sem_alloc : memref<!tpu.dma_semaphore, #tpu.memory_space<semaphore_mem>>
          %dma_start3A = arith.constant 0 : i32
          %dma_start3A_137 = tpu.memref_slice %arg14[%dma_start3A] : memref<48xf32, #tpu.memory_space<vmem>> -> memref<32xf32, #tpu.memory_space<vmem>>
          %dma_start3A_138 = tpu.memref_slice %arg5[%add3A_130] : memref<160032xf32, #tpu.memory_space<hbm>> -> memref<32xf32, #tpu.memory_space<hbm>>
          %dma_start3A_139 = arith.constant 0 : i32
          %dma_start3A_140 = tpu.memref_slice %arg14[%dma_start3A_139] : memref<48xf32, #tpu.memory_space<vmem>> -> memref<32xf32, #tpu.memory_space<vmem>>
          %dma_start3A_141 = tpu.memref_slice %arg5[%add3A_130] : memref<160032xf32, #tpu.memory_space<hbm>> -> memref<32xf32, #tpu.memory_space<hbm>>
          tpu.enqueue_dma source(%dma_start3A_141 : memref<32xf32, #tpu.memory_space<hbm>>) target(%dma_start3A_140 : memref<32xf32, #tpu.memory_space<vmem>>) target_semaphore(%run_scoped3A : memref<!tpu.dma_semaphore, #tpu.memory_space<semaphore_mem>>)
          %dma_wait3A = arith.constant 0 : i32
          %dma_wait3A_142 = tpu.memref_slice %arg14[%dma_wait3A] : memref<48xf32, #tpu.memory_space<vmem>> -> memref<32xf32, #tpu.memory_space<vmem>>
          %dma_wait3A_143 = tpu.memref_slice %arg5[%add3A_130] : memref<160032xf32, #tpu.memory_space<hbm>> -> memref<32xf32, #tpu.memory_space<hbm>>
          %dma_wait3A_144 = arith.constant 0 : i32
          %dma_wait3A_145 = tpu.memref_slice %arg14[%dma_wait3A_144] : memref<48xf32, #tpu.memory_space<vmem>> -> memref<32xf32, #tpu.memory_space<vmem>>
          %dma_wait3A_146 = tpu.memref_slice %arg5[%add3A_130] : memref<160032xf32, #tpu.memory_space<hbm>> -> memref<32xf32, #tpu.memory_space<hbm>>
          tpu.wait_dma2 semaphore(%run_scoped3A : memref<!tpu.dma_semaphore, #tpu.memory_space<semaphore_mem>>) src(%dma_wait3A_146 : memref<32xf32, #tpu.memory_space<hbm>>) dst(%dma_wait3A_145 : memref<32xf32, #tpu.memory_space<vmem>>)
          tpu.yield
        }) : () -> ()
        "tpu.region"() ({
          %run_scoped3A = tpu.sem_alloc : memref<!tpu.dma_semaphore, #tpu.memory_space<semaphore_mem>>
          %dma_start3A = arith.constant 0 : i32
          %dma_start3A_137 = arith.constant 0 : i32
          %dma_start3A_138 = tpu.memref_slice %arg2[%dma_start3A, %dma_start3A_137] : memref<10000x1024xf32, #tpu.memory_space<hbm>> -> memref<10000x1024xf32, #tpu.memory_space<hbm>>
          tpu.enqueue_indirect_dma source(%dma_start3A_138 : memref<10000x1024xf32, #tpu.memory_space<hbm>>) target(%arg9 : memref<32x1024xf32, #tpu.memory_space<vmem>>) offsets(%arg8 : memref<32xi32, #tpu.memory_space<vmem>>) semaphore(%run_scoped3A : memref<!tpu.dma_semaphore, #tpu.memory_space<semaphore_mem>>)
          %dma_wait3A = arith.constant 0 : i32
          %dma_wait3A_139 = arith.constant 0 : i32
          %dma_wait3A_140 = tpu.memref_slice %arg2[%dma_wait3A, %dma_wait3A_139] : memref<10000x1024xf32, #tpu.memory_space<hbm>> -> memref<10000x1024xf32, #tpu.memory_space<hbm>>
          tpu.wait_indirect_dma semaphore(%run_scoped3A : memref<!tpu.dma_semaphore, #tpu.memory_space<semaphore_mem>>) src(%dma_wait3A_140 : memref<10000x1024xf32, #tpu.memory_space<hbm>>) dst(%arg9 : memref<32x1024xf32, #tpu.memory_space<vmem>>)
          tpu.yield
        }) : () -> ()
        %scan3A_131 = arith.constant 0 : i32
        %scan3A_132 = arith.constant 32 : i32
        %scan3A_133 = arith.addi %scan3A_131, %scan3A_132 : i32
        %scan3A_134 = arith.constant 1 : i32
        %scan3A_135 = scf.for %scan3A_137 = %scan3A_131 to %scan3A_133 step %scan3A_134 iter_args(%scan3A_138 = %while3A_125) -> (i32)  : i32 {
          %mul3A_139 = arith.constant 1 : i32
          %mul3A_140 = arith.muli %scan3A_137, %mul3A_139 : i32
          %add3A_141 = arith.constant 0 : i32
          %add3A_142 = arith.addi %add3A_141, %mul3A_140 : i32
          %add3A_143 = arith.addi %add3A_130, %add3A_142 : i32
          %ge3A = arith.cmpi sge, %add3A_143, %squeeze3A_7 : i32
          %lt3A_144 = arith.cmpi slt, %add3A_143, %squeeze3A_9 : i32
          %and3A_145 = arith.andi %ge3A, %lt3A_144 : i1
          %get3A_146 = arith.index_cast %add3A_142 : i32 to index
          %get3A_147 = tpu.vector_load %arg14[%get3A_146] {strides = array<i32>} : memref<48xf32, #tpu.memory_space<vmem>>, vector<16xf32>,
          %get3A_148 = vector.shape_cast %get3A_147 : vector<16xf32> to vector<16xf32>
          %slice3A_149 = vector.extract_strided_slice %get3A_148 {offsets = [0], sizes = [1], strides = [1]} : vector<16xf32> to vector<1xf32>
          %squeeze3A_150 = vector.extract %slice3A_149[0] : f32 from vector<1xf32>
          %jit3A_151 = arith.constant 0.000000e+00 : f32
          %select_n3A_152 = arith.select %and3A_145, %squeeze3A_150, %jit3A_151 : f32
          %get3A_153 = arith.index_cast %add3A_142 : i32 to index
          %get3A_154 = tpu.vector_load %arg13[%get3A_153] {strides = array<i32>} : memref<48xi32, #tpu.memory_space<vmem>>, vector<16xi32>,
          %get3A_155 = vector.shape_cast %get3A_154 : vector<16xi32> to vector<16xi32>
          %slice3A_156 = vector.extract_strided_slice %get3A_155 {offsets = [0], sizes = [1], strides = [1]} : vector<16xi32> to vector<1xi32>
          %squeeze3A_157 = vector.extract %slice3A_156[0] : i32 from vector<1xi32>
          %mul3A_158 = arith.constant 8 : i32
          %mul3A_159 = arith.muli %scan3A_138, %mul3A_158 : i32
          %select_n3A_160 = arith.select %and3A_145, %squeeze3A_157, %mul3A_159 : i32
          %sub3A_161 = arith.constant 1 : i32
          %sub3A_162 = arith.subi %squeeze3A_5, %sub3A_161 : i32
          %max3A = arith.maxsi %squeeze3A, %select_n3A_160 : i32
          %min3A = arith.minsi %sub3A_162, %max3A : i32
          %jit3A_163 = arith.constant 8 : i32
          %div3A_164 = arith.divsi %min3A, %jit3A_163 : i32
          %sign3A_165 = arith.constant 0 : i32
          %sign3A_166 = arith.cmpi sgt, %min3A, %sign3A_165 : i32
          %sign3A_167 = arith.extui %sign3A_166 : i1 to i32
          %sign3A_168 = arith.constant 0 : i32
          %sign3A_169 = arith.cmpi slt, %min3A, %sign3A_168 : i32
          %sign3A_170 = arith.extui %sign3A_169 : i1 to i32
          %sign3A_171 = arith.subi %sign3A_167, %sign3A_170 : i32
          %sign3A_172 = arith.constant 0 : i32
          %sign3A_173 = arith.cmpi sgt, %jit3A_163, %sign3A_172 : i32
          %sign3A_174 = arith.extui %sign3A_173 : i1 to i32
          %sign3A_175 = arith.constant 0 : i32
          %sign3A_176 = arith.cmpi slt, %jit3A_163, %sign3A_175 : i32
          %sign3A_177 = arith.extui %sign3A_176 : i1 to i32
          %sign3A_178 = arith.subi %sign3A_174, %sign3A_177 : i32
          %ne3A_179 = arith.cmpi ne, %sign3A_171, %sign3A_178 : i32
          %rem3A_180 = arith.remsi %min3A, %jit3A_163 : i32
          %ne3A_181 = arith.constant 0 : i32
          %ne3A_182 = arith.cmpi ne, %rem3A_180, %ne3A_181 : i32
          %and3A_183 = arith.andi %ne3A_179, %ne3A_182 : i1
          %sub3A_184 = arith.constant 1 : i32
          %sub3A_185 = arith.subi %div3A_164, %sub3A_184 : i32
          %select_n3A_186 = arith.select %and3A_183, %sub3A_185, %div3A_164 : i32
          %ne3A_187 = arith.cmpi ne, %select_n3A_186, %scan3A_138 : i32
          %convert_element_type3A_188 = arith.extui %ne3A_187 : i1 to i32
          %cond3A_189 = arith.constant 0 : i32
          %cond3A_190 = arith.cmpi ne, %convert_element_type3A_188, %cond3A_189 : i32
          scf.if %cond3A_190 {
            %mul3A_196 = arith.constant 8 : i32
            %mul3A_197 = arith.muli %scan3A_138, %mul3A_196 : i32
            %multiple_of3A_198 = tpu.assume_multiple %mul3A_197, 8 : i32
            "tpu.region"() ({
              %run_scoped3A = tpu.sem_alloc : memref<!tpu.dma_semaphore, #tpu.memory_space<semaphore_mem>>
              %dma_start3A = arith.constant 0 : i32
              %dma_start3A_204 = tpu.memref_slice %arg7[%multiple_of3A_198, %dma_start3A] : memref<10000x1024xf32, #tpu.memory_space<hbm>> -> memref<8x1024xf32, #tpu.memory_space<hbm>>
              %dma_start3A_205 = arith.constant 0 : i32
              %dma_start3A_206 = tpu.memref_slice %arg7[%multiple_of3A_198, %dma_start3A_205] : memref<10000x1024xf32, #tpu.memory_space<hbm>> -> memref<8x1024xf32, #tpu.memory_space<hbm>>
              tpu.enqueue_dma source(%arg10 : memref<8x1024xf32, #tpu.memory_space<vmem>>) target(%dma_start3A_206 : memref<8x1024xf32, #tpu.memory_space<hbm>>) target_semaphore(%run_scoped3A : memref<!tpu.dma_semaphore, #tpu.memory_space<semaphore_mem>>)
              %dma_wait3A = arith.constant 0 : i32
              %dma_wait3A_207 = tpu.memref_slice %arg7[%multiple_of3A_198, %dma_wait3A] : memref<10000x1024xf32, #tpu.memory_space<hbm>> -> memref<8x1024xf32, #tpu.memory_space<hbm>>
              %dma_wait3A_208 = arith.constant 0 : i32
              %dma_wait3A_209 = tpu.memref_slice %arg7[%multiple_of3A_198, %dma_wait3A_208] : memref<10000x1024xf32, #tpu.memory_space<hbm>> -> memref<8x1024xf32, #tpu.memory_space<hbm>>
              tpu.wait_dma2 semaphore(%run_scoped3A : memref<!tpu.dma_semaphore, #tpu.memory_space<semaphore_mem>>) src(%arg10 : memref<8x1024xf32, #tpu.memory_space<vmem>>) dst(%dma_wait3A_209 : memref<8x1024xf32, #tpu.memory_space<hbm>>)
              tpu.yield
            }) : () -> ()
            %scan3A_199 = arith.constant 0 : i32
            %scan3A_200 = arith.constant 8 : i32
            %scan3A_201 = arith.addi %scan3A_199, %scan3A_200 : i32
            %scan3A_202 = arith.constant 1 : i32
            scf.for %scan3A_204 = %scan3A_199 to %scan3A_201 step %scan3A_202  : i32 {
              %mul3A_205 = arith.constant 1 : i32
              %mul3A_206 = arith.muli %scan3A_204, %mul3A_205 : i32
              %add3A_207 = arith.constant 0 : i32
              %add3A_208 = arith.addi %add3A_207, %mul3A_206 : i32
              %scan3A_209 = arith.constant 0 : i32
              %scan3A_210 = arith.constant 64 : i32
              %scan3A_211 = arith.addi %scan3A_209, %scan3A_210 : i32
              %scan3A_212 = arith.constant 1 : i32
              scf.for %scan3A_214 = %scan3A_209 to %scan3A_211 step %scan3A_212  : i32 {
                %mul3A_215 = arith.constant 1 : i32
                %mul3A_216 = arith.muli %scan3A_214, %mul3A_215 : i32
                %add3A_217 = arith.constant 0 : i32
                %add3A_218 = arith.addi %add3A_217, %mul3A_216 : i32
                %mul3A_219 = arith.constant 16 : i32
                %mul3A_220 = arith.muli %add3A_218, %mul3A_219 : i32
                %swap3A = arith.index_cast %add3A_208 : i32 to index
                %swap3A_221 = arith.index_cast %mul3A_220 : i32 to index
                %swap3A_222 = tpu.vector_load %arg10[%swap3A, %swap3A_221] {strides = array<i32>} : memref<8x1024xf32, #tpu.memory_space<vmem>>, vector<1x16xf32>,
                %swap3A_223 = vector.shape_cast %swap3A_222 : vector<1x16xf32> to vector<16xf32>
                %swap3A_224 = vector.shape_cast %broadcast_in_dim3A_10 : vector<16xf32> to vector<1x16xf32>
                tpu.vector_store %arg10[%swap3A, %swap3A_221], %swap3A_224 {strides = array<i32>} : memref<8x1024xf32, #tpu.memory_space<vmem>>, vector<1x16xf32>,
              }
              %scan3A_213 = arith.constant 64 : i32
            }
            %scan3A_203 = arith.constant 8 : i32
          } else {
          }
          %ne3A_191 = arith.constant 0.000000e+00 : f32
          %ne3A_192 = arith.cmpf one, %select_n3A_152, %ne3A_191 : f32
          %convert_element_type3A_193 = arith.extui %ne3A_192 : i1 to i32
          %cond3A_194 = arith.constant 0 : i32
          %cond3A_195 = arith.cmpi ne, %convert_element_type3A_193, %cond3A_194 : i32
          scf.if %cond3A_195 {
            %mul3A_196 = arith.constant 8 : i32
            %mul3A_197 = arith.muli %select_n3A_186, %mul3A_196 : i32
            %sub3A_198 = arith.subi %min3A, %mul3A_197 : i32
            %scan3A_199 = arith.constant 0 : i32
            %scan3A_200 = arith.constant 64 : i32
            %scan3A_201 = arith.addi %scan3A_199, %scan3A_200 : i32
            %scan3A_202 = arith.constant 8 : i32
            scf.for %scan3A_204 = %scan3A_199 to %scan3A_201 step %scan3A_202  : i32 {
              %mul3A_205 = arith.constant 1 : i32
              %mul3A_206 = arith.muli %scan3A_204, %mul3A_205 : i32
              %add3A_207 = arith.constant 0 : i32
              %add3A_208 = arith.addi %add3A_207, %mul3A_206 : i32
              %mul3A_209 = arith.constant 16 : i32
              %mul3A_210 = arith.muli %add3A_208, %mul3A_209 : i32
              %get3A_211 = arith.index_cast %add3A_142 : i32 to index
              %get3A_212 = arith.index_cast %mul3A_210 : i32 to index
              %get3A_213 = tpu.vector_load %arg9[%get3A_211, %get3A_212] {strides = array<i32>} : memref<32x1024xf32, #tpu.memory_space<vmem>>, vector<1x16xf32>,
              %get3A_214 = vector.shape_cast %get3A_213 : vector<1x16xf32> to vector<16xf32>
              %mul3A_215 = vector.broadcast %select_n3A_152 : f32 to vector<16xf32>
              %mul3A_216 = arith.mulf %mul3A_215, %get3A_214 : vector<16xf32>
              %swap3A = arith.index_cast %sub3A_198 : i32 to index
              %swap3A_217 = arith.index_cast %mul3A_210 : i32 to index
              %swap3A_218 = tpu.vector_load %arg10[%swap3A, %swap3A_217] {strides = array<i32>} : memref<8x1024xf32, #tpu.memory_space<vmem>>, vector<1x16xf32>,
              %swap3A_219 = vector.shape_cast %swap3A_218 : vector<1x16xf32> to vector<16xf32>
              %swap3A_220 = vector.shape_cast %mul3A_216 : vector<16xf32> to vector<1x16xf32>
              tpu.vector_store %arg10[%swap3A, %swap3A_217], %swap3A_220 {add = true, strides = array<i32>} : memref<8x1024xf32, #tpu.memory_space<vmem>>, vector<1x16xf32>,
              %scan3A_221 = arith.constant 1 : i32
              %scan3A_222 = arith.addi %scan3A_204, %scan3A_221 : i32
              %mul3A_223 = arith.constant 1 : i32
              %mul3A_224 = arith.muli %scan3A_222, %mul3A_223 : i32
              %add3A_225 = arith.constant 0 : i32
              %add3A_226 = arith.addi %add3A_225, %mul3A_224 : i32
              %mul3A_227 = arith.constant 16 : i32
              %mul3A_228 = arith.muli %add3A_226, %mul3A_227 : i32
              %get3A_229 = arith.index_cast %add3A_142 : i32 to index
              %get3A_230 = arith.index_cast %mul3A_228 : i32 to index
              %get3A_231 = tpu.vector_load %arg9[%get3A_229, %get3A_230] {strides = array<i32>} : memref<32x1024xf32, #tpu.memory_space<vmem>>, vector<1x16xf32>,
              %get3A_232 = vector.shape_cast %get3A_231 : vector<1x16xf32> to vector<16xf32>
              %mul3A_233 = vector.broadcast %select_n3A_152 : f32 to vector<16xf32>
              %mul3A_234 = arith.mulf %mul3A_233, %get3A_232 : vector<16xf32>
              %swap3A_235 = arith.index_cast %sub3A_198 : i32 to index
              %swap3A_236 = arith.index_cast %mul3A_228 : i32 to index
              %swap3A_237 = tpu.vector_load %arg10[%swap3A_235, %swap3A_236] {strides = array<i32>} : memref<8x1024xf32, #tpu.memory_space<vmem>>, vector<1x16xf32>,
              %swap3A_238 = vector.shape_cast %swap3A_237 : vector<1x16xf32> to vector<16xf32>
              %swap3A_239 = vector.shape_cast %mul3A_234 : vector<16xf32> to vector<1x16xf32>
              tpu.vector_store %arg10[%swap3A_235, %swap3A_236], %swap3A_239 {add = true, strides = array<i32>} : memref<8x1024xf32, #tpu.memory_space<vmem>>, vector<1x16xf32>,
              %scan3A_240 = arith.constant 2 : i32
              %scan3A_241 = arith.addi %scan3A_204, %scan3A_240 : i32
              %mul3A_242 = arith.constant 1 : i32
              %mul3A_243 = arith.muli %scan3A_241, %mul3A_242 : i32
              %add3A_244 = arith.constant 0 : i32
              %add3A_245 = arith.addi %add3A_244, %mul3A_243 : i32
              %mul3A_246 = arith.constant 16 : i32
              %mul3A_247 = arith.muli %add3A_245, %mul3A_246 : i32
              %get3A_248 = arith.index_cast %add3A_142 : i32 to index
              %get3A_249 = arith.index_cast %mul3A_247 : i32 to index
              %get3A_250 = tpu.vector_load %arg9[%get3A_248, %get3A_249] {strides = array<i32>} : memref<32x1024xf32, #tpu.memory_space<vmem>>, vector<1x16xf32>,
              %get3A_251 = vector.shape_cast %get3A_250 : vector<1x16xf32> to vector<16xf32>
              %mul3A_252 = vector.broadcast %select_n3A_152 : f32 to vector<16xf32>
              %mul3A_253 = arith.mulf %mul3A_252, %get3A_251 : vector<16xf32>
              %swap3A_254 = arith.index_cast %sub3A_198 : i32 to index
              %swap3A_255 = arith.index_cast %mul3A_247 : i32 to index
              %swap3A_256 = tpu.vector_load %arg10[%swap3A_254, %swap3A_255] {strides = array<i32>} : memref<8x1024xf32, #tpu.memory_space<vmem>>, vector<1x16xf32>,
              %swap3A_257 = vector.shape_cast %swap3A_256 : vector<1x16xf32> to vector<16xf32>
              %swap3A_258 = vector.shape_cast %mul3A_253 : vector<16xf32> to vector<1x16xf32>
              tpu.vector_store %arg10[%swap3A_254, %swap3A_255], %swap3A_258 {add = true, strides = array<i32>} : memref<8x1024xf32, #tpu.memory_space<vmem>>, vector<1x16xf32>,
              %scan3A_259 = arith.constant 3 : i32
              %scan3A_260 = arith.addi %scan3A_204, %scan3A_259 : i32
              %mul3A_261 = arith.constant 1 : i32
              %mul3A_262 = arith.muli %scan3A_260, %mul3A_261 : i32
              %add3A_263 = arith.constant 0 : i32
              %add3A_264 = arith.addi %add3A_263, %mul3A_262 : i32
              %mul3A_265 = arith.constant 16 : i32
              %mul3A_266 = arith.muli %add3A_264, %mul3A_265 : i32
              %get3A_267 = arith.index_cast %add3A_142 : i32 to index
              %get3A_268 = arith.index_cast %mul3A_266 : i32 to index
              %get3A_269 = tpu.vector_load %arg9[%get3A_267, %get3A_268] {strides = array<i32>} : memref<32x1024xf32, #tpu.memory_space<vmem>>, vector<1x16xf32>,
              %get3A_270 = vector.shape_cast %get3A_269 : vector<1x16xf32> to vector<16xf32>
              %mul3A_271 = vector.broadcast %select_n3A_152 : f32 to vector<16xf32>
              %mul3A_272 = arith.mulf %mul3A_271, %get3A_270 : vector<16xf32>
              %swap3A_273 = arith.index_cast %sub3A_198 : i32 to index
              %swap3A_274 = arith.index_cast %mul3A_266 : i32 to index
              %swap3A_275 = tpu.vector_load %arg10[%swap3A_273, %swap3A_274] {strides = array<i32>} : memref<8x1024xf32, #tpu.memory_space<vmem>>, vector<1x16xf32>,
              %swap3A_276 = vector.shape_cast %swap3A_275 : vector<1x16xf32> to vector<16xf32>
              %swap3A_277 = vector.shape_cast %mul3A_272 : vector<16xf32> to vector<1x16xf32>
              tpu.vector_store %arg10[%swap3A_273, %swap3A_274], %swap3A_277 {add = true, strides = array<i32>} : memref<8x1024xf32, #tpu.memory_space<vmem>>, vector<1x16xf32>,
              %scan3A_278 = arith.constant 4 : i32
              %scan3A_279 = arith.addi %scan3A_204, %scan3A_278 : i32
              %mul3A_280 = arith.constant 1 : i32
              %mul3A_281 = arith.muli %scan3A_279, %mul3A_280 : i32
              %add3A_282 = arith.constant 0 : i32
              %add3A_283 = arith.addi %add3A_282, %mul3A_281 : i32
              %mul3A_284 = arith.constant 16 : i32
              %mul3A_285 = arith.muli %add3A_283, %mul3A_284 : i32
              %get3A_286 = arith.index_cast %add3A_142 : i32 to index
              %get3A_287 = arith.index_cast %mul3A_285 : i32 to index
              %get3A_288 = tpu.vector_load %arg9[%get3A_286, %get3A_287] {strides = array<i32>} : memref<32x1024xf32, #tpu.memory_space<vmem>>, vector<1x16xf32>,
              %get3A_289 = vector.shape_cast %get3A_288 : vector<1x16xf32> to vector<16xf32>
              %mul3A_290 = vector.broadcast %select_n3A_152 : f32 to vector<16xf32>
              %mul3A_291 = arith.mulf %mul3A_290, %get3A_289 : vector<16xf32>
              %swap3A_292 = arith.index_cast %sub3A_198 : i32 to index
              %swap3A_293 = arith.index_cast %mul3A_285 : i32 to index
              %swap3A_294 = tpu.vector_load %arg10[%swap3A_292, %swap3A_293] {strides = array<i32>} : memref<8x1024xf32, #tpu.memory_space<vmem>>, vector<1x16xf32>,
              %swap3A_295 = vector.shape_cast %swap3A_294 : vector<1x16xf32> to vector<16xf32>
              %swap3A_296 = vector.shape_cast %mul3A_291 : vector<16xf32> to vector<1x16xf32>
              tpu.vector_store %arg10[%swap3A_292, %swap3A_293], %swap3A_296 {add = true, strides = array<i32>} : memref<8x1024xf32, #tpu.memory_space<vmem>>, vector<1x16xf32>,
              %scan3A_297 = arith.constant 5 : i32
              %scan3A_298 = arith.addi %scan3A_204, %scan3A_297 : i32
              %mul3A_299 = arith.constant 1 : i32
              %mul3A_300 = arith.muli %scan3A_298, %mul3A_299 : i32
              %add3A_301 = arith.constant 0 : i32
              %add3A_302 = arith.addi %add3A_301, %mul3A_300 : i32
              %mul3A_303 = arith.constant 16 : i32
              %mul3A_304 = arith.muli %add3A_302, %mul3A_303 : i32
              %get3A_305 = arith.index_cast %add3A_142 : i32 to index
              %get3A_306 = arith.index_cast %mul3A_304 : i32 to index
              %get3A_307 = tpu.vector_load %arg9[%get3A_305, %get3A_306] {strides = array<i32>} : memref<32x1024xf32, #tpu.memory_space<vmem>>, vector<1x16xf32>,
              %get3A_308 = vector.shape_cast %get3A_307 : vector<1x16xf32> to vector<16xf32>
              %mul3A_309 = vector.broadcast %select_n3A_152 : f32 to vector<16xf32>
              %mul3A_310 = arith.mulf %mul3A_309, %get3A_308 : vector<16xf32>
              %swap3A_311 = arith.index_cast %sub3A_198 : i32 to index
              %swap3A_312 = arith.index_cast %mul3A_304 : i32 to index
              %swap3A_313 = tpu.vector_load %arg10[%swap3A_311, %swap3A_312] {strides = array<i32>} : memref<8x1024xf32, #tpu.memory_space<vmem>>, vector<1x16xf32>,
              %swap3A_314 = vector.shape_cast %swap3A_313 : vector<1x16xf32> to vector<16xf32>
              %swap3A_315 = vector.shape_cast %mul3A_310 : vector<16xf32> to vector<1x16xf32>
              tpu.vector_store %arg10[%swap3A_311, %swap3A_312], %swap3A_315 {add = true, strides = array<i32>} : memref<8x1024xf32, #tpu.memory_space<vmem>>, vector<1x16xf32>,
              %scan3A_316 = arith.constant 6 : i32
              %scan3A_317 = arith.addi %scan3A_204, %scan3A_316 : i32
              %mul3A_318 = arith.constant 1 : i32
              %mul3A_319 = arith.muli %scan3A_317, %mul3A_318 : i32
              %add3A_320 = arith.constant 0 : i32
              %add3A_321 = arith.addi %add3A_320, %mul3A_319 : i32
              %mul3A_322 = arith.constant 16 : i32
              %mul3A_323 = arith.muli %add3A_321, %mul3A_322 : i32
              %get3A_324 = arith.index_cast %add3A_142 : i32 to index
              %get3A_325 = arith.index_cast %mul3A_323 : i32 to index
              %get3A_326 = tpu.vector_load %arg9[%get3A_324, %get3A_325] {strides = array<i32>} : memref<32x1024xf32, #tpu.memory_space<vmem>>, vector<1x16xf32>,
              %get3A_327 = vector.shape_cast %get3A_326 : vector<1x16xf32> to vector<16xf32>
              %mul3A_328 = vector.broadcast %select_n3A_152 : f32 to vector<16xf32>
              %mul3A_329 = arith.mulf %mul3A_328, %get3A_327 : vector<16xf32>
              %swap3A_330 = arith.index_cast %sub3A_198 : i32 to index
              %swap3A_331 = arith.index_cast %mul3A_323 : i32 to index
              %swap3A_332 = tpu.vector_load %arg10[%swap3A_330, %swap3A_331] {strides = array<i32>} : memref<8x1024xf32, #tpu.memory_space<vmem>>, vector<1x16xf32>,
              %swap3A_333 = vector.shape_cast %swap3A_332 : vector<1x16xf32> to vector<16xf32>
              %swap3A_334 = vector.shape_cast %mul3A_329 : vector<16xf32> to vector<1x16xf32>
              tpu.vector_store %arg10[%swap3A_330, %swap3A_331], %swap3A_334 {add = true, strides = array<i32>} : memref<8x1024xf32, #tpu.memory_space<vmem>>, vector<1x16xf32>,
              %scan3A_335 = arith.constant 7 : i32
              %scan3A_336 = arith.addi %scan3A_204, %scan3A_335 : i32
              %mul3A_337 = arith.constant 1 : i32
              %mul3A_338 = arith.muli %scan3A_336, %mul3A_337 : i32
              %add3A_339 = arith.constant 0 : i32
              %add3A_340 = arith.addi %add3A_339, %mul3A_338 : i32
              %mul3A_341 = arith.constant 16 : i32
              %mul3A_342 = arith.muli %add3A_340, %mul3A_341 : i32
              %get3A_343 = arith.index_cast %add3A_142 : i32 to index
              %get3A_344 = arith.index_cast %mul3A_342 : i32 to index
              %get3A_345 = tpu.vector_load %arg9[%get3A_343, %get3A_344] {strides = array<i32>} : memref<32x1024xf32, #tpu.memory_space<vmem>>, vector<1x16xf32>,
              %get3A_346 = vector.shape_cast %get3A_345 : vector<1x16xf32> to vector<16xf32>
              %mul3A_347 = vector.broadcast %select_n3A_152 : f32 to vector<16xf32>
              %mul3A_348 = arith.mulf %mul3A_347, %get3A_346 : vector<16xf32>
              %swap3A_349 = arith.index_cast %sub3A_198 : i32 to index
              %swap3A_350 = arith.index_cast %mul3A_342 : i32 to index
              %swap3A_351 = tpu.vector_load %arg10[%swap3A_349, %swap3A_350] {strides = array<i32>} : memref<8x1024xf32, #tpu.memory_space<vmem>>, vector<1x16xf32>,
              %swap3A_352 = vector.shape_cast %swap3A_351 : vector<1x16xf32> to vector<16xf32>
              %swap3A_353 = vector.shape_cast %mul3A_348 : vector<16xf32> to vector<1x16xf32>
              tpu.vector_store %arg10[%swap3A_349, %swap3A_350], %swap3A_353 {add = true, strides = array<i32>} : memref<8x1024xf32, #tpu.memory_space<vmem>>, vector<1x16xf32>,
            }
            %scan3A_203 = arith.constant 64 : i32
          } else {
          }
          scf.yield %select_n3A_186 : i32
        }
        %scan3A_136 = arith.constant 32 : i32
        scf.yield %scan3A_135 : i32
      }
      %mul3A_122 = arith.constant 8 : i32
      %mul3A_123 = arith.muli %while3A_121, %mul3A_122 : i32
      %multiple_of3A = tpu.assume_multiple %mul3A_123, 8 : i32
      "tpu.region"() ({
        %run_scoped3A = tpu.sem_alloc : memref<!tpu.dma_semaphore, #tpu.memory_space<semaphore_mem>>
        %dma_start3A = arith.constant 0 : i32
        %dma_start3A_124 = tpu.memref_slice %arg7[%multiple_of3A, %dma_start3A] : memref<10000x1024xf32, #tpu.memory_space<hbm>> -> memref<8x1024xf32, #tpu.memory_space<hbm>>
        %dma_start3A_125 = arith.constant 0 : i32
        %dma_start3A_126 = tpu.memref_slice %arg7[%multiple_of3A, %dma_start3A_125] : memref<10000x1024xf32, #tpu.memory_space<hbm>> -> memref<8x1024xf32, #tpu.memory_space<hbm>>
        tpu.enqueue_dma source(%arg10 : memref<8x1024xf32, #tpu.memory_space<vmem>>) target(%dma_start3A_126 : memref<8x1024xf32, #tpu.memory_space<hbm>>) target_semaphore(%run_scoped3A : memref<!tpu.dma_semaphore, #tpu.memory_space<semaphore_mem>>)
        %dma_wait3A = arith.constant 0 : i32
        %dma_wait3A_127 = tpu.memref_slice %arg7[%multiple_of3A, %dma_wait3A] : memref<10000x1024xf32, #tpu.memory_space<hbm>> -> memref<8x1024xf32, #tpu.memory_space<hbm>>
        %dma_wait3A_128 = arith.constant 0 : i32
        %dma_wait3A_129 = tpu.memref_slice %arg7[%multiple_of3A, %dma_wait3A_128] : memref<10000x1024xf32, #tpu.memory_space<hbm>> -> memref<8x1024xf32, #tpu.memory_space<hbm>>
        tpu.wait_dma2 semaphore(%run_scoped3A : memref<!tpu.dma_semaphore, #tpu.memory_space<semaphore_mem>>) src(%arg10 : memref<8x1024xf32, #tpu.memory_space<vmem>>) dst(%dma_wait3A_129 : memref<8x1024xf32, #tpu.memory_space<hbm>>)
        tpu.yield
      }) : () -> ()
    } else {
    }
    return
  }
}

#map = affine_map<(d0, d1) -> (0, 0)>
#map1 = affine_map<(d0, d1) -> (0)>
module attributes {stable_mosaic.version = 14 : i64} {
  func.func @kern(%arg0: i32, %arg1: i32, %arg2: memref<10000x1024xf32, #tpu.memory_space<hbm>>, %arg3: memref<160032xi32, #tpu.memory_space<hbm>>, %arg4: memref<160032xi32, #tpu.memory_space<hbm>>, %arg5: memref<160032xf32, #tpu.memory_space<hbm>>, %arg6: memref<32x16xi32, #tpu.memory_space<hbm>>, %arg7: memref<10000x1024xf32, #tpu.memory_space<hbm>>, %arg8: memref<32xi32, #tpu.memory_space<vmem>>, %arg9: memref<32x1024xf32, #tpu.memory_space<vmem>>, %arg10: memref<8x1024xf32, #tpu.memory_space<vmem>>, %arg11: memref<8x1024xf32, #tpu.memory_space<vmem>>, %arg12: memref<32x16xi32, #tpu.memory_space<vmem>>, %arg13: memref<48xi32, #tpu.memory_space<vmem>>, %arg14: memref<48xf32, #tpu.memory_space<vmem>>) attributes {dimension_semantics = [#tpu.dimension_semantics<core_parallel>, #tpu.dimension_semantics<subcore_parallel>], iteration_bounds = array<i64: 2, 16>, scalar_prefetch = 0 : i64, scratch_operands = 7 : i64, tpu.core_type = #tpu.core_type<sc_vector_subcore>, window_params = [{transform_indices = #map}, {transform_indices = #map1}, {transform_indices = #map1}, {transform_indices = #map1}, {transform_indices = #map}, {transform_indices = #map}]} {
    %mul3A = arith.constant 2 : i32
    %mul3A_0 = arith.muli %arg1, %mul3A : i32
    %add3A = arith.addi %mul3A_0, %arg0 : i32
    "tpu.region"() ({
      %run_scoped3A = tpu.sem_alloc : memref<!tpu.dma_semaphore, #tpu.memory_space<semaphore_mem>>
      tpu.enqueue_dma source(%arg6 : memref<32x16xi32, #tpu.memory_space<hbm>>) target(%arg12 : memref<32x16xi32, #tpu.memory_space<vmem>>) target_semaphore(%run_scoped3A : memref<!tpu.dma_semaphore, #tpu.memory_space<semaphore_mem>>)
      tpu.wait_dma2 semaphore(%run_scoped3A : memref<!tpu.dma_semaphore, #tpu.memory_space<semaphore_mem>>) src(%arg6 : memref<32x16xi32, #tpu.memory_space<hbm>>) dst(%arg12 : memref<32x16xi32, #tpu.memory_space<vmem>>)
      tpu.yield
    }) : () -> ()
    %get3A = arith.index_cast %add3A : i32 to index
    %get3A_1 = arith.constant 0 : index
    %get3A_2 = tpu.vector_load %arg12[%get3A, %get3A_1] {strides = array<i32>} : memref<32x16xi32, #tpu.memory_space<vmem>>, vector<1x16xi32>,
    %get3A_3 = vector.shape_cast %get3A_2 : vector<1x16xi32> to vector<16xi32>
    %slice3A = vector.extract_strided_slice %get3A_3 {offsets = [0], sizes = [1], strides = [1]} : vector<16xi32> to vector<1xi32>
    %squeeze3A = vector.extract %slice3A[0] : i32 from vector<1xi32>
    %slice3A_4 = vector.extract_strided_slice %get3A_3 {offsets = [1], sizes = [1], strides = [1]} : vector<16xi32> to vector<1xi32>
    %squeeze3A_5 = vector.extract %slice3A_4[0] : i32 from vector<1xi32>
    %slice3A_6 = vector.extract_strided_slice %get3A_3 {offsets = [2], sizes = [1], strides = [1]} : vector<16xi32> to vector<1xi32>
    %squeeze3A_7 = vector.extract %slice3A_6[0] : i32 from vector<1xi32>
    %slice3A_8 = vector.extract_strided_slice %get3A_3 {offsets = [3], sizes = [1], strides = [1]} : vector<16xi32> to vector<1xi32>
    %squeeze3A_9 = vector.extract %slice3A_8[0] : i32 from vector<1xi32>
    %broadcast_in_dim3A = arith.constant 0.000000e+00 : f32
    %broadcast_in_dim3A_10 = vector.broadcast %broadcast_in_dim3A : f32 to vector<16xf32>
    %scan3A = arith.constant 0 : i32
    %scan3A_11 = arith.constant 8 : i32
    %scan3A_12 = arith.addi %scan3A, %scan3A_11 : i32
    %scan3A_13 = arith.constant 1 : i32
    scf.for %scan3A_16 = %scan3A to %scan3A_12 step %scan3A_13  : i32 {
      %mul3A_17 = arith.constant 1 : i32
      %mul3A_18 = arith.muli %scan3A_16, %mul3A_17 : i32
      %add3A_19 = arith.constant 0 : i32
      %add3A_20 = arith.addi %add3A_19, %mul3A_18 : i32
      %scan3A_21 = arith.constant 0 : i32
      %scan3A_22 = arith.constant 64 : i32
      %scan3A_23 = arith.addi %scan3A_21, %scan3A_22 : i32
      %scan3A_24 = arith.constant 1 : i32
      scf.for %scan3A_26 = %scan3A_21 to %scan3A_23 step %scan3A_24  : i32 {
        %mul3A_27 = arith.constant 1 : i32
        %mul3A_28 = arith.muli %scan3A_26, %mul3A_27 : i32
        %add3A_29 = arith.constant 0 : i32
        %add3A_30 = arith.addi %add3A_29, %mul3A_28 : i32
        %mul3A_31 = arith.constant 16 : i32
        %mul3A_32 = arith.muli %add3A_30, %mul3A_31 : i32
        %swap3A = arith.index_cast %add3A_20 : i32 to index
        %swap3A_33 = arith.index_cast %mul3A_32 : i32 to index
        %swap3A_34 = tpu.vector_load %arg11[%swap3A, %swap3A_33] {strides = array<i32>} : memref<8x1024xf32, #tpu.memory_space<vmem>>, vector<1x16xf32>,
        %swap3A_35 = vector.shape_cast %swap3A_34 : vector<1x16xf32> to vector<16xf32>
        %swap3A_36 = vector.shape_cast %broadcast_in_dim3A_10 : vector<16xf32> to vector<1x16xf32>
        tpu.vector_store %arg11[%swap3A, %swap3A_33], %swap3A_36 {strides = array<i32>} : memref<8x1024xf32, #tpu.memory_space<vmem>>, vector<1x16xf32>,
        %mul3A_37 = arith.constant 16 : i32
        %mul3A_38 = arith.muli %add3A_30, %mul3A_37 : i32
        %swap3A_39 = arith.index_cast %add3A_20 : i32 to index
        %swap3A_40 = arith.index_cast %mul3A_38 : i32 to index
        %swap3A_41 = tpu.vector_load %arg10[%swap3A_39, %swap3A_40] {strides = array<i32>} : memref<8x1024xf32, #tpu.memory_space<vmem>>, vector<1x16xf32>,
        %swap3A_42 = vector.shape_cast %swap3A_41 : vector<1x16xf32> to vector<16xf32>
        %swap3A_43 = vector.shape_cast %broadcast_in_dim3A_10 : vector<16xf32> to vector<1x16xf32>
        tpu.vector_store %arg10[%swap3A_39, %swap3A_40], %swap3A_43 {strides = array<i32>} : memref<8x1024xf32, #tpu.memory_space<vmem>>, vector<1x16xf32>,
      }
      %scan3A_25 = arith.constant 64 : i32
    }
    %scan3A_14 = arith.constant 8 : i32
    %lt3A = arith.cmpi slt, %squeeze3A, %squeeze3A_5 : i32
    %convert_element_type3A = arith.extui %lt3A : i1 to i32
    %cond3A = arith.constant 0 : i32
    %cond3A_15 = arith.cmpi ne, %convert_element_type3A, %cond3A : i32
    scf.if %cond3A_15 {
      %sub3A = arith.subi %squeeze3A_5, %squeeze3A : i32
      %sub3A_16 = arith.constant 8 : i32
      %sub3A_17 = arith.constant 1 : i32
      %sub3A_18 = arith.subi %sub3A_16, %sub3A_17 : i32
      %add3A_19 = arith.addi %sub3A, %sub3A_18 : i32
      %div3A = arith.constant 8 : i32
      %div3A_20 = arith.divsi %add3A_19, %div3A : i32
      %while3A = arith.constant 8 : i32
      %while3A_21 = arith.constant 0 : i32
      %while3A_22 = arith.subi %div3A_20, %while3A_21 : i32
      %while3A_23 = arith.addi %while3A_21, %while3A_22 : i32
      %while3A_24 = arith.constant 1 : i32
      %while3A_25 = arith.divsi %while3A_22, %while3A_24 : i32
      %while3A_26 = arith.muli %while3A_25, %while3A_24 : i32
      %while3A_27 = arith.addi %while3A_21, %while3A_26 : i32
      %while3A_28 = arith.constant 1 : i32
      scf.for %while3A_124 = %while3A_21 to %while3A_27 step %while3A_28  : i32 {
        %mul3A_125 = arith.muli %while3A_124, %while3A : i32
        %add3A_126 = arith.addi %squeeze3A, %mul3A_125 : i32
        %multiple_of3A_127 = tpu.assume_multiple %add3A_126, 8 : i32
        "tpu.region"() ({
          %run_scoped3A = tpu.sem_alloc : memref<!tpu.dma_semaphore, #tpu.memory_space<semaphore_mem>>
          %dma_start3A = arith.constant 0 : i32
          %dma_start3A_128 = tpu.memref_slice %arg7[%multiple_of3A_127, %dma_start3A] : memref<10000x1024xf32, #tpu.memory_space<hbm>> -> memref<8x1024xf32, #tpu.memory_space<hbm>>
          %dma_start3A_129 = arith.constant 0 : i32
          %dma_start3A_130 = tpu.memref_slice %arg7[%multiple_of3A_127, %dma_start3A_129] : memref<10000x1024xf32, #tpu.memory_space<hbm>> -> memref<8x1024xf32, #tpu.memory_space<hbm>>
          tpu.enqueue_dma source(%arg11 : memref<8x1024xf32, #tpu.memory_space<vmem>>) target(%dma_start3A_130 : memref<8x1024xf32, #tpu.memory_space<hbm>>) target_semaphore(%run_scoped3A : memref<!tpu.dma_semaphore, #tpu.memory_space<semaphore_mem>>)
          %dma_wait3A = arith.constant 0 : i32
          %dma_wait3A_131 = tpu.memref_slice %arg7[%multiple_of3A_127, %dma_wait3A] : memref<10000x1024xf32, #tpu.memory_space<hbm>> -> memref<8x1024xf32, #tpu.memory_space<hbm>>
          %dma_wait3A_132 = arith.constant 0 : i32
          %dma_wait3A_133 = tpu.memref_slice %arg7[%multiple_of3A_127, %dma_wait3A_132] : memref<10000x1024xf32, #tpu.memory_space<hbm>> -> memref<8x1024xf32, #tpu.memory_space<hbm>>
          tpu.wait_dma2 semaphore(%run_scoped3A : memref<!tpu.dma_semaphore, #tpu.memory_space<semaphore_mem>>) src(%arg11 : memref<8x1024xf32, #tpu.memory_space<vmem>>) dst(%dma_wait3A_133 : memref<8x1024xf32, #tpu.memory_space<hbm>>)
          tpu.yield
        }) : () -> ()
      }
      %while3A_29 = arith.constant 1 : i32
      scf.for %while3A_124 = %while3A_27 to %while3A_23 step %while3A_29  : i32 {
        %mul3A_125 = arith.muli %while3A_124, %while3A : i32
        %add3A_126 = arith.addi %squeeze3A, %mul3A_125 : i32
        %multiple_of3A_127 = tpu.assume_multiple %add3A_126, 8 : i32
        "tpu.region"() ({
          %run_scoped3A = tpu.sem_alloc : memref<!tpu.dma_semaphore, #tpu.memory_space<semaphore_mem>>
          %dma_start3A = arith.constant 0 : i32
          %dma_start3A_128 = tpu.memref_slice %arg7[%multiple_of3A_127, %dma_start3A] : memref<10000x1024xf32, #tpu.memory_space<hbm>> -> memref<8x1024xf32, #tpu.memory_space<hbm>>
          %dma_start3A_129 = arith.constant 0 : i32
          %dma_start3A_130 = tpu.memref_slice %arg7[%multiple_of3A_127, %dma_start3A_129] : memref<10000x1024xf32, #tpu.memory_space<hbm>> -> memref<8x1024xf32, #tpu.memory_space<hbm>>
          tpu.enqueue_dma source(%arg11 : memref<8x1024xf32, #tpu.memory_space<vmem>>) target(%dma_start3A_130 : memref<8x1024xf32, #tpu.memory_space<hbm>>) target_semaphore(%run_scoped3A : memref<!tpu.dma_semaphore, #tpu.memory_space<semaphore_mem>>)
          %dma_wait3A = arith.constant 0 : i32
          %dma_wait3A_131 = tpu.memref_slice %arg7[%multiple_of3A_127, %dma_wait3A] : memref<10000x1024xf32, #tpu.memory_space<hbm>> -> memref<8x1024xf32, #tpu.memory_space<hbm>>
          %dma_wait3A_132 = arith.constant 0 : i32
          %dma_wait3A_133 = tpu.memref_slice %arg7[%multiple_of3A_127, %dma_wait3A_132] : memref<10000x1024xf32, #tpu.memory_space<hbm>> -> memref<8x1024xf32, #tpu.memory_space<hbm>>
          tpu.wait_dma2 semaphore(%run_scoped3A : memref<!tpu.dma_semaphore, #tpu.memory_space<semaphore_mem>>) src(%arg11 : memref<8x1024xf32, #tpu.memory_space<vmem>>) dst(%dma_wait3A_133 : memref<8x1024xf32, #tpu.memory_space<hbm>>)
          tpu.yield
        }) : () -> ()
      }
      %jit3A = arith.constant 8 : i32
      %div3A_30 = arith.divsi %squeeze3A_7, %jit3A : i32
      %sign3A = arith.constant 0 : i32
      %sign3A_31 = arith.cmpi sgt, %squeeze3A_7, %sign3A : i32
      %sign3A_32 = arith.extui %sign3A_31 : i1 to i32
      %sign3A_33 = arith.constant 0 : i32
      %sign3A_34 = arith.cmpi slt, %squeeze3A_7, %sign3A_33 : i32
      %sign3A_35 = arith.extui %sign3A_34 : i1 to i32
      %sign3A_36 = arith.subi %sign3A_32, %sign3A_35 : i32
      %sign3A_37 = arith.constant 0 : i32
      %sign3A_38 = arith.cmpi sgt, %jit3A, %sign3A_37 : i32
      %sign3A_39 = arith.extui %sign3A_38 : i1 to i32
      %sign3A_40 = arith.constant 0 : i32
      %sign3A_41 = arith.cmpi slt, %jit3A, %sign3A_40 : i32
      %sign3A_42 = arith.extui %sign3A_41 : i1 to i32
      %sign3A_43 = arith.subi %sign3A_39, %sign3A_42 : i32
      %ne3A = arith.cmpi ne, %sign3A_36, %sign3A_43 : i32
      %rem3A = arith.remsi %squeeze3A_7, %jit3A : i32
      %ne3A_44 = arith.constant 0 : i32
      %ne3A_45 = arith.cmpi ne, %rem3A, %ne3A_44 : i32
      %and3A = arith.andi %ne3A, %ne3A_45 : i1
      %sub3A_46 = arith.constant 1 : i32
      %sub3A_47 = arith.subi %div3A_30, %sub3A_46 : i32
      %select_n3A = arith.select %and3A, %sub3A_47, %div3A_30 : i32
      %mul3A_48 = arith.constant 8 : i32
      %mul3A_49 = arith.muli %select_n3A, %mul3A_48 : i32
      %sub3A_50 = arith.subi %squeeze3A_9, %mul3A_49 : i32
      %add3A_51 = arith.constant 31 : i32
      %add3A_52 = arith.addi %sub3A_50, %add3A_51 : i32
      %jit3A_53 = arith.constant 32 : i32
      %div3A_54 = arith.divsi %add3A_52, %jit3A_53 : i32
      %sign3A_55 = arith.constant 0 : i32
      %sign3A_56 = arith.cmpi sgt, %add3A_52, %sign3A_55 : i32
      %sign3A_57 = arith.extui %sign3A_56 : i1 to i32
      %sign3A_58 = arith.constant 0 : i32
      %sign3A_59 = arith.cmpi slt, %add3A_52, %sign3A_58 : i32
      %sign3A_60 = arith.extui %sign3A_59 : i1 to i32
      %sign3A_61 = arith.subi %sign3A_57, %sign3A_60 : i32
      %sign3A_62 = arith.constant 0 : i32
      %sign3A_63 = arith.cmpi sgt, %jit3A_53, %sign3A_62 : i32
      %sign3A_64 = arith.extui %sign3A_63 : i1 to i32
      %sign3A_65 = arith.constant 0 : i32
      %sign3A_66 = arith.cmpi slt, %jit3A_53, %sign3A_65 : i32
      %sign3A_67 = arith.extui %sign3A_66 : i1 to i32
      %sign3A_68 = arith.subi %sign3A_64, %sign3A_67 : i32
      %ne3A_69 = arith.cmpi ne, %sign3A_61, %sign3A_68 : i32
      %rem3A_70 = arith.remsi %add3A_52, %jit3A_53 : i32
      %ne3A_71 = arith.constant 0 : i32
      %ne3A_72 = arith.cmpi ne, %rem3A_70, %ne3A_71 : i32
      %and3A_73 = arith.andi %ne3A_69, %ne3A_72 : i1
      %sub3A_74 = arith.constant 1 : i32
      %sub3A_75 = arith.subi %div3A_54, %sub3A_74 : i32
      %select_n3A_76 = arith.select %and3A_73, %sub3A_75, %div3A_54 : i32
      %jit3A_77 = arith.constant 8 : i32
      %div3A_78 = arith.divsi %squeeze3A, %jit3A_77 : i32
      %sign3A_79 = arith.constant 0 : i32
      %sign3A_80 = arith.cmpi sgt, %squeeze3A, %sign3A_79 : i32
      %sign3A_81 = arith.extui %sign3A_80 : i1 to i32
      %sign3A_82 = arith.constant 0 : i32
      %sign3A_83 = arith.cmpi slt, %squeeze3A, %sign3A_82 : i32
      %sign3A_84 = arith.extui %sign3A_83 : i1 to i32
      %sign3A_85 = arith.subi %sign3A_81, %sign3A_84 : i32
      %sign3A_86 = arith.constant 0 : i32
      %sign3A_87 = arith.cmpi sgt, %jit3A_77, %sign3A_86 : i32
      %sign3A_88 = arith.extui %sign3A_87 : i1 to i32
      %sign3A_89 = arith.constant 0 : i32
      %sign3A_90 = arith.cmpi slt, %jit3A_77, %sign3A_89 : i32
      %sign3A_91 = arith.extui %sign3A_90 : i1 to i32
      %sign3A_92 = arith.subi %sign3A_88, %sign3A_91 : i32
      %ne3A_93 = arith.cmpi ne, %sign3A_85, %sign3A_92 : i32
      %rem3A_94 = arith.remsi %squeeze3A, %jit3A_77 : i32
      %ne3A_95 = arith.constant 0 : i32
      %ne3A_96 = arith.cmpi ne, %rem3A_94, %ne3A_95 : i32
      %and3A_97 = arith.andi %ne3A_93, %ne3A_96 : i1
      %sub3A_98 = arith.constant 1 : i32
      %sub3A_99 = arith.subi %div3A_78, %sub3A_98 : i32
      %select_n3A_100 = arith.select %and3A_97, %sub3A_99, %div3A_78 : i32
      %sub3A_101 = arith.constant 0 : i32
      %sub3A_102 = arith.subi %select_n3A_76, %sub3A_101 : i32
      %sub3A_103 = arith.constant 1 : i32
      %sub3A_104 = arith.constant 1 : i32
      %sub3A_105 = arith.subi %sub3A_103, %sub3A_104 : i32
      %add3A_106 = arith.addi %sub3A_102, %sub3A_105 : i32
      %div3A_107 = arith.constant 1 : i32
      %div3A_108 = arith.divsi %add3A_106, %div3A_107 : i32
      %while3A_109 = arith.constant 1 : i32
      %while3A_110 = arith.constant 0 : i32
      %while3A_111 = arith.constant 0 : i32
      %while3A_112 = arith.subi %div3A_108, %while3A_111 : i32
      %while3A_113 = arith.addi %while3A_111, %while3A_112 : i32
      %while3A_114 = arith.constant 1 : i32
      %while3A_115 = arith.divsi %while3A_112, %while3A_114 : i32
      %while3A_116 = arith.muli %while3A_115, %while3A_114 : i32
      %while3A_117 = arith.addi %while3A_111, %while3A_116 : i32
      %while3A_118 = arith.constant 1 : i32
      %while3A_119 = scf.for %while3A_124 = %while3A_111 to %while3A_117 step %while3A_118 iter_args(%while3A_125 = %select_n3A_100) -> (i32)  : i32 {
        %mul3A_126 = arith.muli %while3A_124, %while3A_109 : i32
        %add3A_127 = arith.addi %while3A_110, %mul3A_126 : i32
        %mul3A_128 = arith.constant 32 : i32
        %mul3A_129 = arith.muli %add3A_127, %mul3A_128 : i32
        %add3A_130 = arith.addi %mul3A_49, %mul3A_129 : i32
        "tpu.region"() ({
          %run_scoped3A = tpu.sem_alloc : memref<!tpu.dma_semaphore, #tpu.memory_space<semaphore_mem>>
          %dma_start3A = tpu.memref_slice %arg3[%add3A_130] : memref<160032xi32, #tpu.memory_space<hbm>> -> memref<32xi32, #tpu.memory_space<hbm>>
          %dma_start3A_137 = tpu.memref_slice %arg3[%add3A_130] : memref<160032xi32, #tpu.memory_space<hbm>> -> memref<32xi32, #tpu.memory_space<hbm>>
          tpu.enqueue_dma source(%dma_start3A_137 : memref<32xi32, #tpu.memory_space<hbm>>) target(%arg8 : memref<32xi32, #tpu.memory_space<vmem>>) target_semaphore(%run_scoped3A : memref<!tpu.dma_semaphore, #tpu.memory_space<semaphore_mem>>)
          %dma_wait3A = tpu.memref_slice %arg3[%add3A_130] : memref<160032xi32, #tpu.memory_space<hbm>> -> memref<32xi32, #tpu.memory_space<hbm>>
          %dma_wait3A_138 = tpu.memref_slice %arg3[%add3A_130] : memref<160032xi32, #tpu.memory_space<hbm>> -> memref<32xi32, #tpu.memory_space<hbm>>
          tpu.wait_dma2 semaphore(%run_scoped3A : memref<!tpu.dma_semaphore, #tpu.memory_space<semaphore_mem>>) src(%dma_wait3A_138 : memref<32xi32, #tpu.memory_space<hbm>>) dst(%arg8 : memref<32xi32, #tpu.memory_space<vmem>>)
          tpu.yield
        }) : () -> ()
        "tpu.region"() ({
          %run_scoped3A = tpu.sem_alloc : memref<!tpu.dma_semaphore, #tpu.memory_space<semaphore_mem>>
          %dma_start3A = arith.constant 0 : i32
          %dma_start3A_137 = tpu.memref_slice %arg13[%dma_start3A] : memref<48xi32, #tpu.memory_space<vmem>> -> memref<32xi32, #tpu.memory_space<vmem>>
          %dma_start3A_138 = tpu.memref_slice %arg4[%add3A_130] : memref<160032xi32, #tpu.memory_space<hbm>> -> memref<32xi32, #tpu.memory_space<hbm>>
          %dma_start3A_139 = arith.constant 0 : i32
          %dma_start3A_140 = tpu.memref_slice %arg13[%dma_start3A_139] : memref<48xi32, #tpu.memory_space<vmem>> -> memref<32xi32, #tpu.memory_space<vmem>>
          %dma_start3A_141 = tpu.memref_slice %arg4[%add3A_130] : memref<160032xi32, #tpu.memory_space<hbm>> -> memref<32xi32, #tpu.memory_space<hbm>>
          tpu.enqueue_dma source(%dma_start3A_141 : memref<32xi32, #tpu.memory_space<hbm>>) target(%dma_start3A_140 : memref<32xi32, #tpu.memory_space<vmem>>) target_semaphore(%run_scoped3A : memref<!tpu.dma_semaphore, #tpu.memory_space<semaphore_mem>>)
          %dma_wait3A = arith.constant 0 : i32
          %dma_wait3A_142 = tpu.memref_slice %arg13[%dma_wait3A] : memref<48xi32, #tpu.memory_space<vmem>> -> memref<32xi32, #tpu.memory_space<vmem>>
          %dma_wait3A_143 = tpu.memref_slice %arg4[%add3A_130] : memref<160032xi32, #tpu.memory_space<hbm>> -> memref<32xi32, #tpu.memory_space<hbm>>
          %dma_wait3A_144 = arith.constant 0 : i32
          %dma_wait3A_145 = tpu.memref_slice %arg13[%dma_wait3A_144] : memref<48xi32, #tpu.memory_space<vmem>> -> memref<32xi32, #tpu.memory_space<vmem>>
          %dma_wait3A_146 = tpu.memref_slice %arg4[%add3A_130] : memref<160032xi32, #tpu.memory_space<hbm>> -> memref<32xi32, #tpu.memory_space<hbm>>
          tpu.wait_dma2 semaphore(%run_scoped3A : memref<!tpu.dma_semaphore, #tpu.memory_space<semaphore_mem>>) src(%dma_wait3A_146 : memref<32xi32, #tpu.memory_space<hbm>>) dst(%dma_wait3A_145 : memref<32xi32, #tpu.memory_space<vmem>>)
          tpu.yield
        }) : () -> ()
        "tpu.region"() ({
          %run_scoped3A = tpu.sem_alloc : memref<!tpu.dma_semaphore, #tpu.memory_space<semaphore_mem>>
          %dma_start3A = arith.constant 0 : i32
          %dma_start3A_137 = tpu.memref_slice %arg14[%dma_start3A] : memref<48xf32, #tpu.memory_space<vmem>> -> memref<32xf32, #tpu.memory_space<vmem>>
          %dma_start3A_138 = tpu.memref_slice %arg5[%add3A_130] : memref<160032xf32, #tpu.memory_space<hbm>> -> memref<32xf32, #tpu.memory_space<hbm>>
          %dma_start3A_139 = arith.constant 0 : i32
          %dma_start3A_140 = tpu.memref_slice %arg14[%dma_start3A_139] : memref<48xf32, #tpu.memory_space<vmem>> -> memref<32xf32, #tpu.memory_space<vmem>>
          %dma_start3A_141 = tpu.memref_slice %arg5[%add3A_130] : memref<160032xf32, #tpu.memory_space<hbm>> -> memref<32xf32, #tpu.memory_space<hbm>>
          tpu.enqueue_dma source(%dma_start3A_141 : memref<32xf32, #tpu.memory_space<hbm>>) target(%dma_start3A_140 : memref<32xf32, #tpu.memory_space<vmem>>) target_semaphore(%run_scoped3A : memref<!tpu.dma_semaphore, #tpu.memory_space<semaphore_mem>>)
          %dma_wait3A = arith.constant 0 : i32
          %dma_wait3A_142 = tpu.memref_slice %arg14[%dma_wait3A] : memref<48xf32, #tpu.memory_space<vmem>> -> memref<32xf32, #tpu.memory_space<vmem>>
          %dma_wait3A_143 = tpu.memref_slice %arg5[%add3A_130] : memref<160032xf32, #tpu.memory_space<hbm>> -> memref<32xf32, #tpu.memory_space<hbm>>
          %dma_wait3A_144 = arith.constant 0 : i32
          %dma_wait3A_145 = tpu.memref_slice %arg14[%dma_wait3A_144] : memref<48xf32, #tpu.memory_space<vmem>> -> memref<32xf32, #tpu.memory_space<vmem>>
          %dma_wait3A_146 = tpu.memref_slice %arg5[%add3A_130] : memref<160032xf32, #tpu.memory_space<hbm>> -> memref<32xf32, #tpu.memory_space<hbm>>
          tpu.wait_dma2 semaphore(%run_scoped3A : memref<!tpu.dma_semaphore, #tpu.memory_space<semaphore_mem>>) src(%dma_wait3A_146 : memref<32xf32, #tpu.memory_space<hbm>>) dst(%dma_wait3A_145 : memref<32xf32, #tpu.memory_space<vmem>>)
          tpu.yield
        }) : () -> ()
        "tpu.region"() ({
          %run_scoped3A = tpu.sem_alloc : memref<!tpu.dma_semaphore, #tpu.memory_space<semaphore_mem>>
          %dma_start3A = arith.constant 0 : i32
          %dma_start3A_137 = arith.constant 0 : i32
          %dma_start3A_138 = tpu.memref_slice %arg2[%dma_start3A, %dma_start3A_137] : memref<10000x1024xf32, #tpu.memory_space<hbm>> -> memref<10000x1024xf32, #tpu.memory_space<hbm>>
          tpu.enqueue_indirect_dma source(%dma_start3A_138 : memref<10000x1024xf32, #tpu.memory_space<hbm>>) target(%arg9 : memref<32x1024xf32, #tpu.memory_space<vmem>>) offsets(%arg8 : memref<32xi32, #tpu.memory_space<vmem>>) semaphore(%run_scoped3A : memref<!tpu.dma_semaphore, #tpu.memory_space<semaphore_mem>>)
          %dma_wait3A = arith.constant 0 : i32
          %dma_wait3A_139 = arith.constant 0 : i32
          %dma_wait3A_140 = tpu.memref_slice %arg2[%dma_wait3A, %dma_wait3A_139] : memref<10000x1024xf32, #tpu.memory_space<hbm>> -> memref<10000x1024xf32, #tpu.memory_space<hbm>>
          tpu.wait_indirect_dma semaphore(%run_scoped3A : memref<!tpu.dma_semaphore, #tpu.memory_space<semaphore_mem>>) src(%dma_wait3A_140 : memref<10000x1024xf32, #tpu.memory_space<hbm>>) dst(%arg9 : memref<32x1024xf32, #tpu.memory_space<vmem>>)
          tpu.yield
        }) : () -> ()
        %scan3A_131 = arith.constant 0 : i32
        %scan3A_132 = arith.constant 32 : i32
        %scan3A_133 = arith.addi %scan3A_131, %scan3A_132 : i32
        %scan3A_134 = arith.constant 1 : i32
        %scan3A_135 = scf.for %scan3A_137 = %scan3A_131 to %scan3A_133 step %scan3A_134 iter_args(%scan3A_138 = %while3A_125) -> (i32)  : i32 {
          %mul3A_139 = arith.constant 1 : i32
          %mul3A_140 = arith.muli %scan3A_137, %mul3A_139 : i32
          %add3A_141 = arith.constant 0 : i32
          %add3A_142 = arith.addi %add3A_141, %mul3A_140 : i32
          %add3A_143 = arith.addi %add3A_130, %add3A_142 : i32
          %ge3A = arith.cmpi sge, %add3A_143, %squeeze3A_7 : i32
          %lt3A_144 = arith.cmpi slt, %add3A_143, %squeeze3A_9 : i32
          %and3A_145 = arith.andi %ge3A, %lt3A_144 : i1
          %get3A_146 = arith.index_cast %add3A_142 : i32 to index
          %get3A_147 = tpu.vector_load %arg14[%get3A_146] {strides = array<i32>} : memref<48xf32, #tpu.memory_space<vmem>>, vector<16xf32>,
          %get3A_148 = vector.shape_cast %get3A_147 : vector<16xf32> to vector<16xf32>
          %slice3A_149 = vector.extract_strided_slice %get3A_148 {offsets = [0], sizes = [1], strides = [1]} : vector<16xf32> to vector<1xf32>
          %squeeze3A_150 = vector.extract %slice3A_149[0] : f32 from vector<1xf32>
          %jit3A_151 = arith.constant 0.000000e+00 : f32
          %select_n3A_152 = arith.select %and3A_145, %squeeze3A_150, %jit3A_151 : f32
          %get3A_153 = arith.index_cast %add3A_142 : i32 to index
          %get3A_154 = tpu.vector_load %arg13[%get3A_153] {strides = array<i32>} : memref<48xi32, #tpu.memory_space<vmem>>, vector<16xi32>,
          %get3A_155 = vector.shape_cast %get3A_154 : vector<16xi32> to vector<16xi32>
          %slice3A_156 = vector.extract_strided_slice %get3A_155 {offsets = [0], sizes = [1], strides = [1]} : vector<16xi32> to vector<1xi32>
          %squeeze3A_157 = vector.extract %slice3A_156[0] : i32 from vector<1xi32>
          %mul3A_158 = arith.constant 8 : i32
          %mul3A_159 = arith.muli %scan3A_138, %mul3A_158 : i32
          %select_n3A_160 = arith.select %and3A_145, %squeeze3A_157, %mul3A_159 : i32
          %sub3A_161 = arith.constant 1 : i32
          %sub3A_162 = arith.subi %squeeze3A_5, %sub3A_161 : i32
          %max3A = arith.maxsi %squeeze3A, %select_n3A_160 : i32
          %min3A = arith.minsi %sub3A_162, %max3A : i32
          %jit3A_163 = arith.constant 8 : i32
          %div3A_164 = arith.divsi %min3A, %jit3A_163 : i32
          %sign3A_165 = arith.constant 0 : i32
          %sign3A_166 = arith.cmpi sgt, %min3A, %sign3A_165 : i32
          %sign3A_167 = arith.extui %sign3A_166 : i1 to i32
          %sign3A_168 = arith.constant 0 : i32
          %sign3A_169 = arith.cmpi slt, %min3A, %sign3A_168 : i32
          %sign3A_170 = arith.extui %sign3A_169 : i1 to i32
          %sign3A_171 = arith.subi %sign3A_167, %sign3A_170 : i32
          %sign3A_172 = arith.constant 0 : i32
          %sign3A_173 = arith.cmpi sgt, %jit3A_163, %sign3A_172 : i32
          %sign3A_174 = arith.extui %sign3A_173 : i1 to i32
          %sign3A_175 = arith.constant 0 : i32
          %sign3A_176 = arith.cmpi slt, %jit3A_163, %sign3A_175 : i32
          %sign3A_177 = arith.extui %sign3A_176 : i1 to i32
          %sign3A_178 = arith.subi %sign3A_174, %sign3A_177 : i32
          %ne3A_179 = arith.cmpi ne, %sign3A_171, %sign3A_178 : i32
          %rem3A_180 = arith.remsi %min3A, %jit3A_163 : i32
          %ne3A_181 = arith.constant 0 : i32
          %ne3A_182 = arith.cmpi ne, %rem3A_180, %ne3A_181 : i32
          %and3A_183 = arith.andi %ne3A_179, %ne3A_182 : i1
          %sub3A_184 = arith.constant 1 : i32
          %sub3A_185 = arith.subi %div3A_164, %sub3A_184 : i32
          %select_n3A_186 = arith.select %and3A_183, %sub3A_185, %div3A_164 : i32
          %ne3A_187 = arith.cmpi ne, %select_n3A_186, %scan3A_138 : i32
          %convert_element_type3A_188 = arith.extui %ne3A_187 : i1 to i32
          %cond3A_189 = arith.constant 0 : i32
          %cond3A_190 = arith.cmpi ne, %convert_element_type3A_188, %cond3A_189 : i32
          scf.if %cond3A_190 {
            %mul3A_196 = arith.constant 8 : i32
            %mul3A_197 = arith.muli %scan3A_138, %mul3A_196 : i32
            %multiple_of3A_198 = tpu.assume_multiple %mul3A_197, 8 : i32
            "tpu.region"() ({
              %run_scoped3A = tpu.sem_alloc : memref<!tpu.dma_semaphore, #tpu.memory_space<semaphore_mem>>
              %dma_start3A = arith.constant 0 : i32
              %dma_start3A_204 = tpu.memref_slice %arg7[%multiple_of3A_198, %dma_start3A] : memref<10000x1024xf32, #tpu.memory_space<hbm>> -> memref<8x1024xf32, #tpu.memory_space<hbm>>
              %dma_start3A_205 = arith.constant 0 : i32
              %dma_start3A_206 = tpu.memref_slice %arg7[%multiple_of3A_198, %dma_start3A_205] : memref<10000x1024xf32, #tpu.memory_space<hbm>> -> memref<8x1024xf32, #tpu.memory_space<hbm>>
              tpu.enqueue_dma source(%arg10 : memref<8x1024xf32, #tpu.memory_space<vmem>>) target(%dma_start3A_206 : memref<8x1024xf32, #tpu.memory_space<hbm>>) target_semaphore(%run_scoped3A : memref<!tpu.dma_semaphore, #tpu.memory_space<semaphore_mem>>)
              %dma_wait3A = arith.constant 0 : i32
              %dma_wait3A_207 = tpu.memref_slice %arg7[%multiple_of3A_198, %dma_wait3A] : memref<10000x1024xf32, #tpu.memory_space<hbm>> -> memref<8x1024xf32, #tpu.memory_space<hbm>>
              %dma_wait3A_208 = arith.constant 0 : i32
              %dma_wait3A_209 = tpu.memref_slice %arg7[%multiple_of3A_198, %dma_wait3A_208] : memref<10000x1024xf32, #tpu.memory_space<hbm>> -> memref<8x1024xf32, #tpu.memory_space<hbm>>
              tpu.wait_dma2 semaphore(%run_scoped3A : memref<!tpu.dma_semaphore, #tpu.memory_space<semaphore_mem>>) src(%arg10 : memref<8x1024xf32, #tpu.memory_space<vmem>>) dst(%dma_wait3A_209 : memref<8x1024xf32, #tpu.memory_space<hbm>>)
              tpu.yield
            }) : () -> ()
            %scan3A_199 = arith.constant 0 : i32
            %scan3A_200 = arith.constant 8 : i32
            %scan3A_201 = arith.addi %scan3A_199, %scan3A_200 : i32
            %scan3A_202 = arith.constant 1 : i32
            scf.for %scan3A_204 = %scan3A_199 to %scan3A_201 step %scan3A_202  : i32 {
              %mul3A_205 = arith.constant 1 : i32
              %mul3A_206 = arith.muli %scan3A_204, %mul3A_205 : i32
              %add3A_207 = arith.constant 0 : i32
              %add3A_208 = arith.addi %add3A_207, %mul3A_206 : i32
              %scan3A_209 = arith.constant 0 : i32
              %scan3A_210 = arith.constant 64 : i32
              %scan3A_211 = arith.addi %scan3A_209, %scan3A_210 : i32
              %scan3A_212 = arith.constant 1 : i32
              scf.for %scan3A_214 = %scan3A_209 to %scan3A_211 step %scan3A_212  : i32 {
                %mul3A_215 = arith.constant 1 : i32
                %mul3A_216 = arith.muli %scan3A_214, %mul3A_215 : i32
                %add3A_217 = arith.constant 0 : i32
                %add3A_218 = arith.addi %add3A_217, %mul3A_216 : i32
                %mul3A_219 = arith.constant 16 : i32
                %mul3A_220 = arith.muli %add3A_218, %mul3A_219 : i32
                %swap3A = arith.index_cast %add3A_208 : i32 to index
                %swap3A_221 = arith.index_cast %mul3A_220 : i32 to index
                %swap3A_222 = tpu.vector_load %arg10[%swap3A, %swap3A_221] {strides = array<i32>} : memref<8x1024xf32, #tpu.memory_space<vmem>>, vector<1x16xf32>,
                %swap3A_223 = vector.shape_cast %swap3A_222 : vector<1x16xf32> to vector<16xf32>
                %swap3A_224 = vector.shape_cast %broadcast_in_dim3A_10 : vector<16xf32> to vector<1x16xf32>
                tpu.vector_store %arg10[%swap3A, %swap3A_221], %swap3A_224 {strides = array<i32>} : memref<8x1024xf32, #tpu.memory_space<vmem>>, vector<1x16xf32>,
              }
              %scan3A_213 = arith.constant 64 : i32
            }
            %scan3A_203 = arith.constant 8 : i32
          } else {
          }
          %ne3A_191 = arith.constant 0.000000e+00 : f32
          %ne3A_192 = arith.cmpf one, %select_n3A_152, %ne3A_191 : f32
          %convert_element_type3A_193 = arith.extui %ne3A_192 : i1 to i32
          %cond3A_194 = arith.constant 0 : i32
          %cond3A_195 = arith.cmpi ne, %convert_element_type3A_193, %cond3A_194 : i32
          scf.if %cond3A_195 {
            %mul3A_196 = arith.constant 8 : i32
            %mul3A_197 = arith.muli %select_n3A_186, %mul3A_196 : i32
            %sub3A_198 = arith.subi %min3A, %mul3A_197 : i32
            %scan3A_199 = arith.constant 0 : i32
            %scan3A_200 = arith.constant 64 : i32
            %scan3A_201 = arith.addi %scan3A_199, %scan3A_200 : i32
            %scan3A_202 = arith.constant 8 : i32
            scf.for %scan3A_204 = %scan3A_199 to %scan3A_201 step %scan3A_202  : i32 {
              %mul3A_205 = arith.constant 1 : i32
              %mul3A_206 = arith.muli %scan3A_204, %mul3A_205 : i32
              %add3A_207 = arith.constant 0 : i32
              %add3A_208 = arith.addi %add3A_207, %mul3A_206 : i32
              %mul3A_209 = arith.constant 16 : i32
              %mul3A_210 = arith.muli %add3A_208, %mul3A_209 : i32
              %get3A_211 = arith.index_cast %add3A_142 : i32 to index
              %get3A_212 = arith.index_cast %mul3A_210 : i32 to index
              %get3A_213 = tpu.vector_load %arg9[%get3A_211, %get3A_212] {strides = array<i32>} : memref<32x1024xf32, #tpu.memory_space<vmem>>, vector<1x16xf32>,
              %get3A_214 = vector.shape_cast %get3A_213 : vector<1x16xf32> to vector<16xf32>
              %mul3A_215 = vector.broadcast %select_n3A_152 : f32 to vector<16xf32>
              %mul3A_216 = arith.mulf %mul3A_215, %get3A_214 : vector<16xf32>
              %swap3A = arith.index_cast %sub3A_198 : i32 to index
              %swap3A_217 = arith.index_cast %mul3A_210 : i32 to index
              %swap3A_218 = tpu.vector_load %arg10[%swap3A, %swap3A_217] {strides = array<i32>} : memref<8x1024xf32, #tpu.memory_space<vmem>>, vector<1x16xf32>,
              %swap3A_219 = vector.shape_cast %swap3A_218 : vector<1x16xf32> to vector<16xf32>
              %swap3A_220 = vector.shape_cast %mul3A_216 : vector<16xf32> to vector<1x16xf32>
              tpu.vector_store %arg10[%swap3A, %swap3A_217], %swap3A_220 {add = true, strides = array<i32>} : memref<8x1024xf32, #tpu.memory_space<vmem>>, vector<1x16xf32>,
              %scan3A_221 = arith.constant 1 : i32
              %scan3A_222 = arith.addi %scan3A_204, %scan3A_221 : i32
              %mul3A_223 = arith.constant 1 : i32
              %mul3A_224 = arith.muli %scan3A_222, %mul3A_223 : i32
              %add3A_225 = arith.constant 0 : i32
              %add3A_226 = arith.addi %add3A_225, %mul3A_224 : i32
              %mul3A_227 = arith.constant 16 : i32
              %mul3A_228 = arith.muli %add3A_226, %mul3A_227 : i32
              %get3A_229 = arith.index_cast %add3A_142 : i32 to index
              %get3A_230 = arith.index_cast %mul3A_228 : i32 to index
              %get3A_231 = tpu.vector_load %arg9[%get3A_229, %get3A_230] {strides = array<i32>} : memref<32x1024xf32, #tpu.memory_space<vmem>>, vector<1x16xf32>,
              %get3A_232 = vector.shape_cast %get3A_231 : vector<1x16xf32> to vector<16xf32>
              %mul3A_233 = vector.broadcast %select_n3A_152 : f32 to vector<16xf32>
              %mul3A_234 = arith.mulf %mul3A_233, %get3A_232 : vector<16xf32>
              %swap3A_235 = arith.index_cast %sub3A_198 : i32 to index
              %swap3A_236 = arith.index_cast %mul3A_228 : i32 to index
              %swap3A_237 = tpu.vector_load %arg10[%swap3A_235, %swap3A_236] {strides = array<i32>} : memref<8x1024xf32, #tpu.memory_space<vmem>>, vector<1x16xf32>,
              %swap3A_238 = vector.shape_cast %swap3A_237 : vector<1x16xf32> to vector<16xf32>
              %swap3A_239 = vector.shape_cast %mul3A_234 : vector<16xf32> to vector<1x16xf32>
              tpu.vector_store %arg10[%swap3A_235, %swap3A_236], %swap3A_239 {add = true, strides = array<i32>} : memref<8x1024xf32, #tpu.memory_space<vmem>>, vector<1x16xf32>,
              %scan3A_240 = arith.constant 2 : i32
              %scan3A_241 = arith.addi %scan3A_204, %scan3A_240 : i32
              %mul3A_242 = arith.constant 1 : i32
              %mul3A_243 = arith.muli %scan3A_241, %mul3A_242 : i32
              %add3A_244 = arith.constant 0 : i32
              %add3A_245 = arith.addi %add3A_244, %mul3A_243 : i32
              %mul3A_246 = arith.constant 16 : i32
              %mul3A_247 = arith.muli %add3A_245, %mul3A_246 : i32
              %get3A_248 = arith.index_cast %add3A_142 : i32 to index
              %get3A_249 = arith.index_cast %mul3A_247 : i32 to index
              %get3A_250 = tpu.vector_load %arg9[%get3A_248, %get3A_249] {strides = array<i32>} : memref<32x1024xf32, #tpu.memory_space<vmem>>, vector<1x16xf32>,
              %get3A_251 = vector.shape_cast %get3A_250 : vector<1x16xf32> to vector<16xf32>
              %mul3A_252 = vector.broadcast %select_n3A_152 : f32 to vector<16xf32>
              %mul3A_253 = arith.mulf %mul3A_252, %get3A_251 : vector<16xf32>
              %swap3A_254 = arith.index_cast %sub3A_198 : i32 to index
              %swap3A_255 = arith.index_cast %mul3A_247 : i32 to index
              %swap3A_256 = tpu.vector_load %arg10[%swap3A_254, %swap3A_255] {strides = array<i32>} : memref<8x1024xf32, #tpu.memory_space<vmem>>, vector<1x16xf32>,
              %swap3A_257 = vector.shape_cast %swap3A_256 : vector<1x16xf32> to vector<16xf32>
              %swap3A_258 = vector.shape_cast %mul3A_253 : vector<16xf32> to vector<1x16xf32>
              tpu.vector_store %arg10[%swap3A_254, %swap3A_255], %swap3A_258 {add = true, strides = array<i32>} : memref<8x1024xf32, #tpu.memory_space<vmem>>, vector<1x16xf32>,
              %scan3A_259 = arith.constant 3 : i32
              %scan3A_260 = arith.addi %scan3A_204, %scan3A_259 : i32
              %mul3A_261 = arith.constant 1 : i32
              %mul3A_262 = arith.muli %scan3A_260, %mul3A_261 : i32
              %add3A_263 = arith.constant 0 : i32
              %add3A_264 = arith.addi %add3A_263, %mul3A_262 : i32
              %mul3A_265 = arith.constant 16 : i32
              %mul3A_266 = arith.muli %add3A_264, %mul3A_265 : i32
              %get3A_267 = arith.index_cast %add3A_142 : i32 to index
              %get3A_268 = arith.index_cast %mul3A_266 : i32 to index
              %get3A_269 = tpu.vector_load %arg9[%get3A_267, %get3A_268] {strides = array<i32>} : memref<32x1024xf32, #tpu.memory_space<vmem>>, vector<1x16xf32>,
              %get3A_270 = vector.shape_cast %get3A_269 : vector<1x16xf32> to vector<16xf32>
              %mul3A_271 = vector.broadcast %select_n3A_152 : f32 to vector<16xf32>
              %mul3A_272 = arith.mulf %mul3A_271, %get3A_270 : vector<16xf32>
              %swap3A_273 = arith.index_cast %sub3A_198 : i32 to index
              %swap3A_274 = arith.index_cast %mul3A_266 : i32 to index
              %swap3A_275 = tpu.vector_load %arg10[%swap3A_273, %swap3A_274] {strides = array<i32>} : memref<8x1024xf32, #tpu.memory_space<vmem>>, vector<1x16xf32>,
              %swap3A_276 = vector.shape_cast %swap3A_275 : vector<1x16xf32> to vector<16xf32>
              %swap3A_277 = vector.shape_cast %mul3A_272 : vector<16xf32> to vector<1x16xf32>
              tpu.vector_store %arg10[%swap3A_273, %swap3A_274], %swap3A_277 {add = true, strides = array<i32>} : memref<8x1024xf32, #tpu.memory_space<vmem>>, vector<1x16xf32>,
              %scan3A_278 = arith.constant 4 : i32
              %scan3A_279 = arith.addi %scan3A_204, %scan3A_278 : i32
              %mul3A_280 = arith.constant 1 : i32
              %mul3A_281 = arith.muli %scan3A_279, %mul3A_280 : i32
              %add3A_282 = arith.constant 0 : i32
              %add3A_283 = arith.addi %add3A_282, %mul3A_281 : i32
              %mul3A_284 = arith.constant 16 : i32
              %mul3A_285 = arith.muli %add3A_283, %mul3A_284 : i32
              %get3A_286 = arith.index_cast %add3A_142 : i32 to index
              %get3A_287 = arith.index_cast %mul3A_285 : i32 to index
              %get3A_288 = tpu.vector_load %arg9[%get3A_286, %get3A_287] {strides = array<i32>} : memref<32x1024xf32, #tpu.memory_space<vmem>>, vector<1x16xf32>,
              %get3A_289 = vector.shape_cast %get3A_288 : vector<1x16xf32> to vector<16xf32>
              %mul3A_290 = vector.broadcast %select_n3A_152 : f32 to vector<16xf32>
              %mul3A_291 = arith.mulf %mul3A_290, %get3A_289 : vector<16xf32>
              %swap3A_292 = arith.index_cast %sub3A_198 : i32 to index
              %swap3A_293 = arith.index_cast %mul3A_285 : i32 to index
              %swap3A_294 = tpu.vector_load %arg10[%swap3A_292, %swap3A_293] {strides = array<i32>} : memref<8x1024xf32, #tpu.memory_space<vmem>>, vector<1x16xf32>,
              %swap3A_295 = vector.shape_cast %swap3A_294 : vector<1x16xf32> to vector<16xf32>
              %swap3A_296 = vector.shape_cast %mul3A_291 : vector<16xf32> to vector<1x16xf32>
              tpu.vector_store %arg10[%swap3A_292, %swap3A_293], %swap3A_296 {add = true, strides = array<i32>} : memref<8x1024xf32, #tpu.memory_space<vmem>>, vector<1x16xf32>,
              %scan3A_297 = arith.constant 5 : i32
              %scan3A_298 = arith.addi %scan3A_204, %scan3A_297 : i32
              %mul3A_299 = arith.constant 1 : i32
              %mul3A_300 = arith.muli %scan3A_298, %mul3A_299 : i32
              %add3A_301 = arith.constant 0 : i32
              %add3A_302 = arith.addi %add3A_301, %mul3A_300 : i32
              %mul3A_303 = arith.constant 16 : i32
              %mul3A_304 = arith.muli %add3A_302, %mul3A_303 : i32
              %get3A_305 = arith.index_cast %add3A_142 : i32 to index
              %get3A_306 = arith.index_cast %mul3A_304 : i32 to index
              %get3A_307 = tpu.vector_load %arg9[%get3A_305, %get3A_306] {strides = array<i32>} : memref<32x1024xf32, #tpu.memory_space<vmem>>, vector<1x16xf32>,
              %get3A_308 = vector.shape_cast %get3A_307 : vector<1x16xf32> to vector<16xf32>
              %mul3A_309 = vector.broadcast %select_n3A_152 : f32 to vector<16xf32>
              %mul3A_310 = arith.mulf %mul3A_309, %get3A_308 : vector<16xf32>
              %swap3A_311 = arith.index_cast %sub3A_198 : i32 to index
              %swap3A_312 = arith.index_cast %mul3A_304 : i32 to index
              %swap3A_313 = tpu.vector_load %arg10[%swap3A_311, %swap3A_312] {strides = array<i32>} : memref<8x1024xf32, #tpu.memory_space<vmem>>, vector<1x16xf32>,
              %swap3A_314 = vector.shape_cast %swap3A_313 : vector<1x16xf32> to vector<16xf32>
              %swap3A_315 = vector.shape_cast %mul3A_310 : vector<16xf32> to vector<1x16xf32>
              tpu.vector_store %arg10[%swap3A_311, %swap3A_312], %swap3A_315 {add = true, strides = array<i32>} : memref<8x1024xf32, #tpu.memory_space<vmem>>, vector<1x16xf32>,
              %scan3A_316 = arith.constant 6 : i32
              %scan3A_317 = arith.addi %scan3A_204, %scan3A_316 : i32
              %mul3A_318 = arith.constant 1 : i32
              %mul3A_319 = arith.muli %scan3A_317, %mul3A_318 : i32
              %add3A_320 = arith.constant 0 : i32
              %add3A_321 = arith.addi %add3A_320, %mul3A_319 : i32
              %mul3A_322 = arith.constant 16 : i32
              %mul3A_323 = arith.muli %add3A_321, %mul3A_322 : i32
              %get3A_324 = arith.index_cast %add3A_142 : i32 to index
              %get3A_325 = arith.index_cast %mul3A_323 : i32 to index
              %get3A_326 = tpu.vector_load %arg9[%get3A_324, %get3A_325] {strides = array<i32>} : memref<32x1024xf32, #tpu.memory_space<vmem>>, vector<1x16xf32>,
              %get3A_327 = vector.shape_cast %get3A_326 : vector<1x16xf32> to vector<16xf32>
              %mul3A_328 = vector.broadcast %select_n3A_152 : f32 to vector<16xf32>
              %mul3A_329 = arith.mulf %mul3A_328, %get3A_327 : vector<16xf32>
              %swap3A_330 = arith.index_cast %sub3A_198 : i32 to index
              %swap3A_331 = arith.index_cast %mul3A_323 : i32 to index
              %swap3A_332 = tpu.vector_load %arg10[%swap3A_330, %swap3A_331] {strides = array<i32>} : memref<8x1024xf32, #tpu.memory_space<vmem>>, vector<1x16xf32>,
              %swap3A_333 = vector.shape_cast %swap3A_332 : vector<1x16xf32> to vector<16xf32>
              %swap3A_334 = vector.shape_cast %mul3A_329 : vector<16xf32> to vector<1x16xf32>
              tpu.vector_store %arg10[%swap3A_330, %swap3A_331], %swap3A_334 {add = true, strides = array<i32>} : memref<8x1024xf32, #tpu.memory_space<vmem>>, vector<1x16xf32>,
              %scan3A_335 = arith.constant 7 : i32
              %scan3A_336 = arith.addi %scan3A_204, %scan3A_335 : i32
              %mul3A_337 = arith.constant 1 : i32
              %mul3A_338 = arith.muli %scan3A_336, %mul3A_337 : i32
              %add3A_339 = arith.constant 0 : i32
              %add3A_340 = arith.addi %add3A_339, %mul3A_338 : i32
              %mul3A_341 = arith.constant 16 : i32
              %mul3A_342 = arith.muli %add3A_340, %mul3A_341 : i32
              %get3A_343 = arith.index_cast %add3A_142 : i32 to index
              %get3A_344 = arith.index_cast %mul3A_342 : i32 to index
              %get3A_345 = tpu.vector_load %arg9[%get3A_343, %get3A_344] {strides = array<i32>} : memref<32x1024xf32, #tpu.memory_space<vmem>>, vector<1x16xf32>,
              %get3A_346 = vector.shape_cast %get3A_345 : vector<1x16xf32> to vector<16xf32>
              %mul3A_347 = vector.broadcast %select_n3A_152 : f32 to vector<16xf32>
              %mul3A_348 = arith.mulf %mul3A_347, %get3A_346 : vector<16xf32>
              %swap3A_349 = arith.index_cast %sub3A_198 : i32 to index
              %swap3A_350 = arith.index_cast %mul3A_342 : i32 to index
              %swap3A_351 = tpu.vector_load %arg10[%swap3A_349, %swap3A_350] {strides = array<i32>} : memref<8x1024xf32, #tpu.memory_space<vmem>>, vector<1x16xf32>,
              %swap3A_352 = vector.shape_cast %swap3A_351 : vector<1x16xf32> to vector<16xf32>
              %swap3A_353 = vector.shape_cast %mul3A_348 : vector<16xf32> to vector<1x16xf32>
              tpu.vector_store %arg10[%swap3A_349, %swap3A_350], %swap3A_353 {add = true, strides = array<i32>} : memref<8x1024xf32, #tpu.memory_space<vmem>>, vector<1x16xf32>,
            }
            %scan3A_203 = arith.constant 64 : i32
          } else {
          }
          scf.yield %select_n3A_186 : i32
        }
        %scan3A_136 = arith.constant 32 : i32
        scf.yield %scan3A_135 : i32
      }
      %while3A_120 = arith.constant 1 : i32
      %while3A_121 = scf.for %while3A_124 = %while3A_117 to %while3A_113 step %while3A_120 iter_args(%while3A_125 = %while3A_119) -> (i32)  : i32 {
        %mul3A_126 = arith.muli %while3A_124, %while3A_109 : i32
        %add3A_127 = arith.addi %while3A_110, %mul3A_126 : i32
        %mul3A_128 = arith.constant 32 : i32
        %mul3A_129 = arith.muli %add3A_127, %mul3A_128 : i32
        %add3A_130 = arith.addi %mul3A_49, %mul3A_129 : i32
        "tpu.region"() ({
          %run_scoped3A = tpu.sem_alloc : memref<!tpu.dma_semaphore, #tpu.memory_space<semaphore_mem>>
          %dma_start3A = tpu.memref_slice %arg3[%add3A_130] : memref<160032xi32, #tpu.memory_space<hbm>> -> memref<32xi32, #tpu.memory_space<hbm>>
          %dma_start3A_137 = tpu.memref_slice %arg3[%add3A_130] : memref<160032xi32, #tpu.memory_space<hbm>> -> memref<32xi32, #tpu.memory_space<hbm>>
          tpu.enqueue_dma source(%dma_start3A_137 : memref<32xi32, #tpu.memory_space<hbm>>) target(%arg8 : memref<32xi32, #tpu.memory_space<vmem>>) target_semaphore(%run_scoped3A : memref<!tpu.dma_semaphore, #tpu.memory_space<semaphore_mem>>)
          %dma_wait3A = tpu.memref_slice %arg3[%add3A_130] : memref<160032xi32, #tpu.memory_space<hbm>> -> memref<32xi32, #tpu.memory_space<hbm>>
          %dma_wait3A_138 = tpu.memref_slice %arg3[%add3A_130] : memref<160032xi32, #tpu.memory_space<hbm>> -> memref<32xi32, #tpu.memory_space<hbm>>
          tpu.wait_dma2 semaphore(%run_scoped3A : memref<!tpu.dma_semaphore, #tpu.memory_space<semaphore_mem>>) src(%dma_wait3A_138 : memref<32xi32, #tpu.memory_space<hbm>>) dst(%arg8 : memref<32xi32, #tpu.memory_space<vmem>>)
          tpu.yield
        }) : () -> ()
        "tpu.region"() ({
          %run_scoped3A = tpu.sem_alloc : memref<!tpu.dma_semaphore, #tpu.memory_space<semaphore_mem>>
          %dma_start3A = arith.constant 0 : i32
          %dma_start3A_137 = tpu.memref_slice %arg13[%dma_start3A] : memref<48xi32, #tpu.memory_space<vmem>> -> memref<32xi32, #tpu.memory_space<vmem>>
          %dma_start3A_138 = tpu.memref_slice %arg4[%add3A_130] : memref<160032xi32, #tpu.memory_space<hbm>> -> memref<32xi32, #tpu.memory_space<hbm>>
          %dma_start3A_139 = arith.constant 0 : i32
          %dma_start3A_140 = tpu.memref_slice %arg13[%dma_start3A_139] : memref<48xi32, #tpu.memory_space<vmem>> -> memref<32xi32, #tpu.memory_space<vmem>>
          %dma_start3A_141 = tpu.memref_slice %arg4[%add3A_130] : memref<160032xi32, #tpu.memory_space<hbm>> -> memref<32xi32, #tpu.memory_space<hbm>>
          tpu.enqueue_dma source(%dma_start3A_141 : memref<32xi32, #tpu.memory_space<hbm>>) target(%dma_start3A_140 : memref<32xi32, #tpu.memory_space<vmem>>) target_semaphore(%run_scoped3A : memref<!tpu.dma_semaphore, #tpu.memory_space<semaphore_mem>>)
          %dma_wait3A = arith.constant 0 : i32
          %dma_wait3A_142 = tpu.memref_slice %arg13[%dma_wait3A] : memref<48xi32, #tpu.memory_space<vmem>> -> memref<32xi32, #tpu.memory_space<vmem>>
          %dma_wait3A_143 = tpu.memref_slice %arg4[%add3A_130] : memref<160032xi32, #tpu.memory_space<hbm>> -> memref<32xi32, #tpu.memory_space<hbm>>
          %dma_wait3A_144 = arith.constant 0 : i32
          %dma_wait3A_145 = tpu.memref_slice %arg13[%dma_wait3A_144] : memref<48xi32, #tpu.memory_space<vmem>> -> memref<32xi32, #tpu.memory_space<vmem>>
          %dma_wait3A_146 = tpu.memref_slice %arg4[%add3A_130] : memref<160032xi32, #tpu.memory_space<hbm>> -> memref<32xi32, #tpu.memory_space<hbm>>
          tpu.wait_dma2 semaphore(%run_scoped3A : memref<!tpu.dma_semaphore, #tpu.memory_space<semaphore_mem>>) src(%dma_wait3A_146 : memref<32xi32, #tpu.memory_space<hbm>>) dst(%dma_wait3A_145 : memref<32xi32, #tpu.memory_space<vmem>>)
          tpu.yield
        }) : () -> ()
        "tpu.region"() ({
          %run_scoped3A = tpu.sem_alloc : memref<!tpu.dma_semaphore, #tpu.memory_space<semaphore_mem>>
          %dma_start3A = arith.constant 0 : i32
          %dma_start3A_137 = tpu.memref_slice %arg14[%dma_start3A] : memref<48xf32, #tpu.memory_space<vmem>> -> memref<32xf32, #tpu.memory_space<vmem>>
          %dma_start3A_138 = tpu.memref_slice %arg5[%add3A_130] : memref<160032xf32, #tpu.memory_space<hbm>> -> memref<32xf32, #tpu.memory_space<hbm>>
          %dma_start3A_139 = arith.constant 0 : i32
          %dma_start3A_140 = tpu.memref_slice %arg14[%dma_start3A_139] : memref<48xf32, #tpu.memory_space<vmem>> -> memref<32xf32, #tpu.memory_space<vmem>>
          %dma_start3A_141 = tpu.memref_slice %arg5[%add3A_130] : memref<160032xf32, #tpu.memory_space<hbm>> -> memref<32xf32, #tpu.memory_space<hbm>>
          tpu.enqueue_dma source(%dma_start3A_141 : memref<32xf32, #tpu.memory_space<hbm>>) target(%dma_start3A_140 : memref<32xf32, #tpu.memory_space<vmem>>) target_semaphore(%run_scoped3A : memref<!tpu.dma_semaphore, #tpu.memory_space<semaphore_mem>>)
          %dma_wait3A = arith.constant 0 : i32
          %dma_wait3A_142 = tpu.memref_slice %arg14[%dma_wait3A] : memref<48xf32, #tpu.memory_space<vmem>> -> memref<32xf32, #tpu.memory_space<vmem>>
          %dma_wait3A_143 = tpu.memref_slice %arg5[%add3A_130] : memref<160032xf32, #tpu.memory_space<hbm>> -> memref<32xf32, #tpu.memory_space<hbm>>
          %dma_wait3A_144 = arith.constant 0 : i32
          %dma_wait3A_145 = tpu.memref_slice %arg14[%dma_wait3A_144] : memref<48xf32, #tpu.memory_space<vmem>> -> memref<32xf32, #tpu.memory_space<vmem>>
          %dma_wait3A_146 = tpu.memref_slice %arg5[%add3A_130] : memref<160032xf32, #tpu.memory_space<hbm>> -> memref<32xf32, #tpu.memory_space<hbm>>
          tpu.wait_dma2 semaphore(%run_scoped3A : memref<!tpu.dma_semaphore, #tpu.memory_space<semaphore_mem>>) src(%dma_wait3A_146 : memref<32xf32, #tpu.memory_space<hbm>>) dst(%dma_wait3A_145 : memref<32xf32, #tpu.memory_space<vmem>>)
          tpu.yield
        }) : () -> ()
        "tpu.region"() ({
          %run_scoped3A = tpu.sem_alloc : memref<!tpu.dma_semaphore, #tpu.memory_space<semaphore_mem>>
          %dma_start3A = arith.constant 0 : i32
          %dma_start3A_137 = arith.constant 0 : i32
          %dma_start3A_138 = tpu.memref_slice %arg2[%dma_start3A, %dma_start3A_137] : memref<10000x1024xf32, #tpu.memory_space<hbm>> -> memref<10000x1024xf32, #tpu.memory_space<hbm>>
          tpu.enqueue_indirect_dma source(%dma_start3A_138 : memref<10000x1024xf32, #tpu.memory_space<hbm>>) target(%arg9 : memref<32x1024xf32, #tpu.memory_space<vmem>>) offsets(%arg8 : memref<32xi32, #tpu.memory_space<vmem>>) semaphore(%run_scoped3A : memref<!tpu.dma_semaphore, #tpu.memory_space<semaphore_mem>>)
          %dma_wait3A = arith.constant 0 : i32
          %dma_wait3A_139 = arith.constant 0 : i32
          %dma_wait3A_140 = tpu.memref_slice %arg2[%dma_wait3A, %dma_wait3A_139] : memref<10000x1024xf32, #tpu.memory_space<hbm>> -> memref<10000x1024xf32, #tpu.memory_space<hbm>>
          tpu.wait_indirect_dma semaphore(%run_scoped3A : memref<!tpu.dma_semaphore, #tpu.memory_space<semaphore_mem>>) src(%dma_wait3A_140 : memref<10000x1024xf32, #tpu.memory_space<hbm>>) dst(%arg9 : memref<32x1024xf32, #tpu.memory_space<vmem>>)
          tpu.yield
        }) : () -> ()
        %scan3A_131 = arith.constant 0 : i32
        %scan3A_132 = arith.constant 32 : i32
        %scan3A_133 = arith.addi %scan3A_131, %scan3A_132 : i32
        %scan3A_134 = arith.constant 1 : i32
        %scan3A_135 = scf.for %scan3A_137 = %scan3A_131 to %scan3A_133 step %scan3A_134 iter_args(%scan3A_138 = %while3A_125) -> (i32)  : i32 {
          %mul3A_139 = arith.constant 1 : i32
          %mul3A_140 = arith.muli %scan3A_137, %mul3A_139 : i32
          %add3A_141 = arith.constant 0 : i32
          %add3A_142 = arith.addi %add3A_141, %mul3A_140 : i32
          %add3A_143 = arith.addi %add3A_130, %add3A_142 : i32
          %ge3A = arith.cmpi sge, %add3A_143, %squeeze3A_7 : i32
          %lt3A_144 = arith.cmpi slt, %add3A_143, %squeeze3A_9 : i32
          %and3A_145 = arith.andi %ge3A, %lt3A_144 : i1
          %get3A_146 = arith.index_cast %add3A_142 : i32 to index
          %get3A_147 = tpu.vector_load %arg14[%get3A_146] {strides = array<i32>} : memref<48xf32, #tpu.memory_space<vmem>>, vector<16xf32>,
          %get3A_148 = vector.shape_cast %get3A_147 : vector<16xf32> to vector<16xf32>
          %slice3A_149 = vector.extract_strided_slice %get3A_148 {offsets = [0], sizes = [1], strides = [1]} : vector<16xf32> to vector<1xf32>
          %squeeze3A_150 = vector.extract %slice3A_149[0] : f32 from vector<1xf32>
          %jit3A_151 = arith.constant 0.000000e+00 : f32
          %select_n3A_152 = arith.select %and3A_145, %squeeze3A_150, %jit3A_151 : f32
          %get3A_153 = arith.index_cast %add3A_142 : i32 to index
          %get3A_154 = tpu.vector_load %arg13[%get3A_153] {strides = array<i32>} : memref<48xi32, #tpu.memory_space<vmem>>, vector<16xi32>,
          %get3A_155 = vector.shape_cast %get3A_154 : vector<16xi32> to vector<16xi32>
          %slice3A_156 = vector.extract_strided_slice %get3A_155 {offsets = [0], sizes = [1], strides = [1]} : vector<16xi32> to vector<1xi32>
          %squeeze3A_157 = vector.extract %slice3A_156[0] : i32 from vector<1xi32>
          %mul3A_158 = arith.constant 8 : i32
          %mul3A_159 = arith.muli %scan3A_138, %mul3A_158 : i32
          %select_n3A_160 = arith.select %and3A_145, %squeeze3A_157, %mul3A_159 : i32
          %sub3A_161 = arith.constant 1 : i32
          %sub3A_162 = arith.subi %squeeze3A_5, %sub3A_161 : i32
          %max3A = arith.maxsi %squeeze3A, %select_n3A_160 : i32
          %min3A = arith.minsi %sub3A_162, %max3A : i32
          %jit3A_163 = arith.constant 8 : i32
          %div3A_164 = arith.divsi %min3A, %jit3A_163 : i32
          %sign3A_165 = arith.constant 0 : i32
          %sign3A_166 = arith.cmpi sgt, %min3A, %sign3A_165 : i32
          %sign3A_167 = arith.extui %sign3A_166 : i1 to i32
          %sign3A_168 = arith.constant 0 : i32
          %sign3A_169 = arith.cmpi slt, %min3A, %sign3A_168 : i32
          %sign3A_170 = arith.extui %sign3A_169 : i1 to i32
          %sign3A_171 = arith.subi %sign3A_167, %sign3A_170 : i32
          %sign3A_172 = arith.constant 0 : i32
          %sign3A_173 = arith.cmpi sgt, %jit3A_163, %sign3A_172 : i32
          %sign3A_174 = arith.extui %sign3A_173 : i1 to i32
          %sign3A_175 = arith.constant 0 : i32
          %sign3A_176 = arith.cmpi slt, %jit3A_163, %sign3A_175 : i32
          %sign3A_177 = arith.extui %sign3A_176 : i1 to i32
          %sign3A_178 = arith.subi %sign3A_174, %sign3A_177 : i32
          %ne3A_179 = arith.cmpi ne, %sign3A_171, %sign3A_178 : i32
          %rem3A_180 = arith.remsi %min3A, %jit3A_163 : i32
          %ne3A_181 = arith.constant 0 : i32
          %ne3A_182 = arith.cmpi ne, %rem3A_180, %ne3A_181 : i32
          %and3A_183 = arith.andi %ne3A_179, %ne3A_182 : i1
          %sub3A_184 = arith.constant 1 : i32
          %sub3A_185 = arith.subi %div3A_164, %sub3A_184 : i32
          %select_n3A_186 = arith.select %and3A_183, %sub3A_185, %div3A_164 : i32
          %ne3A_187 = arith.cmpi ne, %select_n3A_186, %scan3A_138 : i32
          %convert_element_type3A_188 = arith.extui %ne3A_187 : i1 to i32
          %cond3A_189 = arith.constant 0 : i32
          %cond3A_190 = arith.cmpi ne, %convert_element_type3A_188, %cond3A_189 : i32
          scf.if %cond3A_190 {
            %mul3A_196 = arith.constant 8 : i32
            %mul3A_197 = arith.muli %scan3A_138, %mul3A_196 : i32
            %multiple_of3A_198 = tpu.assume_multiple %mul3A_197, 8 : i32
            "tpu.region"() ({
              %run_scoped3A = tpu.sem_alloc : memref<!tpu.dma_semaphore, #tpu.memory_space<semaphore_mem>>
              %dma_start3A = arith.constant 0 : i32
              %dma_start3A_204 = tpu.memref_slice %arg7[%multiple_of3A_198, %dma_start3A] : memref<10000x1024xf32, #tpu.memory_space<hbm>> -> memref<8x1024xf32, #tpu.memory_space<hbm>>
              %dma_start3A_205 = arith.constant 0 : i32
              %dma_start3A_206 = tpu.memref_slice %arg7[%multiple_of3A_198, %dma_start3A_205] : memref<10000x1024xf32, #tpu.memory_space<hbm>> -> memref<8x1024xf32, #tpu.memory_space<hbm>>
              tpu.enqueue_dma source(%arg10 : memref<8x1024xf32, #tpu.memory_space<vmem>>) target(%dma_start3A_206 : memref<8x1024xf32, #tpu.memory_space<hbm>>) target_semaphore(%run_scoped3A : memref<!tpu.dma_semaphore, #tpu.memory_space<semaphore_mem>>)
              %dma_wait3A = arith.constant 0 : i32
              %dma_wait3A_207 = tpu.memref_slice %arg7[%multiple_of3A_198, %dma_wait3A] : memref<10000x1024xf32, #tpu.memory_space<hbm>> -> memref<8x1024xf32, #tpu.memory_space<hbm>>
              %dma_wait3A_208 = arith.constant 0 : i32
              %dma_wait3A_209 = tpu.memref_slice %arg7[%multiple_of3A_198, %dma_wait3A_208] : memref<10000x1024xf32, #tpu.memory_space<hbm>> -> memref<8x1024xf32, #tpu.memory_space<hbm>>
              tpu.wait_dma2 semaphore(%run_scoped3A : memref<!tpu.dma_semaphore, #tpu.memory_space<semaphore_mem>>) src(%arg10 : memref<8x1024xf32, #tpu.memory_space<vmem>>) dst(%dma_wait3A_209 : memref<8x1024xf32, #tpu.memory_space<hbm>>)
              tpu.yield
            }) : () -> ()
            %scan3A_199 = arith.constant 0 : i32
            %scan3A_200 = arith.constant 8 : i32
            %scan3A_201 = arith.addi %scan3A_199, %scan3A_200 : i32
            %scan3A_202 = arith.constant 1 : i32
            scf.for %scan3A_204 = %scan3A_199 to %scan3A_201 step %scan3A_202  : i32 {
              %mul3A_205 = arith.constant 1 : i32
              %mul3A_206 = arith.muli %scan3A_204, %mul3A_205 : i32
              %add3A_207 = arith.constant 0 : i32
              %add3A_208 = arith.addi %add3A_207, %mul3A_206 : i32
              %scan3A_209 = arith.constant 0 : i32
              %scan3A_210 = arith.constant 64 : i32
              %scan3A_211 = arith.addi %scan3A_209, %scan3A_210 : i32
              %scan3A_212 = arith.constant 1 : i32
              scf.for %scan3A_214 = %scan3A_209 to %scan3A_211 step %scan3A_212  : i32 {
                %mul3A_215 = arith.constant 1 : i32
                %mul3A_216 = arith.muli %scan3A_214, %mul3A_215 : i32
                %add3A_217 = arith.constant 0 : i32
                %add3A_218 = arith.addi %add3A_217, %mul3A_216 : i32
                %mul3A_219 = arith.constant 16 : i32
                %mul3A_220 = arith.muli %add3A_218, %mul3A_219 : i32
                %swap3A = arith.index_cast %add3A_208 : i32 to index
                %swap3A_221 = arith.index_cast %mul3A_220 : i32 to index
                %swap3A_222 = tpu.vector_load %arg10[%swap3A, %swap3A_221] {strides = array<i32>} : memref<8x1024xf32, #tpu.memory_space<vmem>>, vector<1x16xf32>,
                %swap3A_223 = vector.shape_cast %swap3A_222 : vector<1x16xf32> to vector<16xf32>
                %swap3A_224 = vector.shape_cast %broadcast_in_dim3A_10 : vector<16xf32> to vector<1x16xf32>
                tpu.vector_store %arg10[%swap3A, %swap3A_221], %swap3A_224 {strides = array<i32>} : memref<8x1024xf32, #tpu.memory_space<vmem>>, vector<1x16xf32>,
              }
              %scan3A_213 = arith.constant 64 : i32
            }
            %scan3A_203 = arith.constant 8 : i32
          } else {
          }
          %ne3A_191 = arith.constant 0.000000e+00 : f32
          %ne3A_192 = arith.cmpf one, %select_n3A_152, %ne3A_191 : f32
          %convert_element_type3A_193 = arith.extui %ne3A_192 : i1 to i32
          %cond3A_194 = arith.constant 0 : i32
          %cond3A_195 = arith.cmpi ne, %convert_element_type3A_193, %cond3A_194 : i32
          scf.if %cond3A_195 {
            %mul3A_196 = arith.constant 8 : i32
            %mul3A_197 = arith.muli %select_n3A_186, %mul3A_196 : i32
            %sub3A_198 = arith.subi %min3A, %mul3A_197 : i32
            %scan3A_199 = arith.constant 0 : i32
            %scan3A_200 = arith.constant 64 : i32
            %scan3A_201 = arith.addi %scan3A_199, %scan3A_200 : i32
            %scan3A_202 = arith.constant 8 : i32
            scf.for %scan3A_204 = %scan3A_199 to %scan3A_201 step %scan3A_202  : i32 {
              %mul3A_205 = arith.constant 1 : i32
              %mul3A_206 = arith.muli %scan3A_204, %mul3A_205 : i32
              %add3A_207 = arith.constant 0 : i32
              %add3A_208 = arith.addi %add3A_207, %mul3A_206 : i32
              %mul3A_209 = arith.constant 16 : i32
              %mul3A_210 = arith.muli %add3A_208, %mul3A_209 : i32
              %get3A_211 = arith.index_cast %add3A_142 : i32 to index
              %get3A_212 = arith.index_cast %mul3A_210 : i32 to index
              %get3A_213 = tpu.vector_load %arg9[%get3A_211, %get3A_212] {strides = array<i32>} : memref<32x1024xf32, #tpu.memory_space<vmem>>, vector<1x16xf32>,
              %get3A_214 = vector.shape_cast %get3A_213 : vector<1x16xf32> to vector<16xf32>
              %mul3A_215 = vector.broadcast %select_n3A_152 : f32 to vector<16xf32>
              %mul3A_216 = arith.mulf %mul3A_215, %get3A_214 : vector<16xf32>
              %swap3A = arith.index_cast %sub3A_198 : i32 to index
              %swap3A_217 = arith.index_cast %mul3A_210 : i32 to index
              %swap3A_218 = tpu.vector_load %arg10[%swap3A, %swap3A_217] {strides = array<i32>} : memref<8x1024xf32, #tpu.memory_space<vmem>>, vector<1x16xf32>,
              %swap3A_219 = vector.shape_cast %swap3A_218 : vector<1x16xf32> to vector<16xf32>
              %swap3A_220 = vector.shape_cast %mul3A_216 : vector<16xf32> to vector<1x16xf32>
              tpu.vector_store %arg10[%swap3A, %swap3A_217], %swap3A_220 {add = true, strides = array<i32>} : memref<8x1024xf32, #tpu.memory_space<vmem>>, vector<1x16xf32>,
              %scan3A_221 = arith.constant 1 : i32
              %scan3A_222 = arith.addi %scan3A_204, %scan3A_221 : i32
              %mul3A_223 = arith.constant 1 : i32
              %mul3A_224 = arith.muli %scan3A_222, %mul3A_223 : i32
              %add3A_225 = arith.constant 0 : i32
              %add3A_226 = arith.addi %add3A_225, %mul3A_224 : i32
              %mul3A_227 = arith.constant 16 : i32
              %mul3A_228 = arith.muli %add3A_226, %mul3A_227 : i32
              %get3A_229 = arith.index_cast %add3A_142 : i32 to index
              %get3A_230 = arith.index_cast %mul3A_228 : i32 to index
              %get3A_231 = tpu.vector_load %arg9[%get3A_229, %get3A_230] {strides = array<i32>} : memref<32x1024xf32, #tpu.memory_space<vmem>>, vector<1x16xf32>,
              %get3A_232 = vector.shape_cast %get3A_231 : vector<1x16xf32> to vector<16xf32>
              %mul3A_233 = vector.broadcast %select_n3A_152 : f32 to vector<16xf32>
              %mul3A_234 = arith.mulf %mul3A_233, %get3A_232 : vector<16xf32>
              %swap3A_235 = arith.index_cast %sub3A_198 : i32 to index
              %swap3A_236 = arith.index_cast %mul3A_228 : i32 to index
              %swap3A_237 = tpu.vector_load %arg10[%swap3A_235, %swap3A_236] {strides = array<i32>} : memref<8x1024xf32, #tpu.memory_space<vmem>>, vector<1x16xf32>,
              %swap3A_238 = vector.shape_cast %swap3A_237 : vector<1x16xf32> to vector<16xf32>
              %swap3A_239 = vector.shape_cast %mul3A_234 : vector<16xf32> to vector<1x16xf32>
              tpu.vector_store %arg10[%swap3A_235, %swap3A_236], %swap3A_239 {add = true, strides = array<i32>} : memref<8x1024xf32, #tpu.memory_space<vmem>>, vector<1x16xf32>,
              %scan3A_240 = arith.constant 2 : i32
              %scan3A_241 = arith.addi %scan3A_204, %scan3A_240 : i32
              %mul3A_242 = arith.constant 1 : i32
              %mul3A_243 = arith.muli %scan3A_241, %mul3A_242 : i32
              %add3A_244 = arith.constant 0 : i32
              %add3A_245 = arith.addi %add3A_244, %mul3A_243 : i32
              %mul3A_246 = arith.constant 16 : i32
              %mul3A_247 = arith.muli %add3A_245, %mul3A_246 : i32
              %get3A_248 = arith.index_cast %add3A_142 : i32 to index
              %get3A_249 = arith.index_cast %mul3A_247 : i32 to index
              %get3A_250 = tpu.vector_load %arg9[%get3A_248, %get3A_249] {strides = array<i32>} : memref<32x1024xf32, #tpu.memory_space<vmem>>, vector<1x16xf32>,
              %get3A_251 = vector.shape_cast %get3A_250 : vector<1x16xf32> to vector<16xf32>
              %mul3A_252 = vector.broadcast %select_n3A_152 : f32 to vector<16xf32>
              %mul3A_253 = arith.mulf %mul3A_252, %get3A_251 : vector<16xf32>
              %swap3A_254 = arith.index_cast %sub3A_198 : i32 to index
              %swap3A_255 = arith.index_cast %mul3A_247 : i32 to index
              %swap3A_256 = tpu.vector_load %arg10[%swap3A_254, %swap3A_255] {strides = array<i32>} : memref<8x1024xf32, #tpu.memory_space<vmem>>, vector<1x16xf32>,
              %swap3A_257 = vector.shape_cast %swap3A_256 : vector<1x16xf32> to vector<16xf32>
              %swap3A_258 = vector.shape_cast %mul3A_253 : vector<16xf32> to vector<1x16xf32>
              tpu.vector_store %arg10[%swap3A_254, %swap3A_255], %swap3A_258 {add = true, strides = array<i32>} : memref<8x1024xf32, #tpu.memory_space<vmem>>, vector<1x16xf32>,
              %scan3A_259 = arith.constant 3 : i32
              %scan3A_260 = arith.addi %scan3A_204, %scan3A_259 : i32
              %mul3A_261 = arith.constant 1 : i32
              %mul3A_262 = arith.muli %scan3A_260, %mul3A_261 : i32
              %add3A_263 = arith.constant 0 : i32
              %add3A_264 = arith.addi %add3A_263, %mul3A_262 : i32
              %mul3A_265 = arith.constant 16 : i32
              %mul3A_266 = arith.muli %add3A_264, %mul3A_265 : i32
              %get3A_267 = arith.index_cast %add3A_142 : i32 to index
              %get3A_268 = arith.index_cast %mul3A_266 : i32 to index
              %get3A_269 = tpu.vector_load %arg9[%get3A_267, %get3A_268] {strides = array<i32>} : memref<32x1024xf32, #tpu.memory_space<vmem>>, vector<1x16xf32>,
              %get3A_270 = vector.shape_cast %get3A_269 : vector<1x16xf32> to vector<16xf32>
              %mul3A_271 = vector.broadcast %select_n3A_152 : f32 to vector<16xf32>
              %mul3A_272 = arith.mulf %mul3A_271, %get3A_270 : vector<16xf32>
              %swap3A_273 = arith.index_cast %sub3A_198 : i32 to index
              %swap3A_274 = arith.index_cast %mul3A_266 : i32 to index
              %swap3A_275 = tpu.vector_load %arg10[%swap3A_273, %swap3A_274] {strides = array<i32>} : memref<8x1024xf32, #tpu.memory_space<vmem>>, vector<1x16xf32>,
              %swap3A_276 = vector.shape_cast %swap3A_275 : vector<1x16xf32> to vector<16xf32>
              %swap3A_277 = vector.shape_cast %mul3A_272 : vector<16xf32> to vector<1x16xf32>
              tpu.vector_store %arg10[%swap3A_273, %swap3A_274], %swap3A_277 {add = true, strides = array<i32>} : memref<8x1024xf32, #tpu.memory_space<vmem>>, vector<1x16xf32>,
              %scan3A_278 = arith.constant 4 : i32
              %scan3A_279 = arith.addi %scan3A_204, %scan3A_278 : i32
              %mul3A_280 = arith.constant 1 : i32
              %mul3A_281 = arith.muli %scan3A_279, %mul3A_280 : i32
              %add3A_282 = arith.constant 0 : i32
              %add3A_283 = arith.addi %add3A_282, %mul3A_281 : i32
              %mul3A_284 = arith.constant 16 : i32
              %mul3A_285 = arith.muli %add3A_283, %mul3A_284 : i32
              %get3A_286 = arith.index_cast %add3A_142 : i32 to index
              %get3A_287 = arith.index_cast %mul3A_285 : i32 to index
              %get3A_288 = tpu.vector_load %arg9[%get3A_286, %get3A_287] {strides = array<i32>} : memref<32x1024xf32, #tpu.memory_space<vmem>>, vector<1x16xf32>,
              %get3A_289 = vector.shape_cast %get3A_288 : vector<1x16xf32> to vector<16xf32>
              %mul3A_290 = vector.broadcast %select_n3A_152 : f32 to vector<16xf32>
              %mul3A_291 = arith.mulf %mul3A_290, %get3A_289 : vector<16xf32>
              %swap3A_292 = arith.index_cast %sub3A_198 : i32 to index
              %swap3A_293 = arith.index_cast %mul3A_285 : i32 to index
              %swap3A_294 = tpu.vector_load %arg10[%swap3A_292, %swap3A_293] {strides = array<i32>} : memref<8x1024xf32, #tpu.memory_space<vmem>>, vector<1x16xf32>,
              %swap3A_295 = vector.shape_cast %swap3A_294 : vector<1x16xf32> to vector<16xf32>
              %swap3A_296 = vector.shape_cast %mul3A_291 : vector<16xf32> to vector<1x16xf32>
              tpu.vector_store %arg10[%swap3A_292, %swap3A_293], %swap3A_296 {add = true, strides = array<i32>} : memref<8x1024xf32, #tpu.memory_space<vmem>>, vector<1x16xf32>,
              %scan3A_297 = arith.constant 5 : i32
              %scan3A_298 = arith.addi %scan3A_204, %scan3A_297 : i32
              %mul3A_299 = arith.constant 1 : i32
              %mul3A_300 = arith.muli %scan3A_298, %mul3A_299 : i32
              %add3A_301 = arith.constant 0 : i32
              %add3A_302 = arith.addi %add3A_301, %mul3A_300 : i32
              %mul3A_303 = arith.constant 16 : i32
              %mul3A_304 = arith.muli %add3A_302, %mul3A_303 : i32
              %get3A_305 = arith.index_cast %add3A_142 : i32 to index
              %get3A_306 = arith.index_cast %mul3A_304 : i32 to index
              %get3A_307 = tpu.vector_load %arg9[%get3A_305, %get3A_306] {strides = array<i32>} : memref<32x1024xf32, #tpu.memory_space<vmem>>, vector<1x16xf32>,
              %get3A_308 = vector.shape_cast %get3A_307 : vector<1x16xf32> to vector<16xf32>
              %mul3A_309 = vector.broadcast %select_n3A_152 : f32 to vector<16xf32>
              %mul3A_310 = arith.mulf %mul3A_309, %get3A_308 : vector<16xf32>
              %swap3A_311 = arith.index_cast %sub3A_198 : i32 to index
              %swap3A_312 = arith.index_cast %mul3A_304 : i32 to index
              %swap3A_313 = tpu.vector_load %arg10[%swap3A_311, %swap3A_312] {strides = array<i32>} : memref<8x1024xf32, #tpu.memory_space<vmem>>, vector<1x16xf32>,
              %swap3A_314 = vector.shape_cast %swap3A_313 : vector<1x16xf32> to vector<16xf32>
              %swap3A_315 = vector.shape_cast %mul3A_310 : vector<16xf32> to vector<1x16xf32>
              tpu.vector_store %arg10[%swap3A_311, %swap3A_312], %swap3A_315 {add = true, strides = array<i32>} : memref<8x1024xf32, #tpu.memory_space<vmem>>, vector<1x16xf32>,
              %scan3A_316 = arith.constant 6 : i32
              %scan3A_317 = arith.addi %scan3A_204, %scan3A_316 : i32
              %mul3A_318 = arith.constant 1 : i32
              %mul3A_319 = arith.muli %scan3A_317, %mul3A_318 : i32
              %add3A_320 = arith.constant 0 : i32
              %add3A_321 = arith.addi %add3A_320, %mul3A_319 : i32
              %mul3A_322 = arith.constant 16 : i32
              %mul3A_323 = arith.muli %add3A_321, %mul3A_322 : i32
              %get3A_324 = arith.index_cast %add3A_142 : i32 to index
              %get3A_325 = arith.index_cast %mul3A_323 : i32 to index
              %get3A_326 = tpu.vector_load %arg9[%get3A_324, %get3A_325] {strides = array<i32>} : memref<32x1024xf32, #tpu.memory_space<vmem>>, vector<1x16xf32>,
              %get3A_327 = vector.shape_cast %get3A_326 : vector<1x16xf32> to vector<16xf32>
              %mul3A_328 = vector.broadcast %select_n3A_152 : f32 to vector<16xf32>
              %mul3A_329 = arith.mulf %mul3A_328, %get3A_327 : vector<16xf32>
              %swap3A_330 = arith.index_cast %sub3A_198 : i32 to index
              %swap3A_331 = arith.index_cast %mul3A_323 : i32 to index
              %swap3A_332 = tpu.vector_load %arg10[%swap3A_330, %swap3A_331] {strides = array<i32>} : memref<8x1024xf32, #tpu.memory_space<vmem>>, vector<1x16xf32>,
              %swap3A_333 = vector.shape_cast %swap3A_332 : vector<1x16xf32> to vector<16xf32>
              %swap3A_334 = vector.shape_cast %mul3A_329 : vector<16xf32> to vector<1x16xf32>
              tpu.vector_store %arg10[%swap3A_330, %swap3A_331], %swap3A_334 {add = true, strides = array<i32>} : memref<8x1024xf32, #tpu.memory_space<vmem>>, vector<1x16xf32>,
              %scan3A_335 = arith.constant 7 : i32
              %scan3A_336 = arith.addi %scan3A_204, %scan3A_335 : i32
              %mul3A_337 = arith.constant 1 : i32
              %mul3A_338 = arith.muli %scan3A_336, %mul3A_337 : i32
              %add3A_339 = arith.constant 0 : i32
              %add3A_340 = arith.addi %add3A_339, %mul3A_338 : i32
              %mul3A_341 = arith.constant 16 : i32
              %mul3A_342 = arith.muli %add3A_340, %mul3A_341 : i32
              %get3A_343 = arith.index_cast %add3A_142 : i32 to index
              %get3A_344 = arith.index_cast %mul3A_342 : i32 to index
              %get3A_345 = tpu.vector_load %arg9[%get3A_343, %get3A_344] {strides = array<i32>} : memref<32x1024xf32, #tpu.memory_space<vmem>>, vector<1x16xf32>,
              %get3A_346 = vector.shape_cast %get3A_345 : vector<1x16xf32> to vector<16xf32>
              %mul3A_347 = vector.broadcast %select_n3A_152 : f32 to vector<16xf32>
              %mul3A_348 = arith.mulf %mul3A_347, %get3A_346 : vector<16xf32>
              %swap3A_349 = arith.index_cast %sub3A_198 : i32 to index
              %swap3A_350 = arith.index_cast %mul3A_342 : i32 to index
              %swap3A_351 = tpu.vector_load %arg10[%swap3A_349, %swap3A_350] {strides = array<i32>} : memref<8x1024xf32, #tpu.memory_space<vmem>>, vector<1x16xf32>,
              %swap3A_352 = vector.shape_cast %swap3A_351 : vector<1x16xf32> to vector<16xf32>
              %swap3A_353 = vector.shape_cast %mul3A_348 : vector<16xf32> to vector<1x16xf32>
              tpu.vector_store %arg10[%swap3A_349, %swap3A_350], %swap3A_353 {add = true, strides = array<i32>} : memref<8x1024xf32, #tpu.memory_space<vmem>>, vector<1x16xf32>,
            }
            %scan3A_203 = arith.constant 64 : i32
          } else {
          }
          scf.yield %select_n3A_186 : i32
        }
        %scan3A_136 = arith.constant 32 : i32
        scf.yield %scan3A_135 : i32
      }
      %mul3A_122 = arith.constant 8 : i32
      %mul3A_123 = arith.muli %while3A_121, %mul3A_122 : i32
      %multiple_of3A = tpu.assume_multiple %mul3A_123, 8 : i32
      "tpu.region"() ({
        %run_scoped3A = tpu.sem_alloc : memref<!tpu.dma_semaphore, #tpu.memory_space<semaphore_mem>>
        %dma_start3A = arith.constant 0 : i32
        %dma_start3A_124 = tpu.memref_slice %arg7[%multiple_of3A, %dma_start3A] : memref<10000x1024xf32, #tpu.memory_space<hbm>> -> memref<8x1024xf32, #tpu.memory_space<hbm>>
        %dma_start3A_125 = arith.constant 0 : i32
        %dma_start3A_126 = tpu.memref_slice %arg7[%multiple_of3A, %dma_start3A_125] : memref<10000x1024xf32, #tpu.memory_space<hbm>> -> memref<8x1024xf32, #tpu.memory_space<hbm>>
        tpu.enqueue_dma source(%arg10 : memref<8x1024xf32, #tpu.memory_space<vmem>>) target(%dma_start3A_126 : memref<8x1024xf32, #tpu.memory_space<hbm>>) target_semaphore(%run_scoped3A : memref<!tpu.dma_semaphore, #tpu.memory_space<semaphore_mem>>)
        %dma_wait3A = arith.constant 0 : i32
        %dma_wait3A_127 = tpu.memref_slice %arg7[%multiple_of3A, %dma_wait3A] : memref<10000x1024xf32, #tpu.memory_space<hbm>> -> memref<8x1024xf32, #tpu.memory_space<hbm>>
        %dma_wait3A_128 = arith.constant 0 : i32
        %dma_wait3A_129 = tpu.memref_slice %arg7[%multiple_of3A, %dma_wait3A_128] : memref<10000x1024xf32, #tpu.memory_space<hbm>> -> memref<8x1024xf32, #tpu.memory_space<hbm>>
        tpu.wait_dma2 semaphore(%run_scoped3A : memref<!tpu.dma_semaphore, #tpu.memory_space<semaphore_mem>>) src(%arg10 : memref<8x1024xf32, #tpu.memory_space<vmem>>) dst(%dma_wait3A_129 : memref<8x1024xf32, #tpu.memory_space<hbm>>)
        tpu.yield
      }) : () -> ()
    } else {
    }
    return
  }
}

#map = affine_map<(d0, d1) -> (0, 0)>
#map1 = affine_map<(d0, d1) -> (0)>
module attributes {stable_mosaic.version = 14 : i64} {
  func.func @kern(%arg0: i32, %arg1: i32, %arg2: memref<10000x1024xf32, #tpu.memory_space<hbm>>, %arg3: memref<160032xi32, #tpu.memory_space<hbm>>, %arg4: memref<160032xi32, #tpu.memory_space<hbm>>, %arg5: memref<160032xf32, #tpu.memory_space<hbm>>, %arg6: memref<32x16xi32, #tpu.memory_space<hbm>>, %arg7: memref<10000x1024xf32, #tpu.memory_space<hbm>>, %arg8: memref<32xi32, #tpu.memory_space<vmem>>, %arg9: memref<32x1024xf32, #tpu.memory_space<vmem>>, %arg10: memref<8x1024xf32, #tpu.memory_space<vmem>>, %arg11: memref<8x1024xf32, #tpu.memory_space<vmem>>, %arg12: memref<32x16xi32, #tpu.memory_space<vmem>>, %arg13: memref<48xi32, #tpu.memory_space<vmem>>, %arg14: memref<48xf32, #tpu.memory_space<vmem>>) attributes {dimension_semantics = [#tpu.dimension_semantics<core_parallel>, #tpu.dimension_semantics<subcore_parallel>], iteration_bounds = array<i64: 2, 16>, scalar_prefetch = 0 : i64, scratch_operands = 7 : i64, tpu.core_type = #tpu.core_type<sc_vector_subcore>, window_params = [{transform_indices = #map}, {transform_indices = #map1}, {transform_indices = #map1}, {transform_indices = #map1}, {transform_indices = #map}, {transform_indices = #map}]} {
    %mul3A = arith.constant 2 : i32
    %mul3A_0 = arith.muli %arg1, %mul3A : i32
    %add3A = arith.addi %mul3A_0, %arg0 : i32
    "tpu.region"() ({
      %run_scoped3A = tpu.sem_alloc : memref<!tpu.dma_semaphore, #tpu.memory_space<semaphore_mem>>
      tpu.enqueue_dma source(%arg6 : memref<32x16xi32, #tpu.memory_space<hbm>>) target(%arg12 : memref<32x16xi32, #tpu.memory_space<vmem>>) target_semaphore(%run_scoped3A : memref<!tpu.dma_semaphore, #tpu.memory_space<semaphore_mem>>)
      tpu.wait_dma2 semaphore(%run_scoped3A : memref<!tpu.dma_semaphore, #tpu.memory_space<semaphore_mem>>) src(%arg6 : memref<32x16xi32, #tpu.memory_space<hbm>>) dst(%arg12 : memref<32x16xi32, #tpu.memory_space<vmem>>)
      tpu.yield
    }) : () -> ()
    %get3A = arith.index_cast %add3A : i32 to index
    %get3A_1 = arith.constant 0 : index
    %get3A_2 = tpu.vector_load %arg12[%get3A, %get3A_1] {strides = array<i32>} : memref<32x16xi32, #tpu.memory_space<vmem>>, vector<1x16xi32>,
    %get3A_3 = vector.shape_cast %get3A_2 : vector<1x16xi32> to vector<16xi32>
    %slice3A = vector.extract_strided_slice %get3A_3 {offsets = [0], sizes = [1], strides = [1]} : vector<16xi32> to vector<1xi32>
    %squeeze3A = vector.extract %slice3A[0] : i32 from vector<1xi32>
    %slice3A_4 = vector.extract_strided_slice %get3A_3 {offsets = [1], sizes = [1], strides = [1]} : vector<16xi32> to vector<1xi32>
    %squeeze3A_5 = vector.extract %slice3A_4[0] : i32 from vector<1xi32>
    %slice3A_6 = vector.extract_strided_slice %get3A_3 {offsets = [2], sizes = [1], strides = [1]} : vector<16xi32> to vector<1xi32>
    %squeeze3A_7 = vector.extract %slice3A_6[0] : i32 from vector<1xi32>
    %slice3A_8 = vector.extract_strided_slice %get3A_3 {offsets = [3], sizes = [1], strides = [1]} : vector<16xi32> to vector<1xi32>
    %squeeze3A_9 = vector.extract %slice3A_8[0] : i32 from vector<1xi32>
    %broadcast_in_dim3A = arith.constant 0.000000e+00 : f32
    %broadcast_in_dim3A_10 = vector.broadcast %broadcast_in_dim3A : f32 to vector<16xf32>
    %scan3A = arith.constant 0 : i32
    %scan3A_11 = arith.constant 8 : i32
    %scan3A_12 = arith.addi %scan3A, %scan3A_11 : i32
    %scan3A_13 = arith.constant 1 : i32
    scf.for %scan3A_16 = %scan3A to %scan3A_12 step %scan3A_13  : i32 {
      %mul3A_17 = arith.constant 1 : i32
      %mul3A_18 = arith.muli %scan3A_16, %mul3A_17 : i32
      %add3A_19 = arith.constant 0 : i32
      %add3A_20 = arith.addi %add3A_19, %mul3A_18 : i32
      %scan3A_21 = arith.constant 0 : i32
      %scan3A_22 = arith.constant 64 : i32
      %scan3A_23 = arith.addi %scan3A_21, %scan3A_22 : i32
      %scan3A_24 = arith.constant 1 : i32
      scf.for %scan3A_26 = %scan3A_21 to %scan3A_23 step %scan3A_24  : i32 {
        %mul3A_27 = arith.constant 1 : i32
        %mul3A_28 = arith.muli %scan3A_26, %mul3A_27 : i32
        %add3A_29 = arith.constant 0 : i32
        %add3A_30 = arith.addi %add3A_29, %mul3A_28 : i32
        %mul3A_31 = arith.constant 16 : i32
        %mul3A_32 = arith.muli %add3A_30, %mul3A_31 : i32
        %swap3A = arith.index_cast %add3A_20 : i32 to index
        %swap3A_33 = arith.index_cast %mul3A_32 : i32 to index
        %swap3A_34 = tpu.vector_load %arg11[%swap3A, %swap3A_33] {strides = array<i32>} : memref<8x1024xf32, #tpu.memory_space<vmem>>, vector<1x16xf32>,
        %swap3A_35 = vector.shape_cast %swap3A_34 : vector<1x16xf32> to vector<16xf32>
        %swap3A_36 = vector.shape_cast %broadcast_in_dim3A_10 : vector<16xf32> to vector<1x16xf32>
        tpu.vector_store %arg11[%swap3A, %swap3A_33], %swap3A_36 {strides = array<i32>} : memref<8x1024xf32, #tpu.memory_space<vmem>>, vector<1x16xf32>,
        %mul3A_37 = arith.constant 16 : i32
        %mul3A_38 = arith.muli %add3A_30, %mul3A_37 : i32
        %swap3A_39 = arith.index_cast %add3A_20 : i32 to index
        %swap3A_40 = arith.index_cast %mul3A_38 : i32 to index
        %swap3A_41 = tpu.vector_load %arg10[%swap3A_39, %swap3A_40] {strides = array<i32>} : memref<8x1024xf32, #tpu.memory_space<vmem>>, vector<1x16xf32>,
        %swap3A_42 = vector.shape_cast %swap3A_41 : vector<1x16xf32> to vector<16xf32>
        %swap3A_43 = vector.shape_cast %broadcast_in_dim3A_10 : vector<16xf32> to vector<1x16xf32>
        tpu.vector_store %arg10[%swap3A_39, %swap3A_40], %swap3A_43 {strides = array<i32>} : memref<8x1024xf32, #tpu.memory_space<vmem>>, vector<1x16xf32>,
      }
      %scan3A_25 = arith.constant 64 : i32
    }
    %scan3A_14 = arith.constant 8 : i32
    %lt3A = arith.cmpi slt, %squeeze3A, %squeeze3A_5 : i32
    %convert_element_type3A = arith.extui %lt3A : i1 to i32
    %cond3A = arith.constant 0 : i32
    %cond3A_15 = arith.cmpi ne, %convert_element_type3A, %cond3A : i32
    scf.if %cond3A_15 {
      %sub3A = arith.subi %squeeze3A_5, %squeeze3A : i32
      %sub3A_16 = arith.constant 8 : i32
      %sub3A_17 = arith.constant 1 : i32
      %sub3A_18 = arith.subi %sub3A_16, %sub3A_17 : i32
      %add3A_19 = arith.addi %sub3A, %sub3A_18 : i32
      %div3A = arith.constant 8 : i32
      %div3A_20 = arith.divsi %add3A_19, %div3A : i32
      %while3A = arith.constant 8 : i32
      %while3A_21 = arith.constant 0 : i32
      %while3A_22 = arith.subi %div3A_20, %while3A_21 : i32
      %while3A_23 = arith.addi %while3A_21, %while3A_22 : i32
      %while3A_24 = arith.constant 1 : i32
      %while3A_25 = arith.divsi %while3A_22, %while3A_24 : i32
      %while3A_26 = arith.muli %while3A_25, %while3A_24 : i32
      %while3A_27 = arith.addi %while3A_21, %while3A_26 : i32
      %while3A_28 = arith.constant 1 : i32
      scf.for %while3A_124 = %while3A_21 to %while3A_27 step %while3A_28  : i32 {
        %mul3A_125 = arith.muli %while3A_124, %while3A : i32
        %add3A_126 = arith.addi %squeeze3A, %mul3A_125 : i32
        %multiple_of3A_127 = tpu.assume_multiple %add3A_126, 8 : i32
        "tpu.region"() ({
          %run_scoped3A = tpu.sem_alloc : memref<!tpu.dma_semaphore, #tpu.memory_space<semaphore_mem>>
          %dma_start3A = arith.constant 0 : i32
          %dma_start3A_128 = tpu.memref_slice %arg7[%multiple_of3A_127, %dma_start3A] : memref<10000x1024xf32, #tpu.memory_space<hbm>> -> memref<8x1024xf32, #tpu.memory_space<hbm>>
          %dma_start3A_129 = arith.constant 0 : i32
          %dma_start3A_130 = tpu.memref_slice %arg7[%multiple_of3A_127, %dma_start3A_129] : memref<10000x1024xf32, #tpu.memory_space<hbm>> -> memref<8x1024xf32, #tpu.memory_space<hbm>>
          tpu.enqueue_dma source(%arg11 : memref<8x1024xf32, #tpu.memory_space<vmem>>) target(%dma_start3A_130 : memref<8x1024xf32, #tpu.memory_space<hbm>>) target_semaphore(%run_scoped3A : memref<!tpu.dma_semaphore, #tpu.memory_space<semaphore_mem>>)
          %dma_wait3A = arith.constant 0 : i32
          %dma_wait3A_131 = tpu.memref_slice %arg7[%multiple_of3A_127, %dma_wait3A] : memref<10000x1024xf32, #tpu.memory_space<hbm>> -> memref<8x1024xf32, #tpu.memory_space<hbm>>
          %dma_wait3A_132 = arith.constant 0 : i32
          %dma_wait3A_133 = tpu.memref_slice %arg7[%multiple_of3A_127, %dma_wait3A_132] : memref<10000x1024xf32, #tpu.memory_space<hbm>> -> memref<8x1024xf32, #tpu.memory_space<hbm>>
          tpu.wait_dma2 semaphore(%run_scoped3A : memref<!tpu.dma_semaphore, #tpu.memory_space<semaphore_mem>>) src(%arg11 : memref<8x1024xf32, #tpu.memory_space<vmem>>) dst(%dma_wait3A_133 : memref<8x1024xf32, #tpu.memory_space<hbm>>)
          tpu.yield
        }) : () -> ()
      }
      %while3A_29 = arith.constant 1 : i32
      scf.for %while3A_124 = %while3A_27 to %while3A_23 step %while3A_29  : i32 {
        %mul3A_125 = arith.muli %while3A_124, %while3A : i32
        %add3A_126 = arith.addi %squeeze3A, %mul3A_125 : i32
        %multiple_of3A_127 = tpu.assume_multiple %add3A_126, 8 : i32
        "tpu.region"() ({
          %run_scoped3A = tpu.sem_alloc : memref<!tpu.dma_semaphore, #tpu.memory_space<semaphore_mem>>
          %dma_start3A = arith.constant 0 : i32
          %dma_start3A_128 = tpu.memref_slice %arg7[%multiple_of3A_127, %dma_start3A] : memref<10000x1024xf32, #tpu.memory_space<hbm>> -> memref<8x1024xf32, #tpu.memory_space<hbm>>
          %dma_start3A_129 = arith.constant 0 : i32
          %dma_start3A_130 = tpu.memref_slice %arg7[%multiple_of3A_127, %dma_start3A_129] : memref<10000x1024xf32, #tpu.memory_space<hbm>> -> memref<8x1024xf32, #tpu.memory_space<hbm>>
          tpu.enqueue_dma source(%arg11 : memref<8x1024xf32, #tpu.memory_space<vmem>>) target(%dma_start3A_130 : memref<8x1024xf32, #tpu.memory_space<hbm>>) target_semaphore(%run_scoped3A : memref<!tpu.dma_semaphore, #tpu.memory_space<semaphore_mem>>)
          %dma_wait3A = arith.constant 0 : i32
          %dma_wait3A_131 = tpu.memref_slice %arg7[%multiple_of3A_127, %dma_wait3A] : memref<10000x1024xf32, #tpu.memory_space<hbm>> -> memref<8x1024xf32, #tpu.memory_space<hbm>>
          %dma_wait3A_132 = arith.constant 0 : i32
          %dma_wait3A_133 = tpu.memref_slice %arg7[%multiple_of3A_127, %dma_wait3A_132] : memref<10000x1024xf32, #tpu.memory_space<hbm>> -> memref<8x1024xf32, #tpu.memory_space<hbm>>
          tpu.wait_dma2 semaphore(%run_scoped3A : memref<!tpu.dma_semaphore, #tpu.memory_space<semaphore_mem>>) src(%arg11 : memref<8x1024xf32, #tpu.memory_space<vmem>>) dst(%dma_wait3A_133 : memref<8x1024xf32, #tpu.memory_space<hbm>>)
          tpu.yield
        }) : () -> ()
      }
      %jit3A = arith.constant 8 : i32
      %div3A_30 = arith.divsi %squeeze3A_7, %jit3A : i32
      %sign3A = arith.constant 0 : i32
      %sign3A_31 = arith.cmpi sgt, %squeeze3A_7, %sign3A : i32
      %sign3A_32 = arith.extui %sign3A_31 : i1 to i32
      %sign3A_33 = arith.constant 0 : i32
      %sign3A_34 = arith.cmpi slt, %squeeze3A_7, %sign3A_33 : i32
      %sign3A_35 = arith.extui %sign3A_34 : i1 to i32
      %sign3A_36 = arith.subi %sign3A_32, %sign3A_35 : i32
      %sign3A_37 = arith.constant 0 : i32
      %sign3A_38 = arith.cmpi sgt, %jit3A, %sign3A_37 : i32
      %sign3A_39 = arith.extui %sign3A_38 : i1 to i32
      %sign3A_40 = arith.constant 0 : i32
      %sign3A_41 = arith.cmpi slt, %jit3A, %sign3A_40 : i32
      %sign3A_42 = arith.extui %sign3A_41 : i1 to i32
      %sign3A_43 = arith.subi %sign3A_39, %sign3A_42 : i32
      %ne3A = arith.cmpi ne, %sign3A_36, %sign3A_43 : i32
      %rem3A = arith.remsi %squeeze3A_7, %jit3A : i32
      %ne3A_44 = arith.constant 0 : i32
      %ne3A_45 = arith.cmpi ne, %rem3A, %ne3A_44 : i32
      %and3A = arith.andi %ne3A, %ne3A_45 : i1
      %sub3A_46 = arith.constant 1 : i32
      %sub3A_47 = arith.subi %div3A_30, %sub3A_46 : i32
      %select_n3A = arith.select %and3A, %sub3A_47, %div3A_30 : i32
      %mul3A_48 = arith.constant 8 : i32
      %mul3A_49 = arith.muli %select_n3A, %mul3A_48 : i32
      %sub3A_50 = arith.subi %squeeze3A_9, %mul3A_49 : i32
      %add3A_51 = arith.constant 31 : i32
      %add3A_52 = arith.addi %sub3A_50, %add3A_51 : i32
      %jit3A_53 = arith.constant 32 : i32
      %div3A_54 = arith.divsi %add3A_52, %jit3A_53 : i32
      %sign3A_55 = arith.constant 0 : i32
      %sign3A_56 = arith.cmpi sgt, %add3A_52, %sign3A_55 : i32
      %sign3A_57 = arith.extui %sign3A_56 : i1 to i32
      %sign3A_58 = arith.constant 0 : i32
      %sign3A_59 = arith.cmpi slt, %add3A_52, %sign3A_58 : i32
      %sign3A_60 = arith.extui %sign3A_59 : i1 to i32
      %sign3A_61 = arith.subi %sign3A_57, %sign3A_60 : i32
      %sign3A_62 = arith.constant 0 : i32
      %sign3A_63 = arith.cmpi sgt, %jit3A_53, %sign3A_62 : i32
      %sign3A_64 = arith.extui %sign3A_63 : i1 to i32
      %sign3A_65 = arith.constant 0 : i32
      %sign3A_66 = arith.cmpi slt, %jit3A_53, %sign3A_65 : i32
      %sign3A_67 = arith.extui %sign3A_66 : i1 to i32
      %sign3A_68 = arith.subi %sign3A_64, %sign3A_67 : i32
      %ne3A_69 = arith.cmpi ne, %sign3A_61, %sign3A_68 : i32
      %rem3A_70 = arith.remsi %add3A_52, %jit3A_53 : i32
      %ne3A_71 = arith.constant 0 : i32
      %ne3A_72 = arith.cmpi ne, %rem3A_70, %ne3A_71 : i32
      %and3A_73 = arith.andi %ne3A_69, %ne3A_72 : i1
      %sub3A_74 = arith.constant 1 : i32
      %sub3A_75 = arith.subi %div3A_54, %sub3A_74 : i32
      %select_n3A_76 = arith.select %and3A_73, %sub3A_75, %div3A_54 : i32
      %jit3A_77 = arith.constant 8 : i32
      %div3A_78 = arith.divsi %squeeze3A, %jit3A_77 : i32
      %sign3A_79 = arith.constant 0 : i32
      %sign3A_80 = arith.cmpi sgt, %squeeze3A, %sign3A_79 : i32
      %sign3A_81 = arith.extui %sign3A_80 : i1 to i32
      %sign3A_82 = arith.constant 0 : i32
      %sign3A_83 = arith.cmpi slt, %squeeze3A, %sign3A_82 : i32
      %sign3A_84 = arith.extui %sign3A_83 : i1 to i32
      %sign3A_85 = arith.subi %sign3A_81, %sign3A_84 : i32
      %sign3A_86 = arith.constant 0 : i32
      %sign3A_87 = arith.cmpi sgt, %jit3A_77, %sign3A_86 : i32
      %sign3A_88 = arith.extui %sign3A_87 : i1 to i32
      %sign3A_89 = arith.constant 0 : i32
      %sign3A_90 = arith.cmpi slt, %jit3A_77, %sign3A_89 : i32
      %sign3A_91 = arith.extui %sign3A_90 : i1 to i32
      %sign3A_92 = arith.subi %sign3A_88, %sign3A_91 : i32
      %ne3A_93 = arith.cmpi ne, %sign3A_85, %sign3A_92 : i32
      %rem3A_94 = arith.remsi %squeeze3A, %jit3A_77 : i32
      %ne3A_95 = arith.constant 0 : i32
      %ne3A_96 = arith.cmpi ne, %rem3A_94, %ne3A_95 : i32
      %and3A_97 = arith.andi %ne3A_93, %ne3A_96 : i1
      %sub3A_98 = arith.constant 1 : i32
      %sub3A_99 = arith.subi %div3A_78, %sub3A_98 : i32
      %select_n3A_100 = arith.select %and3A_97, %sub3A_99, %div3A_78 : i32
      %sub3A_101 = arith.constant 0 : i32
      %sub3A_102 = arith.subi %select_n3A_76, %sub3A_101 : i32
      %sub3A_103 = arith.constant 1 : i32
      %sub3A_104 = arith.constant 1 : i32
      %sub3A_105 = arith.subi %sub3A_103, %sub3A_104 : i32
      %add3A_106 = arith.addi %sub3A_102, %sub3A_105 : i32
      %div3A_107 = arith.constant 1 : i32
      %div3A_108 = arith.divsi %add3A_106, %div3A_107 : i32
      %while3A_109 = arith.constant 1 : i32
      %while3A_110 = arith.constant 0 : i32
      %while3A_111 = arith.constant 0 : i32
      %while3A_112 = arith.subi %div3A_108, %while3A_111 : i32
      %while3A_113 = arith.addi %while3A_111, %while3A_112 : i32
      %while3A_114 = arith.constant 1 : i32
      %while3A_115 = arith.divsi %while3A_112, %while3A_114 : i32
      %while3A_116 = arith.muli %while3A_115, %while3A_114 : i32
      %while3A_117 = arith.addi %while3A_111, %while3A_116 : i32
      %while3A_118 = arith.constant 1 : i32
      %while3A_119 = scf.for %while3A_124 = %while3A_111 to %while3A_117 step %while3A_118 iter_args(%while3A_125 = %select_n3A_100) -> (i32)  : i32 {
        %mul3A_126 = arith.muli %while3A_124, %while3A_109 : i32
        %add3A_127 = arith.addi %while3A_110, %mul3A_126 : i32
        %mul3A_128 = arith.constant 32 : i32
        %mul3A_129 = arith.muli %add3A_127, %mul3A_128 : i32
        %add3A_130 = arith.addi %mul3A_49, %mul3A_129 : i32
        "tpu.region"() ({
          %run_scoped3A = tpu.sem_alloc : memref<!tpu.dma_semaphore, #tpu.memory_space<semaphore_mem>>
          %dma_start3A = tpu.memref_slice %arg3[%add3A_130] : memref<160032xi32, #tpu.memory_space<hbm>> -> memref<32xi32, #tpu.memory_space<hbm>>
          %dma_start3A_137 = tpu.memref_slice %arg3[%add3A_130] : memref<160032xi32, #tpu.memory_space<hbm>> -> memref<32xi32, #tpu.memory_space<hbm>>
          tpu.enqueue_dma source(%dma_start3A_137 : memref<32xi32, #tpu.memory_space<hbm>>) target(%arg8 : memref<32xi32, #tpu.memory_space<vmem>>) target_semaphore(%run_scoped3A : memref<!tpu.dma_semaphore, #tpu.memory_space<semaphore_mem>>)
          %dma_wait3A = tpu.memref_slice %arg3[%add3A_130] : memref<160032xi32, #tpu.memory_space<hbm>> -> memref<32xi32, #tpu.memory_space<hbm>>
          %dma_wait3A_138 = tpu.memref_slice %arg3[%add3A_130] : memref<160032xi32, #tpu.memory_space<hbm>> -> memref<32xi32, #tpu.memory_space<hbm>>
          tpu.wait_dma2 semaphore(%run_scoped3A : memref<!tpu.dma_semaphore, #tpu.memory_space<semaphore_mem>>) src(%dma_wait3A_138 : memref<32xi32, #tpu.memory_space<hbm>>) dst(%arg8 : memref<32xi32, #tpu.memory_space<vmem>>)
          tpu.yield
        }) : () -> ()
        "tpu.region"() ({
          %run_scoped3A = tpu.sem_alloc : memref<!tpu.dma_semaphore, #tpu.memory_space<semaphore_mem>>
          %dma_start3A = arith.constant 0 : i32
          %dma_start3A_137 = tpu.memref_slice %arg13[%dma_start3A] : memref<48xi32, #tpu.memory_space<vmem>> -> memref<32xi32, #tpu.memory_space<vmem>>
          %dma_start3A_138 = tpu.memref_slice %arg4[%add3A_130] : memref<160032xi32, #tpu.memory_space<hbm>> -> memref<32xi32, #tpu.memory_space<hbm>>
          %dma_start3A_139 = arith.constant 0 : i32
          %dma_start3A_140 = tpu.memref_slice %arg13[%dma_start3A_139] : memref<48xi32, #tpu.memory_space<vmem>> -> memref<32xi32, #tpu.memory_space<vmem>>
          %dma_start3A_141 = tpu.memref_slice %arg4[%add3A_130] : memref<160032xi32, #tpu.memory_space<hbm>> -> memref<32xi32, #tpu.memory_space<hbm>>
          tpu.enqueue_dma source(%dma_start3A_141 : memref<32xi32, #tpu.memory_space<hbm>>) target(%dma_start3A_140 : memref<32xi32, #tpu.memory_space<vmem>>) target_semaphore(%run_scoped3A : memref<!tpu.dma_semaphore, #tpu.memory_space<semaphore_mem>>)
          %dma_wait3A = arith.constant 0 : i32
          %dma_wait3A_142 = tpu.memref_slice %arg13[%dma_wait3A] : memref<48xi32, #tpu.memory_space<vmem>> -> memref<32xi32, #tpu.memory_space<vmem>>
          %dma_wait3A_143 = tpu.memref_slice %arg4[%add3A_130] : memref<160032xi32, #tpu.memory_space<hbm>> -> memref<32xi32, #tpu.memory_space<hbm>>
          %dma_wait3A_144 = arith.constant 0 : i32
          %dma_wait3A_145 = tpu.memref_slice %arg13[%dma_wait3A_144] : memref<48xi32, #tpu.memory_space<vmem>> -> memref<32xi32, #tpu.memory_space<vmem>>
          %dma_wait3A_146 = tpu.memref_slice %arg4[%add3A_130] : memref<160032xi32, #tpu.memory_space<hbm>> -> memref<32xi32, #tpu.memory_space<hbm>>
          tpu.wait_dma2 semaphore(%run_scoped3A : memref<!tpu.dma_semaphore, #tpu.memory_space<semaphore_mem>>) src(%dma_wait3A_146 : memref<32xi32, #tpu.memory_space<hbm>>) dst(%dma_wait3A_145 : memref<32xi32, #tpu.memory_space<vmem>>)
          tpu.yield
        }) : () -> ()
        "tpu.region"() ({
          %run_scoped3A = tpu.sem_alloc : memref<!tpu.dma_semaphore, #tpu.memory_space<semaphore_mem>>
          %dma_start3A = arith.constant 0 : i32
          %dma_start3A_137 = tpu.memref_slice %arg14[%dma_start3A] : memref<48xf32, #tpu.memory_space<vmem>> -> memref<32xf32, #tpu.memory_space<vmem>>
          %dma_start3A_138 = tpu.memref_slice %arg5[%add3A_130] : memref<160032xf32, #tpu.memory_space<hbm>> -> memref<32xf32, #tpu.memory_space<hbm>>
          %dma_start3A_139 = arith.constant 0 : i32
          %dma_start3A_140 = tpu.memref_slice %arg14[%dma_start3A_139] : memref<48xf32, #tpu.memory_space<vmem>> -> memref<32xf32, #tpu.memory_space<vmem>>
          %dma_start3A_141 = tpu.memref_slice %arg5[%add3A_130] : memref<160032xf32, #tpu.memory_space<hbm>> -> memref<32xf32, #tpu.memory_space<hbm>>
          tpu.enqueue_dma source(%dma_start3A_141 : memref<32xf32, #tpu.memory_space<hbm>>) target(%dma_start3A_140 : memref<32xf32, #tpu.memory_space<vmem>>) target_semaphore(%run_scoped3A : memref<!tpu.dma_semaphore, #tpu.memory_space<semaphore_mem>>)
          %dma_wait3A = arith.constant 0 : i32
          %dma_wait3A_142 = tpu.memref_slice %arg14[%dma_wait3A] : memref<48xf32, #tpu.memory_space<vmem>> -> memref<32xf32, #tpu.memory_space<vmem>>
          %dma_wait3A_143 = tpu.memref_slice %arg5[%add3A_130] : memref<160032xf32, #tpu.memory_space<hbm>> -> memref<32xf32, #tpu.memory_space<hbm>>
          %dma_wait3A_144 = arith.constant 0 : i32
          %dma_wait3A_145 = tpu.memref_slice %arg14[%dma_wait3A_144] : memref<48xf32, #tpu.memory_space<vmem>> -> memref<32xf32, #tpu.memory_space<vmem>>
          %dma_wait3A_146 = tpu.memref_slice %arg5[%add3A_130] : memref<160032xf32, #tpu.memory_space<hbm>> -> memref<32xf32, #tpu.memory_space<hbm>>
          tpu.wait_dma2 semaphore(%run_scoped3A : memref<!tpu.dma_semaphore, #tpu.memory_space<semaphore_mem>>) src(%dma_wait3A_146 : memref<32xf32, #tpu.memory_space<hbm>>) dst(%dma_wait3A_145 : memref<32xf32, #tpu.memory_space<vmem>>)
          tpu.yield
        }) : () -> ()
        "tpu.region"() ({
          %run_scoped3A = tpu.sem_alloc : memref<!tpu.dma_semaphore, #tpu.memory_space<semaphore_mem>>
          %dma_start3A = arith.constant 0 : i32
          %dma_start3A_137 = arith.constant 0 : i32
          %dma_start3A_138 = tpu.memref_slice %arg2[%dma_start3A, %dma_start3A_137] : memref<10000x1024xf32, #tpu.memory_space<hbm>> -> memref<10000x1024xf32, #tpu.memory_space<hbm>>
          tpu.enqueue_indirect_dma source(%dma_start3A_138 : memref<10000x1024xf32, #tpu.memory_space<hbm>>) target(%arg9 : memref<32x1024xf32, #tpu.memory_space<vmem>>) offsets(%arg8 : memref<32xi32, #tpu.memory_space<vmem>>) semaphore(%run_scoped3A : memref<!tpu.dma_semaphore, #tpu.memory_space<semaphore_mem>>)
          %dma_wait3A = arith.constant 0 : i32
          %dma_wait3A_139 = arith.constant 0 : i32
          %dma_wait3A_140 = tpu.memref_slice %arg2[%dma_wait3A, %dma_wait3A_139] : memref<10000x1024xf32, #tpu.memory_space<hbm>> -> memref<10000x1024xf32, #tpu.memory_space<hbm>>
          tpu.wait_indirect_dma semaphore(%run_scoped3A : memref<!tpu.dma_semaphore, #tpu.memory_space<semaphore_mem>>) src(%dma_wait3A_140 : memref<10000x1024xf32, #tpu.memory_space<hbm>>) dst(%arg9 : memref<32x1024xf32, #tpu.memory_space<vmem>>)
          tpu.yield
        }) : () -> ()
        %scan3A_131 = arith.constant 0 : i32
        %scan3A_132 = arith.constant 32 : i32
        %scan3A_133 = arith.addi %scan3A_131, %scan3A_132 : i32
        %scan3A_134 = arith.constant 1 : i32
        %scan3A_135 = scf.for %scan3A_137 = %scan3A_131 to %scan3A_133 step %scan3A_134 iter_args(%scan3A_138 = %while3A_125) -> (i32)  : i32 {
          %mul3A_139 = arith.constant 1 : i32
          %mul3A_140 = arith.muli %scan3A_137, %mul3A_139 : i32
          %add3A_141 = arith.constant 0 : i32
          %add3A_142 = arith.addi %add3A_141, %mul3A_140 : i32
          %add3A_143 = arith.addi %add3A_130, %add3A_142 : i32
          %ge3A = arith.cmpi sge, %add3A_143, %squeeze3A_7 : i32
          %lt3A_144 = arith.cmpi slt, %add3A_143, %squeeze3A_9 : i32
          %and3A_145 = arith.andi %ge3A, %lt3A_144 : i1
          %get3A_146 = arith.index_cast %add3A_142 : i32 to index
          %get3A_147 = tpu.vector_load %arg14[%get3A_146] {strides = array<i32>} : memref<48xf32, #tpu.memory_space<vmem>>, vector<16xf32>,
          %get3A_148 = vector.shape_cast %get3A_147 : vector<16xf32> to vector<16xf32>
          %slice3A_149 = vector.extract_strided_slice %get3A_148 {offsets = [0], sizes = [1], strides = [1]} : vector<16xf32> to vector<1xf32>
          %squeeze3A_150 = vector.extract %slice3A_149[0] : f32 from vector<1xf32>
          %jit3A_151 = arith.constant 0.000000e+00 : f32
          %select_n3A_152 = arith.select %and3A_145, %squeeze3A_150, %jit3A_151 : f32
          %get3A_153 = arith.index_cast %add3A_142 : i32 to index
          %get3A_154 = tpu.vector_load %arg13[%get3A_153] {strides = array<i32>} : memref<48xi32, #tpu.memory_space<vmem>>, vector<16xi32>,
          %get3A_155 = vector.shape_cast %get3A_154 : vector<16xi32> to vector<16xi32>
          %slice3A_156 = vector.extract_strided_slice %get3A_155 {offsets = [0], sizes = [1], strides = [1]} : vector<16xi32> to vector<1xi32>
          %squeeze3A_157 = vector.extract %slice3A_156[0] : i32 from vector<1xi32>
          %mul3A_158 = arith.constant 8 : i32
          %mul3A_159 = arith.muli %scan3A_138, %mul3A_158 : i32
          %select_n3A_160 = arith.select %and3A_145, %squeeze3A_157, %mul3A_159 : i32
          %sub3A_161 = arith.constant 1 : i32
          %sub3A_162 = arith.subi %squeeze3A_5, %sub3A_161 : i32
          %max3A = arith.maxsi %squeeze3A, %select_n3A_160 : i32
          %min3A = arith.minsi %sub3A_162, %max3A : i32
          %jit3A_163 = arith.constant 8 : i32
          %div3A_164 = arith.divsi %min3A, %jit3A_163 : i32
          %sign3A_165 = arith.constant 0 : i32
          %sign3A_166 = arith.cmpi sgt, %min3A, %sign3A_165 : i32
          %sign3A_167 = arith.extui %sign3A_166 : i1 to i32
          %sign3A_168 = arith.constant 0 : i32
          %sign3A_169 = arith.cmpi slt, %min3A, %sign3A_168 : i32
          %sign3A_170 = arith.extui %sign3A_169 : i1 to i32
          %sign3A_171 = arith.subi %sign3A_167, %sign3A_170 : i32
          %sign3A_172 = arith.constant 0 : i32
          %sign3A_173 = arith.cmpi sgt, %jit3A_163, %sign3A_172 : i32
          %sign3A_174 = arith.extui %sign3A_173 : i1 to i32
          %sign3A_175 = arith.constant 0 : i32
          %sign3A_176 = arith.cmpi slt, %jit3A_163, %sign3A_175 : i32
          %sign3A_177 = arith.extui %sign3A_176 : i1 to i32
          %sign3A_178 = arith.subi %sign3A_174, %sign3A_177 : i32
          %ne3A_179 = arith.cmpi ne, %sign3A_171, %sign3A_178 : i32
          %rem3A_180 = arith.remsi %min3A, %jit3A_163 : i32
          %ne3A_181 = arith.constant 0 : i32
          %ne3A_182 = arith.cmpi ne, %rem3A_180, %ne3A_181 : i32
          %and3A_183 = arith.andi %ne3A_179, %ne3A_182 : i1
          %sub3A_184 = arith.constant 1 : i32
          %sub3A_185 = arith.subi %div3A_164, %sub3A_184 : i32
          %select_n3A_186 = arith.select %and3A_183, %sub3A_185, %div3A_164 : i32
          %ne3A_187 = arith.cmpi ne, %select_n3A_186, %scan3A_138 : i32
          %convert_element_type3A_188 = arith.extui %ne3A_187 : i1 to i32
          %cond3A_189 = arith.constant 0 : i32
          %cond3A_190 = arith.cmpi ne, %convert_element_type3A_188, %cond3A_189 : i32
          scf.if %cond3A_190 {
            %mul3A_196 = arith.constant 8 : i32
            %mul3A_197 = arith.muli %scan3A_138, %mul3A_196 : i32
            %multiple_of3A_198 = tpu.assume_multiple %mul3A_197, 8 : i32
            "tpu.region"() ({
              %run_scoped3A = tpu.sem_alloc : memref<!tpu.dma_semaphore, #tpu.memory_space<semaphore_mem>>
              %dma_start3A = arith.constant 0 : i32
              %dma_start3A_204 = tpu.memref_slice %arg7[%multiple_of3A_198, %dma_start3A] : memref<10000x1024xf32, #tpu.memory_space<hbm>> -> memref<8x1024xf32, #tpu.memory_space<hbm>>
              %dma_start3A_205 = arith.constant 0 : i32
              %dma_start3A_206 = tpu.memref_slice %arg7[%multiple_of3A_198, %dma_start3A_205] : memref<10000x1024xf32, #tpu.memory_space<hbm>> -> memref<8x1024xf32, #tpu.memory_space<hbm>>
              tpu.enqueue_dma source(%arg10 : memref<8x1024xf32, #tpu.memory_space<vmem>>) target(%dma_start3A_206 : memref<8x1024xf32, #tpu.memory_space<hbm>>) target_semaphore(%run_scoped3A : memref<!tpu.dma_semaphore, #tpu.memory_space<semaphore_mem>>)
              %dma_wait3A = arith.constant 0 : i32
              %dma_wait3A_207 = tpu.memref_slice %arg7[%multiple_of3A_198, %dma_wait3A] : memref<10000x1024xf32, #tpu.memory_space<hbm>> -> memref<8x1024xf32, #tpu.memory_space<hbm>>
              %dma_wait3A_208 = arith.constant 0 : i32
              %dma_wait3A_209 = tpu.memref_slice %arg7[%multiple_of3A_198, %dma_wait3A_208] : memref<10000x1024xf32, #tpu.memory_space<hbm>> -> memref<8x1024xf32, #tpu.memory_space<hbm>>
              tpu.wait_dma2 semaphore(%run_scoped3A : memref<!tpu.dma_semaphore, #tpu.memory_space<semaphore_mem>>) src(%arg10 : memref<8x1024xf32, #tpu.memory_space<vmem>>) dst(%dma_wait3A_209 : memref<8x1024xf32, #tpu.memory_space<hbm>>)
              tpu.yield
            }) : () -> ()
            %scan3A_199 = arith.constant 0 : i32
            %scan3A_200 = arith.constant 8 : i32
            %scan3A_201 = arith.addi %scan3A_199, %scan3A_200 : i32
            %scan3A_202 = arith.constant 1 : i32
            scf.for %scan3A_204 = %scan3A_199 to %scan3A_201 step %scan3A_202  : i32 {
              %mul3A_205 = arith.constant 1 : i32
              %mul3A_206 = arith.muli %scan3A_204, %mul3A_205 : i32
              %add3A_207 = arith.constant 0 : i32
              %add3A_208 = arith.addi %add3A_207, %mul3A_206 : i32
              %scan3A_209 = arith.constant 0 : i32
              %scan3A_210 = arith.constant 64 : i32
              %scan3A_211 = arith.addi %scan3A_209, %scan3A_210 : i32
              %scan3A_212 = arith.constant 1 : i32
              scf.for %scan3A_214 = %scan3A_209 to %scan3A_211 step %scan3A_212  : i32 {
                %mul3A_215 = arith.constant 1 : i32
                %mul3A_216 = arith.muli %scan3A_214, %mul3A_215 : i32
                %add3A_217 = arith.constant 0 : i32
                %add3A_218 = arith.addi %add3A_217, %mul3A_216 : i32
                %mul3A_219 = arith.constant 16 : i32
                %mul3A_220 = arith.muli %add3A_218, %mul3A_219 : i32
                %swap3A = arith.index_cast %add3A_208 : i32 to index
                %swap3A_221 = arith.index_cast %mul3A_220 : i32 to index
                %swap3A_222 = tpu.vector_load %arg10[%swap3A, %swap3A_221] {strides = array<i32>} : memref<8x1024xf32, #tpu.memory_space<vmem>>, vector<1x16xf32>,
                %swap3A_223 = vector.shape_cast %swap3A_222 : vector<1x16xf32> to vector<16xf32>
                %swap3A_224 = vector.shape_cast %broadcast_in_dim3A_10 : vector<16xf32> to vector<1x16xf32>
                tpu.vector_store %arg10[%swap3A, %swap3A_221], %swap3A_224 {strides = array<i32>} : memref<8x1024xf32, #tpu.memory_space<vmem>>, vector<1x16xf32>,
              }
              %scan3A_213 = arith.constant 64 : i32
            }
            %scan3A_203 = arith.constant 8 : i32
          } else {
          }
          %ne3A_191 = arith.constant 0.000000e+00 : f32
          %ne3A_192 = arith.cmpf one, %select_n3A_152, %ne3A_191 : f32
          %convert_element_type3A_193 = arith.extui %ne3A_192 : i1 to i32
          %cond3A_194 = arith.constant 0 : i32
          %cond3A_195 = arith.cmpi ne, %convert_element_type3A_193, %cond3A_194 : i32
          scf.if %cond3A_195 {
            %mul3A_196 = arith.constant 8 : i32
            %mul3A_197 = arith.muli %select_n3A_186, %mul3A_196 : i32
            %sub3A_198 = arith.subi %min3A, %mul3A_197 : i32
            %scan3A_199 = arith.constant 0 : i32
            %scan3A_200 = arith.constant 64 : i32
            %scan3A_201 = arith.addi %scan3A_199, %scan3A_200 : i32
            %scan3A_202 = arith.constant 8 : i32
            scf.for %scan3A_204 = %scan3A_199 to %scan3A_201 step %scan3A_202  : i32 {
              %mul3A_205 = arith.constant 1 : i32
              %mul3A_206 = arith.muli %scan3A_204, %mul3A_205 : i32
              %add3A_207 = arith.constant 0 : i32
              %add3A_208 = arith.addi %add3A_207, %mul3A_206 : i32
              %mul3A_209 = arith.constant 16 : i32
              %mul3A_210 = arith.muli %add3A_208, %mul3A_209 : i32
              %get3A_211 = arith.index_cast %add3A_142 : i32 to index
              %get3A_212 = arith.index_cast %mul3A_210 : i32 to index
              %get3A_213 = tpu.vector_load %arg9[%get3A_211, %get3A_212] {strides = array<i32>} : memref<32x1024xf32, #tpu.memory_space<vmem>>, vector<1x16xf32>,
              %get3A_214 = vector.shape_cast %get3A_213 : vector<1x16xf32> to vector<16xf32>
              %mul3A_215 = vector.broadcast %select_n3A_152 : f32 to vector<16xf32>
              %mul3A_216 = arith.mulf %mul3A_215, %get3A_214 : vector<16xf32>
              %swap3A = arith.index_cast %sub3A_198 : i32 to index
              %swap3A_217 = arith.index_cast %mul3A_210 : i32 to index
              %swap3A_218 = tpu.vector_load %arg10[%swap3A, %swap3A_217] {strides = array<i32>} : memref<8x1024xf32, #tpu.memory_space<vmem>>, vector<1x16xf32>,
              %swap3A_219 = vector.shape_cast %swap3A_218 : vector<1x16xf32> to vector<16xf32>
              %swap3A_220 = vector.shape_cast %mul3A_216 : vector<16xf32> to vector<1x16xf32>
              tpu.vector_store %arg10[%swap3A, %swap3A_217], %swap3A_220 {add = true, strides = array<i32>} : memref<8x1024xf32, #tpu.memory_space<vmem>>, vector<1x16xf32>,
              %scan3A_221 = arith.constant 1 : i32
              %scan3A_222 = arith.addi %scan3A_204, %scan3A_221 : i32
              %mul3A_223 = arith.constant 1 : i32
              %mul3A_224 = arith.muli %scan3A_222, %mul3A_223 : i32
              %add3A_225 = arith.constant 0 : i32
              %add3A_226 = arith.addi %add3A_225, %mul3A_224 : i32
              %mul3A_227 = arith.constant 16 : i32
              %mul3A_228 = arith.muli %add3A_226, %mul3A_227 : i32
              %get3A_229 = arith.index_cast %add3A_142 : i32 to index
              %get3A_230 = arith.index_cast %mul3A_228 : i32 to index
              %get3A_231 = tpu.vector_load %arg9[%get3A_229, %get3A_230] {strides = array<i32>} : memref<32x1024xf32, #tpu.memory_space<vmem>>, vector<1x16xf32>,
              %get3A_232 = vector.shape_cast %get3A_231 : vector<1x16xf32> to vector<16xf32>
              %mul3A_233 = vector.broadcast %select_n3A_152 : f32 to vector<16xf32>
              %mul3A_234 = arith.mulf %mul3A_233, %get3A_232 : vector<16xf32>
              %swap3A_235 = arith.index_cast %sub3A_198 : i32 to index
              %swap3A_236 = arith.index_cast %mul3A_228 : i32 to index
              %swap3A_237 = tpu.vector_load %arg10[%swap3A_235, %swap3A_236] {strides = array<i32>} : memref<8x1024xf32, #tpu.memory_space<vmem>>, vector<1x16xf32>,
              %swap3A_238 = vector.shape_cast %swap3A_237 : vector<1x16xf32> to vector<16xf32>
              %swap3A_239 = vector.shape_cast %mul3A_234 : vector<16xf32> to vector<1x16xf32>
              tpu.vector_store %arg10[%swap3A_235, %swap3A_236], %swap3A_239 {add = true, strides = array<i32>} : memref<8x1024xf32, #tpu.memory_space<vmem>>, vector<1x16xf32>,
              %scan3A_240 = arith.constant 2 : i32
              %scan3A_241 = arith.addi %scan3A_204, %scan3A_240 : i32
              %mul3A_242 = arith.constant 1 : i32
              %mul3A_243 = arith.muli %scan3A_241, %mul3A_242 : i32
              %add3A_244 = arith.constant 0 : i32
              %add3A_245 = arith.addi %add3A_244, %mul3A_243 : i32
              %mul3A_246 = arith.constant 16 : i32
              %mul3A_247 = arith.muli %add3A_245, %mul3A_246 : i32
              %get3A_248 = arith.index_cast %add3A_142 : i32 to index
              %get3A_249 = arith.index_cast %mul3A_247 : i32 to index
              %get3A_250 = tpu.vector_load %arg9[%get3A_248, %get3A_249] {strides = array<i32>} : memref<32x1024xf32, #tpu.memory_space<vmem>>, vector<1x16xf32>,
              %get3A_251 = vector.shape_cast %get3A_250 : vector<1x16xf32> to vector<16xf32>
              %mul3A_252 = vector.broadcast %select_n3A_152 : f32 to vector<16xf32>
              %mul3A_253 = arith.mulf %mul3A_252, %get3A_251 : vector<16xf32>
              %swap3A_254 = arith.index_cast %sub3A_198 : i32 to index
              %swap3A_255 = arith.index_cast %mul3A_247 : i32 to index
              %swap3A_256 = tpu.vector_load %arg10[%swap3A_254, %swap3A_255] {strides = array<i32>} : memref<8x1024xf32, #tpu.memory_space<vmem>>, vector<1x16xf32>,
              %swap3A_257 = vector.shape_cast %swap3A_256 : vector<1x16xf32> to vector<16xf32>
              %swap3A_258 = vector.shape_cast %mul3A_253 : vector<16xf32> to vector<1x16xf32>
              tpu.vector_store %arg10[%swap3A_254, %swap3A_255], %swap3A_258 {add = true, strides = array<i32>} : memref<8x1024xf32, #tpu.memory_space<vmem>>, vector<1x16xf32>,
              %scan3A_259 = arith.constant 3 : i32
              %scan3A_260 = arith.addi %scan3A_204, %scan3A_259 : i32
              %mul3A_261 = arith.constant 1 : i32
              %mul3A_262 = arith.muli %scan3A_260, %mul3A_261 : i32
              %add3A_263 = arith.constant 0 : i32
              %add3A_264 = arith.addi %add3A_263, %mul3A_262 : i32
              %mul3A_265 = arith.constant 16 : i32
              %mul3A_266 = arith.muli %add3A_264, %mul3A_265 : i32
              %get3A_267 = arith.index_cast %add3A_142 : i32 to index
              %get3A_268 = arith.index_cast %mul3A_266 : i32 to index
              %get3A_269 = tpu.vector_load %arg9[%get3A_267, %get3A_268] {strides = array<i32>} : memref<32x1024xf32, #tpu.memory_space<vmem>>, vector<1x16xf32>,
              %get3A_270 = vector.shape_cast %get3A_269 : vector<1x16xf32> to vector<16xf32>
              %mul3A_271 = vector.broadcast %select_n3A_152 : f32 to vector<16xf32>
              %mul3A_272 = arith.mulf %mul3A_271, %get3A_270 : vector<16xf32>
              %swap3A_273 = arith.index_cast %sub3A_198 : i32 to index
              %swap3A_274 = arith.index_cast %mul3A_266 : i32 to index
              %swap3A_275 = tpu.vector_load %arg10[%swap3A_273, %swap3A_274] {strides = array<i32>} : memref<8x1024xf32, #tpu.memory_space<vmem>>, vector<1x16xf32>,
              %swap3A_276 = vector.shape_cast %swap3A_275 : vector<1x16xf32> to vector<16xf32>
              %swap3A_277 = vector.shape_cast %mul3A_272 : vector<16xf32> to vector<1x16xf32>
              tpu.vector_store %arg10[%swap3A_273, %swap3A_274], %swap3A_277 {add = true, strides = array<i32>} : memref<8x1024xf32, #tpu.memory_space<vmem>>, vector<1x16xf32>,
              %scan3A_278 = arith.constant 4 : i32
              %scan3A_279 = arith.addi %scan3A_204, %scan3A_278 : i32
              %mul3A_280 = arith.constant 1 : i32
              %mul3A_281 = arith.muli %scan3A_279, %mul3A_280 : i32
              %add3A_282 = arith.constant 0 : i32
              %add3A_283 = arith.addi %add3A_282, %mul3A_281 : i32
              %mul3A_284 = arith.constant 16 : i32
              %mul3A_285 = arith.muli %add3A_283, %mul3A_284 : i32
              %get3A_286 = arith.index_cast %add3A_142 : i32 to index
              %get3A_287 = arith.index_cast %mul3A_285 : i32 to index
              %get3A_288 = tpu.vector_load %arg9[%get3A_286, %get3A_287] {strides = array<i32>} : memref<32x1024xf32, #tpu.memory_space<vmem>>, vector<1x16xf32>,
              %get3A_289 = vector.shape_cast %get3A_288 : vector<1x16xf32> to vector<16xf32>
              %mul3A_290 = vector.broadcast %select_n3A_152 : f32 to vector<16xf32>
              %mul3A_291 = arith.mulf %mul3A_290, %get3A_289 : vector<16xf32>
              %swap3A_292 = arith.index_cast %sub3A_198 : i32 to index
              %swap3A_293 = arith.index_cast %mul3A_285 : i32 to index
              %swap3A_294 = tpu.vector_load %arg10[%swap3A_292, %swap3A_293] {strides = array<i32>} : memref<8x1024xf32, #tpu.memory_space<vmem>>, vector<1x16xf32>,
              %swap3A_295 = vector.shape_cast %swap3A_294 : vector<1x16xf32> to vector<16xf32>
              %swap3A_296 = vector.shape_cast %mul3A_291 : vector<16xf32> to vector<1x16xf32>
              tpu.vector_store %arg10[%swap3A_292, %swap3A_293], %swap3A_296 {add = true, strides = array<i32>} : memref<8x1024xf32, #tpu.memory_space<vmem>>, vector<1x16xf32>,
              %scan3A_297 = arith.constant 5 : i32
              %scan3A_298 = arith.addi %scan3A_204, %scan3A_297 : i32
              %mul3A_299 = arith.constant 1 : i32
              %mul3A_300 = arith.muli %scan3A_298, %mul3A_299 : i32
              %add3A_301 = arith.constant 0 : i32
              %add3A_302 = arith.addi %add3A_301, %mul3A_300 : i32
              %mul3A_303 = arith.constant 16 : i32
              %mul3A_304 = arith.muli %add3A_302, %mul3A_303 : i32
              %get3A_305 = arith.index_cast %add3A_142 : i32 to index
              %get3A_306 = arith.index_cast %mul3A_304 : i32 to index
              %get3A_307 = tpu.vector_load %arg9[%get3A_305, %get3A_306] {strides = array<i32>} : memref<32x1024xf32, #tpu.memory_space<vmem>>, vector<1x16xf32>,
              %get3A_308 = vector.shape_cast %get3A_307 : vector<1x16xf32> to vector<16xf32>
              %mul3A_309 = vector.broadcast %select_n3A_152 : f32 to vector<16xf32>
              %mul3A_310 = arith.mulf %mul3A_309, %get3A_308 : vector<16xf32>
              %swap3A_311 = arith.index_cast %sub3A_198 : i32 to index
              %swap3A_312 = arith.index_cast %mul3A_304 : i32 to index
              %swap3A_313 = tpu.vector_load %arg10[%swap3A_311, %swap3A_312] {strides = array<i32>} : memref<8x1024xf32, #tpu.memory_space<vmem>>, vector<1x16xf32>,
              %swap3A_314 = vector.shape_cast %swap3A_313 : vector<1x16xf32> to vector<16xf32>
              %swap3A_315 = vector.shape_cast %mul3A_310 : vector<16xf32> to vector<1x16xf32>
              tpu.vector_store %arg10[%swap3A_311, %swap3A_312], %swap3A_315 {add = true, strides = array<i32>} : memref<8x1024xf32, #tpu.memory_space<vmem>>, vector<1x16xf32>,
              %scan3A_316 = arith.constant 6 : i32
              %scan3A_317 = arith.addi %scan3A_204, %scan3A_316 : i32
              %mul3A_318 = arith.constant 1 : i32
              %mul3A_319 = arith.muli %scan3A_317, %mul3A_318 : i32
              %add3A_320 = arith.constant 0 : i32
              %add3A_321 = arith.addi %add3A_320, %mul3A_319 : i32
              %mul3A_322 = arith.constant 16 : i32
              %mul3A_323 = arith.muli %add3A_321, %mul3A_322 : i32
              %get3A_324 = arith.index_cast %add3A_142 : i32 to index
              %get3A_325 = arith.index_cast %mul3A_323 : i32 to index
              %get3A_326 = tpu.vector_load %arg9[%get3A_324, %get3A_325] {strides = array<i32>} : memref<32x1024xf32, #tpu.memory_space<vmem>>, vector<1x16xf32>,
              %get3A_327 = vector.shape_cast %get3A_326 : vector<1x16xf32> to vector<16xf32>
              %mul3A_328 = vector.broadcast %select_n3A_152 : f32 to vector<16xf32>
              %mul3A_329 = arith.mulf %mul3A_328, %get3A_327 : vector<16xf32>
              %swap3A_330 = arith.index_cast %sub3A_198 : i32 to index
              %swap3A_331 = arith.index_cast %mul3A_323 : i32 to index
              %swap3A_332 = tpu.vector_load %arg10[%swap3A_330, %swap3A_331] {strides = array<i32>} : memref<8x1024xf32, #tpu.memory_space<vmem>>, vector<1x16xf32>,
              %swap3A_333 = vector.shape_cast %swap3A_332 : vector<1x16xf32> to vector<16xf32>
              %swap3A_334 = vector.shape_cast %mul3A_329 : vector<16xf32> to vector<1x16xf32>
              tpu.vector_store %arg10[%swap3A_330, %swap3A_331], %swap3A_334 {add = true, strides = array<i32>} : memref<8x1024xf32, #tpu.memory_space<vmem>>, vector<1x16xf32>,
              %scan3A_335 = arith.constant 7 : i32
              %scan3A_336 = arith.addi %scan3A_204, %scan3A_335 : i32
              %mul3A_337 = arith.constant 1 : i32
              %mul3A_338 = arith.muli %scan3A_336, %mul3A_337 : i32
              %add3A_339 = arith.constant 0 : i32
              %add3A_340 = arith.addi %add3A_339, %mul3A_338 : i32
              %mul3A_341 = arith.constant 16 : i32
              %mul3A_342 = arith.muli %add3A_340, %mul3A_341 : i32
              %get3A_343 = arith.index_cast %add3A_142 : i32 to index
              %get3A_344 = arith.index_cast %mul3A_342 : i32 to index
              %get3A_345 = tpu.vector_load %arg9[%get3A_343, %get3A_344] {strides = array<i32>} : memref<32x1024xf32, #tpu.memory_space<vmem>>, vector<1x16xf32>,
              %get3A_346 = vector.shape_cast %get3A_345 : vector<1x16xf32> to vector<16xf32>
              %mul3A_347 = vector.broadcast %select_n3A_152 : f32 to vector<16xf32>
              %mul3A_348 = arith.mulf %mul3A_347, %get3A_346 : vector<16xf32>
              %swap3A_349 = arith.index_cast %sub3A_198 : i32 to index
              %swap3A_350 = arith.index_cast %mul3A_342 : i32 to index
              %swap3A_351 = tpu.vector_load %arg10[%swap3A_349, %swap3A_350] {strides = array<i32>} : memref<8x1024xf32, #tpu.memory_space<vmem>>, vector<1x16xf32>,
              %swap3A_352 = vector.shape_cast %swap3A_351 : vector<1x16xf32> to vector<16xf32>
              %swap3A_353 = vector.shape_cast %mul3A_348 : vector<16xf32> to vector<1x16xf32>
              tpu.vector_store %arg10[%swap3A_349, %swap3A_350], %swap3A_353 {add = true, strides = array<i32>} : memref<8x1024xf32, #tpu.memory_space<vmem>>, vector<1x16xf32>,
            }
            %scan3A_203 = arith.constant 64 : i32
          } else {
          }
          scf.yield %select_n3A_186 : i32
        }
        %scan3A_136 = arith.constant 32 : i32
        scf.yield %scan3A_135 : i32
      }
      %while3A_120 = arith.constant 1 : i32
      %while3A_121 = scf.for %while3A_124 = %while3A_117 to %while3A_113 step %while3A_120 iter_args(%while3A_125 = %while3A_119) -> (i32)  : i32 {
        %mul3A_126 = arith.muli %while3A_124, %while3A_109 : i32
        %add3A_127 = arith.addi %while3A_110, %mul3A_126 : i32
        %mul3A_128 = arith.constant 32 : i32
        %mul3A_129 = arith.muli %add3A_127, %mul3A_128 : i32
        %add3A_130 = arith.addi %mul3A_49, %mul3A_129 : i32
        "tpu.region"() ({
          %run_scoped3A = tpu.sem_alloc : memref<!tpu.dma_semaphore, #tpu.memory_space<semaphore_mem>>
          %dma_start3A = tpu.memref_slice %arg3[%add3A_130] : memref<160032xi32, #tpu.memory_space<hbm>> -> memref<32xi32, #tpu.memory_space<hbm>>
          %dma_start3A_137 = tpu.memref_slice %arg3[%add3A_130] : memref<160032xi32, #tpu.memory_space<hbm>> -> memref<32xi32, #tpu.memory_space<hbm>>
          tpu.enqueue_dma source(%dma_start3A_137 : memref<32xi32, #tpu.memory_space<hbm>>) target(%arg8 : memref<32xi32, #tpu.memory_space<vmem>>) target_semaphore(%run_scoped3A : memref<!tpu.dma_semaphore, #tpu.memory_space<semaphore_mem>>)
          %dma_wait3A = tpu.memref_slice %arg3[%add3A_130] : memref<160032xi32, #tpu.memory_space<hbm>> -> memref<32xi32, #tpu.memory_space<hbm>>
          %dma_wait3A_138 = tpu.memref_slice %arg3[%add3A_130] : memref<160032xi32, #tpu.memory_space<hbm>> -> memref<32xi32, #tpu.memory_space<hbm>>
          tpu.wait_dma2 semaphore(%run_scoped3A : memref<!tpu.dma_semaphore, #tpu.memory_space<semaphore_mem>>) src(%dma_wait3A_138 : memref<32xi32, #tpu.memory_space<hbm>>) dst(%arg8 : memref<32xi32, #tpu.memory_space<vmem>>)
          tpu.yield
        }) : () -> ()
        "tpu.region"() ({
          %run_scoped3A = tpu.sem_alloc : memref<!tpu.dma_semaphore, #tpu.memory_space<semaphore_mem>>
          %dma_start3A = arith.constant 0 : i32
          %dma_start3A_137 = tpu.memref_slice %arg13[%dma_start3A] : memref<48xi32, #tpu.memory_space<vmem>> -> memref<32xi32, #tpu.memory_space<vmem>>
          %dma_start3A_138 = tpu.memref_slice %arg4[%add3A_130] : memref<160032xi32, #tpu.memory_space<hbm>> -> memref<32xi32, #tpu.memory_space<hbm>>
          %dma_start3A_139 = arith.constant 0 : i32
          %dma_start3A_140 = tpu.memref_slice %arg13[%dma_start3A_139] : memref<48xi32, #tpu.memory_space<vmem>> -> memref<32xi32, #tpu.memory_space<vmem>>
          %dma_start3A_141 = tpu.memref_slice %arg4[%add3A_130] : memref<160032xi32, #tpu.memory_space<hbm>> -> memref<32xi32, #tpu.memory_space<hbm>>
          tpu.enqueue_dma source(%dma_start3A_141 : memref<32xi32, #tpu.memory_space<hbm>>) target(%dma_start3A_140 : memref<32xi32, #tpu.memory_space<vmem>>) target_semaphore(%run_scoped3A : memref<!tpu.dma_semaphore, #tpu.memory_space<semaphore_mem>>)
          %dma_wait3A = arith.constant 0 : i32
          %dma_wait3A_142 = tpu.memref_slice %arg13[%dma_wait3A] : memref<48xi32, #tpu.memory_space<vmem>> -> memref<32xi32, #tpu.memory_space<vmem>>
          %dma_wait3A_143 = tpu.memref_slice %arg4[%add3A_130] : memref<160032xi32, #tpu.memory_space<hbm>> -> memref<32xi32, #tpu.memory_space<hbm>>
          %dma_wait3A_144 = arith.constant 0 : i32
          %dma_wait3A_145 = tpu.memref_slice %arg13[%dma_wait3A_144] : memref<48xi32, #tpu.memory_space<vmem>> -> memref<32xi32, #tpu.memory_space<vmem>>
          %dma_wait3A_146 = tpu.memref_slice %arg4[%add3A_130] : memref<160032xi32, #tpu.memory_space<hbm>> -> memref<32xi32, #tpu.memory_space<hbm>>
          tpu.wait_dma2 semaphore(%run_scoped3A : memref<!tpu.dma_semaphore, #tpu.memory_space<semaphore_mem>>) src(%dma_wait3A_146 : memref<32xi32, #tpu.memory_space<hbm>>) dst(%dma_wait3A_145 : memref<32xi32, #tpu.memory_space<vmem>>)
          tpu.yield
        }) : () -> ()
        "tpu.region"() ({
          %run_scoped3A = tpu.sem_alloc : memref<!tpu.dma_semaphore, #tpu.memory_space<semaphore_mem>>
          %dma_start3A = arith.constant 0 : i32
          %dma_start3A_137 = tpu.memref_slice %arg14[%dma_start3A] : memref<48xf32, #tpu.memory_space<vmem>> -> memref<32xf32, #tpu.memory_space<vmem>>
          %dma_start3A_138 = tpu.memref_slice %arg5[%add3A_130] : memref<160032xf32, #tpu.memory_space<hbm>> -> memref<32xf32, #tpu.memory_space<hbm>>
          %dma_start3A_139 = arith.constant 0 : i32
          %dma_start3A_140 = tpu.memref_slice %arg14[%dma_start3A_139] : memref<48xf32, #tpu.memory_space<vmem>> -> memref<32xf32, #tpu.memory_space<vmem>>
          %dma_start3A_141 = tpu.memref_slice %arg5[%add3A_130] : memref<160032xf32, #tpu.memory_space<hbm>> -> memref<32xf32, #tpu.memory_space<hbm>>
          tpu.enqueue_dma source(%dma_start3A_141 : memref<32xf32, #tpu.memory_space<hbm>>) target(%dma_start3A_140 : memref<32xf32, #tpu.memory_space<vmem>>) target_semaphore(%run_scoped3A : memref<!tpu.dma_semaphore, #tpu.memory_space<semaphore_mem>>)
          %dma_wait3A = arith.constant 0 : i32
          %dma_wait3A_142 = tpu.memref_slice %arg14[%dma_wait3A] : memref<48xf32, #tpu.memory_space<vmem>> -> memref<32xf32, #tpu.memory_space<vmem>>
          %dma_wait3A_143 = tpu.memref_slice %arg5[%add3A_130] : memref<160032xf32, #tpu.memory_space<hbm>> -> memref<32xf32, #tpu.memory_space<hbm>>
          %dma_wait3A_144 = arith.constant 0 : i32
          %dma_wait3A_145 = tpu.memref_slice %arg14[%dma_wait3A_144] : memref<48xf32, #tpu.memory_space<vmem>> -> memref<32xf32, #tpu.memory_space<vmem>>
          %dma_wait3A_146 = tpu.memref_slice %arg5[%add3A_130] : memref<160032xf32, #tpu.memory_space<hbm>> -> memref<32xf32, #tpu.memory_space<hbm>>
          tpu.wait_dma2 semaphore(%run_scoped3A : memref<!tpu.dma_semaphore, #tpu.memory_space<semaphore_mem>>) src(%dma_wait3A_146 : memref<32xf32, #tpu.memory_space<hbm>>) dst(%dma_wait3A_145 : memref<32xf32, #tpu.memory_space<vmem>>)
          tpu.yield
        }) : () -> ()
        "tpu.region"() ({
          %run_scoped3A = tpu.sem_alloc : memref<!tpu.dma_semaphore, #tpu.memory_space<semaphore_mem>>
          %dma_start3A = arith.constant 0 : i32
          %dma_start3A_137 = arith.constant 0 : i32
          %dma_start3A_138 = tpu.memref_slice %arg2[%dma_start3A, %dma_start3A_137] : memref<10000x1024xf32, #tpu.memory_space<hbm>> -> memref<10000x1024xf32, #tpu.memory_space<hbm>>
          tpu.enqueue_indirect_dma source(%dma_start3A_138 : memref<10000x1024xf32, #tpu.memory_space<hbm>>) target(%arg9 : memref<32x1024xf32, #tpu.memory_space<vmem>>) offsets(%arg8 : memref<32xi32, #tpu.memory_space<vmem>>) semaphore(%run_scoped3A : memref<!tpu.dma_semaphore, #tpu.memory_space<semaphore_mem>>)
          %dma_wait3A = arith.constant 0 : i32
          %dma_wait3A_139 = arith.constant 0 : i32
          %dma_wait3A_140 = tpu.memref_slice %arg2[%dma_wait3A, %dma_wait3A_139] : memref<10000x1024xf32, #tpu.memory_space<hbm>> -> memref<10000x1024xf32, #tpu.memory_space<hbm>>
          tpu.wait_indirect_dma semaphore(%run_scoped3A : memref<!tpu.dma_semaphore, #tpu.memory_space<semaphore_mem>>) src(%dma_wait3A_140 : memref<10000x1024xf32, #tpu.memory_space<hbm>>) dst(%arg9 : memref<32x1024xf32, #tpu.memory_space<vmem>>)
          tpu.yield
        }) : () -> ()
        %scan3A_131 = arith.constant 0 : i32
        %scan3A_132 = arith.constant 32 : i32
        %scan3A_133 = arith.addi %scan3A_131, %scan3A_132 : i32
        %scan3A_134 = arith.constant 1 : i32
        %scan3A_135 = scf.for %scan3A_137 = %scan3A_131 to %scan3A_133 step %scan3A_134 iter_args(%scan3A_138 = %while3A_125) -> (i32)  : i32 {
          %mul3A_139 = arith.constant 1 : i32
          %mul3A_140 = arith.muli %scan3A_137, %mul3A_139 : i32
          %add3A_141 = arith.constant 0 : i32
          %add3A_142 = arith.addi %add3A_141, %mul3A_140 : i32
          %add3A_143 = arith.addi %add3A_130, %add3A_142 : i32
          %ge3A = arith.cmpi sge, %add3A_143, %squeeze3A_7 : i32
          %lt3A_144 = arith.cmpi slt, %add3A_143, %squeeze3A_9 : i32
          %and3A_145 = arith.andi %ge3A, %lt3A_144 : i1
          %get3A_146 = arith.index_cast %add3A_142 : i32 to index
          %get3A_147 = tpu.vector_load %arg14[%get3A_146] {strides = array<i32>} : memref<48xf32, #tpu.memory_space<vmem>>, vector<16xf32>,
          %get3A_148 = vector.shape_cast %get3A_147 : vector<16xf32> to vector<16xf32>
          %slice3A_149 = vector.extract_strided_slice %get3A_148 {offsets = [0], sizes = [1], strides = [1]} : vector<16xf32> to vector<1xf32>
          %squeeze3A_150 = vector.extract %slice3A_149[0] : f32 from vector<1xf32>
          %jit3A_151 = arith.constant 0.000000e+00 : f32
          %select_n3A_152 = arith.select %and3A_145, %squeeze3A_150, %jit3A_151 : f32
          %get3A_153 = arith.index_cast %add3A_142 : i32 to index
          %get3A_154 = tpu.vector_load %arg13[%get3A_153] {strides = array<i32>} : memref<48xi32, #tpu.memory_space<vmem>>, vector<16xi32>,
          %get3A_155 = vector.shape_cast %get3A_154 : vector<16xi32> to vector<16xi32>
          %slice3A_156 = vector.extract_strided_slice %get3A_155 {offsets = [0], sizes = [1], strides = [1]} : vector<16xi32> to vector<1xi32>
          %squeeze3A_157 = vector.extract %slice3A_156[0] : i32 from vector<1xi32>
          %mul3A_158 = arith.constant 8 : i32
          %mul3A_159 = arith.muli %scan3A_138, %mul3A_158 : i32
          %select_n3A_160 = arith.select %and3A_145, %squeeze3A_157, %mul3A_159 : i32
          %sub3A_161 = arith.constant 1 : i32
          %sub3A_162 = arith.subi %squeeze3A_5, %sub3A_161 : i32
          %max3A = arith.maxsi %squeeze3A, %select_n3A_160 : i32
          %min3A = arith.minsi %sub3A_162, %max3A : i32
          %jit3A_163 = arith.constant 8 : i32
          %div3A_164 = arith.divsi %min3A, %jit3A_163 : i32
          %sign3A_165 = arith.constant 0 : i32
          %sign3A_166 = arith.cmpi sgt, %min3A, %sign3A_165 : i32
          %sign3A_167 = arith.extui %sign3A_166 : i1 to i32
          %sign3A_168 = arith.constant 0 : i32
          %sign3A_169 = arith.cmpi slt, %min3A, %sign3A_168 : i32
          %sign3A_170 = arith.extui %sign3A_169 : i1 to i32
          %sign3A_171 = arith.subi %sign3A_167, %sign3A_170 : i32
          %sign3A_172 = arith.constant 0 : i32
          %sign3A_173 = arith.cmpi sgt, %jit3A_163, %sign3A_172 : i32
          %sign3A_174 = arith.extui %sign3A_173 : i1 to i32
          %sign3A_175 = arith.constant 0 : i32
          %sign3A_176 = arith.cmpi slt, %jit3A_163, %sign3A_175 : i32
          %sign3A_177 = arith.extui %sign3A_176 : i1 to i32
          %sign3A_178 = arith.subi %sign3A_174, %sign3A_177 : i32
          %ne3A_179 = arith.cmpi ne, %sign3A_171, %sign3A_178 : i32
          %rem3A_180 = arith.remsi %min3A, %jit3A_163 : i32
          %ne3A_181 = arith.constant 0 : i32
          %ne3A_182 = arith.cmpi ne, %rem3A_180, %ne3A_181 : i32
          %and3A_183 = arith.andi %ne3A_179, %ne3A_182 : i1
          %sub3A_184 = arith.constant 1 : i32
          %sub3A_185 = arith.subi %div3A_164, %sub3A_184 : i32
          %select_n3A_186 = arith.select %and3A_183, %sub3A_185, %div3A_164 : i32
          %ne3A_187 = arith.cmpi ne, %select_n3A_186, %scan3A_138 : i32
          %convert_element_type3A_188 = arith.extui %ne3A_187 : i1 to i32
          %cond3A_189 = arith.constant 0 : i32
          %cond3A_190 = arith.cmpi ne, %convert_element_type3A_188, %cond3A_189 : i32
          scf.if %cond3A_190 {
            %mul3A_196 = arith.constant 8 : i32
            %mul3A_197 = arith.muli %scan3A_138, %mul3A_196 : i32
            %multiple_of3A_198 = tpu.assume_multiple %mul3A_197, 8 : i32
            "tpu.region"() ({
              %run_scoped3A = tpu.sem_alloc : memref<!tpu.dma_semaphore, #tpu.memory_space<semaphore_mem>>
              %dma_start3A = arith.constant 0 : i32
              %dma_start3A_204 = tpu.memref_slice %arg7[%multiple_of3A_198, %dma_start3A] : memref<10000x1024xf32, #tpu.memory_space<hbm>> -> memref<8x1024xf32, #tpu.memory_space<hbm>>
              %dma_start3A_205 = arith.constant 0 : i32
              %dma_start3A_206 = tpu.memref_slice %arg7[%multiple_of3A_198, %dma_start3A_205] : memref<10000x1024xf32, #tpu.memory_space<hbm>> -> memref<8x1024xf32, #tpu.memory_space<hbm>>
              tpu.enqueue_dma source(%arg10 : memref<8x1024xf32, #tpu.memory_space<vmem>>) target(%dma_start3A_206 : memref<8x1024xf32, #tpu.memory_space<hbm>>) target_semaphore(%run_scoped3A : memref<!tpu.dma_semaphore, #tpu.memory_space<semaphore_mem>>)
              %dma_wait3A = arith.constant 0 : i32
              %dma_wait3A_207 = tpu.memref_slice %arg7[%multiple_of3A_198, %dma_wait3A] : memref<10000x1024xf32, #tpu.memory_space<hbm>> -> memref<8x1024xf32, #tpu.memory_space<hbm>>
              %dma_wait3A_208 = arith.constant 0 : i32
              %dma_wait3A_209 = tpu.memref_slice %arg7[%multiple_of3A_198, %dma_wait3A_208] : memref<10000x1024xf32, #tpu.memory_space<hbm>> -> memref<8x1024xf32, #tpu.memory_space<hbm>>
              tpu.wait_dma2 semaphore(%run_scoped3A : memref<!tpu.dma_semaphore, #tpu.memory_space<semaphore_mem>>) src(%arg10 : memref<8x1024xf32, #tpu.memory_space<vmem>>) dst(%dma_wait3A_209 : memref<8x1024xf32, #tpu.memory_space<hbm>>)
              tpu.yield
            }) : () -> ()
            %scan3A_199 = arith.constant 0 : i32
            %scan3A_200 = arith.constant 8 : i32
            %scan3A_201 = arith.addi %scan3A_199, %scan3A_200 : i32
            %scan3A_202 = arith.constant 1 : i32
            scf.for %scan3A_204 = %scan3A_199 to %scan3A_201 step %scan3A_202  : i32 {
              %mul3A_205 = arith.constant 1 : i32
              %mul3A_206 = arith.muli %scan3A_204, %mul3A_205 : i32
              %add3A_207 = arith.constant 0 : i32
              %add3A_208 = arith.addi %add3A_207, %mul3A_206 : i32
              %scan3A_209 = arith.constant 0 : i32
              %scan3A_210 = arith.constant 64 : i32
              %scan3A_211 = arith.addi %scan3A_209, %scan3A_210 : i32
              %scan3A_212 = arith.constant 1 : i32
              scf.for %scan3A_214 = %scan3A_209 to %scan3A_211 step %scan3A_212  : i32 {
                %mul3A_215 = arith.constant 1 : i32
                %mul3A_216 = arith.muli %scan3A_214, %mul3A_215 : i32
                %add3A_217 = arith.constant 0 : i32
                %add3A_218 = arith.addi %add3A_217, %mul3A_216 : i32
                %mul3A_219 = arith.constant 16 : i32
                %mul3A_220 = arith.muli %add3A_218, %mul3A_219 : i32
                %swap3A = arith.index_cast %add3A_208 : i32 to index
                %swap3A_221 = arith.index_cast %mul3A_220 : i32 to index
                %swap3A_222 = tpu.vector_load %arg10[%swap3A, %swap3A_221] {strides = array<i32>} : memref<8x1024xf32, #tpu.memory_space<vmem>>, vector<1x16xf32>,
                %swap3A_223 = vector.shape_cast %swap3A_222 : vector<1x16xf32> to vector<16xf32>
                %swap3A_224 = vector.shape_cast %broadcast_in_dim3A_10 : vector<16xf32> to vector<1x16xf32>
                tpu.vector_store %arg10[%swap3A, %swap3A_221], %swap3A_224 {strides = array<i32>} : memref<8x1024xf32, #tpu.memory_space<vmem>>, vector<1x16xf32>,
              }
              %scan3A_213 = arith.constant 64 : i32
            }
            %scan3A_203 = arith.constant 8 : i32
          } else {
          }
          %ne3A_191 = arith.constant 0.000000e+00 : f32
          %ne3A_192 = arith.cmpf one, %select_n3A_152, %ne3A_191 : f32
          %convert_element_type3A_193 = arith.extui %ne3A_192 : i1 to i32
          %cond3A_194 = arith.constant 0 : i32
          %cond3A_195 = arith.cmpi ne, %convert_element_type3A_193, %cond3A_194 : i32
          scf.if %cond3A_195 {
            %mul3A_196 = arith.constant 8 : i32
            %mul3A_197 = arith.muli %select_n3A_186, %mul3A_196 : i32
            %sub3A_198 = arith.subi %min3A, %mul3A_197 : i32
            %scan3A_199 = arith.constant 0 : i32
            %scan3A_200 = arith.constant 64 : i32
            %scan3A_201 = arith.addi %scan3A_199, %scan3A_200 : i32
            %scan3A_202 = arith.constant 8 : i32
            scf.for %scan3A_204 = %scan3A_199 to %scan3A_201 step %scan3A_202  : i32 {
              %mul3A_205 = arith.constant 1 : i32
              %mul3A_206 = arith.muli %scan3A_204, %mul3A_205 : i32
              %add3A_207 = arith.constant 0 : i32
              %add3A_208 = arith.addi %add3A_207, %mul3A_206 : i32
              %mul3A_209 = arith.constant 16 : i32
              %mul3A_210 = arith.muli %add3A_208, %mul3A_209 : i32
              %get3A_211 = arith.index_cast %add3A_142 : i32 to index
              %get3A_212 = arith.index_cast %mul3A_210 : i32 to index
              %get3A_213 = tpu.vector_load %arg9[%get3A_211, %get3A_212] {strides = array<i32>} : memref<32x1024xf32, #tpu.memory_space<vmem>>, vector<1x16xf32>,
              %get3A_214 = vector.shape_cast %get3A_213 : vector<1x16xf32> to vector<16xf32>
              %mul3A_215 = vector.broadcast %select_n3A_152 : f32 to vector<16xf32>
              %mul3A_216 = arith.mulf %mul3A_215, %get3A_214 : vector<16xf32>
              %swap3A = arith.index_cast %sub3A_198 : i32 to index
              %swap3A_217 = arith.index_cast %mul3A_210 : i32 to index
              %swap3A_218 = tpu.vector_load %arg10[%swap3A, %swap3A_217] {strides = array<i32>} : memref<8x1024xf32, #tpu.memory_space<vmem>>, vector<1x16xf32>,
              %swap3A_219 = vector.shape_cast %swap3A_218 : vector<1x16xf32> to vector<16xf32>
              %swap3A_220 = vector.shape_cast %mul3A_216 : vector<16xf32> to vector<1x16xf32>
              tpu.vector_store %arg10[%swap3A, %swap3A_217], %swap3A_220 {add = true, strides = array<i32>} : memref<8x1024xf32, #tpu.memory_space<vmem>>, vector<1x16xf32>,
              %scan3A_221 = arith.constant 1 : i32
              %scan3A_222 = arith.addi %scan3A_204, %scan3A_221 : i32
              %mul3A_223 = arith.constant 1 : i32
              %mul3A_224 = arith.muli %scan3A_222, %mul3A_223 : i32
              %add3A_225 = arith.constant 0 : i32
              %add3A_226 = arith.addi %add3A_225, %mul3A_224 : i32
              %mul3A_227 = arith.constant 16 : i32
              %mul3A_228 = arith.muli %add3A_226, %mul3A_227 : i32
              %get3A_229 = arith.index_cast %add3A_142 : i32 to index
              %get3A_230 = arith.index_cast %mul3A_228 : i32 to index
              %get3A_231 = tpu.vector_load %arg9[%get3A_229, %get3A_230] {strides = array<i32>} : memref<32x1024xf32, #tpu.memory_space<vmem>>, vector<1x16xf32>,
              %get3A_232 = vector.shape_cast %get3A_231 : vector<1x16xf32> to vector<16xf32>
              %mul3A_233 = vector.broadcast %select_n3A_152 : f32 to vector<16xf32>
              %mul3A_234 = arith.mulf %mul3A_233, %get3A_232 : vector<16xf32>
              %swap3A_235 = arith.index_cast %sub3A_198 : i32 to index
              %swap3A_236 = arith.index_cast %mul3A_228 : i32 to index
              %swap3A_237 = tpu.vector_load %arg10[%swap3A_235, %swap3A_236] {strides = array<i32>} : memref<8x1024xf32, #tpu.memory_space<vmem>>, vector<1x16xf32>,
              %swap3A_238 = vector.shape_cast %swap3A_237 : vector<1x16xf32> to vector<16xf32>
              %swap3A_239 = vector.shape_cast %mul3A_234 : vector<16xf32> to vector<1x16xf32>
              tpu.vector_store %arg10[%swap3A_235, %swap3A_236], %swap3A_239 {add = true, strides = array<i32>} : memref<8x1024xf32, #tpu.memory_space<vmem>>, vector<1x16xf32>,
              %scan3A_240 = arith.constant 2 : i32
              %scan3A_241 = arith.addi %scan3A_204, %scan3A_240 : i32
              %mul3A_242 = arith.constant 1 : i32
              %mul3A_243 = arith.muli %scan3A_241, %mul3A_242 : i32
              %add3A_244 = arith.constant 0 : i32
              %add3A_245 = arith.addi %add3A_244, %mul3A_243 : i32
              %mul3A_246 = arith.constant 16 : i32
              %mul3A_247 = arith.muli %add3A_245, %mul3A_246 : i32
              %get3A_248 = arith.index_cast %add3A_142 : i32 to index
              %get3A_249 = arith.index_cast %mul3A_247 : i32 to index
              %get3A_250 = tpu.vector_load %arg9[%get3A_248, %get3A_249] {strides = array<i32>} : memref<32x1024xf32, #tpu.memory_space<vmem>>, vector<1x16xf32>,
              %get3A_251 = vector.shape_cast %get3A_250 : vector<1x16xf32> to vector<16xf32>
              %mul3A_252 = vector.broadcast %select_n3A_152 : f32 to vector<16xf32>
              %mul3A_253 = arith.mulf %mul3A_252, %get3A_251 : vector<16xf32>
              %swap3A_254 = arith.index_cast %sub3A_198 : i32 to index
              %swap3A_255 = arith.index_cast %mul3A_247 : i32 to index
              %swap3A_256 = tpu.vector_load %arg10[%swap3A_254, %swap3A_255] {strides = array<i32>} : memref<8x1024xf32, #tpu.memory_space<vmem>>, vector<1x16xf32>,
              %swap3A_257 = vector.shape_cast %swap3A_256 : vector<1x16xf32> to vector<16xf32>
              %swap3A_258 = vector.shape_cast %mul3A_253 : vector<16xf32> to vector<1x16xf32>
              tpu.vector_store %arg10[%swap3A_254, %swap3A_255], %swap3A_258 {add = true, strides = array<i32>} : memref<8x1024xf32, #tpu.memory_space<vmem>>, vector<1x16xf32>,
              %scan3A_259 = arith.constant 3 : i32
              %scan3A_260 = arith.addi %scan3A_204, %scan3A_259 : i32
              %mul3A_261 = arith.constant 1 : i32
              %mul3A_262 = arith.muli %scan3A_260, %mul3A_261 : i32
              %add3A_263 = arith.constant 0 : i32
              %add3A_264 = arith.addi %add3A_263, %mul3A_262 : i32
              %mul3A_265 = arith.constant 16 : i32
              %mul3A_266 = arith.muli %add3A_264, %mul3A_265 : i32
              %get3A_267 = arith.index_cast %add3A_142 : i32 to index
              %get3A_268 = arith.index_cast %mul3A_266 : i32 to index
              %get3A_269 = tpu.vector_load %arg9[%get3A_267, %get3A_268] {strides = array<i32>} : memref<32x1024xf32, #tpu.memory_space<vmem>>, vector<1x16xf32>,
              %get3A_270 = vector.shape_cast %get3A_269 : vector<1x16xf32> to vector<16xf32>
              %mul3A_271 = vector.broadcast %select_n3A_152 : f32 to vector<16xf32>
              %mul3A_272 = arith.mulf %mul3A_271, %get3A_270 : vector<16xf32>
              %swap3A_273 = arith.index_cast %sub3A_198 : i32 to index
              %swap3A_274 = arith.index_cast %mul3A_266 : i32 to index
              %swap3A_275 = tpu.vector_load %arg10[%swap3A_273, %swap3A_274] {strides = array<i32>} : memref<8x1024xf32, #tpu.memory_space<vmem>>, vector<1x16xf32>,
              %swap3A_276 = vector.shape_cast %swap3A_275 : vector<1x16xf32> to vector<16xf32>
              %swap3A_277 = vector.shape_cast %mul3A_272 : vector<16xf32> to vector<1x16xf32>
              tpu.vector_store %arg10[%swap3A_273, %swap3A_274], %swap3A_277 {add = true, strides = array<i32>} : memref<8x1024xf32, #tpu.memory_space<vmem>>, vector<1x16xf32>,
              %scan3A_278 = arith.constant 4 : i32
              %scan3A_279 = arith.addi %scan3A_204, %scan3A_278 : i32
              %mul3A_280 = arith.constant 1 : i32
              %mul3A_281 = arith.muli %scan3A_279, %mul3A_280 : i32
              %add3A_282 = arith.constant 0 : i32
              %add3A_283 = arith.addi %add3A_282, %mul3A_281 : i32
              %mul3A_284 = arith.constant 16 : i32
              %mul3A_285 = arith.muli %add3A_283, %mul3A_284 : i32
              %get3A_286 = arith.index_cast %add3A_142 : i32 to index
              %get3A_287 = arith.index_cast %mul3A_285 : i32 to index
              %get3A_288 = tpu.vector_load %arg9[%get3A_286, %get3A_287] {strides = array<i32>} : memref<32x1024xf32, #tpu.memory_space<vmem>>, vector<1x16xf32>,
              %get3A_289 = vector.shape_cast %get3A_288 : vector<1x16xf32> to vector<16xf32>
              %mul3A_290 = vector.broadcast %select_n3A_152 : f32 to vector<16xf32>
              %mul3A_291 = arith.mulf %mul3A_290, %get3A_289 : vector<16xf32>
              %swap3A_292 = arith.index_cast %sub3A_198 : i32 to index
              %swap3A_293 = arith.index_cast %mul3A_285 : i32 to index
              %swap3A_294 = tpu.vector_load %arg10[%swap3A_292, %swap3A_293] {strides = array<i32>} : memref<8x1024xf32, #tpu.memory_space<vmem>>, vector<1x16xf32>,
              %swap3A_295 = vector.shape_cast %swap3A_294 : vector<1x16xf32> to vector<16xf32>
              %swap3A_296 = vector.shape_cast %mul3A_291 : vector<16xf32> to vector<1x16xf32>
              tpu.vector_store %arg10[%swap3A_292, %swap3A_293], %swap3A_296 {add = true, strides = array<i32>} : memref<8x1024xf32, #tpu.memory_space<vmem>>, vector<1x16xf32>,
              %scan3A_297 = arith.constant 5 : i32
              %scan3A_298 = arith.addi %scan3A_204, %scan3A_297 : i32
              %mul3A_299 = arith.constant 1 : i32
              %mul3A_300 = arith.muli %scan3A_298, %mul3A_299 : i32
              %add3A_301 = arith.constant 0 : i32
              %add3A_302 = arith.addi %add3A_301, %mul3A_300 : i32
              %mul3A_303 = arith.constant 16 : i32
              %mul3A_304 = arith.muli %add3A_302, %mul3A_303 : i32
              %get3A_305 = arith.index_cast %add3A_142 : i32 to index
              %get3A_306 = arith.index_cast %mul3A_304 : i32 to index
              %get3A_307 = tpu.vector_load %arg9[%get3A_305, %get3A_306] {strides = array<i32>} : memref<32x1024xf32, #tpu.memory_space<vmem>>, vector<1x16xf32>,
              %get3A_308 = vector.shape_cast %get3A_307 : vector<1x16xf32> to vector<16xf32>
              %mul3A_309 = vector.broadcast %select_n3A_152 : f32 to vector<16xf32>
              %mul3A_310 = arith.mulf %mul3A_309, %get3A_308 : vector<16xf32>
              %swap3A_311 = arith.index_cast %sub3A_198 : i32 to index
              %swap3A_312 = arith.index_cast %mul3A_304 : i32 to index
              %swap3A_313 = tpu.vector_load %arg10[%swap3A_311, %swap3A_312] {strides = array<i32>} : memref<8x1024xf32, #tpu.memory_space<vmem>>, vector<1x16xf32>,
              %swap3A_314 = vector.shape_cast %swap3A_313 : vector<1x16xf32> to vector<16xf32>
              %swap3A_315 = vector.shape_cast %mul3A_310 : vector<16xf32> to vector<1x16xf32>
              tpu.vector_store %arg10[%swap3A_311, %swap3A_312], %swap3A_315 {add = true, strides = array<i32>} : memref<8x1024xf32, #tpu.memory_space<vmem>>, vector<1x16xf32>,
              %scan3A_316 = arith.constant 6 : i32
              %scan3A_317 = arith.addi %scan3A_204, %scan3A_316 : i32
              %mul3A_318 = arith.constant 1 : i32
              %mul3A_319 = arith.muli %scan3A_317, %mul3A_318 : i32
              %add3A_320 = arith.constant 0 : i32
              %add3A_321 = arith.addi %add3A_320, %mul3A_319 : i32
              %mul3A_322 = arith.constant 16 : i32
              %mul3A_323 = arith.muli %add3A_321, %mul3A_322 : i32
              %get3A_324 = arith.index_cast %add3A_142 : i32 to index
              %get3A_325 = arith.index_cast %mul3A_323 : i32 to index
              %get3A_326 = tpu.vector_load %arg9[%get3A_324, %get3A_325] {strides = array<i32>} : memref<32x1024xf32, #tpu.memory_space<vmem>>, vector<1x16xf32>,
              %get3A_327 = vector.shape_cast %get3A_326 : vector<1x16xf32> to vector<16xf32>
              %mul3A_328 = vector.broadcast %select_n3A_152 : f32 to vector<16xf32>
              %mul3A_329 = arith.mulf %mul3A_328, %get3A_327 : vector<16xf32>
              %swap3A_330 = arith.index_cast %sub3A_198 : i32 to index
              %swap3A_331 = arith.index_cast %mul3A_323 : i32 to index
              %swap3A_332 = tpu.vector_load %arg10[%swap3A_330, %swap3A_331] {strides = array<i32>} : memref<8x1024xf32, #tpu.memory_space<vmem>>, vector<1x16xf32>,
              %swap3A_333 = vector.shape_cast %swap3A_332 : vector<1x16xf32> to vector<16xf32>
              %swap3A_334 = vector.shape_cast %mul3A_329 : vector<16xf32> to vector<1x16xf32>
              tpu.vector_store %arg10[%swap3A_330, %swap3A_331], %swap3A_334 {add = true, strides = array<i32>} : memref<8x1024xf32, #tpu.memory_space<vmem>>, vector<1x16xf32>,
              %scan3A_335 = arith.constant 7 : i32
              %scan3A_336 = arith.addi %scan3A_204, %scan3A_335 : i32
              %mul3A_337 = arith.constant 1 : i32
              %mul3A_338 = arith.muli %scan3A_336, %mul3A_337 : i32
              %add3A_339 = arith.constant 0 : i32
              %add3A_340 = arith.addi %add3A_339, %mul3A_338 : i32
              %mul3A_341 = arith.constant 16 : i32
              %mul3A_342 = arith.muli %add3A_340, %mul3A_341 : i32
              %get3A_343 = arith.index_cast %add3A_142 : i32 to index
              %get3A_344 = arith.index_cast %mul3A_342 : i32 to index
              %get3A_345 = tpu.vector_load %arg9[%get3A_343, %get3A_344] {strides = array<i32>} : memref<32x1024xf32, #tpu.memory_space<vmem>>, vector<1x16xf32>,
              %get3A_346 = vector.shape_cast %get3A_345 : vector<1x16xf32> to vector<16xf32>
              %mul3A_347 = vector.broadcast %select_n3A_152 : f32 to vector<16xf32>
              %mul3A_348 = arith.mulf %mul3A_347, %get3A_346 : vector<16xf32>
              %swap3A_349 = arith.index_cast %sub3A_198 : i32 to index
              %swap3A_350 = arith.index_cast %mul3A_342 : i32 to index
              %swap3A_351 = tpu.vector_load %arg10[%swap3A_349, %swap3A_350] {strides = array<i32>} : memref<8x1024xf32, #tpu.memory_space<vmem>>, vector<1x16xf32>,
              %swap3A_352 = vector.shape_cast %swap3A_351 : vector<1x16xf32> to vector<16xf32>
              %swap3A_353 = vector.shape_cast %mul3A_348 : vector<16xf32> to vector<1x16xf32>
              tpu.vector_store %arg10[%swap3A_349, %swap3A_350], %swap3A_353 {add = true, strides = array<i32>} : memref<8x1024xf32, #tpu.memory_space<vmem>>, vector<1x16xf32>,
            }
            %scan3A_203 = arith.constant 64 : i32
          } else {
          }
          scf.yield %select_n3A_186 : i32
        }
        %scan3A_136 = arith.constant 32 : i32
        scf.yield %scan3A_135 : i32
      }
      %mul3A_122 = arith.constant 8 : i32
      %mul3A_123 = arith.muli %while3A_121, %mul3A_122 : i32
      %multiple_of3A = tpu.assume_multiple %mul3A_123, 8 : i32
      "tpu.region"() ({
        %run_scoped3A = tpu.sem_alloc : memref<!tpu.dma_semaphore, #tpu.memory_space<semaphore_mem>>
        %dma_start3A = arith.constant 0 : i32
        %dma_start3A_124 = tpu.memref_slice %arg7[%multiple_of3A, %dma_start3A] : memref<10000x1024xf32, #tpu.memory_space<hbm>> -> memref<8x1024xf32, #tpu.memory_space<hbm>>
        %dma_start3A_125 = arith.constant 0 : i32
        %dma_start3A_126 = tpu.memref_slice %arg7[%multiple_of3A, %dma_start3A_125] : memref<10000x1024xf32, #tpu.memory_space<hbm>> -> memref<8x1024xf32, #tpu.memory_space<hbm>>
        tpu.enqueue_dma source(%arg10 : memref<8x1024xf32, #tpu.memory_space<vmem>>) target(%dma_start3A_126 : memref<8x1024xf32, #tpu.memory_space<hbm>>) target_semaphore(%run_scoped3A : memref<!tpu.dma_semaphore, #tpu.memory_space<semaphore_mem>>)
        %dma_wait3A = arith.constant 0 : i32
        %dma_wait3A_127 = tpu.memref_slice %arg7[%multiple_of3A, %dma_wait3A] : memref<10000x1024xf32, #tpu.memory_space<hbm>> -> memref<8x1024xf32, #tpu.memory_space<hbm>>
        %dma_wait3A_128 = arith.constant 0 : i32
        %dma_wait3A_129 = tpu.memref_slice %arg7[%multiple_of3A, %dma_wait3A_128] : memref<10000x1024xf32, #tpu.memory_space<hbm>> -> memref<8x1024xf32, #tpu.memory_space<hbm>>
        tpu.wait_dma2 semaphore(%run_scoped3A : memref<!tpu.dma_semaphore, #tpu.memory_space<semaphore_mem>>) src(%arg10 : memref<8x1024xf32, #tpu.memory_space<vmem>>) dst(%dma_wait3A_129 : memref<8x1024xf32, #tpu.memory_space<hbm>>)
        tpu.yield
      }) : () -> ()
    } else {
    }
    return
  }
}

module attributes {stable_mosaic.version = 14 : i64} {
  func.func @body(%arg0: i32, %arg1: memref<1600x128xf32, #tpu.memory_space<vmem>>, %arg2: memref<1600x128xf32, #tpu.memory_space<vmem>>, %arg3: memref<128x256xf32, #tpu.memory_space<vmem>>, %arg4: memref<128x256xf32, #tpu.memory_space<vmem>>, %arg5: memref<1x256xf32, #tpu.memory_space<vmem>>, %arg6: memref<128x128xf32, #tpu.memory_space<vmem>>, %arg7: memref<1600x128xf32, #tpu.memory_space<vmem>>, %arg8: memref<1600x128xf32, #tpu.memory_space<vmem>>) attributes {dimension_semantics = [#tpu.dimension_semantics<arbitrary>], iteration_bounds = array<i64: 50>, scalar_prefetch = 0 : i64, scratch_operands = 0 : i64, tpu.core_type = #tpu.core_type<tc>, window_params = [{transform_indices = @transform_0, window_bounds = array<i64: 1600, 128>}, {transform_indices = @transform_1, window_bounds = array<i64: 1600, 128>}, {pipeline_mode = #tpu.pipeline_mode<synchronous>, transform_indices = @transform_2, window_bounds = array<i64: 128, 256>}, {pipeline_mode = #tpu.pipeline_mode<synchronous>, transform_indices = @transform_3, window_bounds = array<i64: 128, 256>}, {pipeline_mode = #tpu.pipeline_mode<synchronous>, transform_indices = @transform_4, window_bounds = array<i64: 1, 256>}, {pipeline_mode = #tpu.pipeline_mode<synchronous>, transform_indices = @transform_5, window_bounds = array<i64: 128, 128>}, {transform_indices = @transform_6, window_bounds = array<i64: 1600, 128>}, {transform_indices = @transform_7, window_bounds = array<i64: 1600, 128>}]} {
    %get3A = arith.constant 0 : index
    %get3A_0 = arith.constant 0 : index
    %get3A_1 = vector.load %arg1[%get3A, %get3A_0] : memref<1600x128xf32, #tpu.memory_space<vmem>>, vector<1600x128xf32>
    %broadcast_in_dim3A = arith.constant 0.000000e+00 : f32
    %broadcast_in_dim3A_2 = vector.broadcast %broadcast_in_dim3A : f32 to vector<1x128xf32>
    %slice3A = vector.extract_strided_slice %get3A_1 {offsets = [0, 0], sizes = [1599, 128], strides = [1, 1]} : vector<1600x128xf32> to vector<1599x128xf32>
    %concatenate3A = tpu.concatenate %broadcast_in_dim3A_2, %slice3A in 0 : vector<1x128xf32>, vector<1599x128xf32> -> vector<1600x128xf32>
    %iota3A = tpu.iota {dimensions = array<i32: 0>} : vector<1600x1xi32>
    %jit3A = arith.constant 8 : i32
    %eq3A = arith.constant 0 : i32
    %eq3A_3 = arith.cmpi eq, %jit3A, %eq3A : i32
    %jit3A_4 = arith.constant 1 : i32
    %select_n3A = arith.select %eq3A_3, %jit3A_4, %jit3A : i32
    %rem3A = vector.broadcast %select_n3A : i32 to vector<1600x1xi32>
    %rem3A_5 = arith.remsi %iota3A, %rem3A : vector<1600x1xi32>
    %ne3A = arith.constant 0 : i32
    %ne3A_6 = vector.broadcast %ne3A : i32 to vector<1600x1xi32>
    %ne3A_7 = arith.cmpi ne, %rem3A_5, %ne3A_6 : vector<1600x1xi32>
    %lt3A = arith.constant 0 : i32
    %lt3A_8 = vector.broadcast %lt3A : i32 to vector<1600x1xi32>
    %lt3A_9 = arith.cmpi slt, %rem3A_5, %lt3A_8 : vector<1600x1xi32>
    %lt3A_10 = arith.constant 0 : i32
    %lt3A_11 = arith.cmpi slt, %select_n3A, %lt3A_10 : i32
    %ne3A_12 = vector.broadcast %lt3A_11 : i1 to vector<1600x1xi1>
    %ne3A_13 = vector.broadcast %ne3A_12 : vector<1600x1xi1> to vector<1600x1xi1>
    %ne3A_14 = arith.xori %lt3A_9, %ne3A_13 : vector<1600x1xi1>
    %and3A = arith.andi %ne3A_14, %ne3A_7 : vector<1600x1xi1>
    %add3A = vector.broadcast %select_n3A : i32 to vector<1600x1xi32>
    %add3A_15 = arith.addi %rem3A_5, %add3A : vector<1600x1xi32>
    %select_n3A_16 = arith.select %and3A, %add3A_15, %rem3A_5 : vector<1600x1xi1>, vector<1600x1xi32>
    %ge3A = arith.constant 1 : i32
    %ge3A_17 = vector.broadcast %ge3A : i32 to vector<1600x1xi32>
    %ge3A_18 = arith.cmpi sge, %select_n3A_16, %ge3A_17 : vector<1600x1xi32>
    %jit3A_19 = arith.constant 0.000000e+00 : f32
    %broadcast_in_dim3A_20 = vector.shape_cast %ge3A_18 : vector<1600x1xi1> to vector<1600x1xi1>
    %broadcast_in_dim3A_21 = vector.broadcast %broadcast_in_dim3A_20 : vector<1600x1xi1> to vector<1600x128xi1>
    %broadcast_in_dim3A_22 = vector.broadcast %jit3A_19 : f32 to vector<1600x128xf32>
    %select_n3A_23 = arith.select %broadcast_in_dim3A_21, %concatenate3A, %broadcast_in_dim3A_22 : vector<1600x128xi1>, vector<1600x128xf32>
    %get3A_24 = arith.constant 0 : index
    %get3A_25 = arith.constant 0 : index
    %get3A_26 = vector.load %arg3[%get3A_24, %get3A_25] : memref<128x256xf32, #tpu.memory_space<vmem>>, vector<128x256xf32>
    %dot_general3A = arith.constant dense<0.000000e+00> : vector<1600x256xf32>
    %dot_general3A_27 = tpu.matmul %select_n3A_23, %get3A_26, %dot_general3A {dimension_numbers = #tpu.dot_dimension_numbers<[1], [0], [0], [1], [0, 0, 1, 1], [], []>, transpose_lhs_hint = false} : vector<1600x128xf32>, vector<128x256xf32>, vector<1600x256xf32> -> vector<1600x256xf32>
    %get3A_28 = arith.constant 0 : index
    %get3A_29 = arith.constant 0 : index
    %get3A_30 = vector.load %arg4[%get3A_28, %get3A_29] : memref<128x256xf32, #tpu.memory_space<vmem>>, vector<128x256xf32>
    %dot_general3A_31 = arith.constant dense<0.000000e+00> : vector<1600x256xf32>
    %dot_general3A_32 = tpu.matmul %get3A_1, %get3A_30, %dot_general3A_31 {dimension_numbers = #tpu.dot_dimension_numbers<[1], [0], [0], [1], [0, 0, 1, 1], [], []>, transpose_lhs_hint = false} : vector<1600x128xf32>, vector<128x256xf32>, vector<1600x256xf32> -> vector<1600x256xf32>
    %add3A_33 = arith.addf %dot_general3A_27, %dot_general3A_32 : vector<1600x256xf32>
    %get3A_34 = arith.constant 0 : index
    %get3A_35 = arith.constant 0 : index
    %get3A_36 = vector.load %arg5[%get3A_34, %get3A_35] : memref<1x256xf32, #tpu.memory_space<vmem>>, vector<1x256xf32>
    %add3A_37 = vector.broadcast %get3A_36 : vector<1x256xf32> to vector<1600x256xf32>
    %add3A_38 = arith.addf %add3A_33, %add3A_37 : vector<1600x256xf32>
    %slice3A_39 = vector.extract_strided_slice %add3A_38 {offsets = [0, 0], sizes = [1600, 128], strides = [1, 1]} : vector<1600x256xf32> to vector<1600x128xf32>
    %tanh3A = math.tanh %slice3A_39 : vector<1600x128xf32>
    %slice3A_40 = vector.extract_strided_slice %add3A_38 {offsets = [0, 128], sizes = [1600, 128], strides = [1, 1]} : vector<1600x256xf32> to vector<1600x128xf32>
    %logistic3A = arith.negf %slice3A_40 : vector<1600x128xf32>
    %logistic3A_41 = math.exp %logistic3A : vector<1600x128xf32>
    %logistic3A_42 = arith.constant 1.000000e+00 : f32
    %logistic3A_43 = vector.broadcast %logistic3A_42 : f32 to vector<1600x128xf32>
    %logistic3A_44 = arith.addf %logistic3A_43, %logistic3A_41 : vector<1600x128xf32>
    %logistic3A_45 = arith.divf %logistic3A_43, %logistic3A_44 : vector<1600x128xf32>
    %mul3A = arith.mulf %tanh3A, %logistic3A_45 : vector<1600x128xf32>
    %swap3A = arith.constant 0 : index
    %swap3A_46 = arith.constant 0 : index
    %swap3A_47 = vector.load %arg7[%swap3A, %swap3A_46] : memref<1600x128xf32, #tpu.memory_space<vmem>>, vector<1600x128xf32>
    tpu.vector_store %arg7[%swap3A, %swap3A_46], %mul3A {strides = array<i32>} : memref<1600x128xf32, #tpu.memory_space<vmem>>, vector<1600x128xf32>,
    %get3A_48 = arith.constant 0 : index
    %get3A_49 = arith.constant 0 : index
    %get3A_50 = vector.load %arg2[%get3A_48, %get3A_49] : memref<1600x128xf32, #tpu.memory_space<vmem>>, vector<1600x128xf32>
    %get3A_51 = arith.constant 0 : index
    %get3A_52 = arith.constant 0 : index
    %get3A_53 = vector.load %arg6[%get3A_51, %get3A_52] : memref<128x128xf32, #tpu.memory_space<vmem>>, vector<128x128xf32>
    %dot_general3A_54 = arith.constant dense<0.000000e+00> : vector<1600x128xf32>
    %dot_general3A_55 = tpu.matmul %mul3A, %get3A_53, %dot_general3A_54 {dimension_numbers = #tpu.dot_dimension_numbers<[1], [0], [0], [1], [0, 0, 1, 1], [], []>, transpose_lhs_hint = false} : vector<1600x128xf32>, vector<128x128xf32>, vector<1600x128xf32> -> vector<1600x128xf32>
    %add3A_56 = arith.addf %get3A_50, %dot_general3A_55 : vector<1600x128xf32>
    %swap3A_57 = arith.constant 0 : index
    %swap3A_58 = arith.constant 0 : index
    %swap3A_59 = vector.load %arg8[%swap3A_57, %swap3A_58] : memref<1600x128xf32, #tpu.memory_space<vmem>>, vector<1600x128xf32>
    tpu.vector_store %arg8[%swap3A_57, %swap3A_58], %add3A_56 {strides = array<i32>} : memref<1600x128xf32, #tpu.memory_space<vmem>>, vector<1600x128xf32>,
    return
  }
  func.func @transform_0(%arg0: i32) -> (i32, i32) {
    %c0_i32 = arith.constant 0 : i32
    %c0_i32_0 = arith.constant 0 : i32
    return %arg0, %c0_i32 : i32, i32
  }
  func.func @transform_1(%arg0: i32) -> (i32, i32) {
    %c0_i32 = arith.constant 0 : i32
    %c0_i32_0 = arith.constant 0 : i32
    return %arg0, %c0_i32 : i32, i32
  }
  func.func @transform_2(%arg0: i32) -> (i32, i32) {
    %c0_i32 = arith.constant 0 : i32
    %c0_i32_0 = arith.constant 0 : i32
    %c0_i32_1 = arith.constant 0 : i32
    return %c0_i32, %c0_i32_0 : i32, i32
  }
  func.func @transform_3(%arg0: i32) -> (i32, i32) {
    %c0_i32 = arith.constant 0 : i32
    %c0_i32_0 = arith.constant 0 : i32
    %c0_i32_1 = arith.constant 0 : i32
    return %c0_i32, %c0_i32_0 : i32, i32
  }
  func.func @transform_4(%arg0: i32) -> (i32, i32) {
    %c0_i32 = arith.constant 0 : i32
    %c0_i32_0 = arith.constant 0 : i32
    %c0_i32_1 = arith.constant 0 : i32
    return %c0_i32, %c0_i32_0 : i32, i32
  }
  func.func @transform_5(%arg0: i32) -> (i32, i32) {
    %c0_i32 = arith.constant 0 : i32
    %c0_i32_0 = arith.constant 0 : i32
    %c0_i32_1 = arith.constant 0 : i32
    return %c0_i32, %c0_i32_0 : i32, i32
  }
  func.func @transform_6(%arg0: i32) -> (i32, i32) {
    %c0_i32 = arith.constant 0 : i32
    %c0_i32_0 = arith.constant 0 : i32
    return %arg0, %c0_i32 : i32, i32
  }
  func.func @transform_7(%arg0: i32) -> (i32, i32) {
    %c0_i32 = arith.constant 0 : i32
    %c0_i32_0 = arith.constant 0 : i32
    return %arg0, %c0_i32 : i32, i32
  }
}

module attributes {stable_mosaic.version = 14 : i64} {
  func.func @body(%arg0: i32, %arg1: i32, %arg2: memref<1600x128xf32, #tpu.memory_space<vmem>>, %arg3: memref<1600x128xf32, #tpu.memory_space<vmem>>, %arg4: memref<128x128xf32, #tpu.memory_space<vmem>>, %arg5: memref<2x128xf32, #tpu.memory_space<vmem>>, %arg6: memref<1600x128xf32, #tpu.memory_space<vmem>>, %arg7: memref<1x128xf32, #tpu.memory_space<vmem>>, %arg8: memref<1x128xf32, #tpu.memory_space<vmem>>) attributes {dimension_semantics = [#tpu.dimension_semantics<arbitrary>, #tpu.dimension_semantics<arbitrary>], iteration_bounds = array<i64: 2, 50>, scalar_prefetch = 0 : i64, scratch_operands = 2 : i64, tpu.core_type = #tpu.core_type<tc>, window_params = [{transform_indices = @transform_0, window_bounds = array<i64: 1600, 128>}, {transform_indices = @transform_1, window_bounds = array<i64: 1600, 128>}, {pipeline_mode = #tpu.pipeline_mode<synchronous>, transform_indices = @transform_2, window_bounds = array<i64: 128, 128>}, {pipeline_mode = #tpu.pipeline_mode<synchronous>, transform_indices = @transform_3, window_bounds = array<i64: 2, 128>}, {transform_indices = @transform_4, window_bounds = array<i64: 1600, 128>}]} {
    %get3A = arith.constant 0 : index
    %get3A_0 = arith.constant 0 : index
    %get3A_1 = vector.load %arg3[%get3A, %get3A_0] : memref<1600x128xf32, #tpu.memory_space<vmem>>, vector<1600x128xf32>
    %get3A_2 = arith.constant 0 : index
    %get3A_3 = arith.constant 0 : index
    %get3A_4 = vector.load %arg2[%get3A_2, %get3A_3] : memref<1600x128xf32, #tpu.memory_space<vmem>>, vector<1600x128xf32>
    %get3A_5 = arith.constant 0 : index
    %get3A_6 = arith.constant 0 : index
    %get3A_7 = vector.load %arg4[%get3A_5, %get3A_6] : memref<128x128xf32, #tpu.memory_space<vmem>>, vector<128x128xf32>
    %dot_general3A = arith.constant dense<0.000000e+00> : vector<1600x128xf32>
    %dot_general3A_8 = tpu.matmul %get3A_4, %get3A_7, %dot_general3A {dimension_numbers = #tpu.dot_dimension_numbers<[1], [0], [0], [1], [0, 0, 1, 1], [], []>, transpose_lhs_hint = false} : vector<1600x128xf32>, vector<128x128xf32>, vector<1600x128xf32> -> vector<1600x128xf32>
    %add3A = arith.addf %get3A_1, %dot_general3A_8 : vector<1600x128xf32>
    %eq3A = arith.constant 0 : i32
    %eq3A_9 = arith.cmpi eq, %arg0, %eq3A : i32
    %eq3A_10 = arith.constant 0 : i32
    %eq3A_11 = arith.cmpi eq, %arg1, %eq3A_10 : i32
    %and3A = arith.andi %eq3A_9, %eq3A_11 : i1
    %convert_element_type3A = arith.extui %and3A : i1 to i32
    %cond3A = arith.constant 0 : i32
    %cond3A_12 = arith.cmpi ne, %convert_element_type3A, %cond3A : i32
    scf.if %cond3A_12 {
      %broadcast_in_dim3A = arith.constant 0.000000e+00 : f32
      %broadcast_in_dim3A_23 = vector.broadcast %broadcast_in_dim3A : f32 to vector<1x128xf32>
      %swap3A = arith.constant 0 : index
      %swap3A_24 = arith.constant 0 : index
      %swap3A_25 = vector.load %arg7[%swap3A, %swap3A_24] : memref<1x128xf32, #tpu.memory_space<vmem>>, vector<1x128xf32>
      tpu.vector_store %arg7[%swap3A, %swap3A_24], %broadcast_in_dim3A_23 {strides = array<i32>} : memref<1x128xf32, #tpu.memory_space<vmem>>, vector<1x128xf32>,
      %broadcast_in_dim3A_26 = arith.constant 0.000000e+00 : f32
      %broadcast_in_dim3A_27 = vector.broadcast %broadcast_in_dim3A_26 : f32 to vector<1x128xf32>
      %swap3A_28 = arith.constant 0 : index
      %swap3A_29 = arith.constant 0 : index
      %swap3A_30 = vector.load %arg8[%swap3A_28, %swap3A_29] : memref<1x128xf32, #tpu.memory_space<vmem>>, vector<1x128xf32>
      tpu.vector_store %arg8[%swap3A_28, %swap3A_29], %broadcast_in_dim3A_27 {strides = array<i32>} : memref<1x128xf32, #tpu.memory_space<vmem>>, vector<1x128xf32>,
    } else {
    }
    %eq3A_13 = arith.constant 0 : i32
    %eq3A_14 = arith.cmpi eq, %arg0, %eq3A_13 : i32
    %convert_element_type3A_15 = arith.extui %eq3A_14 : i1 to i32
    %cond3A_16 = arith.constant 0 : i32
    %cond3A_17 = arith.cmpi ne, %convert_element_type3A_15, %cond3A_16 : i32
    scf.if %cond3A_17 {
      %get3A_23 = arith.constant 0 : index
      %get3A_24 = arith.constant 0 : index
      %get3A_25 = vector.load %arg7[%get3A_23, %get3A_24] : memref<1x128xf32, #tpu.memory_space<vmem>>, vector<1x128xf32>
      %reduce_sum3A = arith.constant dense<0.000000e+00> : vector<128xf32>
      %reduce_sum3A_26 = vector.multi_reduction <add>, %add3A, %reduce_sum3A [0] : vector<1600x128xf32> to vector<128xf32>
      %broadcast_in_dim3A = vector.shape_cast %reduce_sum3A_26 : vector<128xf32> to vector<1x128xf32>
      %add3A_27 = arith.addf %get3A_25, %broadcast_in_dim3A : vector<1x128xf32>
      %swap3A = arith.constant 0 : index
      %swap3A_28 = arith.constant 0 : index
      %swap3A_29 = vector.load %arg7[%swap3A, %swap3A_28] : memref<1x128xf32, #tpu.memory_space<vmem>>, vector<1x128xf32>
      tpu.vector_store %arg7[%swap3A, %swap3A_28], %add3A_27 {strides = array<i32>} : memref<1x128xf32, #tpu.memory_space<vmem>>, vector<1x128xf32>,
      %get3A_30 = arith.constant 0 : index
      %get3A_31 = arith.constant 0 : index
      %get3A_32 = vector.load %arg8[%get3A_30, %get3A_31] : memref<1x128xf32, #tpu.memory_space<vmem>>, vector<1x128xf32>
      %mul3A = arith.mulf %add3A, %add3A : vector<1600x128xf32>
      %reduce_sum3A_33 = arith.constant dense<0.000000e+00> : vector<128xf32>
      %reduce_sum3A_34 = vector.multi_reduction <add>, %mul3A, %reduce_sum3A_33 [0] : vector<1600x128xf32> to vector<128xf32>
      %broadcast_in_dim3A_35 = vector.shape_cast %reduce_sum3A_34 : vector<128xf32> to vector<1x128xf32>
      %add3A_36 = arith.addf %get3A_32, %broadcast_in_dim3A_35 : vector<1x128xf32>
      %swap3A_37 = arith.constant 0 : index
      %swap3A_38 = arith.constant 0 : index
      %swap3A_39 = vector.load %arg8[%swap3A_37, %swap3A_38] : memref<1x128xf32, #tpu.memory_space<vmem>>, vector<1x128xf32>
      tpu.vector_store %arg8[%swap3A_37, %swap3A_38], %add3A_36 {strides = array<i32>} : memref<1x128xf32, #tpu.memory_space<vmem>>, vector<1x128xf32>,
    } else {
    }
    %eq3A_18 = arith.constant 1 : i32
    %eq3A_19 = arith.cmpi eq, %arg0, %eq3A_18 : i32
    %convert_element_type3A_20 = arith.extui %eq3A_19 : i1 to i32
    %cond3A_21 = arith.constant 0 : i32
    %cond3A_22 = arith.cmpi ne, %convert_element_type3A_20, %cond3A_21 : i32
    scf.if %cond3A_22 {
      %get3A_23 = arith.constant 0 : index
      %get3A_24 = arith.constant 0 : index
      %get3A_25 = vector.load %arg7[%get3A_23, %get3A_24] : memref<1x128xf32, #tpu.memory_space<vmem>>, vector<1x128xf32>
      %mul3A = arith.constant 1.250000e-05 : f32
      %mul3A_26 = vector.broadcast %mul3A : f32 to vector<1x128xf32>
      %mul3A_27 = arith.mulf %get3A_25, %mul3A_26 : vector<1x128xf32>
      %get3A_28 = arith.constant 0 : index
      %get3A_29 = arith.constant 0 : index
      %get3A_30 = vector.load %arg8[%get3A_28, %get3A_29] : memref<1x128xf32, #tpu.memory_space<vmem>>, vector<1x128xf32>
      %mul3A_31 = arith.constant 1.250000e-05 : f32
      %mul3A_32 = vector.broadcast %mul3A_31 : f32 to vector<1x128xf32>
      %mul3A_33 = arith.mulf %get3A_30, %mul3A_32 : vector<1x128xf32>
      %mul3A_34 = arith.mulf %mul3A_27, %mul3A_27 : vector<1x128xf32>
      %sub3A = arith.subf %mul3A_33, %mul3A_34 : vector<1x128xf32>
      %get3A_35 = arith.constant 0 : index
      %get3A_36 = arith.constant 0 : index
      %get3A_37 = vector.load %arg5[%get3A_35, %get3A_36] : memref<2x128xf32, #tpu.memory_space<vmem>>, vector<1x128xf32>
      %add3A_38 = arith.constant 9.99999974E-6 : f32
      %add3A_39 = vector.broadcast %add3A_38 : f32 to vector<1x128xf32>
      %add3A_40 = arith.addf %sub3A, %add3A_39 : vector<1x128xf32>
      %rsqrt3A = math.rsqrt %add3A_40 : vector<1x128xf32>
      %mul3A_41 = arith.mulf %get3A_37, %rsqrt3A : vector<1x128xf32>
      %sub3A_42 = vector.broadcast %mul3A_27 : vector<1x128xf32> to vector<1600x128xf32>
      %sub3A_43 = arith.subf %add3A, %sub3A_42 : vector<1600x128xf32>
      %mul3A_44 = vector.broadcast %mul3A_41 : vector<1x128xf32> to vector<1600x128xf32>
      %mul3A_45 = arith.mulf %mul3A_44, %sub3A_43 : vector<1600x128xf32>
      %get3A_46 = arith.constant 1 : index
      %get3A_47 = arith.constant 0 : index
      %get3A_48 = vector.load %arg5[%get3A_46, %get3A_47] : memref<2x128xf32, #tpu.memory_space<vmem>>, vector<1x128xf32>
      %add3A_49 = vector.broadcast %get3A_48 : vector<1x128xf32> to vector<1600x128xf32>
      %add3A_50 = arith.addf %mul3A_45, %add3A_49 : vector<1600x128xf32>
      %swap3A = arith.constant 0 : index
      %swap3A_51 = arith.constant 0 : index
      %swap3A_52 = vector.load %arg6[%swap3A, %swap3A_51] : memref<1600x128xf32, #tpu.memory_space<vmem>>, vector<1600x128xf32>
      tpu.vector_store %arg6[%swap3A, %swap3A_51], %add3A_50 {strides = array<i32>} : memref<1600x128xf32, #tpu.memory_space<vmem>>, vector<1600x128xf32>,
    } else {
    }
    return
  }
  func.func @transform_0(%arg0: i32, %arg1: i32) -> (i32, i32) {
    %c0_i32 = arith.constant 0 : i32
    %c0_i32_0 = arith.constant 0 : i32
    return %arg1, %c0_i32 : i32, i32
  }
  func.func @transform_1(%arg0: i32, %arg1: i32) -> (i32, i32) {
    %c0_i32 = arith.constant 0 : i32
    %c0_i32_0 = arith.constant 0 : i32
    return %arg1, %c0_i32 : i32, i32
  }
  func.func @transform_2(%arg0: i32, %arg1: i32) -> (i32, i32) {
    %c0_i32 = arith.constant 0 : i32
    %c0_i32_0 = arith.constant 0 : i32
    %c0_i32_1 = arith.constant 0 : i32
    return %c0_i32, %c0_i32_0 : i32, i32
  }
  func.func @transform_3(%arg0: i32, %arg1: i32) -> (i32, i32) {
    %c0_i32 = arith.constant 0 : i32
    %c0_i32_0 = arith.constant 0 : i32
    %c0_i32_1 = arith.constant 0 : i32
    return %c0_i32, %c0_i32_0 : i32, i32
  }
  func.func @transform_4(%arg0: i32, %arg1: i32) -> (i32, i32) {
    %c0_i32 = arith.constant 0 : i32
    %c0_i32_0 = arith.constant 0 : i32
    return %arg1, %c0_i32 : i32, i32
  }
}

module attributes {stable_mosaic.version = 14 : i64} {
  func.func @body(%arg0: i32, %arg1: memref<1600x128xf32, #tpu.memory_space<vmem>>, %arg2: memref<1600x128xf32, #tpu.memory_space<vmem>>, %arg3: memref<128x256xf32, #tpu.memory_space<vmem>>, %arg4: memref<128x256xf32, #tpu.memory_space<vmem>>, %arg5: memref<1x256xf32, #tpu.memory_space<vmem>>, %arg6: memref<128x128xf32, #tpu.memory_space<vmem>>, %arg7: memref<1600x128xf32, #tpu.memory_space<vmem>>, %arg8: memref<1600x128xf32, #tpu.memory_space<vmem>>) attributes {dimension_semantics = [#tpu.dimension_semantics<arbitrary>], iteration_bounds = array<i64: 50>, scalar_prefetch = 0 : i64, scratch_operands = 0 : i64, tpu.core_type = #tpu.core_type<tc>, window_params = [{transform_indices = @transform_0, window_bounds = array<i64: 1600, 128>}, {transform_indices = @transform_1, window_bounds = array<i64: 1600, 128>}, {pipeline_mode = #tpu.pipeline_mode<synchronous>, transform_indices = @transform_2, window_bounds = array<i64: 128, 256>}, {pipeline_mode = #tpu.pipeline_mode<synchronous>, transform_indices = @transform_3, window_bounds = array<i64: 128, 256>}, {pipeline_mode = #tpu.pipeline_mode<synchronous>, transform_indices = @transform_4, window_bounds = array<i64: 1, 256>}, {pipeline_mode = #tpu.pipeline_mode<synchronous>, transform_indices = @transform_5, window_bounds = array<i64: 128, 128>}, {transform_indices = @transform_6, window_bounds = array<i64: 1600, 128>}, {transform_indices = @transform_7, window_bounds = array<i64: 1600, 128>}]} {
    %get3A = arith.constant 0 : index
    %get3A_0 = arith.constant 0 : index
    %get3A_1 = vector.load %arg1[%get3A, %get3A_0] : memref<1600x128xf32, #tpu.memory_space<vmem>>, vector<1600x128xf32>
    %broadcast_in_dim3A = arith.constant 0.000000e+00 : f32
    %broadcast_in_dim3A_2 = vector.broadcast %broadcast_in_dim3A : f32 to vector<2x128xf32>
    %slice3A = vector.extract_strided_slice %get3A_1 {offsets = [0, 0], sizes = [1598, 128], strides = [1, 1]} : vector<1600x128xf32> to vector<1598x128xf32>
    %concatenate3A = tpu.concatenate %broadcast_in_dim3A_2, %slice3A in 0 : vector<2x128xf32>, vector<1598x128xf32> -> vector<1600x128xf32>
    %iota3A = tpu.iota {dimensions = array<i32: 0>} : vector<1600x1xi32>
    %jit3A = arith.constant 8 : i32
    %eq3A = arith.constant 0 : i32
    %eq3A_3 = arith.cmpi eq, %jit3A, %eq3A : i32
    %jit3A_4 = arith.constant 1 : i32
    %select_n3A = arith.select %eq3A_3, %jit3A_4, %jit3A : i32
    %rem3A = vector.broadcast %select_n3A : i32 to vector<1600x1xi32>
    %rem3A_5 = arith.remsi %iota3A, %rem3A : vector<1600x1xi32>
    %ne3A = arith.constant 0 : i32
    %ne3A_6 = vector.broadcast %ne3A : i32 to vector<1600x1xi32>
    %ne3A_7 = arith.cmpi ne, %rem3A_5, %ne3A_6 : vector<1600x1xi32>
    %lt3A = arith.constant 0 : i32
    %lt3A_8 = vector.broadcast %lt3A : i32 to vector<1600x1xi32>
    %lt3A_9 = arith.cmpi slt, %rem3A_5, %lt3A_8 : vector<1600x1xi32>
    %lt3A_10 = arith.constant 0 : i32
    %lt3A_11 = arith.cmpi slt, %select_n3A, %lt3A_10 : i32
    %ne3A_12 = vector.broadcast %lt3A_11 : i1 to vector<1600x1xi1>
    %ne3A_13 = vector.broadcast %ne3A_12 : vector<1600x1xi1> to vector<1600x1xi1>
    %ne3A_14 = arith.xori %lt3A_9, %ne3A_13 : vector<1600x1xi1>
    %and3A = arith.andi %ne3A_14, %ne3A_7 : vector<1600x1xi1>
    %add3A = vector.broadcast %select_n3A : i32 to vector<1600x1xi32>
    %add3A_15 = arith.addi %rem3A_5, %add3A : vector<1600x1xi32>
    %select_n3A_16 = arith.select %and3A, %add3A_15, %rem3A_5 : vector<1600x1xi1>, vector<1600x1xi32>
    %ge3A = arith.constant 2 : i32
    %ge3A_17 = vector.broadcast %ge3A : i32 to vector<1600x1xi32>
    %ge3A_18 = arith.cmpi sge, %select_n3A_16, %ge3A_17 : vector<1600x1xi32>
    %jit3A_19 = arith.constant 0.000000e+00 : f32
    %broadcast_in_dim3A_20 = vector.shape_cast %ge3A_18 : vector<1600x1xi1> to vector<1600x1xi1>
    %broadcast_in_dim3A_21 = vector.broadcast %broadcast_in_dim3A_20 : vector<1600x1xi1> to vector<1600x128xi1>
    %broadcast_in_dim3A_22 = vector.broadcast %jit3A_19 : f32 to vector<1600x128xf32>
    %select_n3A_23 = arith.select %broadcast_in_dim3A_21, %concatenate3A, %broadcast_in_dim3A_22 : vector<1600x128xi1>, vector<1600x128xf32>
    %get3A_24 = arith.constant 0 : index
    %get3A_25 = arith.constant 0 : index
    %get3A_26 = vector.load %arg3[%get3A_24, %get3A_25] : memref<128x256xf32, #tpu.memory_space<vmem>>, vector<128x256xf32>
    %dot_general3A = arith.constant dense<0.000000e+00> : vector<1600x256xf32>
    %dot_general3A_27 = tpu.matmul %select_n3A_23, %get3A_26, %dot_general3A {dimension_numbers = #tpu.dot_dimension_numbers<[1], [0], [0], [1], [0, 0, 1, 1], [], []>, transpose_lhs_hint = false} : vector<1600x128xf32>, vector<128x256xf32>, vector<1600x256xf32> -> vector<1600x256xf32>
    %get3A_28 = arith.constant 0 : index
    %get3A_29 = arith.constant 0 : index
    %get3A_30 = vector.load %arg4[%get3A_28, %get3A_29] : memref<128x256xf32, #tpu.memory_space<vmem>>, vector<128x256xf32>
    %dot_general3A_31 = arith.constant dense<0.000000e+00> : vector<1600x256xf32>
    %dot_general3A_32 = tpu.matmul %get3A_1, %get3A_30, %dot_general3A_31 {dimension_numbers = #tpu.dot_dimension_numbers<[1], [0], [0], [1], [0, 0, 1, 1], [], []>, transpose_lhs_hint = false} : vector<1600x128xf32>, vector<128x256xf32>, vector<1600x256xf32> -> vector<1600x256xf32>
    %add3A_33 = arith.addf %dot_general3A_27, %dot_general3A_32 : vector<1600x256xf32>
    %get3A_34 = arith.constant 0 : index
    %get3A_35 = arith.constant 0 : index
    %get3A_36 = vector.load %arg5[%get3A_34, %get3A_35] : memref<1x256xf32, #tpu.memory_space<vmem>>, vector<1x256xf32>
    %add3A_37 = vector.broadcast %get3A_36 : vector<1x256xf32> to vector<1600x256xf32>
    %add3A_38 = arith.addf %add3A_33, %add3A_37 : vector<1600x256xf32>
    %slice3A_39 = vector.extract_strided_slice %add3A_38 {offsets = [0, 0], sizes = [1600, 128], strides = [1, 1]} : vector<1600x256xf32> to vector<1600x128xf32>
    %tanh3A = math.tanh %slice3A_39 : vector<1600x128xf32>
    %slice3A_40 = vector.extract_strided_slice %add3A_38 {offsets = [0, 128], sizes = [1600, 128], strides = [1, 1]} : vector<1600x256xf32> to vector<1600x128xf32>
    %logistic3A = arith.negf %slice3A_40 : vector<1600x128xf32>
    %logistic3A_41 = math.exp %logistic3A : vector<1600x128xf32>
    %logistic3A_42 = arith.constant 1.000000e+00 : f32
    %logistic3A_43 = vector.broadcast %logistic3A_42 : f32 to vector<1600x128xf32>
    %logistic3A_44 = arith.addf %logistic3A_43, %logistic3A_41 : vector<1600x128xf32>
    %logistic3A_45 = arith.divf %logistic3A_43, %logistic3A_44 : vector<1600x128xf32>
    %mul3A = arith.mulf %tanh3A, %logistic3A_45 : vector<1600x128xf32>
    %swap3A = arith.constant 0 : index
    %swap3A_46 = arith.constant 0 : index
    %swap3A_47 = vector.load %arg7[%swap3A, %swap3A_46] : memref<1600x128xf32, #tpu.memory_space<vmem>>, vector<1600x128xf32>
    tpu.vector_store %arg7[%swap3A, %swap3A_46], %mul3A {strides = array<i32>} : memref<1600x128xf32, #tpu.memory_space<vmem>>, vector<1600x128xf32>,
    %get3A_48 = arith.constant 0 : index
    %get3A_49 = arith.constant 0 : index
    %get3A_50 = vector.load %arg2[%get3A_48, %get3A_49] : memref<1600x128xf32, #tpu.memory_space<vmem>>, vector<1600x128xf32>
    %get3A_51 = arith.constant 0 : index
    %get3A_52 = arith.constant 0 : index
    %get3A_53 = vector.load %arg6[%get3A_51, %get3A_52] : memref<128x128xf32, #tpu.memory_space<vmem>>, vector<128x128xf32>
    %dot_general3A_54 = arith.constant dense<0.000000e+00> : vector<1600x128xf32>
    %dot_general3A_55 = tpu.matmul %mul3A, %get3A_53, %dot_general3A_54 {dimension_numbers = #tpu.dot_dimension_numbers<[1], [0], [0], [1], [0, 0, 1, 1], [], []>, transpose_lhs_hint = false} : vector<1600x128xf32>, vector<128x128xf32>, vector<1600x128xf32> -> vector<1600x128xf32>
    %add3A_56 = arith.addf %get3A_50, %dot_general3A_55 : vector<1600x128xf32>
    %swap3A_57 = arith.constant 0 : index
    %swap3A_58 = arith.constant 0 : index
    %swap3A_59 = vector.load %arg8[%swap3A_57, %swap3A_58] : memref<1600x128xf32, #tpu.memory_space<vmem>>, vector<1600x128xf32>
    tpu.vector_store %arg8[%swap3A_57, %swap3A_58], %add3A_56 {strides = array<i32>} : memref<1600x128xf32, #tpu.memory_space<vmem>>, vector<1600x128xf32>,
    return
  }
  func.func @transform_0(%arg0: i32) -> (i32, i32) {
    %c0_i32 = arith.constant 0 : i32
    %c0_i32_0 = arith.constant 0 : i32
    return %arg0, %c0_i32 : i32, i32
  }
  func.func @transform_1(%arg0: i32) -> (i32, i32) {
    %c0_i32 = arith.constant 0 : i32
    %c0_i32_0 = arith.constant 0 : i32
    return %arg0, %c0_i32 : i32, i32
  }
  func.func @transform_2(%arg0: i32) -> (i32, i32) {
    %c0_i32 = arith.constant 0 : i32
    %c0_i32_0 = arith.constant 0 : i32
    %c0_i32_1 = arith.constant 0 : i32
    return %c0_i32, %c0_i32_0 : i32, i32
  }
  func.func @transform_3(%arg0: i32) -> (i32, i32) {
    %c0_i32 = arith.constant 0 : i32
    %c0_i32_0 = arith.constant 0 : i32
    %c0_i32_1 = arith.constant 0 : i32
    return %c0_i32, %c0_i32_0 : i32, i32
  }
  func.func @transform_4(%arg0: i32) -> (i32, i32) {
    %c0_i32 = arith.constant 0 : i32
    %c0_i32_0 = arith.constant 0 : i32
    %c0_i32_1 = arith.constant 0 : i32
    return %c0_i32, %c0_i32_0 : i32, i32
  }
  func.func @transform_5(%arg0: i32) -> (i32, i32) {
    %c0_i32 = arith.constant 0 : i32
    %c0_i32_0 = arith.constant 0 : i32
    %c0_i32_1 = arith.constant 0 : i32
    return %c0_i32, %c0_i32_0 : i32, i32
  }
  func.func @transform_6(%arg0: i32) -> (i32, i32) {
    %c0_i32 = arith.constant 0 : i32
    %c0_i32_0 = arith.constant 0 : i32
    return %arg0, %c0_i32 : i32, i32
  }
  func.func @transform_7(%arg0: i32) -> (i32, i32) {
    %c0_i32 = arith.constant 0 : i32
    %c0_i32_0 = arith.constant 0 : i32
    return %arg0, %c0_i32 : i32, i32
  }
}

module attributes {stable_mosaic.version = 14 : i64} {
  func.func @body(%arg0: i32, %arg1: memref<1600x128xf32, #tpu.memory_space<vmem>>, %arg2: memref<1600x128xf32, #tpu.memory_space<vmem>>, %arg3: memref<128x256xf32, #tpu.memory_space<vmem>>, %arg4: memref<128x256xf32, #tpu.memory_space<vmem>>, %arg5: memref<1x256xf32, #tpu.memory_space<vmem>>, %arg6: memref<128x128xf32, #tpu.memory_space<vmem>>, %arg7: memref<1600x128xf32, #tpu.memory_space<vmem>>, %arg8: memref<1600x128xf32, #tpu.memory_space<vmem>>) attributes {dimension_semantics = [#tpu.dimension_semantics<arbitrary>], iteration_bounds = array<i64: 50>, scalar_prefetch = 0 : i64, scratch_operands = 0 : i64, tpu.core_type = #tpu.core_type<tc>, window_params = [{transform_indices = @transform_0, window_bounds = array<i64: 1600, 128>}, {transform_indices = @transform_1, window_bounds = array<i64: 1600, 128>}, {pipeline_mode = #tpu.pipeline_mode<synchronous>, transform_indices = @transform_2, window_bounds = array<i64: 128, 256>}, {pipeline_mode = #tpu.pipeline_mode<synchronous>, transform_indices = @transform_3, window_bounds = array<i64: 128, 256>}, {pipeline_mode = #tpu.pipeline_mode<synchronous>, transform_indices = @transform_4, window_bounds = array<i64: 1, 256>}, {pipeline_mode = #tpu.pipeline_mode<synchronous>, transform_indices = @transform_5, window_bounds = array<i64: 128, 128>}, {transform_indices = @transform_6, window_bounds = array<i64: 1600, 128>}, {transform_indices = @transform_7, window_bounds = array<i64: 1600, 128>}]} {
    %get3A = arith.constant 0 : index
    %get3A_0 = arith.constant 0 : index
    %get3A_1 = vector.load %arg1[%get3A, %get3A_0] : memref<1600x128xf32, #tpu.memory_space<vmem>>, vector<1600x128xf32>
    %broadcast_in_dim3A = arith.constant 0.000000e+00 : f32
    %broadcast_in_dim3A_2 = vector.broadcast %broadcast_in_dim3A : f32 to vector<4x128xf32>
    %slice3A = vector.extract_strided_slice %get3A_1 {offsets = [0, 0], sizes = [1596, 128], strides = [1, 1]} : vector<1600x128xf32> to vector<1596x128xf32>
    %concatenate3A = tpu.concatenate %broadcast_in_dim3A_2, %slice3A in 0 : vector<4x128xf32>, vector<1596x128xf32> -> vector<1600x128xf32>
    %iota3A = tpu.iota {dimensions = array<i32: 0>} : vector<1600x1xi32>
    %jit3A = arith.constant 8 : i32
    %eq3A = arith.constant 0 : i32
    %eq3A_3 = arith.cmpi eq, %jit3A, %eq3A : i32
    %jit3A_4 = arith.constant 1 : i32
    %select_n3A = arith.select %eq3A_3, %jit3A_4, %jit3A : i32
    %rem3A = vector.broadcast %select_n3A : i32 to vector<1600x1xi32>
    %rem3A_5 = arith.remsi %iota3A, %rem3A : vector<1600x1xi32>
    %ne3A = arith.constant 0 : i32
    %ne3A_6 = vector.broadcast %ne3A : i32 to vector<1600x1xi32>
    %ne3A_7 = arith.cmpi ne, %rem3A_5, %ne3A_6 : vector<1600x1xi32>
    %lt3A = arith.constant 0 : i32
    %lt3A_8 = vector.broadcast %lt3A : i32 to vector<1600x1xi32>
    %lt3A_9 = arith.cmpi slt, %rem3A_5, %lt3A_8 : vector<1600x1xi32>
    %lt3A_10 = arith.constant 0 : i32
    %lt3A_11 = arith.cmpi slt, %select_n3A, %lt3A_10 : i32
    %ne3A_12 = vector.broadcast %lt3A_11 : i1 to vector<1600x1xi1>
    %ne3A_13 = vector.broadcast %ne3A_12 : vector<1600x1xi1> to vector<1600x1xi1>
    %ne3A_14 = arith.xori %lt3A_9, %ne3A_13 : vector<1600x1xi1>
    %and3A = arith.andi %ne3A_14, %ne3A_7 : vector<1600x1xi1>
    %add3A = vector.broadcast %select_n3A : i32 to vector<1600x1xi32>
    %add3A_15 = arith.addi %rem3A_5, %add3A : vector<1600x1xi32>
    %select_n3A_16 = arith.select %and3A, %add3A_15, %rem3A_5 : vector<1600x1xi1>, vector<1600x1xi32>
    %ge3A = arith.constant 4 : i32
    %ge3A_17 = vector.broadcast %ge3A : i32 to vector<1600x1xi32>
    %ge3A_18 = arith.cmpi sge, %select_n3A_16, %ge3A_17 : vector<1600x1xi32>
    %jit3A_19 = arith.constant 0.000000e+00 : f32
    %broadcast_in_dim3A_20 = vector.shape_cast %ge3A_18 : vector<1600x1xi1> to vector<1600x1xi1>
    %broadcast_in_dim3A_21 = vector.broadcast %broadcast_in_dim3A_20 : vector<1600x1xi1> to vector<1600x128xi1>
    %broadcast_in_dim3A_22 = vector.broadcast %jit3A_19 : f32 to vector<1600x128xf32>
    %select_n3A_23 = arith.select %broadcast_in_dim3A_21, %concatenate3A, %broadcast_in_dim3A_22 : vector<1600x128xi1>, vector<1600x128xf32>
    %get3A_24 = arith.constant 0 : index
    %get3A_25 = arith.constant 0 : index
    %get3A_26 = vector.load %arg3[%get3A_24, %get3A_25] : memref<128x256xf32, #tpu.memory_space<vmem>>, vector<128x256xf32>
    %dot_general3A = arith.constant dense<0.000000e+00> : vector<1600x256xf32>
    %dot_general3A_27 = tpu.matmul %select_n3A_23, %get3A_26, %dot_general3A {dimension_numbers = #tpu.dot_dimension_numbers<[1], [0], [0], [1], [0, 0, 1, 1], [], []>, transpose_lhs_hint = false} : vector<1600x128xf32>, vector<128x256xf32>, vector<1600x256xf32> -> vector<1600x256xf32>
    %get3A_28 = arith.constant 0 : index
    %get3A_29 = arith.constant 0 : index
    %get3A_30 = vector.load %arg4[%get3A_28, %get3A_29] : memref<128x256xf32, #tpu.memory_space<vmem>>, vector<128x256xf32>
    %dot_general3A_31 = arith.constant dense<0.000000e+00> : vector<1600x256xf32>
    %dot_general3A_32 = tpu.matmul %get3A_1, %get3A_30, %dot_general3A_31 {dimension_numbers = #tpu.dot_dimension_numbers<[1], [0], [0], [1], [0, 0, 1, 1], [], []>, transpose_lhs_hint = false} : vector<1600x128xf32>, vector<128x256xf32>, vector<1600x256xf32> -> vector<1600x256xf32>
    %add3A_33 = arith.addf %dot_general3A_27, %dot_general3A_32 : vector<1600x256xf32>
    %get3A_34 = arith.constant 0 : index
    %get3A_35 = arith.constant 0 : index
    %get3A_36 = vector.load %arg5[%get3A_34, %get3A_35] : memref<1x256xf32, #tpu.memory_space<vmem>>, vector<1x256xf32>
    %add3A_37 = vector.broadcast %get3A_36 : vector<1x256xf32> to vector<1600x256xf32>
    %add3A_38 = arith.addf %add3A_33, %add3A_37 : vector<1600x256xf32>
    %slice3A_39 = vector.extract_strided_slice %add3A_38 {offsets = [0, 0], sizes = [1600, 128], strides = [1, 1]} : vector<1600x256xf32> to vector<1600x128xf32>
    %tanh3A = math.tanh %slice3A_39 : vector<1600x128xf32>
    %slice3A_40 = vector.extract_strided_slice %add3A_38 {offsets = [0, 128], sizes = [1600, 128], strides = [1, 1]} : vector<1600x256xf32> to vector<1600x128xf32>
    %logistic3A = arith.negf %slice3A_40 : vector<1600x128xf32>
    %logistic3A_41 = math.exp %logistic3A : vector<1600x128xf32>
    %logistic3A_42 = arith.constant 1.000000e+00 : f32
    %logistic3A_43 = vector.broadcast %logistic3A_42 : f32 to vector<1600x128xf32>
    %logistic3A_44 = arith.addf %logistic3A_43, %logistic3A_41 : vector<1600x128xf32>
    %logistic3A_45 = arith.divf %logistic3A_43, %logistic3A_44 : vector<1600x128xf32>
    %mul3A = arith.mulf %tanh3A, %logistic3A_45 : vector<1600x128xf32>
    %swap3A = arith.constant 0 : index
    %swap3A_46 = arith.constant 0 : index
    %swap3A_47 = vector.load %arg7[%swap3A, %swap3A_46] : memref<1600x128xf32, #tpu.memory_space<vmem>>, vector<1600x128xf32>
    tpu.vector_store %arg7[%swap3A, %swap3A_46], %mul3A {strides = array<i32>} : memref<1600x128xf32, #tpu.memory_space<vmem>>, vector<1600x128xf32>,
    %get3A_48 = arith.constant 0 : index
    %get3A_49 = arith.constant 0 : index
    %get3A_50 = vector.load %arg2[%get3A_48, %get3A_49] : memref<1600x128xf32, #tpu.memory_space<vmem>>, vector<1600x128xf32>
    %get3A_51 = arith.constant 0 : index
    %get3A_52 = arith.constant 0 : index
    %get3A_53 = vector.load %arg6[%get3A_51, %get3A_52] : memref<128x128xf32, #tpu.memory_space<vmem>>, vector<128x128xf32>
    %dot_general3A_54 = arith.constant dense<0.000000e+00> : vector<1600x128xf32>
    %dot_general3A_55 = tpu.matmul %mul3A, %get3A_53, %dot_general3A_54 {dimension_numbers = #tpu.dot_dimension_numbers<[1], [0], [0], [1], [0, 0, 1, 1], [], []>, transpose_lhs_hint = false} : vector<1600x128xf32>, vector<128x128xf32>, vector<1600x128xf32> -> vector<1600x128xf32>
    %add3A_56 = arith.addf %get3A_50, %dot_general3A_55 : vector<1600x128xf32>
    %swap3A_57 = arith.constant 0 : index
    %swap3A_58 = arith.constant 0 : index
    %swap3A_59 = vector.load %arg8[%swap3A_57, %swap3A_58] : memref<1600x128xf32, #tpu.memory_space<vmem>>, vector<1600x128xf32>
    tpu.vector_store %arg8[%swap3A_57, %swap3A_58], %add3A_56 {strides = array<i32>} : memref<1600x128xf32, #tpu.memory_space<vmem>>, vector<1600x128xf32>,
    return
  }
  func.func @transform_0(%arg0: i32) -> (i32, i32) {
    %c0_i32 = arith.constant 0 : i32
    %c0_i32_0 = arith.constant 0 : i32
    return %arg0, %c0_i32 : i32, i32
  }
  func.func @transform_1(%arg0: i32) -> (i32, i32) {
    %c0_i32 = arith.constant 0 : i32
    %c0_i32_0 = arith.constant 0 : i32
    return %arg0, %c0_i32 : i32, i32
  }
  func.func @transform_2(%arg0: i32) -> (i32, i32) {
    %c0_i32 = arith.constant 0 : i32
    %c0_i32_0 = arith.constant 0 : i32
    %c0_i32_1 = arith.constant 0 : i32
    return %c0_i32, %c0_i32_0 : i32, i32
  }
  func.func @transform_3(%arg0: i32) -> (i32, i32) {
    %c0_i32 = arith.constant 0 : i32
    %c0_i32_0 = arith.constant 0 : i32
    %c0_i32_1 = arith.constant 0 : i32
    return %c0_i32, %c0_i32_0 : i32, i32
  }
  func.func @transform_4(%arg0: i32) -> (i32, i32) {
    %c0_i32 = arith.constant 0 : i32
    %c0_i32_0 = arith.constant 0 : i32
    %c0_i32_1 = arith.constant 0 : i32
    return %c0_i32, %c0_i32_0 : i32, i32
  }
  func.func @transform_5(%arg0: i32) -> (i32, i32) {
    %c0_i32 = arith.constant 0 : i32
    %c0_i32_0 = arith.constant 0 : i32
    %c0_i32_1 = arith.constant 0 : i32
    return %c0_i32, %c0_i32_0 : i32, i32
  }
  func.func @transform_6(%arg0: i32) -> (i32, i32) {
    %c0_i32 = arith.constant 0 : i32
    %c0_i32_0 = arith.constant 0 : i32
    return %arg0, %c0_i32 : i32, i32
  }
  func.func @transform_7(%arg0: i32) -> (i32, i32) {
    %c0_i32 = arith.constant 0 : i32
    %c0_i32_0 = arith.constant 0 : i32
    return %arg0, %c0_i32 : i32, i32
  }
}

</mosaic_0001>

<sc_bundles>
// kernel: gather_offload_async_start.1
scs
__scs_entry_jumppad:
0x0: {  	(pc) =	sbr.rel $0x88, $3  }
0x1: {  	(tag) =	ssettag $0x0;
	lr =	simm.s32 $0x1  }
0x2: {  	[smem:$0x3F96] =	sst lr;
	_ =	strace $0xD0000000  }
0x3: {  	_ = 	snop  }
0x4: {  	_ = 	snop  }
0x5: {  	_ = 	snop  }
0x6: {  	_ = 	snop  }
0x7: {  	_ = 	snop  }
__scs_overlays_trampoline_lowered:
0x8: {  	[smem:$0x3FA5] =	sst s0  }
0x9: {  	[smem:$0x3FA6] =	sst s1  }
0xa: {  	[smem:$0x3FA7] =	sst s2  }
0xb: {  	[smem:$0x3FA8] =	sst s3  }
0xc: {  	[smem:$0x3FA9] =	sst s4  }
0xd: {  	[smem:$0x3FAA] =	sst s5  }
0xe: {  	[smem:$0x3FAB] =	sst s6  }
0xf: {  	[smem:$0x3FAC] =	sst s7  }
0x10: {  	[smem:$0x3FAD] =	sst s8  }
0x11: {  	[smem:$0x3FAE] =	sst s9;
	s0 =	simm.s32 @!p0 $0x0  }
0x12: {  	s1 =	sld [smem:$0x3F94];
	s0 =	simm.s32 @p0 $0x1  }
0x13: {  	[smem:$0x3FAF] =	sst s0;
	s0 =	simm.s32 @!p1 $0x0  }
0x14: {  	s2 =	sld [smem:$0x3F93];
	s0 =	simm.s32 @p1 $0x1  }
0x15: {  	[smem:$0x3FB0] =	sst s0;
	s0 =	simm.s32 @!p2 $0x0  }
0x16: {  	s3 =	sld [smem:$0x3FDB];
	s0 =	simm.s32 @p2 $0x1  }
0x17: {  	s4 =	simm.s32 $0x1BF5;
	[smem:$0x3FB2] =	sst s0  }
0x18: {  	s0 =	sld [smem:$0x3F95];
	_ =	swait.ge [sflag:s4], $0x0  }
0x19: {  	s7 =	sld [smem:$0x3F96]  }
0x1a: {  	s8 =	sadd.s32 $0xFFFFE003, lr  }
0x1b: {  	s9 =	sadd.s32 $0xFFFFFEF7, lr;
	s5 =	simm.s32 $0xFFFFFFFF;
	p2 =	slt.u32 s8, $0xFFFFF086  }
0x1c: {  	p1 =	slt.u32 s9, $0xF7A;
	s5 =	simm.s32 @!p2 $0x0  }
0x1d: {  	s5 =	simm.s32 @p1 $0x1;
	p0 =	seq.s32 s7, s2  }
0x1e: {  	s7 =	smul.u32 @!p0 $0xF7A, s2;
	p2 =	seq.s32 @!p0 s5, $0x0  }
0x1f: {  	s9 =	smul.u32 $0xF7A, s1;
	s8 =	simm.s32 @!p0 $0x1BF5;
	p2 =	por !p2, p0  }
0x20: {  	[sflag:s8] =	ssyncset.s32 @!p0 $0xFFFFF086;
	s6 =	sadd.s32 @!p0 s3, s7;
	s7 =	simm.s32 @!p0 $0x108  }
0x21: {  	s3 =	sadd.s32 s3, s9;
	s6 =	sadd.s32 @!p0 $0x88, s6;
	s7 =	simm.s32 @p2 $0x1082  }
0x22: {  	[simem:s7], [sflag:s8] =	dma.local @!p0 [hbm:s6], $0xF7A  }
0x23: {  	s9 =	sor.u32 $0xD0000000, s2;
	s6 =	simm.s32 $0x108;
	_ =	swait.ge @!p0 [sflag:s8], $0x0  }
0x24: {  	s3 =	sadd.s32 $0x88, s3;
	s6 =	simm.s32 @!p1 $0x1082;
	[sflag:s4] =	ssyncset.s32 $0xFFFFF086  }
0x25: {  	[simem:s6], [sflag:s4] =	dma.local [hbm:s3], $0xF7A  }
0x26: {  	[smem:$0x3F96] =	sst s1;
	(tag) =	ssettag s2;
	_ =	strace s9  }
0x27: {  	s1 =	sld [smem:$0x3FA6]  }
0x28: {  	s2 =	sld [smem:$0x3FA7]  }
0x29: {  	s4 =	sld [smem:$0x3FA9]  }
0x2a: {  	p0 =	seq.s32 s5, $0x0;
	s5 =	sld [smem:$0x3FAA]  }
0x2b: {  	s6 =	sld [smem:$0x3FAB]  }
0x2c: {  	s7 =	sld [smem:$0x3FAC]  }
0x2d: {  	s3 =	simm.s32 $0x108;
	s8 =	sld [smem:$0x3FAD]  }
0x2e: {  	s3 =	simm.s32 @!p0 $0x1082;
	s9 =	sld [smem:$0x3FAE]  }
0x2f: {  	lr =	sadd.s32 s0, s3;
	s0 =	sld [smem:$0x3FA5]  }
0x30: {  	s3 =	sld [smem:$0x3FA8]  }
0x31: {  	[smem:$0x3FB1] =	sst s10  }
0x32: {  	s10 =	sld [smem:$0x3FAF];
	_ =	sdelay $0x3  }
0x33: {  	p0 =	seq.s32 s10, $0x1;
	s10 =	sld [smem:$0x3FB1];
	_ =	sdelay $0x3  }
0x34: {  	[smem:$0x3FB1] =	sst s10  }
0x35: {  	s10 =	sld [smem:$0x3FB0];
	_ =	sdelay $0x3  }
0x36: {  	p1 =	seq.s32 s10, $0x1;
	s10 =	sld [smem:$0x3FB1];
	_ =	sdelay $0x3  }
0x37: {  	[smem:$0x3FB1] =	sst s10  }
0x38: {  	s10 =	sld [smem:$0x3FB2]  }
0x39: {  	_ = 	snop;
	(pc) =	sbr.ind lr, $3  }
0x3a: {  	_ = 	snop  }
0x3b: {  	_ = 	snop  }
0x3c: {  	p2 =	seq.s32 s10, $0x1;
	s10 =	sld [smem:$0x3FB1]  }
0x3d: {  	_ =	shalt  }
0x3e: {  	_ =	shalt  }
0x3f: {  	_ =	shalt  }
0x40: {  	_ =	shalt  }
0x41: {  	_ =	shalt  }
0x42: {  	_ =	shalt  }
0x43: {  	_ =	shalt  }
0x44: {  	_ =	shalt  }
0x45: {  	_ =	shalt  }
0x46: {  	_ =	shalt  }
0x47: {  	_ =	shalt  }
0x48: {  	_ =	shalt  }
0x49: {  	_ =	shalt  }
0x4a: {  	_ =	shalt  }
0x4b: {  	_ =	shalt  }
0x4c: {  	_ =	shalt  }
0x4d: {  	_ =	shalt  }
0x4e: {  	_ =	shalt  }
0x4f: {  	_ =	shalt  }
0x50: {  	_ =	shalt  }
0x51: {  	_ =	shalt  }
0x52: {  	_ =	shalt  }
0x53: {  	_ =	shalt  }
0x54: {  	_ =	shalt  }
0x55: {  	_ =	shalt  }
0x56: {  	_ =	shalt  }
0x57: {  	_ =	shalt  }
0x58: {  	_ =	shalt  }
0x59: {  	_ =	shalt  }
0x5a: {  	_ =	shalt  }
0x5b: {  	_ =	shalt  }
0x5c: {  	_ =	shalt  }
0x5d: {  	_ =	shalt  }
0x5e: {  	_ =	shalt  }
0x5f: {  	_ =	shalt  }
0x60: {  	_ =	shalt  }
0x61: {  	_ =	shalt  }
0x62: {  	_ =	shalt  }
0x63: {  	_ =	shalt  }
0x64: {  	_ =	shalt  }
0x65: {  	_ =	shalt  }
0x66: {  	_ =	shalt  }
0x67: {  	_ =	shalt  }
0x68: {  	_ =	shalt  }
0x69: {  	_ =	shalt  }
0x6a: {  	_ =	shalt  }
0x6b: {  	_ =	shalt  }
0x6c: {  	_ =	shalt  }
0x6d: {  	_ =	shalt  }
0x6e: {  	_ =	shalt  }
0x6f: {  	_ =	shalt  }
0x70: {  	_ =	shalt  }
0x71: {  	_ =	shalt  }
0x72: {  	_ =	shalt  }
0x73: {  	_ =	shalt  }
0x74: {  	_ =	shalt  }
0x75: {  	_ =	shalt  }
0x76: {  	_ =	shalt  }
0x77: {  	_ =	shalt  }
0x78: {  	_ =	shalt  }
0x79: {  	_ =	shalt  }
0x7a: {  	_ =	shalt  }
0x7b: {  	_ =	shalt  }
0x7c: {  	_ =	shalt  }
0x7d: {  	_ =	shalt  }
0x7e: {  	_ =	shalt  }
0x7f: {  	_ =	shalt  }
0x80: {  	_ =	shalt  }
0x81: {  	_ =	shalt  }
0x82: {  	_ =	shalt  }
0x83: {  	_ =	shalt  }
0x84: {  	_ =	shalt  }
0x85: {  	_ =	shalt  }
0x86: {  	_ =	shalt  }
0x87: {  	_ =	shalt  }
.Lfunc_end0:
.L_simem_size_0:
called_computation.1_lowered:
.L_overlay_start_0:
0x88: {  	s2 =	sld [smem:$0x3FD9]  }
0x89: {  	s3 =	sld [smem:$0x3FFE];
	_ =	sdelay $0x1  }
0x8a: {  	s1 =	srdreg.scid  }
0x8b: {  	s0 =	sand.u32 $0x1, s1  }
0x8c: {  	s16 =	sshll.u32 s0, $0xA;
	s2 =	sadd.s32 s3, s2  }
0x8d: {  	s2 =	sadd.s32 s2, s16  }
0x8e: {  	[smem:$0x3FBD] =	sst s2  }
0x8f: {  	_ = 	snop  }
0x90: {  	(tm) =	ssettm $0x1  }
0x91: {  	s17 =	sld [smem:$0x3FFB];
	_ =	sdelay $0x3  }
0x92: {  	_ =	strace s17  }
0x93: {  	s2 =	sld [smem:$0x3FFC];
	_ =	sdelay $0x3  }
0x94: {  	_ =	strace s2  }
0x95: {  	s2 =	sld [smem:$0x3FFD];
	_ =	sdelay $0x3  }
0x96: {  	_ =	strace s2  }
0x97: {  	_ =	strace $0x8FFFFFFF  }
0x98: {  	s18 =	sld [smem:$0x3FDB];
	_ =	sdelay $0x1  }
0x99: {  	s19 =	simm.s32 $_scs_section_size  }
0x9a: {  	s4 =	simm.s32 $_size__tile_overlayer_lowered;
	s5 =	simm.s32 $_tile_overlayer_lowered  }
0x9b: {  	s22 =	simm.s32 $0x1BFF;
	s21 =	sshll.u32 s5, $0x1;
	s2 =	sadd.s32 s19, s18  }
0x9c: {  	s6 =	simm.s32 $0x0;
	s20 =	sshll.u32 s4, $0x1;
	s4 =	sadd.s32 s21, s2  }
0x9d: {  	[timem:s6], [sflag:s22] =	dma.local [hbm:s4], s20  }
0x9e: {  	_ =	swait.ge [sflag:s22], s20  }
0x9f: {  	s3 =	ssub.s32 $0x0, s20;
	[sflag:s22] =	ssyncset.done $0x0  }
0xa0: {  	[sflag:s22] =	ssyncadd.s32 s3;
	_ =	sdelay $0x1  }
0xa1: {  	s23 =	simm.s32 $0x1B8B  }
0xa2: {  	_ =	swait.ge [sflag:s23], $0x1  }
0xa3: {  	[sflag:s23] =	ssyncset.done $0x0  }
0xa4: {  	s25 =	simm.s32 $0x1B8E;
	s24 =	sld [smem:$0x3FFE];
	[sflag:s23] =	ssyncadd.s32 $0xFFFFFFFF  }
0xa5: {  	s26 =	simm.s32 $execute0_lowered;
	[smem:$0x3FD2] =	sst s25  }
0xa6: {  	s4 =	sshll.u32 s26, $0x1;
	_ =	strace $0x80000046;
	[dreg:$0x1] =	wrdreg $0xFFFFFFFF  }
0xa7: {  	s28 =	simm.s32 $_size_execute0_lowered;
	s2 =	sadd.s32 s2, s4;
	[dreg:$0x0] =	wrdreg $0x0  }
0xa8: {  	s4 =	sshll.u32 s28, $0x1;
	[dreg:$0x2] =	wrdreg s2  }
0xa9: {  	[dreg:$0x3] =	wrdreg s4  }
0xaa: {  	[dreg:$0x4] =	wrdreg $0xC0  }
0xab: {  	_ =	task [dreg:s6], $0x5FFFF  }
0xac: {  	[dreg:$0x1] =	wrdreg $0xFFFFFFFF  }
0xad: {  	[dreg:$0x0] =	wrdreg $0x60  }
0xae: {  	[dreg:$0x2] =	wrdreg s24  }
0xaf: {  	[dreg:$0x3] =	wrdreg $0x9  }
0xb0: {  	_ =	task.clear_ibuf [dreg:s6], $0x4FFFF;
	_ =	strace $0x90000046  }
0xb1: {  	s29 =	simm.s32 $0x9;
	_ =	strace $0x80000048  }
0xb2: {  	_ =	swait.ge [sflag:s29], $0x1  }
0xb3: {  	[sflag:s29] =	ssyncadd.s32 $0xFFFFFFFF  }
0xb4: {  	_ =	strace $0x90000048  }
0xb5: {  	_ =	sfence  }
0xb6: {  	s30 =	sld [smem:$0x0];
	_ =	sdelay $0x2  }
0xb7: {  	s31 =	sshll.u32 s1, $0xD;
	s1 =	sshrl.u32 s1, $0x2  }
0xb8: {  	s3 =	sand.u32 $0x4000, s31;
	s1 =	sadd.s32 s1, s30  }
0xb9: {  	s0 =	sor.u32 s3, s0;
	s1 =	sshll.u32 s1, $0x11  }
0xba: {  	s0 =	sor.u32 s1, s0  }
0xbb: {  	s0 =	sadd.s32 $0x8F2B, s0  }
0xbc: {  	[sflag:s0] =	ssyncadd.remote.s32 $0x1  }
0xbd: {  	_ =	sfence.sel $0xFFFF  }
0xbe: {  	[dreg:$0x0] =	wrdreg $0xFFFFFFFF;
	(pc) =	sbr.abs _section_cstart, $3  }
0xbf: {  	[dreg:$0x1] =	wrdreg $0xFFFFFFFF  }
0xc0: {  	_ =	task.clear_ibuf [dreg:s6], $0x2FFFF;
	_ =	strace $0x9FFFFFFF  }
0xc1: {  	(tm) =	ssettm $0x7FFFFFFF  }
tec
execute0_lowered:
.L_overlay_start_1:
0x0: {  	(tag) =	ssettag $0x1  }
0x1: {  	s8 =	rddreg [dreg:$0x0]  }
0x2: {  	s0 =	rddreg [dreg:$0x1];
	_ =	strace $0x80000047;
	s1 =	stileid.u32  }
0x3: {  	s3 =	srdreg.scid;
	s4 =	simm.s32 $0x1;
	s7 =	simm.s32 $0x1  }
0x4: {  	s9 =	simm.s32 $0x1;
	s10 =	simm.s32 $0x3;
	s13 =	simm.s32 $0x0  }
0x5: {  	s12 =	simm.s32 $0x0;
	s5 =	sand.u32 $0x1, s3;
	s6 =	sshll.u32 s1, $0x1  }
0x6: {  	s2 =	sadd.s32 $0x10E00, s8;
	s3 =	sadd.s32 $0x15E00, s8;
	s5 =	sor.u32 s6, s5  }
.Ltmp0:
0x7: {  	[sflag:s4] =	ssyncpa.u1 $0x0;
	p0 =	slt.u32 s5, $0x9;
	(pc) =	sbr.rel .LBB2_1-.Ltmp0, $4  }
0x8: {  	s6 =	simm.s32 $0x2;
	s7 =	simm.s32 @!p0 $0x0;
	p0 =	sne.s32 s5, $0x8  }
0x9: {  	[sflag:s6] =	ssyncpa.u1 $0x0;
	s5 =	smul.u32 $0xFA0, s5;
	s9 =	simm.s32 @!p0 $0x0  }
0xa: {  	s8 =	sadd.s32 $0x153800, s8;
	[sflag:s10] =	ssyncpa.u1 $0x0;
	s7 =	sadd.s32 s9, s7  }
0xb: {  	vm0 =	vmmov $0xffff;
	s10 =	simm.s32 $0x0;
	s11 =	smov.u32 s5;
	s9 =	sadd.s32 $0x1, s7  }
.LBB2_4:
0xc: {  	v2 =	vnsel vm1, $0x0, v2  }
0xd: {  	vm1 =	vgt.s32 v0, $0x0;
	v2 =	vmin.u32 v2, $0x270FF  }
0xe: {  	v0 =	vnsel vm1, $0x0, v0  }
0xf: {  	v0 =	vmin.u32 v0, $0x270FF  }
0x10: {  	[tilespmem:s18], [sflag:$0x1] =	stream.indirect_vreg.gather [hbm4b:s2+s10], $0x1, v1, vm0, $0x4038;
	[tilespmem:$0x3E80] =	vst v63  }
0x11: {  	(ifvalue) =	ssetifvalue $0x7FFFFFFF  }
0x12: {  	[tilespmem:s15], [sflag:$0x1] =	stream.indirect_vreg.gather [hbm4b:s2+s10], $0x1, v2, vm0, $0x4038;
	[tilespmem:$0x3E80] =	vst v63  }
0x13: {  	s29 =	sadd.s32 $0x10, s15;
	(ifvalue) =	ssetifvalue $0x7FFFFFFF  }
0x14: {  	[tilespmem:s29], [sflag:$0x1] =	stream.indirect_vreg.gather [hbm4b:s2+s10], $0x1, v0, vm0, $0x4038;
	[tilespmem:$0x3E80] =	vst v63  }
0x15: {  	_ =	swait.ge [sflag:s4], $0xFA0  }
0x16: {  	s30 =	sshrl.u32 s13, $0x3;
	[sflag:s4] =	ssyncset.done $0x0  }
0x17: {  	s31 =	sand.u32 $0x7, s13;
	s15 =	sadd.s32 s8, s30;
	[sflag:s4] =	ssyncadd.s32 $0xFFFFF060  }
0x18: {  	[hbm4b:s15+s31] =	stream.linear.scatter [tilespmem:s14], [sflag:$0x3], $0xFA0, $0x38;
	[tilespmem:$0x3E80] =	vst v63  }
.LBB2_5:
0x19: {  	s15 =	sadd.s32 $0x1F400, s11  }
0x1a: {  	p1 =	sgt.s32 s15, $0x270FF  }
0x1b: {  	s15 =	smov.u32 @p1 s5;
	p1 =	sne.s32 s12, s9  }
.Ltmp1:
0x1c: {  	p0 =	slt.u32 s12, $0x2;
	(pc) =	sbr.rel @!p1 .LBB2_6-.Ltmp1, $4  }
0x1d: {  	s14 =	simm.s32 @!p0 $0x3  }
0x1e: {  	_ =	swait.ge @!p0 [sflag:s14], $0xFA0  }
0x1f: {  	s16 =	sadd.s32 $0x1, s12;
	s13 =	smov.u32 s11;
	[sflag:s14] =	ssyncset.done @!p0 $0x0  }
0x20: {  	s12 =	smov.u32 s16;
	s11 =	smov.u32 s15;
	[sflag:s14] =	ssyncadd.s32 @!p0 $0xFFFFF060  }
.LBB2_1:
0x21: {  	p0 =	sge.u32 s12, s7  }
0x22: {  	s14 =	sxor.u32 @!p0 $0x1, s12  }
0x23: {  	s14 =	smul.u32 @!p0 $0x3E80, s14  }
0x24: {  	s31 =	sadd.s32 $0xFFFFFFFF, s12;
	s15 =	sshrl.u32 @!p0 s11, $0x3  }
0x25: {  	s16 =	sand.u32 @!p0 $0x7, s11;
	s15 =	sadd.s32 @!p0 s3, s15;
	s14 =	sshra.s32 @!p0 s14, $0x2  }
0x26: {  	[tilespmem:s14], [sflag:$0x2] =	stream.linear.gather @!p0 [hbm4b:s15+s16], $0xFA0, $0x38;
	[tilespmem:$0x3E80] =	vst v63  }
0x27: {  	p0 =	sge.u32 s31, s7  }
.Ltmp2:
0x28: {  	_ = 	snop;
	(pc) =	sbr.rel @p0 .LBB2_5-.Ltmp2, $1  }
0x29: {  	_ =	sdelay $0x3  }
0x2a: {  	s14 =	sand.u32 $0x1, s12  }
0x2b: {  	_ =	swait.ge [sflag:s6], $0xFA0;
	p0 =	seq.s32 s14, $0x1;
	s14 =	simm.s32 $0xFA0  }
0x2c: {  	[sflag:s6] =	ssyncset.done $0x0;
	s14 =	simm.s32 @!p0 $0x0  }
0x2d: {  	[sflag:s6] =	ssyncadd.s32 $0xFFFFF060;
	(ifvalue) =	ssetifvalue $0x7FFFFFFF;
	v0 =	vld.msk [tilespmem:s14+$0x0 ss:$0x1], $0xffff;
	_ =	sdelay $0x4  }
0x2e: {  	s15 =	sadd.s32 $0x10, s14;
	vm1 =	vgt.s32 v0, $0x0  }
0x2f: {  	v2 =	vld.msk [tilespmem:s15+$0x0 ss:$0x1], $0xffff;
	v1 =	vnsel vm1, $0x0, v0  }
0x30: {  	v1 =	vmin.u32 v1, $0x270FF;
	_ =	sdelay $0x2  }
0x31: {  	s17 =	simm.s32 $0x20;
	s14 =	sadd.s32 $0x1F40, s14;
	s16 =	sadd.s32 $0x10, s15  }
0x32: {  	s15 =	sadd.s32 $0x10, s14;
	s18 =	smov.u32 s14;
	v0 =	vld.msk [tilespmem:s16+$0x0 ss:$0x1], $0xffff;
	vm1 =	vgt.s32 v2, $0x0;
	(ifvalue) =	ssetifvalue $0x7FFFFFFF  }
.LBB2_3:
0x33: {  	[tilespmem:s18], [sflag:$0x1] =	stream.indirect_vreg.gather [hbm4b:s2+s10], $0x1, v1, vm0, $0x4038;
	[tilespmem:$0x3E80] =	vst v63  }
0x34: {  	s17 =	sadd.s32 $0x10, s17  }
0x35: {  	v2 =	vnsel vm1, $0x0, v2;
	p0 =	slt.u32 s17, $0xF90  }
.Ltmp3:
0x36: {  	s18 =	smov.u32 s15;
	v1 =	vmin.u32 v2, $0x270FF;
	(pc) =	sbr.rel @p0 .LBB2_3-.Ltmp3, $3  }
0x37: {  	_ =	sdelay $0x1  }
0x38: {  	s16 =	sadd.s32 $0x10, s16  }
0x39: {  	vm1 =	vgt.s32 v0, $0x0;
	s15 =	sadd.s32 $0x10, s15;
	v2 =	vmov v0;
	(ifvalue) =	ssetifvalue $0x7FFFFFFF;
	v0 =	vld.msk [tilespmem:s16+$0x0 ss:$0x1], $0xffff  }
.Ltmp4:
0x3a: {  	_ = 	snop;
	(pc) =	sbr.rel .LBB2_4-.Ltmp4, $1  }
0x3b: {  	_ =	sdelay $0x3  }
.LBB2_6:
0x3c: {  	_ =	sfence.sel $0x180000  }
0x3d: {  	s2 =	simm.s32 $0x2;
	[bflag:$0x0] =	sbarrier.arrive $0xFFFF  }
0x3e: {  	s30 =	simm.s32 $0x3;
	[sflag:s2] =	ssyncpa.u1 $0x1  }
0x3f: {  	s31 =	simm.s32 $0x1;
	[sflag:s30] =	ssyncpa.u1 $0x1  }
0x40: {  	[sflag:s31] =	ssyncpa.u1 $0x1  }
0x41: {  	p0 =	sne.s32 s1, $0x0;
	_ =	strace $0x90000047  }
0x42: {  	s0 =	sadd.s32 @!p0 $0x100000, s0;
	[bflag:$0x2] =	sbarrier.arrive $0xFFFF  }
0x43: {  	[sflag:s0] =	ssyncadd.tile.s32 @!p0 $0x1;
	_ =	shalt  }
.Lfunc_end2:
_tile_overlayer_lowered:
.L_overlay_start_2:
0x44: {  	(tag) =	ssettag $0x2  }
0x45: {  	s0 =	rddreg [dreg:$0x0];
	s2 =	stileid.u32  }
0x46: {  	s1 =	rddreg [dreg:$0x1];
	p0 =	sne.s32 s2, $0x0  }
0x47: {  	s3 =	rddreg [dreg:$0x2];
	[bflag:$0x3] =	sbarrier.arrive $0xFFFF;
	s2 =	simm.s32 @!p0 $0x1C01  }
0x48: {  	[timem:s3], [sflag:s2] =	dma.local @!p0 [hbm:s0], s1  }
0x49: {  	s0 =	simm.s32 @!p0 $0x1  }
0x4a: {  	_ =	swait.ge @!p0 [sflag:s0], s1  }
0x4b: {  	s1 =	ssub.s32 @!p0 $0x0, s1;
	[sflag:s0] =	ssyncset.done @!p0 $0x0  }
0x4c: {  	[sflag:s0] =	ssyncadd.s32 @!p0 s1  }
0x4d: {  	[bflag:$0x3] =	sbarrier.arrive $0xFFFF  }
0x4e: {  	_ =	shalt  }

// kernel: gather_offload_async_start.2
scs
__scs_entry_jumppad:
0x0: {  	(pc) =	sbr.rel $0x88, $3  }
0x1: {  	(tag) =	ssettag $0x0;
	lr =	simm.s32 $0x1  }
0x2: {  	[smem:$0x3F96] =	sst lr;
	_ =	strace $0xD0000000  }
0x3: {  	_ = 	snop  }
0x4: {  	_ = 	snop  }
0x5: {  	_ = 	snop  }
0x6: {  	_ = 	snop  }
0x7: {  	_ = 	snop  }
__scs_overlays_trampoline_lowered:
0x8: {  	[smem:$0x3FA5] =	sst s0  }
0x9: {  	[smem:$0x3FA6] =	sst s1  }
0xa: {  	[smem:$0x3FA7] =	sst s2  }
0xb: {  	[smem:$0x3FA8] =	sst s3  }
0xc: {  	[smem:$0x3FA9] =	sst s4  }
0xd: {  	[smem:$0x3FAA] =	sst s5  }
0xe: {  	[smem:$0x3FAB] =	sst s6  }
0xf: {  	[smem:$0x3FAC] =	sst s7  }
0x10: {  	[smem:$0x3FAD] =	sst s8  }
0x11: {  	[smem:$0x3FAE] =	sst s9;
	s0 =	simm.s32 @!p0 $0x0  }
0x12: {  	s1 =	sld [smem:$0x3F94];
	s0 =	simm.s32 @p0 $0x1  }
0x13: {  	[smem:$0x3FAF] =	sst s0;
	s0 =	simm.s32 @!p1 $0x0  }
0x14: {  	s2 =	sld [smem:$0x3F93];
	s0 =	simm.s32 @p1 $0x1  }
0x15: {  	[smem:$0x3FB0] =	sst s0;
	s0 =	simm.s32 @!p2 $0x0  }
0x16: {  	s3 =	sld [smem:$0x3FDB];
	s0 =	simm.s32 @p2 $0x1  }
0x17: {  	s4 =	simm.s32 $0x1BF5;
	[smem:$0x3FB2] =	sst s0  }
0x18: {  	s0 =	sld [smem:$0x3F95];
	_ =	swait.ge [sflag:s4], $0x0  }
0x19: {  	s7 =	sld [smem:$0x3F96]  }
0x1a: {  	s8 =	sadd.s32 $0xFFFFE003, lr  }
0x1b: {  	s9 =	sadd.s32 $0xFFFFFEF7, lr;
	s5 =	simm.s32 $0xFFFFFFFF;
	p2 =	slt.u32 s8, $0xFFFFF086  }
0x1c: {  	p1 =	slt.u32 s9, $0xF7A;
	s5 =	simm.s32 @!p2 $0x0  }
0x1d: {  	s5 =	simm.s32 @p1 $0x1;
	p0 =	seq.s32 s7, s2  }
0x1e: {  	s7 =	smul.u32 @!p0 $0xF7A, s2;
	p2 =	seq.s32 @!p0 s5, $0x0  }
0x1f: {  	s9 =	smul.u32 $0xF7A, s1;
	s8 =	simm.s32 @!p0 $0x1BF5;
	p2 =	por !p2, p0  }
0x20: {  	[sflag:s8] =	ssyncset.s32 @!p0 $0xFFFFF086;
	s6 =	sadd.s32 @!p0 s3, s7;
	s7 =	simm.s32 @!p0 $0x108  }
0x21: {  	s3 =	sadd.s32 s3, s9;
	s6 =	sadd.s32 @!p0 $0x88, s6;
	s7 =	simm.s32 @p2 $0x1082  }
0x22: {  	[simem:s7], [sflag:s8] =	dma.local @!p0 [hbm:s6], $0xF7A  }
0x23: {  	s9 =	sor.u32 $0xD0000000, s2;
	s6 =	simm.s32 $0x108;
	_ =	swait.ge @!p0 [sflag:s8], $0x0  }
0x24: {  	s3 =	sadd.s32 $0x88, s3;
	s6 =	simm.s32 @!p1 $0x1082;
	[sflag:s4] =	ssyncset.s32 $0xFFFFF086  }
0x25: {  	[simem:s6], [sflag:s4] =	dma.local [hbm:s3], $0xF7A  }
0x26: {  	[smem:$0x3F96] =	sst s1;
	(tag) =	ssettag s2;
	_ =	strace s9  }
0x27: {  	s1 =	sld [smem:$0x3FA6]  }
0x28: {  	s2 =	sld [smem:$0x3FA7]  }
0x29: {  	s4 =	sld [smem:$0x3FA9]  }
0x2a: {  	p0 =	seq.s32 s5, $0x0;
	s5 =	sld [smem:$0x3FAA]  }
0x2b: {  	s6 =	sld [smem:$0x3FAB]  }
0x2c: {  	s7 =	sld [smem:$0x3FAC]  }
0x2d: {  	s3 =	simm.s32 $0x108;
	s8 =	sld [smem:$0x3FAD]  }
0x2e: {  	s3 =	simm.s32 @!p0 $0x1082;
	s9 =	sld [smem:$0x3FAE]  }
0x2f: {  	lr =	sadd.s32 s0, s3;
	s0 =	sld [smem:$0x3FA5]  }
0x30: {  	s3 =	sld [smem:$0x3FA8]  }
0x31: {  	[smem:$0x3FB1] =	sst s10  }
0x32: {  	s10 =	sld [smem:$0x3FAF];
	_ =	sdelay $0x3  }
0x33: {  	p0 =	seq.s32 s10, $0x1;
	s10 =	sld [smem:$0x3FB1];
	_ =	sdelay $0x3  }
0x34: {  	[smem:$0x3FB1] =	sst s10  }
0x35: {  	s10 =	sld [smem:$0x3FB0];
	_ =	sdelay $0x3  }
0x36: {  	p1 =	seq.s32 s10, $0x1;
	s10 =	sld [smem:$0x3FB1];
	_ =	sdelay $0x3  }
0x37: {  	[smem:$0x3FB1] =	sst s10  }
0x38: {  	s10 =	sld [smem:$0x3FB2]  }
0x39: {  	_ = 	snop;
	(pc) =	sbr.ind lr, $3  }
0x3a: {  	_ = 	snop  }
0x3b: {  	_ = 	snop  }
0x3c: {  	p2 =	seq.s32 s10, $0x1;
	s10 =	sld [smem:$0x3FB1]  }
0x3d: {  	_ =	shalt  }
0x3e: {  	_ =	shalt  }
0x3f: {  	_ =	shalt  }
0x40: {  	_ =	shalt  }
0x41: {  	_ =	shalt  }
0x42: {  	_ =	shalt  }
0x43: {  	_ =	shalt  }
0x44: {  	_ =	shalt  }
0x45: {  	_ =	shalt  }
0x46: {  	_ =	shalt  }
0x47: {  	_ =	shalt  }
0x48: {  	_ =	shalt  }
0x49: {  	_ =	shalt  }
0x4a: {  	_ =	shalt  }
0x4b: {  	_ =	shalt  }
0x4c: {  	_ =	shalt  }
0x4d: {  	_ =	shalt  }
0x4e: {  	_ =	shalt  }
0x4f: {  	_ =	shalt  }
0x50: {  	_ =	shalt  }
0x51: {  	_ =	shalt  }
0x52: {  	_ =	shalt  }
0x53: {  	_ =	shalt  }
0x54: {  	_ =	shalt  }
0x55: {  	_ =	shalt  }
0x56: {  	_ =	shalt  }
0x57: {  	_ =	shalt  }
0x58: {  	_ =	shalt  }
0x59: {  	_ =	shalt  }
0x5a: {  	_ =	shalt  }
0x5b: {  	_ =	shalt  }
0x5c: {  	_ =	shalt  }
0x5d: {  	_ =	shalt  }
0x5e: {  	_ =	shalt  }
0x5f: {  	_ =	shalt  }
0x60: {  	_ =	shalt  }
0x61: {  	_ =	shalt  }
0x62: {  	_ =	shalt  }
0x63: {  	_ =	shalt  }
0x64: {  	_ =	shalt  }
0x65: {  	_ =	shalt  }
0x66: {  	_ =	shalt  }
0x67: {  	_ =	shalt  }
0x68: {  	_ =	shalt  }
0x69: {  	_ =	shalt  }
0x6a: {  	_ =	shalt  }
0x6b: {  	_ =	shalt  }
0x6c: {  	_ =	shalt  }
0x6d: {  	_ =	shalt  }
0x6e: {  	_ =	shalt  }
0x6f: {  	_ =	shalt  }
0x70: {  	_ =	shalt  }
0x71: {  	_ =	shalt  }
0x72: {  	_ =	shalt  }
0x73: {  	_ =	shalt  }
0x74: {  	_ =	shalt  }
0x75: {  	_ =	shalt  }
0x76: {  	_ =	shalt  }
0x77: {  	_ =	shalt  }
0x78: {  	_ =	shalt  }
0x79: {  	_ =	shalt  }
0x7a: {  	_ =	shalt  }
0x7b: {  	_ =	shalt  }
0x7c: {  	_ =	shalt  }
0x7d: {  	_ =	shalt  }
0x7e: {  	_ =	shalt  }
0x7f: {  	_ =	shalt  }
0x80: {  	_ =	shalt  }
0x81: {  	_ =	shalt  }
0x82: {  	_ =	shalt  }
0x83: {  	_ =	shalt  }
0x84: {  	_ =	shalt  }
0x85: {  	_ =	shalt  }
0x86: {  	_ =	shalt  }
0x87: {  	_ =	shalt  }
.Lfunc_end0:
.L_simem_size_0:
called_computation.2_lowered:
.L_overlay_start_0:
0x88: {  	s2 =	sld [smem:$0x3FD9]  }
0x89: {  	s3 =	sld [smem:$0x3FFE];
	_ =	sdelay $0x1  }
0x8a: {  	s1 =	srdreg.scid  }
0x8b: {  	s0 =	sand.u32 $0x1, s1  }
0x8c: {  	s14 =	sshll.u32 s0, $0xA;
	s2 =	sadd.s32 s3, s2  }
0x8d: {  	s2 =	sadd.s32 s2, s14  }
0x8e: {  	[smem:$0x3FBD] =	sst s2  }
0x8f: {  	_ = 	snop  }
0x90: {  	s2 =	sld [smem:$0x3FD0];
	_ =	sdelay $0x2  }
0x91: {  	s4 =	simm.s32 $0xA;
	s5 =	simm.s32 $0x10;
	s15 =	sld [smem:$0x3FC7]  }
0x92: {  	[smem:s5], [sflag:s4] =	dma.local [hbm:s2], $0x1  }
0x93: {  	_ =	swait.eq [sflag:s4], $0x1  }
0x94: {  	[sflag:s4] =	ssyncset.done $0x0  }
0x95: {  	[sflag:s4] =	ssyncadd.s32 $0xFFFFFFFF  }
0x96: {  	s16 =	sld [smem:$0x11];
	(tm) =	ssettm $0x1  }
0x97: {  	s17 =	sld [smem:$0x3FFB];
	_ =	sdelay $0x3  }
0x98: {  	_ =	strace s17  }
0x99: {  	s4 =	sld [smem:$0x3FFC];
	_ =	sdelay $0x3  }
0x9a: {  	_ =	strace s4  }
0x9b: {  	s4 =	sld [smem:$0x3FFD];
	_ =	sdelay $0x3  }
0x9c: {  	_ =	strace s4  }
0x9d: {  	_ =	strace $0x8FFFFFFF  }
0x9e: {  	s18 =	sld [smem:$0x3FDB];
	_ =	sdelay $0x1  }
0x9f: {  	s19 =	simm.s32 $_scs_section_size  }
0xa0: {  	s6 =	simm.s32 $_size__tile_overlayer_lowered;
	s7 =	simm.s32 $_tile_overlayer_lowered  }
0xa1: {  	s22 =	simm.s32 $0x1BFF;
	s21 =	sshll.u32 s7, $0x1;
	s4 =	sadd.s32 s19, s18  }
0xa2: {  	s8 =	simm.s32 $0x0;
	s20 =	sshll.u32 s6, $0x1;
	s6 =	sadd.s32 s21, s4  }
0xa3: {  	[timem:s8], [sflag:s22] =	dma.local [hbm:s6], s20  }
0xa4: {  	_ =	swait.ge [sflag:s22], s20  }
0xa5: {  	s5 =	ssub.s32 $0x0, s20;
	[sflag:s22] =	ssyncset.done $0x0  }
0xa6: {  	[sflag:s22] =	ssyncadd.s32 s5;
	_ =	sdelay $0x1  }
0xa7: {  	s23 =	simm.s32 $0x1B8B  }
0xa8: {  	_ =	swait.ge [sflag:s23], $0x1  }
0xa9: {  	[sflag:s23] =	ssyncset.done $0x0  }
0xaa: {  	s25 =	simm.s32 $0x1B8E;
	s24 =	sld [smem:$0x3FFE];
	[sflag:s23] =	ssyncadd.s32 $0xFFFFFFFF  }
0xab: {  	s26 =	simm.s32 $execute0_lowered;
	[smem:$0x3FD2] =	sst s25  }
0xac: {  	s6 =	sshll.u32 s26, $0x1;
	_ =	strace $0x80000049;
	[dreg:$0x1] =	wrdreg $0xFFFFFFFF  }
0xad: {  	s28 =	simm.s32 $_size_execute0_lowered;
	s4 =	sadd.s32 s4, s6;
	[dreg:$0x0] =	wrdreg $0x0  }
0xae: {  	s6 =	sshll.u32 s28, $0x1;
	[dreg:$0x2] =	wrdreg s4  }
0xaf: {  	[dreg:$0x3] =	wrdreg s6  }
0xb0: {  	[dreg:$0x4] =	wrdreg $0xC0  }
0xb1: {  	_ =	task [dreg:s8], $0x5FFFF  }
0xb2: {  	[dreg:$0x1] =	wrdreg $0xFFFFFFFF  }
0xb3: {  	[dreg:$0x0] =	wrdreg $0x60  }
0xb4: {  	[dreg:$0x2] =	wrdreg s15  }
0xb5: {  	[dreg:$0x3] =	wrdreg s24  }
0xb6: {  	[dreg:$0x4] =	wrdreg s16  }
0xb7: {  	[dreg:$0x5] =	wrdreg $0x9  }
0xb8: {  	_ =	task.clear_ibuf [dreg:s8], $0x6FFFF;
	_ =	strace $0x90000049  }
0xb9: {  	s29 =	simm.s32 $0x9;
	_ =	strace $0x8000004B  }
0xba: {  	_ =	swait.ge [sflag:s29], $0x1  }
0xbb: {  	[sflag:s29] =	ssyncadd.s32 $0xFFFFFFFF  }
0xbc: {  	_ =	strace $0x9000004B  }
0xbd: {  	_ =	sfence  }
0xbe: {  	s30 =	sld [smem:$0x0];
	_ =	sdelay $0x2  }
0xbf: {  	s31 =	sshll.u32 s1, $0xD;
	s1 =	sshrl.u32 s1, $0x2  }
0xc0: {  	s3 =	sand.u32 $0x4000, s31;
	s1 =	sadd.s32 s1, s30  }
0xc1: {  	s0 =	sor.u32 s3, s0;
	s1 =	sshll.u32 s1, $0x11  }
0xc2: {  	s0 =	sor.u32 s1, s0  }
0xc3: {  	s0 =	sadd.s32 $0x8F2B, s0  }
0xc4: {  	[sflag:s0] =	ssyncadd.remote.s32 $0x1  }
0xc5: {  	_ =	sfence.sel $0xFFFF  }
0xc6: {  	[dreg:$0x0] =	wrdreg $0xFFFFFFFF;
	(pc) =	sbr.abs _section_cstart, $3  }
0xc7: {  	[dreg:$0x1] =	wrdreg $0xFFFFFFFF  }
0xc8: {  	_ =	task.clear_ibuf [dreg:s8], $0x2FFFF;
	_ =	strace $0x9FFFFFFF  }
0xc9: {  	(tm) =	ssettm $0x7FFFFFFF  }
tec
execute0_lowered:
.L_overlay_start_1:
0x0: {  	(tag) =	ssettag $0x1  }
0x1: {  	s2 =	rddreg [dreg:$0x0]  }
0x2: {  	s8 =	rddreg [dreg:$0x1]  }
0x3: {  	s3 =	rddreg [dreg:$0x2];
	s1 =	stileid.u32  }
0x4: {  	s4 =	srdreg.scid;
	s0 =	rddreg [dreg:$0x3];
	_ =	strace $0x8000004A  }
0x5: {  	s7 =	simm.s32 $0x1;
	s9 =	simm.s32 $0x1;
	s10 =	simm.s32 $0x3  }
0x6: {  	s13 =	simm.s32 $0x0;
	s5 =	sand.u32 $0x1, s4;
	s6 =	sshll.u32 s1, $0x1  }
0x7: {  	s12 =	simm.s32 $0x0;
	s4 =	simm.s32 $0x1;
	s5 =	sor.u32 s6, s5  }
.Ltmp0:
0x8: {  	[sflag:s4] =	ssyncpa.u1 $0x0;
	p0 =	slt.u32 s5, $0x9;
	(pc) =	sbr.rel .LBB2_1-.Ltmp0, $4  }
0x9: {  	s6 =	simm.s32 $0x2;
	s7 =	simm.s32 @!p0 $0x0;
	p0 =	sne.s32 s5, $0x8  }
0xa: {  	[sflag:s6] =	ssyncpa.u1 $0x0;
	s5 =	smul.u32 $0xFA0, s5;
	s9 =	simm.s32 @!p0 $0x0  }
0xb: {  	s8 =	sadd.s32 $0x15E00, s8;
	[sflag:s10] =	ssyncpa.u1 $0x0;
	s7 =	sadd.s32 s9, s7  }
0xc: {  	vm0 =	vmmov $0xffff;
	s10 =	simm.s32 $0x0;
	s11 =	smov.u32 s5;
	s9 =	sadd.s32 $0x1, s7  }
.LBB2_4:
0xd: {  	v2 =	vnsel vm1, $0x0, v2  }
0xe: {  	vm1 =	vgt.s32 v0, $0x0;
	v2 =	vmin.u32 v2, $0x270FF  }
0xf: {  	v0 =	vnsel vm1, $0x0, v0  }
0x10: {  	v0 =	vmin.u32 v0, $0x270FF  }
0x11: {  	[tilespmem:s18], [sflag:$0x1] =	stream.indirect_vreg.gather [hbm4b:s2+s10], $0x1, v1, vm0, $0x4038;
	[tilespmem:$0x3E80] =	vst v63  }
0x12: {  	(ifvalue) =	ssetifvalue $0x7FFFFFFF  }
0x13: {  	[tilespmem:s15], [sflag:$0x1] =	stream.indirect_vreg.gather [hbm4b:s2+s10], $0x1, v2, vm0, $0x4038;
	[tilespmem:$0x3E80] =	vst v63  }
0x14: {  	s29 =	sadd.s32 $0x10, s15;
	(ifvalue) =	ssetifvalue $0x7FFFFFFF  }
0x15: {  	[tilespmem:s29], [sflag:$0x1] =	stream.indirect_vreg.gather [hbm4b:s2+s10], $0x1, v0, vm0, $0x4038;
	[tilespmem:$0x3E80] =	vst v63  }
0x16: {  	_ =	swait.ge [sflag:s4], $0xFA0  }
0x17: {  	s30 =	sshrl.u32 s13, $0x3;
	[sflag:s4] =	ssyncset.done $0x0  }
0x18: {  	s31 =	sand.u32 $0x7, s13;
	s15 =	sadd.s32 s3, s30;
	[sflag:s4] =	ssyncadd.s32 $0xFFFFF060  }
0x19: {  	[hbm4b:s15+s31] =	stream.linear.scatter [tilespmem:s14], [sflag:$0x3], $0xFA0, $0x38;
	[tilespmem:$0x3E80] =	vst v63  }
.LBB2_5:
0x1a: {  	s15 =	sadd.s32 $0x1F400, s11  }
0x1b: {  	p1 =	sgt.s32 s15, $0x270FF  }
0x1c: {  	s15 =	smov.u32 @p1 s5;
	p1 =	sne.s32 s12, s9  }
.Ltmp1:
0x1d: {  	p0 =	slt.u32 s12, $0x2;
	(pc) =	sbr.rel @!p1 .LBB2_6-.Ltmp1, $4  }
0x1e: {  	s14 =	simm.s32 @!p0 $0x3  }
0x1f: {  	_ =	swait.ge @!p0 [sflag:s14], $0xFA0  }
0x20: {  	s16 =	sadd.s32 $0x1, s12;
	s13 =	smov.u32 s11;
	[sflag:s14] =	ssyncset.done @!p0 $0x0  }
0x21: {  	s12 =	smov.u32 s16;
	s11 =	smov.u32 s15;
	[sflag:s14] =	ssyncadd.s32 @!p0 $0xFFFFF060  }
.LBB2_1:
0x22: {  	p0 =	sge.u32 s12, s7  }
0x23: {  	s14 =	sxor.u32 @!p0 $0x1, s12  }
0x24: {  	s14 =	smul.u32 @!p0 $0x3E80, s14  }
0x25: {  	s31 =	sadd.s32 $0xFFFFFFFF, s12;
	s15 =	sshrl.u32 @!p0 s11, $0x3  }
0x26: {  	s16 =	sand.u32 @!p0 $0x7, s11;
	s15 =	sadd.s32 @!p0 s8, s15;
	s14 =	sshra.s32 @!p0 s14, $0x2  }
0x27: {  	[tilespmem:s14], [sflag:$0x2] =	stream.linear.gather @!p0 [hbm4b:s15+s16], $0xFA0, $0x38;
	[tilespmem:$0x3E80] =	vst v63  }
0x28: {  	p0 =	sge.u32 s31, s7  }
.Ltmp2:
0x29: {  	_ = 	snop;
	(pc) =	sbr.rel @p0 .LBB2_5-.Ltmp2, $1  }
0x2a: {  	_ =	sdelay $0x3  }
0x2b: {  	s14 =	sand.u32 $0x1, s12  }
0x2c: {  	_ =	swait.ge [sflag:s6], $0xFA0;
	p0 =	seq.s32 s14, $0x1;
	s14 =	simm.s32 $0xFA0  }
0x2d: {  	[sflag:s6] =	ssyncset.done $0x0;
	s14 =	simm.s32 @!p0 $0x0  }
0x2e: {  	[sflag:s6] =	ssyncadd.s32 $0xFFFFF060;
	(ifvalue) =	ssetifvalue $0x7FFFFFFF;
	v0 =	vld.msk [tilespmem:s14+$0x0 ss:$0x1], $0xffff;
	_ =	sdelay $0x4  }
0x2f: {  	s15 =	sadd.s32 $0x10, s14;
	vm1 =	vgt.s32 v0, $0x0  }
0x30: {  	v2 =	vld.msk [tilespmem:s15+$0x0 ss:$0x1], $0xffff;
	v1 =	vnsel vm1, $0x0, v0  }
0x31: {  	v1 =	vmin.u32 v1, $0x270FF;
	_ =	sdelay $0x2  }
0x32: {  	s17 =	simm.s32 $0x20;
	s14 =	sadd.s32 $0x1F40, s14;
	s16 =	sadd.s32 $0x10, s15  }
0x33: {  	s15 =	sadd.s32 $0x10, s14;
	s18 =	smov.u32 s14;
	v0 =	vld.msk [tilespmem:s16+$0x0 ss:$0x1], $0xffff;
	vm1 =	vgt.s32 v2, $0x0;
	(ifvalue) =	ssetifvalue $0x7FFFFFFF  }
.LBB2_3:
0x34: {  	[tilespmem:s18], [sflag:$0x1] =	stream.indirect_vreg.gather [hbm4b:s2+s10], $0x1, v1, vm0, $0x4038;
	[tilespmem:$0x3E80] =	vst v63  }
0x35: {  	s17 =	sadd.s32 $0x10, s17  }
0x36: {  	v2 =	vnsel vm1, $0x0, v2;
	p0 =	slt.u32 s17, $0xF90  }
.Ltmp3:
0x37: {  	s18 =	smov.u32 s15;
	v1 =	vmin.u32 v2, $0x270FF;
	(pc) =	sbr.rel @p0 .LBB2_3-.Ltmp3, $3  }
0x38: {  	_ =	sdelay $0x1  }
0x39: {  	s16 =	sadd.s32 $0x10, s16  }
0x3a: {  	vm1 =	vgt.s32 v0, $0x0;
	s15 =	sadd.s32 $0x10, s15;
	v2 =	vmov v0;
	(ifvalue) =	ssetifvalue $0x7FFFFFFF;
	v0 =	vld.msk [tilespmem:s16+$0x0 ss:$0x1], $0xffff  }
.Ltmp4:
0x3b: {  	_ = 	snop;
	(pc) =	sbr.rel .LBB2_4-.Ltmp4, $1  }
0x3c: {  	_ =	sdelay $0x3  }
.LBB2_6:
0x3d: {  	_ =	sfence.sel $0x180000  }
0x3e: {  	s2 =	simm.s32 $0x2;
	[bflag:$0x0] =	sbarrier.arrive $0xFFFF  }
0x3f: {  	s30 =	simm.s32 $0x3;
	[sflag:s2] =	ssyncpa.u1 $0x1  }
0x40: {  	s31 =	simm.s32 $0x1;
	[sflag:s30] =	ssyncpa.u1 $0x1  }
0x41: {  	[sflag:s31] =	ssyncpa.u1 $0x1  }
0x42: {  	p0 =	sne.s32 s1, $0x0;
	_ =	strace $0x9000004A  }
0x43: {  	s0 =	sadd.s32 @!p0 $0x100000, s0;
	[bflag:$0x2] =	sbarrier.arrive $0xFFFF  }
0x44: {  	[sflag:s0] =	ssyncadd.tile.s32 @!p0 $0x1;
	_ =	shalt  }
.Lfunc_end2:
_tile_overlayer_lowered:
.L_overlay_start_2:
0x45: {  	(tag) =	ssettag $0x2  }
0x46: {  	s0 =	rddreg [dreg:$0x0];
	s2 =	stileid.u32  }
0x47: {  	s1 =	rddreg [dreg:$0x1];
	p0 =	sne.s32 s2, $0x0  }
0x48: {  	s3 =	rddreg [dreg:$0x2];
	[bflag:$0x3] =	sbarrier.arrive $0xFFFF;
	s2 =	simm.s32 @!p0 $0x1C01  }
0x49: {  	[timem:s3], [sflag:s2] =	dma.local @!p0 [hbm:s0], s1  }
0x4a: {  	s0 =	simm.s32 @!p0 $0x1  }
0x4b: {  	_ =	swait.ge @!p0 [sflag:s0], s1  }
0x4c: {  	s1 =	ssub.s32 @!p0 $0x0, s1;
	[sflag:s0] =	ssyncset.done @!p0 $0x0  }
0x4d: {  	[sflag:s0] =	ssyncadd.s32 @!p0 s1  }
0x4e: {  	[bflag:$0x3] =	sbarrier.arrive $0xFFFF  }
0x4f: {  	_ =	shalt  }

// kernel: gather_offload_async_start
scs
__scs_entry_jumppad:
0x0: {  	(pc) =	sbr.rel $0x88, $3  }
0x1: {  	(tag) =	ssettag $0x0;
	lr =	simm.s32 $0x1  }
0x2: {  	[smem:$0x3F96] =	sst lr;
	_ =	strace $0xD0000000  }
0x3: {  	_ = 	snop  }
0x4: {  	_ = 	snop  }
0x5: {  	_ = 	snop  }
0x6: {  	_ = 	snop  }
0x7: {  	_ = 	snop  }
__scs_overlays_trampoline_lowered:
0x8: {  	[smem:$0x3FA5] =	sst s0  }
0x9: {  	[smem:$0x3FA6] =	sst s1  }
0xa: {  	[smem:$0x3FA7] =	sst s2  }
0xb: {  	[smem:$0x3FA8] =	sst s3  }
0xc: {  	[smem:$0x3FA9] =	sst s4  }
0xd: {  	[smem:$0x3FAA] =	sst s5  }
0xe: {  	[smem:$0x3FAB] =	sst s6  }
0xf: {  	[smem:$0x3FAC] =	sst s7  }
0x10: {  	[smem:$0x3FAD] =	sst s8  }
0x11: {  	[smem:$0x3FAE] =	sst s9;
	s0 =	simm.s32 @!p0 $0x0  }
0x12: {  	s1 =	sld [smem:$0x3F94];
	s0 =	simm.s32 @p0 $0x1  }
0x13: {  	[smem:$0x3FAF] =	sst s0;
	s0 =	simm.s32 @!p1 $0x0  }
0x14: {  	s2 =	sld [smem:$0x3F93];
	s0 =	simm.s32 @p1 $0x1  }
0x15: {  	[smem:$0x3FB0] =	sst s0;
	s0 =	simm.s32 @!p2 $0x0  }
0x16: {  	s3 =	sld [smem:$0x3FDB];
	s0 =	simm.s32 @p2 $0x1  }
0x17: {  	s4 =	simm.s32 $0x1BF5;
	[smem:$0x3FB2] =	sst s0  }
0x18: {  	s0 =	sld [smem:$0x3F95];
	_ =	swait.ge [sflag:s4], $0x0  }
0x19: {  	s7 =	sld [smem:$0x3F96]  }
0x1a: {  	s8 =	sadd.s32 $0xFFFFE003, lr  }
0x1b: {  	s9 =	sadd.s32 $0xFFFFFEF7, lr;
	s5 =	simm.s32 $0xFFFFFFFF;
	p2 =	slt.u32 s8, $0xFFFFF086  }
0x1c: {  	p1 =	slt.u32 s9, $0xF7A;
	s5 =	simm.s32 @!p2 $0x0  }
0x1d: {  	s5 =	simm.s32 @p1 $0x1;
	p0 =	seq.s32 s7, s2  }
0x1e: {  	s7 =	smul.u32 @!p0 $0xF7A, s2;
	p2 =	seq.s32 @!p0 s5, $0x0  }
0x1f: {  	s9 =	smul.u32 $0xF7A, s1;
	s8 =	simm.s32 @!p0 $0x1BF5;
	p2 =	por !p2, p0  }
0x20: {  	[sflag:s8] =	ssyncset.s32 @!p0 $0xFFFFF086;
	s6 =	sadd.s32 @!p0 s3, s7;
	s7 =	simm.s32 @!p0 $0x108  }
0x21: {  	s3 =	sadd.s32 s3, s9;
	s6 =	sadd.s32 @!p0 $0x88, s6;
	s7 =	simm.s32 @p2 $0x1082  }
0x22: {  	[simem:s7], [sflag:s8] =	dma.local @!p0 [hbm:s6], $0xF7A  }
0x23: {  	s9 =	sor.u32 $0xD0000000, s2;
	s6 =	simm.s32 $0x108;
	_ =	swait.ge @!p0 [sflag:s8], $0x0  }
0x24: {  	s3 =	sadd.s32 $0x88, s3;
	s6 =	simm.s32 @!p1 $0x1082;
	[sflag:s4] =	ssyncset.s32 $0xFFFFF086  }
0x25: {  	[simem:s6], [sflag:s4] =	dma.local [hbm:s3], $0xF7A  }
0x26: {  	[smem:$0x3F96] =	sst s1;
	(tag) =	ssettag s2;
	_ =	strace s9  }
0x27: {  	s1 =	sld [smem:$0x3FA6]  }
0x28: {  	s2 =	sld [smem:$0x3FA7]  }
0x29: {  	s4 =	sld [smem:$0x3FA9]  }
0x2a: {  	p0 =	seq.s32 s5, $0x0;
	s5 =	sld [smem:$0x3FAA]  }
0x2b: {  	s6 =	sld [smem:$0x3FAB]  }
0x2c: {  	s7 =	sld [smem:$0x3FAC]  }
0x2d: {  	s3 =	simm.s32 $0x108;
	s8 =	sld [smem:$0x3FAD]  }
0x2e: {  	s3 =	simm.s32 @!p0 $0x1082;
	s9 =	sld [smem:$0x3FAE]  }
0x2f: {  	lr =	sadd.s32 s0, s3;
	s0 =	sld [smem:$0x3FA5]  }
0x30: {  	s3 =	sld [smem:$0x3FA8]  }
0x31: {  	[smem:$0x3FB1] =	sst s10  }
0x32: {  	s10 =	sld [smem:$0x3FAF];
	_ =	sdelay $0x3  }
0x33: {  	p0 =	seq.s32 s10, $0x1;
	s10 =	sld [smem:$0x3FB1];
	_ =	sdelay $0x3  }
0x34: {  	[smem:$0x3FB1] =	sst s10  }
0x35: {  	s10 =	sld [smem:$0x3FB0];
	_ =	sdelay $0x3  }
0x36: {  	p1 =	seq.s32 s10, $0x1;
	s10 =	sld [smem:$0x3FB1];
	_ =	sdelay $0x3  }
0x37: {  	[smem:$0x3FB1] =	sst s10  }
0x38: {  	s10 =	sld [smem:$0x3FB2]  }
0x39: {  	_ = 	snop;
	(pc) =	sbr.ind lr, $3  }
0x3a: {  	_ = 	snop  }
0x3b: {  	_ = 	snop  }
0x3c: {  	p2 =	seq.s32 s10, $0x1;
	s10 =	sld [smem:$0x3FB1]  }
0x3d: {  	_ =	shalt  }
0x3e: {  	_ =	shalt  }
0x3f: {  	_ =	shalt  }
0x40: {  	_ =	shalt  }
0x41: {  	_ =	shalt  }
0x42: {  	_ =	shalt  }
0x43: {  	_ =	shalt  }
0x44: {  	_ =	shalt  }
0x45: {  	_ =	shalt  }
0x46: {  	_ =	shalt  }
0x47: {  	_ =	shalt  }
0x48: {  	_ =	shalt  }
0x49: {  	_ =	shalt  }
0x4a: {  	_ =	shalt  }
0x4b: {  	_ =	shalt  }
0x4c: {  	_ =	shalt  }
0x4d: {  	_ =	shalt  }
0x4e: {  	_ =	shalt  }
0x4f: {  	_ =	shalt  }
0x50: {  	_ =	shalt  }
0x51: {  	_ =	shalt  }
0x52: {  	_ =	shalt  }
0x53: {  	_ =	shalt  }
0x54: {  	_ =	shalt  }
0x55: {  	_ =	shalt  }
0x56: {  	_ =	shalt  }
0x57: {  	_ =	shalt  }
0x58: {  	_ =	shalt  }
0x59: {  	_ =	shalt  }
0x5a: {  	_ =	shalt  }
0x5b: {  	_ =	shalt  }
0x5c: {  	_ =	shalt  }
0x5d: {  	_ =	shalt  }
0x5e: {  	_ =	shalt  }
0x5f: {  	_ =	shalt  }
0x60: {  	_ =	shalt  }
0x61: {  	_ =	shalt  }
0x62: {  	_ =	shalt  }
0x63: {  	_ =	shalt  }
0x64: {  	_ =	shalt  }
0x65: {  	_ =	shalt  }
0x66: {  	_ =	shalt  }
0x67: {  	_ =	shalt  }
0x68: {  	_ =	shalt  }
0x69: {  	_ =	shalt  }
0x6a: {  	_ =	shalt  }
0x6b: {  	_ =	shalt  }
0x6c: {  	_ =	shalt  }
0x6d: {  	_ =	shalt  }
0x6e: {  	_ =	shalt  }
0x6f: {  	_ =	shalt  }
0x70: {  	_ =	shalt  }
0x71: {  	_ =	shalt  }
0x72: {  	_ =	shalt  }
0x73: {  	_ =	shalt  }
0x74: {  	_ =	shalt  }
0x75: {  	_ =	shalt  }
0x76: {  	_ =	shalt  }
0x77: {  	_ =	shalt  }
0x78: {  	_ =	shalt  }
0x79: {  	_ =	shalt  }
0x7a: {  	_ =	shalt  }
0x7b: {  	_ =	shalt  }
0x7c: {  	_ =	shalt  }
0x7d: {  	_ =	shalt  }
0x7e: {  	_ =	shalt  }
0x7f: {  	_ =	shalt  }
0x80: {  	_ =	shalt  }
0x81: {  	_ =	shalt  }
0x82: {  	_ =	shalt  }
0x83: {  	_ =	shalt  }
0x84: {  	_ =	shalt  }
0x85: {  	_ =	shalt  }
0x86: {  	_ =	shalt  }
0x87: {  	_ =	shalt  }
.Lfunc_end0:
.L_simem_size_0:
called_computation_lowered:
.L_overlay_start_0:
0x88: {  	s2 =	sld [smem:$0x3FD9]  }
0x89: {  	s3 =	sld [smem:$0x3FFE];
	_ =	sdelay $0x1  }
0x8a: {  	s1 =	srdreg.scid  }
0x8b: {  	s0 =	sand.u32 $0x1, s1  }
0x8c: {  	s14 =	sshll.u32 s0, $0xA;
	s2 =	sadd.s32 s3, s2  }
0x8d: {  	s2 =	sadd.s32 s2, s14  }
0x8e: {  	[smem:$0x3FBD] =	sst s2  }
0x8f: {  	_ = 	snop  }
0x90: {  	s2 =	sld [smem:$0x3FD0];
	_ =	sdelay $0x2  }
0x91: {  	s15 =	simm.s32 $0xA;
	s4 =	simm.s32 $0x10  }
0x92: {  	[smem:s4], [sflag:s15] =	dma.local [hbm:s2], $0x1  }
0x93: {  	_ =	swait.eq [sflag:s15], $0x1  }
0x94: {  	[sflag:s15] =	ssyncset.done $0x0  }
0x95: {  	[sflag:s15] =	ssyncadd.s32 $0xFFFFFFFF  }
0x96: {  	s16 =	sld [smem:$0x11];
	(tm) =	ssettm $0x1  }
0x97: {  	s17 =	sld [smem:$0x3FFB];
	_ =	sdelay $0x3  }
0x98: {  	_ =	strace s17  }
0x99: {  	s3 =	sld [smem:$0x3FFC];
	_ =	sdelay $0x3  }
0x9a: {  	_ =	strace s3  }
0x9b: {  	s3 =	sld [smem:$0x3FFD];
	_ =	sdelay $0x3  }
0x9c: {  	_ =	strace s3  }
0x9d: {  	_ =	strace $0x8FFFFFFF  }
0x9e: {  	s18 =	sld [smem:$0x3FDB];
	_ =	sdelay $0x1  }
0x9f: {  	s19 =	simm.s32 $_scs_section_size  }
0xa0: {  	s5 =	simm.s32 $_size__tile_overlayer_lowered;
	s6 =	simm.s32 $_tile_overlayer_lowered  }
0xa1: {  	s22 =	simm.s32 $0x1BFF;
	s21 =	sshll.u32 s6, $0x1;
	s3 =	sadd.s32 s19, s18  }
0xa2: {  	s7 =	simm.s32 $0x0;
	s20 =	sshll.u32 s5, $0x1;
	s5 =	sadd.s32 s21, s3  }
0xa3: {  	[timem:s7], [sflag:s22] =	dma.local [hbm:s5], s20  }
0xa4: {  	_ =	swait.ge [sflag:s22], s20  }
0xa5: {  	s4 =	ssub.s32 $0x0, s20;
	[sflag:s22] =	ssyncset.done $0x0  }
0xa6: {  	[sflag:s22] =	ssyncadd.s32 s4;
	_ =	sdelay $0x1  }
0xa7: {  	s23 =	simm.s32 $0x1B8B  }
0xa8: {  	_ =	swait.ge [sflag:s23], $0x1  }
0xa9: {  	[sflag:s23] =	ssyncset.done $0x0  }
0xaa: {  	s25 =	simm.s32 $0x1B8E;
	s24 =	sld [smem:$0x3FFE];
	[sflag:s23] =	ssyncadd.s32 $0xFFFFFFFF  }
0xab: {  	s26 =	simm.s32 $execute0_lowered;
	[smem:$0x3FD2] =	sst s25  }
0xac: {  	s5 =	sshll.u32 s26, $0x1;
	_ =	strace $0x8000004C;
	[dreg:$0x1] =	wrdreg $0xFFFFFFFF  }
0xad: {  	s28 =	simm.s32 $_size_execute0_lowered;
	s3 =	sadd.s32 s3, s5;
	[dreg:$0x0] =	wrdreg $0x0  }
0xae: {  	s5 =	sshll.u32 s28, $0x1;
	[dreg:$0x2] =	wrdreg s3  }
0xaf: {  	[dreg:$0x3] =	wrdreg s5  }
0xb0: {  	[dreg:$0x4] =	wrdreg $0xC0  }
0xb1: {  	_ =	task [dreg:s7], $0x5FFFF  }
0xb2: {  	[dreg:$0x1] =	wrdreg $0xFFFFFFFF  }
0xb3: {  	[dreg:$0x0] =	wrdreg $0x60  }
0xb4: {  	[dreg:$0x2] =	wrdreg s24  }
0xb5: {  	[dreg:$0x3] =	wrdreg s16  }
0xb6: {  	[dreg:$0x4] =	wrdreg $0x9  }
0xb7: {  	_ =	task.clear_ibuf [dreg:s7], $0x5FFFF;
	_ =	strace $0x9000004C  }
0xb8: {  	s29 =	simm.s32 $0x9;
	_ =	strace $0x8000004E  }
0xb9: {  	_ =	swait.ge [sflag:s29], $0x1  }
0xba: {  	[sflag:s29] =	ssyncadd.s32 $0xFFFFFFFF  }
0xbb: {  	_ =	strace $0x9000004E  }
0xbc: {  	_ =	sfence  }
0xbd: {  	s30 =	sld [smem:$0x0];
	_ =	sdelay $0x2  }
0xbe: {  	s31 =	sshll.u32 s1, $0xD;
	s1 =	sshrl.u32 s1, $0x2  }
0xbf: {  	s3 =	sand.u32 $0x4000, s31;
	s1 =	sadd.s32 s1, s30  }
0xc0: {  	s0 =	sor.u32 s3, s0;
	s1 =	sshll.u32 s1, $0x11  }
0xc1: {  	s0 =	sor.u32 s1, s0  }
0xc2: {  	s0 =	sadd.s32 $0x8F2B, s0  }
0xc3: {  	[sflag:s0] =	ssyncadd.remote.s32 $0x1  }
0xc4: {  	_ =	sfence.sel $0xFFFF  }
0xc5: {  	[dreg:$0x0] =	wrdreg $0xFFFFFFFF;
	(pc) =	sbr.abs _section_cstart, $3  }
0xc6: {  	[dreg:$0x1] =	wrdreg $0xFFFFFFFF  }
0xc7: {  	_ =	task.clear_ibuf [dreg:s7], $0x2FFFF;
	_ =	strace $0x9FFFFFFF  }
0xc8: {  	(tm) =	ssettm $0x7FFFFFFF  }
0xc9: {  	_ =	shalt  }
tec
execute0_lowered:
.L_overlay_start_1:
0x0: {  	(tag) =	ssettag $0x1  }
0x1: {  	s8 =	rddreg [dreg:$0x0]  }
0x2: {  	s2 =	rddreg [dreg:$0x1]  }
0x3: {  	s0 =	rddreg [dreg:$0x2];
	s1 =	stileid.u32  }
0x4: {  	s3 =	srdreg.scid;
	_ =	strace $0x8000004D;
	s4 =	simm.s32 $0x1  }
0x5: {  	s7 =	simm.s32 $0x1;
	s9 =	simm.s32 $0x1;
	s10 =	simm.s32 $0x3  }
0x6: {  	s13 =	simm.s32 $0x0;
	s5 =	sand.u32 $0x1, s3;
	s6 =	sshll.u32 s1, $0x1  }
0x7: {  	s12 =	simm.s32 $0x0;
	s3 =	sadd.s32 $0xBE00, s8;
	s5 =	sor.u32 s6, s5  }
.Ltmp0:
0x8: {  	[sflag:s4] =	ssyncpa.u1 $0x0;
	p0 =	slt.u32 s5, $0x9;
	(pc) =	sbr.rel .LBB2_1-.Ltmp0, $4  }
0x9: {  	s6 =	simm.s32 $0x2;
	s7 =	simm.s32 @!p0 $0x0;
	p0 =	sne.s32 s5, $0x8  }
0xa: {  	[sflag:s6] =	ssyncpa.u1 $0x0;
	s5 =	smul.u32 $0xFA0, s5;
	s9 =	simm.s32 @!p0 $0x0  }
0xb: {  	s8 =	sadd.s32 $0x15E00, s8;
	[sflag:s10] =	ssyncpa.u1 $0x0;
	s7 =	sadd.s32 s9, s7  }
0xc: {  	vm0 =	vmmov $0xffff;
	s10 =	simm.s32 $0x0;
	s11 =	smov.u32 s5;
	s9 =	sadd.s32 $0x1, s7  }
.LBB2_4:
0xd: {  	v2 =	vnsel vm1, $0x0, v2  }
0xe: {  	vm1 =	vgt.s32 v0, $0x0;
	v2 =	vmin.u32 v2, $0x270FF  }
0xf: {  	v0 =	vnsel vm1, $0x0, v0  }
0x10: {  	v0 =	vmin.u32 v0, $0x270FF  }
0x11: {  	[tilespmem:s18], [sflag:$0x1] =	stream.indirect_vreg.gather [hbm4b:s3+s10], $0x1, v1, vm0, $0x4038;
	[tilespmem:$0x3E80] =	vst v63  }
0x12: {  	(ifvalue) =	ssetifvalue $0x7FFFFFFF  }
0x13: {  	[tilespmem:s15], [sflag:$0x1] =	stream.indirect_vreg.gather [hbm4b:s3+s10], $0x1, v2, vm0, $0x4038;
	[tilespmem:$0x3E80] =	vst v63  }
0x14: {  	s29 =	sadd.s32 $0x10, s15;
	(ifvalue) =	ssetifvalue $0x7FFFFFFF  }
0x15: {  	[tilespmem:s29], [sflag:$0x1] =	stream.indirect_vreg.gather [hbm4b:s3+s10], $0x1, v0, vm0, $0x4038;
	[tilespmem:$0x3E80] =	vst v63  }
0x16: {  	_ =	swait.ge [sflag:s4], $0xFA0  }
0x17: {  	s30 =	sshrl.u32 s13, $0x3;
	[sflag:s4] =	ssyncset.done $0x0  }
0x18: {  	s31 =	sand.u32 $0x7, s13;
	s15 =	sadd.s32 s2, s30;
	[sflag:s4] =	ssyncadd.s32 $0xFFFFF060  }
0x19: {  	[hbm4b:s15+s31] =	stream.linear.scatter [tilespmem:s14], [sflag:$0x3], $0xFA0, $0x38;
	[tilespmem:$0x3E80] =	vst v63  }
.LBB2_5:
0x1a: {  	s15 =	sadd.s32 $0x1F400, s11  }
0x1b: {  	p1 =	sgt.s32 s15, $0x270FF  }
0x1c: {  	s15 =	smov.u32 @p1 s5;
	p1 =	sne.s32 s12, s9  }
.Ltmp1:
0x1d: {  	p0 =	slt.u32 s12, $0x2;
	(pc) =	sbr.rel @!p1 .LBB2_6-.Ltmp1, $4  }
0x1e: {  	s14 =	simm.s32 @!p0 $0x3  }
0x1f: {  	_ =	swait.ge @!p0 [sflag:s14], $0xFA0  }
0x20: {  	s16 =	sadd.s32 $0x1, s12;
	s13 =	smov.u32 s11;
	[sflag:s14] =	ssyncset.done @!p0 $0x0  }
0x21: {  	s12 =	smov.u32 s16;
	s11 =	smov.u32 s15;
	[sflag:s14] =	ssyncadd.s32 @!p0 $0xFFFFF060  }
.LBB2_1:
0x22: {  	p0 =	sge.u32 s12, s7  }
0x23: {  	s14 =	sxor.u32 @!p0 $0x1, s12  }
0x24: {  	s14 =	smul.u32 @!p0 $0x3E80, s14  }
0x25: {  	s31 =	sadd.s32 $0xFFFFFFFF, s12;
	s15 =	sshrl.u32 @!p0 s11, $0x3  }
0x26: {  	s16 =	sand.u32 @!p0 $0x7, s11;
	s15 =	sadd.s32 @!p0 s8, s15;
	s14 =	sshra.s32 @!p0 s14, $0x2  }
0x27: {  	[tilespmem:s14], [sflag:$0x2] =	stream.linear.gather @!p0 [hbm4b:s15+s16], $0xFA0, $0x38;
	[tilespmem:$0x3E80] =	vst v63  }
0x28: {  	p0 =	sge.u32 s31, s7  }
.Ltmp2:
0x29: {  	_ = 	snop;
	(pc) =	sbr.rel @p0 .LBB2_5-.Ltmp2, $1  }
0x2a: {  	_ =	sdelay $0x3  }
0x2b: {  	s14 =	sand.u32 $0x1, s12  }
0x2c: {  	_ =	swait.ge [sflag:s6], $0xFA0;
	p0 =	seq.s32 s14, $0x1;
	s14 =	simm.s32 $0xFA0  }
0x2d: {  	[sflag:s6] =	ssyncset.done $0x0;
	s14 =	simm.s32 @!p0 $0x0  }
0x2e: {  	[sflag:s6] =	ssyncadd.s32 $0xFFFFF060;
	(ifvalue) =	ssetifvalue $0x7FFFFFFF;
	v0 =	vld.msk [tilespmem:s14+$0x0 ss:$0x1], $0xffff;
	_ =	sdelay $0x4  }
0x2f: {  	s15 =	sadd.s32 $0x10, s14;
	vm1 =	vgt.s32 v0, $0x0  }
0x30: {  	v2 =	vld.msk [tilespmem:s15+$0x0 ss:$0x1], $0xffff;
	v1 =	vnsel vm1, $0x0, v0  }
0x31: {  	v1 =	vmin.u32 v1, $0x270FF;
	_ =	sdelay $0x2  }
0x32: {  	s17 =	simm.s32 $0x20;
	s14 =	sadd.s32 $0x1F40, s14;
	s16 =	sadd.s32 $0x10, s15  }
0x33: {  	s15 =	sadd.s32 $0x10, s14;
	s18 =	smov.u32 s14;
	v0 =	vld.msk [tilespmem:s16+$0x0 ss:$0x1], $0xffff;
	vm1 =	vgt.s32 v2, $0x0;
	(ifvalue) =	ssetifvalue $0x7FFFFFFF  }
.LBB2_3:
0x34: {  	[tilespmem:s18], [sflag:$0x1] =	stream.indirect_vreg.gather [hbm4b:s3+s10], $0x1, v1, vm0, $0x4038;
	[tilespmem:$0x3E80] =	vst v63  }
0x35: {  	s17 =	sadd.s32 $0x10, s17  }
0x36: {  	v2 =	vnsel vm1, $0x0, v2;
	p0 =	slt.u32 s17, $0xF90  }
.Ltmp3:
0x37: {  	s18 =	smov.u32 s15;
	v1 =	vmin.u32 v2, $0x270FF;
	(pc) =	sbr.rel @p0 .LBB2_3-.Ltmp3, $3  }
0x38: {  	_ =	sdelay $0x1  }
0x39: {  	s16 =	sadd.s32 $0x10, s16  }
0x3a: {  	vm1 =	vgt.s32 v0, $0x0;
	s15 =	sadd.s32 $0x10, s15;
	v2 =	vmov v0;
	(ifvalue) =	ssetifvalue $0x7FFFFFFF;
	v0 =	vld.msk [tilespmem:s16+$0x0 ss:$0x1], $0xffff  }
.Ltmp4:
0x3b: {  	_ = 	snop;
	(pc) =	sbr.rel .LBB2_4-.Ltmp4, $1  }
0x3c: {  	_ =	sdelay $0x3  }
.LBB2_6:
0x3d: {  	_ =	sfence.sel $0x180000  }
0x3e: {  	s2 =	simm.s32 $0x2;
	[bflag:$0x0] =	sbarrier.arrive $0xFFFF  }
0x3f: {  	s30 =	simm.s32 $0x3;
	[sflag:s2] =	ssyncpa.u1 $0x1  }
0x40: {  	s31 =	simm.s32 $0x1;
	[sflag:s30] =	ssyncpa.u1 $0x1  }
0x41: {  	[sflag:s31] =	ssyncpa.u1 $0x1  }
0x42: {  	p0 =	sne.s32 s1, $0x0;
	_ =	strace $0x9000004D  }
0x43: {  	s0 =	sadd.s32 @!p0 $0x100000, s0;
	[bflag:$0x2] =	sbarrier.arrive $0xFFFF  }
0x44: {  	[sflag:s0] =	ssyncadd.tile.s32 @!p0 $0x1;
	_ =	shalt  }
.Lfunc_end2:
_tile_overlayer_lowered:
.L_overlay_start_2:
0x45: {  	(tag) =	ssettag $0x2  }
0x46: {  	s0 =	rddreg [dreg:$0x0];
	s2 =	stileid.u32  }
0x47: {  	s1 =	rddreg [dreg:$0x1];
	p0 =	sne.s32 s2, $0x0  }
0x48: {  	s3 =	rddreg [dreg:$0x2];
	[bflag:$0x3] =	sbarrier.arrive $0xFFFF;
	s2 =	simm.s32 @!p0 $0x1C01  }
0x49: {  	[timem:s3], [sflag:s2] =	dma.local @!p0 [hbm:s0], s1  }
0x4a: {  	s0 =	simm.s32 @!p0 $0x1  }
0x4b: {  	_ =	swait.ge @!p0 [sflag:s0], s1  }
0x4c: {  	s1 =	ssub.s32 @!p0 $0x0, s1;
	[sflag:s0] =	ssyncset.done @!p0 $0x0  }
0x4d: {  	[sflag:s0] =	ssyncadd.s32 @!p0 s1  }
0x4e: {  	[bflag:$0x3] =	sbarrier.arrive $0xFFFF  }
0x4f: {  	_ =	shalt  }

// kernel: kernel.11.cloned.1.call-start
scs
__scs_entry_jumppad:
0x0: {  	(pc) =	sbr.rel $0x88, $3  }
0x1: {  	(tag) =	ssettag $0x0;
	lr =	simm.s32 $0x1  }
0x2: {  	[smem:$0x3F96] =	sst lr;
	_ =	strace $0xD0000000  }
0x3: {  	_ = 	snop  }
0x4: {  	_ = 	snop  }
0x5: {  	_ = 	snop  }
0x6: {  	_ = 	snop  }
0x7: {  	_ = 	snop  }
__scs_overlays_trampoline_lowered:
0x8: {  	[smem:$0x3FA5] =	sst s0  }
0x9: {  	[smem:$0x3FA6] =	sst s1  }
0xa: {  	[smem:$0x3FA7] =	sst s2  }
0xb: {  	[smem:$0x3FA8] =	sst s3  }
0xc: {  	[smem:$0x3FA9] =	sst s4  }
0xd: {  	[smem:$0x3FAA] =	sst s5  }
0xe: {  	[smem:$0x3FAB] =	sst s6  }
0xf: {  	[smem:$0x3FAC] =	sst s7  }
0x10: {  	[smem:$0x3FAD] =	sst s8  }
0x11: {  	[smem:$0x3FAE] =	sst s9;
	s0 =	simm.s32 @!p0 $0x0  }
0x12: {  	s1 =	sld [smem:$0x3F94];
	s0 =	simm.s32 @p0 $0x1  }
0x13: {  	[smem:$0x3FAF] =	sst s0;
	s0 =	simm.s32 @!p1 $0x0  }
0x14: {  	s2 =	sld [smem:$0x3F93];
	s0 =	simm.s32 @p1 $0x1  }
0x15: {  	[smem:$0x3FB0] =	sst s0;
	s0 =	simm.s32 @!p2 $0x0  }
0x16: {  	s3 =	sld [smem:$0x3FDB];
	s0 =	simm.s32 @p2 $0x1  }
0x17: {  	s4 =	simm.s32 $0x1BF5;
	[smem:$0x3FB2] =	sst s0  }
0x18: {  	s0 =	sld [smem:$0x3F95];
	_ =	swait.ge [sflag:s4], $0x0  }
0x19: {  	s7 =	sld [smem:$0x3F96]  }
0x1a: {  	s8 =	sadd.s32 $0xFFFFE003, lr  }
0x1b: {  	s9 =	sadd.s32 $0xFFFFFEF7, lr;
	s5 =	simm.s32 $0xFFFFFFFF;
	p2 =	slt.u32 s8, $0xFFFFF086  }
0x1c: {  	p1 =	slt.u32 s9, $0xF7A;
	s5 =	simm.s32 @!p2 $0x0  }
0x1d: {  	s5 =	simm.s32 @p1 $0x1;
	p0 =	seq.s32 s7, s2  }
0x1e: {  	s7 =	smul.u32 @!p0 $0xF7A, s2;
	p2 =	seq.s32 @!p0 s5, $0x0  }
0x1f: {  	s9 =	smul.u32 $0xF7A, s1;
	s8 =	simm.s32 @!p0 $0x1BF5;
	p2 =	por !p2, p0  }
0x20: {  	[sflag:s8] =	ssyncset.s32 @!p0 $0xFFFFF086;
	s6 =	sadd.s32 @!p0 s3, s7;
	s7 =	simm.s32 @!p0 $0x108  }
0x21: {  	s3 =	sadd.s32 s3, s9;
	s6 =	sadd.s32 @!p0 $0x88, s6;
	s7 =	simm.s32 @p2 $0x1082  }
0x22: {  	[simem:s7], [sflag:s8] =	dma.local @!p0 [hbm:s6], $0xF7A  }
0x23: {  	s9 =	sor.u32 $0xD0000000, s2;
	s6 =	simm.s32 $0x108;
	_ =	swait.ge @!p0 [sflag:s8], $0x0  }
0x24: {  	s3 =	sadd.s32 $0x88, s3;
	s6 =	simm.s32 @!p1 $0x1082;
	[sflag:s4] =	ssyncset.s32 $0xFFFFF086  }
0x25: {  	[simem:s6], [sflag:s4] =	dma.local [hbm:s3], $0xF7A  }
0x26: {  	[smem:$0x3F96] =	sst s1;
	(tag) =	ssettag s2;
	_ =	strace s9  }
0x27: {  	s1 =	sld [smem:$0x3FA6]  }
0x28: {  	s2 =	sld [smem:$0x3FA7]  }
0x29: {  	s4 =	sld [smem:$0x3FA9]  }
0x2a: {  	p0 =	seq.s32 s5, $0x0;
	s5 =	sld [smem:$0x3FAA]  }
0x2b: {  	s6 =	sld [smem:$0x3FAB]  }
0x2c: {  	s7 =	sld [smem:$0x3FAC]  }
0x2d: {  	s3 =	simm.s32 $0x108;
	s8 =	sld [smem:$0x3FAD]  }
0x2e: {  	s3 =	simm.s32 @!p0 $0x1082;
	s9 =	sld [smem:$0x3FAE]  }
0x2f: {  	lr =	sadd.s32 s0, s3;
	s0 =	sld [smem:$0x3FA5]  }
0x30: {  	s3 =	sld [smem:$0x3FA8]  }
0x31: {  	[smem:$0x3FB1] =	sst s10  }
0x32: {  	s10 =	sld [smem:$0x3FAF];
	_ =	sdelay $0x3  }
0x33: {  	p0 =	seq.s32 s10, $0x1;
	s10 =	sld [smem:$0x3FB1];
	_ =	sdelay $0x3  }
0x34: {  	[smem:$0x3FB1] =	sst s10  }
0x35: {  	s10 =	sld [smem:$0x3FB0];
	_ =	sdelay $0x3  }
0x36: {  	p1 =	seq.s32 s10, $0x1;
	s10 =	sld [smem:$0x3FB1];
	_ =	sdelay $0x3  }
0x37: {  	[smem:$0x3FB1] =	sst s10  }
0x38: {  	s10 =	sld [smem:$0x3FB2]  }
0x39: {  	_ = 	snop;
	(pc) =	sbr.ind lr, $3  }
0x3a: {  	_ = 	snop  }
0x3b: {  	_ = 	snop  }
0x3c: {  	p2 =	seq.s32 s10, $0x1;
	s10 =	sld [smem:$0x3FB1]  }
0x3d: {  	_ =	shalt  }
0x3e: {  	_ =	shalt  }
0x3f: {  	_ =	shalt  }
0x40: {  	_ =	shalt  }
0x41: {  	_ =	shalt  }
0x42: {  	_ =	shalt  }
0x43: {  	_ =	shalt  }
0x44: {  	_ =	shalt  }
0x45: {  	_ =	shalt  }
0x46: {  	_ =	shalt  }
0x47: {  	_ =	shalt  }
0x48: {  	_ =	shalt  }
0x49: {  	_ =	shalt  }
0x4a: {  	_ =	shalt  }
0x4b: {  	_ =	shalt  }
0x4c: {  	_ =	shalt  }
0x4d: {  	_ =	shalt  }
0x4e: {  	_ =	shalt  }
0x4f: {  	_ =	shalt  }
0x50: {  	_ =	shalt  }
0x51: {  	_ =	shalt  }
0x52: {  	_ =	shalt  }
0x53: {  	_ =	shalt  }
0x54: {  	_ =	shalt  }
0x55: {  	_ =	shalt  }
0x56: {  	_ =	shalt  }
0x57: {  	_ =	shalt  }
0x58: {  	_ =	shalt  }
0x59: {  	_ =	shalt  }
0x5a: {  	_ =	shalt  }
0x5b: {  	_ =	shalt  }
0x5c: {  	_ =	shalt  }
0x5d: {  	_ =	shalt  }
0x5e: {  	_ =	shalt  }
0x5f: {  	_ =	shalt  }
0x60: {  	_ =	shalt  }
0x61: {  	_ =	shalt  }
0x62: {  	_ =	shalt  }
0x63: {  	_ =	shalt  }
0x64: {  	_ =	shalt  }
0x65: {  	_ =	shalt  }
0x66: {  	_ =	shalt  }
0x67: {  	_ =	shalt  }
0x68: {  	_ =	shalt  }
0x69: {  	_ =	shalt  }
0x6a: {  	_ =	shalt  }
0x6b: {  	_ =	shalt  }
0x6c: {  	_ =	shalt  }
0x6d: {  	_ =	shalt  }
0x6e: {  	_ =	shalt  }
0x6f: {  	_ =	shalt  }
0x70: {  	_ =	shalt  }
0x71: {  	_ =	shalt  }
0x72: {  	_ =	shalt  }
0x73: {  	_ =	shalt  }
0x74: {  	_ =	shalt  }
0x75: {  	_ =	shalt  }
0x76: {  	_ =	shalt  }
0x77: {  	_ =	shalt  }
0x78: {  	_ =	shalt  }
0x79: {  	_ =	shalt  }
0x7a: {  	_ =	shalt  }
0x7b: {  	_ =	shalt  }
0x7c: {  	_ =	shalt  }
0x7d: {  	_ =	shalt  }
0x7e: {  	_ =	shalt  }
0x7f: {  	_ =	shalt  }
0x80: {  	_ =	shalt  }
0x81: {  	_ =	shalt  }
0x82: {  	_ =	shalt  }
0x83: {  	_ =	shalt  }
0x84: {  	_ =	shalt  }
0x85: {  	_ =	shalt  }
0x86: {  	_ =	shalt  }
0x87: {  	_ =	shalt  }
.Lfunc_end0:
.L_simem_size_0:
called_computation.3_lowered:
.L_overlay_start_0:
0x88: {  	s2 =	sld [smem:$0x3FD9]  }
0x89: {  	s3 =	sld [smem:$0x3FFE];
	_ =	sdelay $0x1  }
0x8a: {  	s1 =	srdreg.scid  }
0x8b: {  	s0 =	sand.u32 $0x1, s1  }
0x8c: {  	s14 =	sshll.u32 s0, $0xA;
	s2 =	sadd.s32 s3, s2  }
0x8d: {  	s2 =	sadd.s32 s2, s14  }
0x8e: {  	[smem:$0x3FBD] =	sst s2  }
0x8f: {  	_ = 	snop  }
0x90: {  	s2 =	sld [smem:$0x3FD0];
	_ =	sdelay $0x2  }
0x91: {  	s15 =	simm.s32 $0xA;
	s4 =	simm.s32 $0x10  }
0x92: {  	[smem:s4], [sflag:s15] =	dma.local [hbm:s2], $0x1  }
0x93: {  	_ =	swait.eq [sflag:s15], $0x1  }
0x94: {  	[sflag:s15] =	ssyncset.done $0x0  }
0x95: {  	s16 =	sld [smem:$0x10];
	[sflag:s15] =	ssyncadd.s32 $0xFFFFFFFF  }
0x96: {  	s17 =	sld [smem:$0x11];
	(tm) =	ssettm $0x1  }
0x97: {  	s18 =	sld [smem:$0x3FFB];
	_ =	sdelay $0x3  }
0x98: {  	_ =	strace s18  }
0x99: {  	s4 =	sld [smem:$0x3FFC];
	_ =	sdelay $0x3  }
0x9a: {  	_ =	strace s4  }
0x9b: {  	s4 =	sld [smem:$0x3FFD];
	_ =	sdelay $0x3  }
0x9c: {  	_ =	strace s4  }
0x9d: {  	_ =	strace $0x8FFFFFFF  }
0x9e: {  	s19 =	sld [smem:$0x3FDB];
	_ =	sdelay $0x1  }
0x9f: {  	s5 =	simm.s32 $_scs_section_size  }
0xa0: {  	s6 =	simm.s32 $_size__tile_overlayer_lowered;
	s7 =	simm.s32 $_tile_overlayer_lowered  }
0xa1: {  	s22 =	simm.s32 $0x1BFF;
	s21 =	sshll.u32 s7, $0x1;
	s4 =	sadd.s32 s5, s19  }
0xa2: {  	s8 =	simm.s32 $0x0;
	s20 =	sshll.u32 s6, $0x1;
	s6 =	sadd.s32 s21, s4  }
0xa3: {  	[timem:s8], [sflag:s22] =	dma.local [hbm:s6], s20  }
0xa4: {  	_ =	swait.ge [sflag:s22], s20  }
0xa5: {  	s5 =	ssub.s32 $0x0, s20;
	[sflag:s22] =	ssyncset.done $0x0  }
0xa6: {  	[sflag:s22] =	ssyncadd.s32 s5;
	_ =	sdelay $0x1  }
0xa7: {  	s23 =	simm.s32 $0x1B8B  }
0xa8: {  	_ =	swait.ge [sflag:s23], $0x1  }
0xa9: {  	[sflag:s23] =	ssyncset.done $0x0  }
0xaa: {  	s25 =	simm.s32 $0x1B8E;
	s24 =	sld [smem:$0x3FFE];
	[sflag:s23] =	ssyncadd.s32 $0xFFFFFFFF  }
0xab: {  	s26 =	simm.s32 $execute0_lowered;
	[smem:$0x3FD2] =	sst s25  }
0xac: {  	s6 =	sshll.u32 s26, $0x1;
	_ =	strace $0x8000004F;
	[dreg:$0x1] =	wrdreg $0xFFFFFFFF  }
0xad: {  	s28 =	simm.s32 $_size_execute0_lowered;
	s4 =	sadd.s32 s4, s6;
	[dreg:$0x0] =	wrdreg $0x0  }
0xae: {  	s6 =	sshll.u32 s28, $0x1;
	[dreg:$0x2] =	wrdreg s4  }
0xaf: {  	[dreg:$0x3] =	wrdreg s6  }
0xb0: {  	[dreg:$0x4] =	wrdreg $0xC0  }
0xb1: {  	_ =	task [dreg:s8], $0x5FFFF  }
0xb2: {  	[dreg:$0x1] =	wrdreg $0xFFFFFFFF  }
0xb3: {  	[dreg:$0x0] =	wrdreg $0x60  }
0xb4: {  	[dreg:$0x2] =	wrdreg s16  }
0xb5: {  	[dreg:$0x3] =	wrdreg s24  }
0xb6: {  	[dreg:$0x4] =	wrdreg s17  }
0xb7: {  	[dreg:$0x5] =	wrdreg $0x9  }
0xb8: {  	_ =	task.clear_ibuf [dreg:s8], $0x6FFFF;
	_ =	strace $0x9000004F  }
0xb9: {  	s29 =	simm.s32 $0x9;
	_ =	strace $0x80000051  }
0xba: {  	_ =	swait.ge [sflag:s29], $0x1  }
0xbb: {  	[sflag:s29] =	ssyncadd.s32 $0xFFFFFFFF  }
0xbc: {  	_ =	strace $0x90000051  }
0xbd: {  	_ =	sfence  }
0xbe: {  	s30 =	sld [smem:$0x0];
	_ =	sdelay $0x2  }
0xbf: {  	s31 =	sshll.u32 s1, $0xD;
	s1 =	sshrl.u32 s1, $0x2  }
0xc0: {  	s3 =	sand.u32 $0x4000, s31;
	s1 =	sadd.s32 s1, s30  }
0xc1: {  	s0 =	sor.u32 s3, s0;
	s1 =	sshll.u32 s1, $0x11  }
0xc2: {  	s0 =	sor.u32 s1, s0  }
0xc3: {  	s0 =	sadd.s32 $0x8F2B, s0  }
0xc4: {  	[sflag:s0] =	ssyncadd.remote.s32 $0x1  }
0xc5: {  	_ =	sfence.sel $0xFFFF  }
0xc6: {  	[dreg:$0x0] =	wrdreg $0xFFFFFFFF;
	(pc) =	sbr.abs _section_cstart, $3  }
0xc7: {  	[dreg:$0x1] =	wrdreg $0xFFFFFFFF  }
0xc8: {  	_ =	task.clear_ibuf [dreg:s8], $0x2FFFF;
	_ =	strace $0x9FFFFFFF  }
0xc9: {  	(tm) =	ssettm $0x7FFFFFFF  }
tec
execute0_lowered:
.L_overlay_start_1:
0x0: {  	(tag) =	ssettag $0x1  }
0x1: {  	s1 =	rddreg [dreg:$0x0]  }
0x2: {  	s0 =	rddreg [dreg:$0x1]  }
0x3: {  	s2 =	rddreg [dreg:$0x2];
	s3 =	simm.s32 $0x0  }
0x4: {  	s4 =	srdreg.scid;
	s28 =	stileid.u32;
	s20 =	simm.s32 $0xC080  }
0x5: {  	s14 =	simm.s32 $0x1;
	s16 =	simm.s32 $0xA080;
	s12 =	simm.s32 $0x8080  }
0x6: {  	s22 =	simm.s32 $0x0;
	s23 =	simm.s32 $0x0;
	[smem:$0x7FF] =	sst s3  }
0x7: {  	s5 =	sadd.s32 $0xBE00, s0;
	s4 =	sand.u32 $0x1, s4;
	s26 =	sadd.s32 $0x153800, s0  }
0x8: {  	s7 =	sadd.s32 $0x10E00, s0;
	_ =	strace $0x80000050;
	[dreg:$0x4] =	wrdreg s5  }
0x9: {  	s10 =	sshll.u32 s28, $0x8;
	[dreg:$0x5] =	wrdreg s26;
	s8 =	ssub.s32 $0x2, s4  }
.Ltmp0:
0xa: {  	s5 =	sadd.s32 $0x4E00, s0;
	s4 =	sshll.u32 s4, $0x9;
	(pc) =	sbr.rel .LBB2_1-.Ltmp0, $4  }
0xb: {  	s30 =	sor.u32 $0xC080, s10;
	s9 =	sshrl.u32 s8, $0x1;
	s31 =	sshrl.u32 s4, $0x2  }
0xc: {  	v3 =	vlaneseq.u32;
	[dreg:$0x6] =	wrdreg s5;
	s29 =	ssub.s32 s8, s9;
	s21 =	sadd.s32 s31, s30  }
0xd: {  	v0 =	vimm.f32 $0.0e+00;
	vm0 =	vmmov $0xffff;
	s11 =	sadd.s32 $0x300, s1;
	v2 =	vshrl.u32 v3, $0x3;
	s6 =	smax.u32 s29, $0x1;
	[dreg:$0x8] =	wrdreg s21  }
0xe: {  	v1 =	vand.u32 $0x7, v3;
	v3 =	vor.u32 $0x8, v3;
	s10 =	sadd.s32 $0x200, s1;
	v2 =	vmul.u32 $0x8, v2;
	s9 =	sadd.s32 $0x100, s1;
	[dreg:$0x7] =	wrdreg s6  }
.LBB2_48:
0xf: {  	s0 =	sshll.u32 s26, $0xA  }
0x10: {  	s0 =	sand.u32 $0x1FFFFC00, s0  }
0x11: {  	s0 =	sadd.s32 s2, s0  }
0x12: {  	[hbm4b:s0+s3] =	stream.linear.scatter [tilespmem:s12], [sflag:$0x1], $0x2000, $0x38;
	[tilespmem:$0xD180] =	vst v63  }
0x13: {  	_ =	swait.ge [sflag:s14], $0x2000  }
0x14: {  	s5 =	rddreg [dreg:$0x6]  }
0x15: {  	s6 =	rddreg [dreg:$0x7]  }
0x16: {  	[sflag:s14] =	ssyncset.done $0x0;
	s21 =	rddreg [dreg:$0x8]  }
0x17: {  	s20 =	simm.s32 $0xC080;
	s22 =	rddreg [dreg:$0x9];
	[sflag:s14] =	ssyncadd.s32 $0xFFFFE000  }
.LBB2_49:
0x18: {  	s22 =	sadd.s32 $0x1, s22  }
0x19: {  	p0 =	sne.s32 s22, s6  }
.Ltmp1:
0x1a: {  	_ = 	snop;
	(pc) =	sbr.rel @!p0 .LBB2_50-.Ltmp1, $1  }
0x1b: {  	_ =	sdelay $0x3  }
.LBB2_1:
0x1c: {  	[tilespmem:s20], [sflag:$0x1] =	stream.linear.gather [hbm4b:s5+s3], $0x1000, $0x38;
	[tilespmem:$0xD180] =	vst v63  }
0x1d: {  	_ =	swait.ge [sflag:s14], $0x1000  }
0x1e: {  	s0 =	sand.u32 $0x1C00, s3;
	s4 =	sand.u32 $0x70, s3;
	[sflag:s14] =	ssyncset.done $0x0  }
0x1f: {  	s0 =	sor.u32 s4, s0;
	[sflag:s14] =	ssyncadd.s32 $0xFFFFF000  }
0x20: {  	v4 =	vld [tilespmem:s21+$0x0];
	[tilespmem:s0+$0x8080] =	vst v0  }
0x21: {  	s8 =	simm.s32 $0x0;
	s4 =	simm.s32 $0x80;
	[tilespmem:s0+$0xA080] =	vst v0  }
.LBB2_2:
0x22: {  	p0 =	sne.s32 s4, $0x1F80  }
.Ltmp2:
0x23: {  	s0 =	sand.u32 $0x1C00, s4;
	s8 =	sadd.s32 $0x10, s8;
	(pc) =	sbr.rel @p0 .LBB2_2-.Ltmp2, $4  }
0x24: {  	s4 =	sadd.s32 $0x80, s4;
	s13 =	sand.u32 $0x70, s8  }
0x25: {  	s13 =	sor.u32 s13, s0  }
0x26: {  	s0 =	simm.s32 $0x0;
	[tilespmem:s13+$0x8080] =	vst v0  }
0x27: {  	[tilespmem:s13+$0xA080] =	vst v0  }
0x28: {  	s4 =	sand.u32 $0x1C00, s0;
	s8 =	sand.u32 $0x70, s0  }
0x29: {  	s4 =	sor.u32 s8, s4  }
0x2a: {  	[tilespmem:s4+$0x8100] =	vst v0  }
0x2b: {  	s13 =	simm.s32 $0x0;
	s8 =	simm.s32 $0x80;
	[tilespmem:s4+$0xA100] =	vst v0  }
.LBB2_4:
0x2c: {  	p0 =	sne.s32 s8, $0x1F80  }
.Ltmp3:
0x2d: {  	s15 =	sand.u32 $0x1C00, s8;
	s13 =	sadd.s32 $0x10, s13;
	(pc) =	sbr.rel @p0 .LBB2_4-.Ltmp3, $4  }
0x2e: {  	s8 =	sadd.s32 $0x80, s8;
	s17 =	sand.u32 $0x70, s13  }
0x2f: {  	s15 =	sor.u32 s17, s15  }
0x30: {  	[tilespmem:s15+$0x8100] =	vst v0  }
0x31: {  	[tilespmem:s15+$0xA100] =	vst v0  }
0x32: {  	[tilespmem:s4+$0x8180] =	vst v0  }
0x33: {  	s8 =	simm.s32 $0x80;
	[tilespmem:s4+$0xA180] =	vst v0  }
.LBB2_6:
0x34: {  	p0 =	sne.s32 s8, $0x1F80  }
.Ltmp4:
0x35: {  	s4 =	sand.u32 $0x1C00, s8;
	s0 =	sadd.s32 $0x10, s0;
	(pc) =	sbr.rel @p0 .LBB2_6-.Ltmp4, $4  }
0x36: {  	s8 =	sadd.s32 $0x80, s8;
	s13 =	sand.u32 $0x70, s0  }
0x37: {  	s13 =	sor.u32 s13, s4  }
0x38: {  	s4 =	simm.s32 $0x0;
	[tilespmem:s13+$0x8180] =	vst v0  }
0x39: {  	[tilespmem:s13+$0xA180] =	vst v0  }
0x3a: {  	s0 =	sand.u32 $0x1C00, s4;
	s8 =	sand.u32 $0x70, s4  }
0x3b: {  	s0 =	sor.u32 s8, s0  }
0x3c: {  	[tilespmem:s0+$0x8200] =	vst v0  }
0x3d: {  	s13 =	simm.s32 $0x0;
	s8 =	simm.s32 $0x80;
	[tilespmem:s0+$0xA200] =	vst v0  }
.LBB2_8:
0x3e: {  	p0 =	sne.s32 s8, $0x1F80  }
.Ltmp5:
0x3f: {  	s15 =	sand.u32 $0x1C00, s8;
	s13 =	sadd.s32 $0x10, s13;
	(pc) =	sbr.rel @p0 .LBB2_8-.Ltmp5, $4  }
0x40: {  	s8 =	sadd.s32 $0x80, s8;
	s17 =	sand.u32 $0x70, s13  }
0x41: {  	s15 =	sor.u32 s17, s15  }
0x42: {  	[tilespmem:s15+$0x8200] =	vst v0  }
0x43: {  	[tilespmem:s15+$0xA200] =	vst v0  }
0x44: {  	[tilespmem:s0+$0x8280] =	vst v0  }
0x45: {  	s8 =	simm.s32 $0x80;
	[tilespmem:s0+$0xA280] =	vst v0  }
.LBB2_10:
0x46: {  	p0 =	sne.s32 s8, $0x1F80  }
.Ltmp6:
0x47: {  	s0 =	sand.u32 $0x1C00, s8;
	s4 =	sadd.s32 $0x10, s4;
	(pc) =	sbr.rel @p0 .LBB2_10-.Ltmp6, $4  }
0x48: {  	s8 =	sadd.s32 $0x80, s8;
	s13 =	sand.u32 $0x70, s4  }
0x49: {  	s13 =	sor.u32 s13, s0  }
0x4a: {  	s0 =	simm.s32 $0x0;
	[tilespmem:s13+$0x8280] =	vst v0  }
0x4b: {  	[tilespmem:s13+$0xA280] =	vst v0  }
0x4c: {  	s4 =	sand.u32 $0x1C00, s0;
	s8 =	sand.u32 $0x70, s0  }
0x4d: {  	s8 =	sor.u32 s8, s4  }
0x4e: {  	[tilespmem:s8+$0x8300] =	vst v0  }
0x4f: {  	s4 =	simm.s32 $0x80;
	[tilespmem:s8+$0xA300] =	vst v0;
	s8 =	simm.s32 $0x0  }
.LBB2_12:
0x50: {  	p0 =	sne.s32 s4, $0x1F80  }
.Ltmp7:
0x51: {  	s13 =	sand.u32 $0x1C00, s4;
	s8 =	sadd.s32 $0x10, s8;
	(pc) =	sbr.rel @p0 .LBB2_12-.Ltmp7, $4  }
0x52: {  	s4 =	sadd.s32 $0x80, s4;
	s15 =	sand.u32 $0x70, s8  }
0x53: {  	s13 =	sor.u32 s15, s13  }
0x54: {  	[tilespmem:s13+$0x8300] =	vst v0  }
0x55: {  	[tilespmem:s13+$0xA300] =	vst v0  }
0x56: {  	s4 =	simm.s32 $0x0  }
.LBB2_14:
0x57: {  	p0 =	sne.s32 s4, $0x1F80  }
.Ltmp8:
0x58: {  	_ = 	snop;
	(pc) =	sbr.rel @p0 .LBB2_14-.Ltmp8, $4  }
0x59: {  	s8 =	sand.u32 $0x70, s0;
	s13 =	sand.u32 $0x1C00, s4  }
0x5a: {  	s8 =	sor.u32 s8, s13  }
0x5b: {  	[tilespmem:s8+$0xA380] =	vst v0  }
0x5c: {  	s0 =	sadd.s32 $0x10, s0;
	s4 =	sadd.s32 $0x80, s4;
	[tilespmem:s8+$0x8380] =	vst v0  }
0x5d: {  	s0 =	simm.s32 $0x0  }
0x5e: {  	s4 =	sand.u32 $0x1C00, s0;
	s8 =	sand.u32 $0x70, s0  }
0x5f: {  	s8 =	sor.u32 s8, s4  }
0x60: {  	[tilespmem:s8+$0x8400] =	vst v0  }
0x61: {  	s4 =	simm.s32 $0x80;
	[tilespmem:s8+$0xA400] =	vst v0  }
.LBB2_16:
0x62: {  	p0 =	sne.s32 s4, $0x1F80  }
.Ltmp9:
0x63: {  	s8 =	sand.u32 $0x1C00, s4;
	s0 =	sadd.s32 $0x10, s0;
	(pc) =	sbr.rel @p0 .LBB2_16-.Ltmp9, $4  }
0x64: {  	s4 =	sadd.s32 $0x80, s4;
	s13 =	sand.u32 $0x70, s0  }
0x65: {  	s8 =	sor.u32 s13, s8  }
0x66: {  	[tilespmem:s8+$0x8400] =	vst v0  }
0x67: {  	[tilespmem:s8+$0xA400] =	vst v0  }
0x68: {  	(v2sf) =	vpush v4, $0x0  }
0x69: {  	(v2sf) =	vpush v4, $0x1;
	_ =	sdelay $0x4  }
0x6a: {  	(v2sf) =	vpush v4, $0x2  }
0x6b: {  	(v2sf) =	vpush v4, $0x3;
	_ =	sdelay $0x7  }
0x6c: {  	s17 =	spop (v2sf)  }
0x6d: {  	s0 =	spop (v2sf)  }
0x6e: {  	p0 =	sle.s32 s0, s17  }
.Ltmp10:
0x6f: {  	_ = 	snop;
	(pc) =	sbr.rel @p0 .LBB2_49-.Ltmp10, $3  }
0x70: {  	_ =	sdelay $0x1  }
0x71: {  	s18 =	spop (v2sf)  }
0x72: {  	s19 =	spop (v2sf)  }
0x73: {  	s4 =	ssub.s32 s0, s17  }
0x74: {  	s4 =	sadd.s32 $0x7, s4  }
0x75: {  	p0 =	slt.s32 s4, $0x8  }
.Ltmp11:
0x76: {  	_ = 	snop;
	(pc) =	sbr.rel @p0 .LBB2_22-.Ltmp11, $1  }
0x77: {  	_ =	sdelay $0x3  }
0x78: {  	s8 =	sshra.s32 s4, $0x1F  }
0x79: {  	s8 =	sshrl.u32 s8, $0x1D  }
0x7a: {  	s30 =	sadd.s32 s8, s4  }
0x7b: {  	s4 =	sshra.s32 s30, $0x3  }
0x7c: {  	s13 =	sshll.u32 s17, $0x7;
	p0 =	sne.s32 s4, $0x1  }
.Ltmp12:
0x7d: {  	s13 =	sand.u32 $0xFFFFFC00, s13;
	(pc) =	sbr.rel @!p0 .LBB2_21-.Ltmp12, $4  }
0x7e: {  	s31 =	sand.u32 $0x1FFFFC00, s13  }
0x7f: {  	s8 =	sadd.s32 s2, s31  }
0x80: {  	[hbm4b:s8+s3] =	stream.linear.scatter [tilespmem:s16], [sflag:$0x1], $0x2000, $0x38;
	[tilespmem:$0xD180] =	vst v63  }
0x81: {  	s4 =	sadd.s32 $0xFFFFFFFF, s4;
	s8 =	sadd.s32 $0x400, s13;
	_ =	swait.ge [sflag:s14], $0x2000  }
.LBB2_20:
0x82: {  	s13 =	sand.u32 $0x1FFFFC00, s8;
	[sflag:s14] =	ssyncset.done $0x0;
	p0 =	sne.s32 s4, $0x1  }
.Ltmp13:
0x83: {  	s13 =	sadd.s32 s2, s13;
	[sflag:s14] =	ssyncadd.s32 $0xFFFFE000;
	(pc) =	sbr.rel @p0 .LBB2_20-.Ltmp13, $3  }
0x84: {  	[hbm4b:s13+s3] =	stream.linear.scatter [tilespmem:s16], [sflag:$0x1], $0x2000, $0x38;
	[tilespmem:$0xD180] =	vst v63  }
0x85: {  	s4 =	sadd.s32 $0xFFFFFFFF, s4;
	_ =	sdelay $0x1  }
0x86: {  	s8 =	sadd.s32 $0x400, s8;
	_ =	swait.ge [sflag:s14], $0x2000  }
.LBB2_21:
0x87: {  	[sflag:s14] =	ssyncset.done $0x0  }
0x88: {  	[sflag:s14] =	ssyncadd.s32 $0xFFFFE000  }
.LBB2_22:
0x89: {  	s4 =	sand.u32 $0x7, s18  }
0x8a: {  	s8 =	sshra.s32 s18, $0x1F;
	p0 =	slt.s32 s18, $0x1;
	p1 =	sne.s32 s4, $0x0  }
0x8b: {  	s25 =	sshrl.u32 s8, $0x1D;
	p0 =	por !p0, !p1  }
0x8c: {  	s8 =	simm.s32 $0x1;
	s4 =	sadd.s32 s25, s18;
	p0 =	por !p0, !p0  }
0x8d: {  	s4 =	sshrl.u32 s4, $0x3;
	s8 =	simm.s32 @!p0 $0x0  }
0x8e: {  	s4 =	ssub.s32 s4, s8  }
0x8f: {  	s20 =	sshll.u32 s4, $0x3  }
0x90: {  	s4 =	ssub.s32 s19, s20  }
0x91: {  	s4 =	sadd.s32 $0x1F, s4  }
0x92: {  	s29 =	sand.u32 $0x7, s17;
	p6 =	slt.s32 s17, $0x1;
	s26 =	sand.u32 $0x1F, s4  }
0x93: {  	s13 =	sshra.s32 s4, $0x1F;
	p3 =	slt.s32 s4, $0x1;
	p4 =	sne.s32 s26, $0x0  }
0x94: {  	p5 =	sne.s32 s29, $0x0;
	s28 =	sshrl.u32 s13, $0x1B;
	p0 =	por !p3, !p4  }
0x95: {  	s8 =	simm.s32 $0x1;
	s4 =	sadd.s32 s28, s4;
	p0 =	por !p0, !p0  }
0x96: {  	s4 =	sshra.s32 s4, $0x5;
	s8 =	simm.s32 @!p0 $0x0;
	p0 =	por !p6, !p5  }
0x97: {  	s21 =	ssub.s32 s4, s8;
	p0 =	por !p0, !p0;
	s8 =	simm.s32 $0x1  }
0x98: {  	s8 =	simm.s32 @!p0 $0x0;
	p0 =	slt.s32 s21, $0x1  }
.Ltmp14:
0x99: {  	s30 =	sshra.s32 s17, $0x1F;
	(pc) =	sbr.rel @p0 .LBB2_48-.Ltmp14, $4  }
0x9a: {  	s31 =	sshrl.u32 s30, $0x1D  }
0x9b: {  	s4 =	sadd.s32 s31, s17  }
0x9c: {  	s4 =	sshra.s32 s4, $0x3  }
0x9d: {  	[dreg:$0x9] =	wrdreg s22;
	s26 =	ssub.s32 s4, s8  }
.Ltmp15:
0x9e: {  	(pc) =	sbr.rel .LBB2_24-.Ltmp15, $2  }
0x9f: {  	_ =	sdelay $0x2  }
0xa0: {  	s22 =	sadd.s32 $0xFFFFFFFF, s0;
	s24 =	simm.s32 $0x0  }
.LBB2_47:
0xa1: {  	s24 =	sadd.s32 $0x1, s24  }
0xa2: {  	p0 =	sne.s32 s24, s21  }
.Ltmp16:
0xa3: {  	_ = 	snop;
	(pc) =	sbr.rel @!p0 .LBB2_48-.Ltmp16, $1  }
0xa4: {  	_ =	sdelay $0x3  }
.LBB2_24:
0xa5: {  	s0 =	sshll.u32 s24, $0x5  }
0xa6: {  	s25 =	sadd.s32 s20, s0  }
0xa7: {  	s4 =	rddreg [dreg:$0x4];
	s0 =	sshrl.u32 s25, $0x3  }
0xa8: {  	s4 =	sadd.s32 s4, s0  }
0xa9: {  	[tilespmem:s23], [sflag:$0x1] =	stream.linear.gather [hbm4b:s4+s23], $0x20, $0x38;
	[tilespmem:$0xD180] =	vst v63  }
0xaa: {  	_ =	swait.ge [sflag:s14], $0x20  }
0xab: {  	[sflag:s14] =	ssyncset.done $0x0;
	s8 =	rddreg [dreg:$0x5]  }
0xac: {  	s5 =	simm.s32 $0xD080;
	[sflag:s14] =	ssyncadd.s32 $0xFFFFFFE0;
	s4 =	sadd.s32 s8, s0  }
0xad: {  	[tilespmem:s5], [sflag:$0x1] =	stream.linear.gather [hbm4b:s4+s23], $0x20, $0x38;
	[tilespmem:$0xD180] =	vst v63  }
0xae: {  	_ =	swait.ge [sflag:s14], $0x20  }
0xaf: {  	[sflag:s14] =	ssyncset.done $0x0  }
0xb0: {  	s13 =	simm.s32 $0xD100;
	s0 =	sadd.s32 s7, s0;
	[sflag:s14] =	ssyncadd.s32 $0xFFFFFFE0  }
0xb1: {  	[tilespmem:s13], [sflag:$0x1] =	stream.linear.gather [hbm4b:s0+s23], $0x20, $0x38;
	[tilespmem:$0xD180] =	vst v63  }
0xb2: {  	_ =	swait.ge [sflag:s14], $0x20  }
0xb3: {  	[sflag:s14] =	ssyncset.done $0x0  }
0xb4: {  	[sflag:s14] =	ssyncadd.s32 $0xFFFFFFE0  }
0xb5: {  	v4 =	vld [tilespmem:$0x0];
	_ =	sdelay $0x4  }
0xb6: {  	v5 =	vshll.u32 v4, $0x3  }
0xb7: {  	v4 =	vand.u32 $0x7, v4;
	v5 =	vand.u32 $0xFFFFFFC0, v5  }
0xb8: {  	v4 =	vor.u32 v4, v5  }
0xb9: {  	v5 =	vperm.xlane v4, v1;
	_ =	sdelay $0x1  }
0xba: {  	v5 =	vadd.s32 v2, v5;
	_ =	sdelay $0x3  }
0xbb: {  	s15 =	simm.s32 $0x80  }
0xbc: {  	[tilespmem:s15], [sflag:$0x1] =	stream.indirect_vreg.gather [hbm4b:s1+s23], $0x80, v5, vm0, $0xb8;
	[tilespmem:$0xD180] =	vst v63  }
0xbd: {  	s31 =	simm.s32 $0x880;
	v4 =	vperm.xlane v4, v3  }
0xbe: {  	[tilespmem:s31], [sflag:$0x1] =	stream.indirect_vreg.gather [hbm4b:s9+s23], $0x80, v5, vm0, $0xb8;
	[tilespmem:$0xD180] =	vst v63  }
0xbf: {  	s4 =	simm.s32 $0x1080;
	v4 =	vadd.s32 v2, v4  }
0xc0: {  	[tilespmem:s4], [sflag:$0x1] =	stream.indirect_vreg.gather [hbm4b:s10+s23], $0x80, v5, vm0, $0xb8;
	[tilespmem:$0xD180] =	vst v63  }
0xc1: {  	s5 =	simm.s32 $0x1880  }
0xc2: {  	[tilespmem:s5], [sflag:$0x1] =	stream.indirect_vreg.gather [hbm4b:s11+s23], $0x80, v5, vm0, $0xb8;
	[tilespmem:$0xD180] =	vst v63  }
0xc3: {  	s6 =	simm.s32 $0x2080  }
0xc4: {  	[tilespmem:s6], [sflag:$0x1] =	stream.indirect_vreg.gather [hbm4b:s1+s23], $0x80, v4, vm0, $0xb8;
	[tilespmem:$0xD180] =	vst v63  }
0xc5: {  	s8 =	simm.s32 $0x2880  }
0xc6: {  	[tilespmem:s8], [sflag:$0x1] =	stream.indirect_vreg.gather [hbm4b:s9+s23], $0x80, v4, vm0, $0xb8;
	[tilespmem:$0xD180] =	vst v63  }
0xc7: {  	s13 =	simm.s32 $0x3080  }
0xc8: {  	[tilespmem:s13], [sflag:$0x1] =	stream.indirect_vreg.gather [hbm4b:s10+s23], $0x80, v4, vm0, $0xb8;
	[tilespmem:$0xD180] =	vst v63  }
0xc9: {  	s15 =	simm.s32 $0x3880  }
0xca: {  	[tilespmem:s15], [sflag:$0x1] =	stream.indirect_vreg.gather [hbm4b:s11+s23], $0x80, v4, vm0, $0xb8;
	[tilespmem:$0xD180] =	vst v63  }
0xcb: {  	v4 =	vld [tilespmem:$0x10];
	_ =	sdelay $0x4  }
0xcc: {  	v5 =	vshll.u32 v4, $0x3  }
0xcd: {  	v4 =	vand.u32 $0x7, v4;
	v5 =	vand.u32 $0xFFFFFFC0, v5  }
0xce: {  	v4 =	vor.u32 v4, v5  }
0xcf: {  	v5 =	vperm.xlane v4, v1;
	_ =	sdelay $0x1  }
0xd0: {  	v5 =	vadd.s32 v2, v5;
	_ =	sdelay $0x3  }
0xd1: {  	s31 =	simm.s32 $0x4080  }
0xd2: {  	[tilespmem:s31], [sflag:$0x1] =	stream.indirect_vreg.gather [hbm4b:s1+s23], $0x80, v5, vm0, $0xb8;
	[tilespmem:$0xD180] =	vst v63  }
0xd3: {  	s4 =	simm.s32 $0x4880;
	v4 =	vperm.xlane v4, v3  }
0xd4: {  	[tilespmem:s4], [sflag:$0x1] =	stream.indirect_vreg.gather [hbm4b:s9+s23], $0x80, v5, vm0, $0xb8;
	[tilespmem:$0xD180] =	vst v63  }
0xd5: {  	s5 =	simm.s32 $0x5080;
	v4 =	vadd.s32 v2, v4  }
0xd6: {  	[tilespmem:s5], [sflag:$0x1] =	stream.indirect_vreg.gather [hbm4b:s10+s23], $0x80, v5, vm0, $0xb8;
	[tilespmem:$0xD180] =	vst v63  }
0xd7: {  	s6 =	simm.s32 $0x5880  }
0xd8: {  	[tilespmem:s6], [sflag:$0x1] =	stream.indirect_vreg.gather [hbm4b:s11+s23], $0x80, v5, vm0, $0xb8;
	[tilespmem:$0xD180] =	vst v63  }
0xd9: {  	s8 =	simm.s32 $0x6080  }
0xda: {  	[tilespmem:s8], [sflag:$0x1] =	stream.indirect_vreg.gather [hbm4b:s1+s23], $0x80, v4, vm0, $0xb8;
	[tilespmem:$0xD180] =	vst v63  }
0xdb: {  	s13 =	simm.s32 $0x6880  }
0xdc: {  	[tilespmem:s13], [sflag:$0x1] =	stream.indirect_vreg.gather [hbm4b:s9+s23], $0x80, v4, vm0, $0xb8;
	[tilespmem:$0xD180] =	vst v63  }
0xdd: {  	s15 =	simm.s32 $0x7080  }
0xde: {  	[tilespmem:s15], [sflag:$0x1] =	stream.indirect_vreg.gather [hbm4b:s10+s23], $0x80, v4, vm0, $0xb8;
	[tilespmem:$0xD180] =	vst v63  }
.Ltmp17:
0xdf: {  	s31 =	simm.s32 $0x7880;
	(pc) =	sbr.rel .LBB2_25-.Ltmp17, $4  }
0xe0: {  	[tilespmem:s31], [sflag:$0x1] =	stream.indirect_vreg.gather [hbm4b:s11+s23], $0x80, v4, vm0, $0xb8;
	[tilespmem:$0xD180] =	vst v63  }
0xe1: {  	_ =	swait.ge [sflag:s14], $0x8000  }
0xe2: {  	s28 =	simm.s32 $0x0;
	s29 =	simm.s32 $0x0;
	[sflag:s14] =	ssyncset.done $0x0  }
0xe3: {  	s30 =	simm.s32 $0x0;
	s4 =	smov.u32 s26;
	[sflag:s14] =	ssyncadd.s32 $0xFFFF8000  }
.LBB2_46:
0xe4: {  	s30 =	sadd.s32 $0x1, s30  }
0xe5: {  	p0 =	sne.s32 s30, $0x20  }
.Ltmp18:
0xe6: {  	_ = 	snop;
	(pc) =	sbr.rel @!p0 .LBB2_47-.Ltmp18, $2  }
0xe7: {  	_ =	sdelay $0x2  }
0xe8: {  	s29 =	sadd.s32 $0x400, s29;
	s28 =	sadd.s32 $0x1, s28;
	s4 =	smov.u32 s26  }
.LBB2_25:
0xe9: {  	v4 =	vld [tilespmem:s30+$0xD100]  }
0xea: {  	v5 =	vld [tilespmem:s30+$0xD080];
	_ =	sdelay $0x3  }
0xeb: {  	(v2sf) =	vpush v4, $0x0  }
0xec: {  	(v2sf) =	vpush v5, $0x0;
	_ =	sdelay $0xb  }
0xed: {  	s0 =	sadd.s32 s25, s30  }
0xee: {  	p0 =	sge.s32 s0, s18;
	p1 =	slt.s32 s0, s19  }
0xef: {  	p0 =	por !p0, !p1;
	s31 =	spop (v2sf)  }
0xf0: {  	s0 =	sshll.u32 s4, $0x3;
	p0 =	por !p0, !p0;
	s8 =	spop (v2sf)  }
0xf1: {  	s0 =	smov.u32 @p0 s8  }
0xf2: {  	p1 =	sgt.s32 s17, s0  }
0xf3: {  	s0 =	smov.u32 @p1 s17  }
0xf4: {  	p1 =	slt.s32 s22, s0  }
0xf5: {  	s0 =	smov.u32 @p1 s22  }
0xf6: {  	s15 =	sand.u32 $0x7, s0  }
0xf7: {  	s13 =	sshra.s32 s0, $0x1F;
	p1 =	slt.s32 s0, $0x1;
	p2 =	sne.s32 s15, $0x0  }
0xf8: {  	s26 =	sshrl.u32 s13, $0x1D;
	p1 =	por !p1, !p2  }
0xf9: {  	s13 =	simm.s32 $0x1;
	s8 =	sadd.s32 s26, s0;
	p1 =	por !p1, !p1  }
0xfa: {  	s8 =	sshra.s32 s8, $0x3;
	s13 =	simm.s32 @!p1 $0x0  }
0xfb: {  	s26 =	ssub.s32 s8, s13  }
0xfc: {  	p1 =	seq.s32 s26, s4  }
.Ltmp19:
0xfd: {  	_ = 	snop;
	(pc) =	sbr.rel @p1 .LBB2_42-.Ltmp19, $1  }
0xfe: {  	_ =	sdelay $0x3  }
0xff: {  	s4 =	sshll.u32 s4, $0xA  }
0x100: {  	s4 =	sand.u32 $0x1FFFFC00, s4  }
0x101: {  	s8 =	sadd.s32 s2, s4;
	s4 =	simm.s32 $0x0  }
0x102: {  	[hbm4b:s8+s4] =	stream.linear.scatter [tilespmem:s12], [sflag:$0x1], $0x2000, $0x38;
	[tilespmem:$0xD180] =	vst v63  }
0x103: {  	_ =	swait.ge [sflag:s14], $0x2000  }
0x104: {  	s15 =	sand.u32 $0x70, s4;
	s13 =	sand.u32 $0x1C00, s4;
	[sflag:s14] =	ssyncset.done $0x0  }
0x105: {  	s8 =	sor.u32 s15, s13;
	[sflag:s14] =	ssyncadd.s32 $0xFFFFE000  }
0x106: {  	s13 =	simm.s32 $0x10;
	s15 =	simm.s32 $0x0;
	[tilespmem:s8+$0x8080] =	vst v0  }
.LBB2_27:
0x107: {  	p1 =	sne.s32 s13, $0x3F0  }
.Ltmp20:
0x108: {  	_ = 	snop;
	(pc) =	sbr.rel @p1 .LBB2_27-.Ltmp20, $4  }
0x109: {  	s15 =	sadd.s32 $0x80, s15  }
0x10a: {  	s5 =	sand.u32 $0x70, s13;
	s6 =	sand.u32 $0x1C00, s15  }
0x10b: {  	s5 =	sor.u32 s5, s6  }
0x10c: {  	s13 =	sadd.s32 $0x10, s13;
	[tilespmem:s5+$0x8080] =	vst v0  }
0x10d: {  	s13 =	simm.s32 $0x10;
	[tilespmem:s8+$0x8100] =	vst v0  }
.LBB2_29:
0x10e: {  	p1 =	sne.s32 s13, $0x3F0  }
.Ltmp21:
0x10f: {  	_ = 	snop;
	(pc) =	sbr.rel @p1 .LBB2_29-.Ltmp21, $4  }
0x110: {  	s4 =	sadd.s32 $0x80, s4  }
0x111: {  	s5 =	sand.u32 $0x70, s13;
	s6 =	sand.u32 $0x1C00, s4  }
0x112: {  	s5 =	sor.u32 s5, s6  }
0x113: {  	s13 =	sadd.s32 $0x10, s13;
	s8 =	simm.s32 $0x0;
	[tilespmem:s5+$0x8100] =	vst v0  }
0x114: {  	s4 =	sand.u32 $0x70, s8;
	s5 =	sand.u32 $0x1C00, s8  }
0x115: {  	s4 =	sor.u32 s4, s5  }
0x116: {  	s13 =	simm.s32 $0x10;
	s15 =	simm.s32 $0x0;
	[tilespmem:s4+$0x8180] =	vst v0  }
.LBB2_31:
0x117: {  	p1 =	sne.s32 s13, $0x3F0  }
.Ltmp22:
0x118: {  	_ = 	snop;
	(pc) =	sbr.rel @p1 .LBB2_31-.Ltmp22, $4  }
0x119: {  	s15 =	sadd.s32 $0x80, s15  }
0x11a: {  	s5 =	sand.u32 $0x70, s13;
	s6 =	sand.u32 $0x1C00, s15  }
0x11b: {  	s5 =	sor.u32 s5, s6  }
0x11c: {  	s13 =	sadd.s32 $0x10, s13;
	[tilespmem:s5+$0x8180] =	vst v0  }
0x11d: {  	s13 =	simm.s32 $0x10;
	[tilespmem:s4+$0x8200] =	vst v0  }
.LBB2_33:
0x11e: {  	p1 =	sne.s32 s13, $0x3F0  }
.Ltmp23:
0x11f: {  	_ = 	snop;
	(pc) =	sbr.rel @p1 .LBB2_33-.Ltmp23, $4  }
0x120: {  	s8 =	sadd.s32 $0x80, s8  }
0x121: {  	s4 =	sand.u32 $0x70, s13;
	s5 =	sand.u32 $0x1C00, s8  }
0x122: {  	s4 =	sor.u32 s4, s5  }
0x123: {  	s13 =	sadd.s32 $0x10, s13;
	[tilespmem:s4+$0x8200] =	vst v0;
	s4 =	simm.s32 $0x0  }
0x124: {  	s5 =	sand.u32 $0x70, s4;
	s6 =	sand.u32 $0x1C00, s4  }
0x125: {  	s8 =	sor.u32 s5, s6  }
0x126: {  	s13 =	simm.s32 $0x10;
	s15 =	simm.s32 $0x0;
	[tilespmem:s8+$0x8280] =	vst v0  }
.LBB2_35:
0x127: {  	p1 =	sne.s32 s13, $0x3F0  }
.Ltmp24:
0x128: {  	_ = 	snop;
	(pc) =	sbr.rel @p1 .LBB2_35-.Ltmp24, $4  }
0x129: {  	s15 =	sadd.s32 $0x80, s15  }
0x12a: {  	s5 =	sand.u32 $0x70, s13;
	s6 =	sand.u32 $0x1C00, s15  }
0x12b: {  	s5 =	sor.u32 s5, s6  }
0x12c: {  	s13 =	sadd.s32 $0x10, s13;
	[tilespmem:s5+$0x8280] =	vst v0  }
0x12d: {  	s13 =	simm.s32 $0x10;
	[tilespmem:s8+$0x8300] =	vst v0  }
.LBB2_37:
0x12e: {  	p1 =	sne.s32 s13, $0x3F0  }
.Ltmp25:
0x12f: {  	_ = 	snop;
	(pc) =	sbr.rel @p1 .LBB2_37-.Ltmp25, $4  }
0x130: {  	s4 =	sadd.s32 $0x80, s4  }
0x131: {  	s5 =	sand.u32 $0x70, s13;
	s6 =	sand.u32 $0x1C00, s4  }
0x132: {  	s5 =	sor.u32 s5, s6  }
0x133: {  	s13 =	sadd.s32 $0x10, s13;
	s8 =	simm.s32 $0x0;
	[tilespmem:s5+$0x8300] =	vst v0  }
0x134: {  	s4 =	sand.u32 $0x70, s8;
	s5 =	sand.u32 $0x1C00, s8  }
0x135: {  	s4 =	sor.u32 s4, s5  }
0x136: {  	s13 =	simm.s32 $0x10;
	s15 =	simm.s32 $0x0;
	[tilespmem:s4+$0x8380] =	vst v0  }
.LBB2_39:
0x137: {  	p1 =	sne.s32 s13, $0x3F0  }
.Ltmp26:
0x138: {  	_ = 	snop;
	(pc) =	sbr.rel @p1 .LBB2_39-.Ltmp26, $4  }
0x139: {  	s15 =	sadd.s32 $0x80, s15  }
0x13a: {  	s5 =	sand.u32 $0x70, s13;
	s6 =	sand.u32 $0x1C00, s15  }
0x13b: {  	s5 =	sor.u32 s5, s6  }
0x13c: {  	s13 =	sadd.s32 $0x10, s13;
	[tilespmem:s5+$0x8380] =	vst v0  }
0x13d: {  	s13 =	simm.s32 $0x10;
	[tilespmem:s4+$0x8400] =	vst v0  }
.LBB2_41:
0x13e: {  	p1 =	sne.s32 s13, $0x3F0  }
.Ltmp27:
0x13f: {  	_ = 	snop;
	(pc) =	sbr.rel @p1 .LBB2_41-.Ltmp27, $4  }
0x140: {  	s8 =	sadd.s32 $0x80, s8  }
0x141: {  	s4 =	sand.u32 $0x70, s13;
	s5 =	sand.u32 $0x1C00, s8  }
0x142: {  	s4 =	sor.u32 s4, s5  }
0x143: {  	s13 =	sadd.s32 $0x10, s13;
	[tilespmem:s4+$0x8400] =	vst v0  }
.LBB2_42:
0x144: {  	s31 =	simm.s32 @!p0 $0x0  }
0x145: {  	p0 =	slt.f32 s31, $0.0e+00;
	p1 =	sgt.f32 s31, $0.0e+00  }
0x146: {  	_ = 	snop  }
0x147: {  	p0 =	por p1, p0  }
0x148: {  	p0 =	por !p0, !p0  }
.Ltmp28:
0x149: {  	_ = 	snop;
	(pc) =	sbr.rel @p0 .LBB2_46-.Ltmp28, $1  }
0x14a: {  	_ =	sdelay $0x3  }
0x14b: {  	s4 =	sshll.u32 s29, $0x2;
	s5 =	sand.u32 $0x7, s28  }
0x14c: {  	s4 =	sand.u32 $0xFFFF8000, s4;
	s5 =	sshll.u32 s5, $0x9  }
0x14d: {  	s4 =	sor.u32 s5, s4  }
0x14e: {  	s4 =	sshrl.u32 s4, $0x2  }
0x14f: {  	s4 =	sadd.s32 $0xC0, s4  }
0x150: {  	v4 =	vmov s4;
	_ =	sdelay $0x3  }
0x151: {  	s8 =	simm.s32 $0x0  }
0x152: {  	v6 =	vld.idx.msk [tilespmem:v4+s8+$0xFFFFFFC0 ss:$0x1], $0xffff  }
0x153: {  	s13 =	sshll.u32 s26, $0xD;
	s6 =	sshll.u32 s0, $0xA  }
0x154: {  	s15 =	sshll.u32 s0, $0x7;
	s5 =	ssub.s32 s6, s13  }
0x155: {  	s0 =	sand.u32 $0x380, s15;
	s5 =	sand.u32 $0xFFFFE000, s5  }
0x156: {  	v5 =	vmov s31;
	s0 =	sor.u32 s0, s5  }
0x157: {  	s0 =	sadd.s32 $0x8080, s0;
	v6 =	vmul.f32 v6, v5  }
0x158: {  	s31 =	sadd.s32 $0x0, s0  }
0x159: {  	[tilespmem:s31+$0x0] =	vst.add.f32.msk $0xffff, v6  }
0x15a: {  	v6 =	vld.idx.msk [tilespmem:v4+s8+$0xFFFFFFD0 ss:$0x1], $0xffff;
	_ =	sdelay $0x4  }
0x15b: {  	v6 =	vmul.f32 v6, v5;
	_ =	sdelay $0x1  }
0x15c: {  	[tilespmem:s31+$0x10] =	vst.add.f32.msk $0xffff, v6  }
0x15d: {  	v6 =	vld.idx.msk [tilespmem:v4+s8+$0xFFFFFFE0 ss:$0x1], $0xffff;
	_ =	sdelay $0x4  }
0x15e: {  	v6 =	vmul.f32 v6, v5;
	_ =	sdelay $0x1  }
0x15f: {  	[tilespmem:s31+$0x20] =	vst.add.f32.msk $0xffff, v6  }
0x160: {  	v6 =	vld.idx.msk [tilespmem:v4+s8+$0xFFFFFFF0 ss:$0x1], $0xffff;
	_ =	sdelay $0x4  }
0x161: {  	v6 =	vmul.f32 v6, v5;
	_ =	sdelay $0x1  }
0x162: {  	[tilespmem:s31+$0x30] =	vst.add.f32.msk $0xffff, v6  }
0x163: {  	v6 =	vld.idx.msk [tilespmem:v4+s8+$0x0 ss:$0x1], $0xffff;
	_ =	sdelay $0x4  }
0x164: {  	v6 =	vmul.f32 v6, v5;
	_ =	sdelay $0x1  }
0x165: {  	[tilespmem:s31+$0x40] =	vst.add.f32.msk $0xffff, v6  }
0x166: {  	v6 =	vld.idx.msk [tilespmem:v4+s8+$0x10 ss:$0x1], $0xffff;
	_ =	sdelay $0x4  }
0x167: {  	v6 =	vmul.f32 v6, v5;
	_ =	sdelay $0x1  }
0x168: {  	[tilespmem:s31+$0x50] =	vst.add.f32.msk $0xffff, v6  }
0x169: {  	v6 =	vld.idx.msk [tilespmem:v4+s8+$0x20 ss:$0x1], $0xffff;
	_ =	sdelay $0x4  }
0x16a: {  	v6 =	vmul.f32 v6, v5;
	_ =	sdelay $0x1  }
0x16b: {  	[tilespmem:s31+$0x60] =	vst.add.f32.msk $0xffff, v6  }
0x16c: {  	v6 =	vld.idx.msk [tilespmem:v4+s8+$0x30 ss:$0x1], $0xffff;
	_ =	sdelay $0x4  }
0x16d: {  	v6 =	vmul.f32 v6, v5  }
0x16e: {  	s13 =	simm.s32 $0x1000;
	s4 =	simm.s32 $0x0  }
.LBB2_44:
0x16f: {  	s8 =	sshra.s32 s13, $0x2;
	s4 =	sadd.s32 $0x8, s4;
	[tilespmem:s31+$0x70] =	vst.add.f32.msk $0xffff, v6  }
0x170: {  	v6 =	vld.idx.msk [tilespmem:v4+s8+$0xFFFFFFC0 ss:$0x1], $0xffff;
	p0 =	slt.u32 s4, $0x38;
	_ =	sdelay $0x5  }
0x171: {  	v6 =	vmul.f32 v6, v5  }
0x172: {  	s31 =	sadd.s32 s8, s0  }
0x173: {  	[tilespmem:s31+$0x0] =	vst.add.f32.msk $0xffff, v6  }
0x174: {  	v6 =	vld.idx.msk [tilespmem:v4+s8+$0xFFFFFFD0 ss:$0x1], $0xffff;
	_ =	sdelay $0x5  }
0x175: {  	v6 =	vmul.f32 v6, v5;
	_ =	sdelay $0x1  }
0x176: {  	[tilespmem:s31+$0x10] =	vst.add.f32.msk $0xffff, v6  }
0x177: {  	v6 =	vld.idx.msk [tilespmem:v4+s8+$0xFFFFFFE0 ss:$0x1], $0xffff;
	_ =	sdelay $0x5  }
0x178: {  	v6 =	vmul.f32 v6, v5;
	_ =	sdelay $0x1  }
0x179: {  	[tilespmem:s31+$0x20] =	vst.add.f32.msk $0xffff, v6  }
0x17a: {  	v6 =	vld.idx.msk [tilespmem:v4+s8+$0xFFFFFFF0 ss:$0x1], $0xffff;
	_ =	sdelay $0x5  }
0x17b: {  	v6 =	vmul.f32 v6, v5;
	_ =	sdelay $0x1  }
0x17c: {  	[tilespmem:s31+$0x30] =	vst.add.f32.msk $0xffff, v6  }
0x17d: {  	v6 =	vld.idx.msk [tilespmem:v4+s8+$0x0 ss:$0x1], $0xffff;
	_ =	sdelay $0x5  }
0x17e: {  	v6 =	vmul.f32 v6, v5;
	_ =	sdelay $0x1  }
0x17f: {  	[tilespmem:s31+$0x40] =	vst.add.f32.msk $0xffff, v6  }
0x180: {  	v6 =	vld.idx.msk [tilespmem:v4+s8+$0x10 ss:$0x1], $0xffff;
	_ =	sdelay $0x5  }
0x181: {  	v6 =	vmul.f32 v6, v5;
	_ =	sdelay $0x1  }
0x182: {  	[tilespmem:s31+$0x50] =	vst.add.f32.msk $0xffff, v6  }
0x183: {  	v6 =	vld.idx.msk [tilespmem:v4+s8+$0x20 ss:$0x1], $0xffff;
	_ =	sdelay $0x5  }
0x184: {  	v6 =	vmul.f32 v6, v5;
	_ =	sdelay $0x1  }
0x185: {  	[tilespmem:s31+$0x60] =	vst.add.f32.msk $0xffff, v6  }
0x186: {  	v6 =	vld.idx.msk [tilespmem:v4+s8+$0x30 ss:$0x1], $0xffff;
	_ =	sdelay $0x2  }
.Ltmp29:
0x187: {  	(pc) =	sbr.rel @p0 .LBB2_44-.Ltmp29, $3  }
0x188: {  	_ =	sdelay $0x1  }
0x189: {  	v6 =	vmul.f32 v6, v5  }
0x18a: {  	s13 =	sadd.s32 $0x1000, s13  }
.Ltmp30:
0x18b: {  	(pc) =	sbr.rel .LBB2_46-.Ltmp30, $2  }
0x18c: {  	_ =	sdelay $0x2  }
0x18d: {  	[tilespmem:s31+$0x70] =	vst.add.f32.msk $0xffff, v6  }
.LBB2_50:
0x18e: {  	_ =	sfence.sel $0x180000  }
0x18f: {  	[bflag:$0x0] =	sbarrier.arrive $0xFFFF  }
0x190: {  	_ =	strace $0x90000050  }
0x191: {  	s0 =	stileid.u32;
	[bflag:$0x2] =	sbarrier.arrive $0xFFFF  }
0x192: {  	p0 =	sne.s32 s0, $0x0;
	s0 =	rddreg [dreg:$0x3]  }
0x193: {  	s0 =	sadd.s32 @!p0 $0x100000, s0  }
0x194: {  	[sflag:s0] =	ssyncadd.tile.s32 @!p0 $0x1;
	_ =	shalt  }
.Lfunc_end2:
_tile_overlayer_lowered:
.L_overlay_start_2:
0x195: {  	(tag) =	ssettag $0x2  }
0x196: {  	s0 =	rddreg [dreg:$0x0];
	s2 =	stileid.u32  }
0x197: {  	s1 =	rddreg [dreg:$0x1];
	p0 =	sne.s32 s2, $0x0  }
0x198: {  	s3 =	rddreg [dreg:$0x2];
	[bflag:$0x3] =	sbarrier.arrive $0xFFFF;
	s2 =	simm.s32 @!p0 $0x1C01  }
0x199: {  	[timem:s3], [sflag:s2] =	dma.local @!p0 [hbm:s0], s1  }
0x19a: {  	s0 =	simm.s32 @!p0 $0x1  }
0x19b: {  	_ =	swait.ge @!p0 [sflag:s0], s1  }
0x19c: {  	s1 =	ssub.s32 @!p0 $0x0, s1;
	[sflag:s0] =	ssyncset.done @!p0 $0x0  }
0x19d: {  	[sflag:s0] =	ssyncadd.s32 @!p0 s1  }
0x19e: {  	[bflag:$0x3] =	sbarrier.arrive $0xFFFF  }
0x19f: {  	_ =	shalt  }

// kernel: kernel.14.cloned.1.call-start
scs
__scs_entry_jumppad:
0x0: {  	(pc) =	sbr.rel $0x88, $3  }
0x1: {  	(tag) =	ssettag $0x0;
	lr =	simm.s32 $0x1  }
0x2: {  	[smem:$0x3F96] =	sst lr;
	_ =	strace $0xD0000000  }
0x3: {  	_ = 	snop  }
0x4: {  	_ = 	snop  }
0x5: {  	_ = 	snop  }
0x6: {  	_ = 	snop  }
0x7: {  	_ = 	snop  }
__scs_overlays_trampoline_lowered:
0x8: {  	[smem:$0x3FA5] =	sst s0  }
0x9: {  	[smem:$0x3FA6] =	sst s1  }
0xa: {  	[smem:$0x3FA7] =	sst s2  }
0xb: {  	[smem:$0x3FA8] =	sst s3  }
0xc: {  	[smem:$0x3FA9] =	sst s4  }
0xd: {  	[smem:$0x3FAA] =	sst s5  }
0xe: {  	[smem:$0x3FAB] =	sst s6  }
0xf: {  	[smem:$0x3FAC] =	sst s7  }
0x10: {  	[smem:$0x3FAD] =	sst s8  }
0x11: {  	[smem:$0x3FAE] =	sst s9;
	s0 =	simm.s32 @!p0 $0x0  }
0x12: {  	s1 =	sld [smem:$0x3F94];
	s0 =	simm.s32 @p0 $0x1  }
0x13: {  	[smem:$0x3FAF] =	sst s0;
	s0 =	simm.s32 @!p1 $0x0  }
0x14: {  	s2 =	sld [smem:$0x3F93];
	s0 =	simm.s32 @p1 $0x1  }
0x15: {  	[smem:$0x3FB0] =	sst s0;
	s0 =	simm.s32 @!p2 $0x0  }
0x16: {  	s3 =	sld [smem:$0x3FDB];
	s0 =	simm.s32 @p2 $0x1  }
0x17: {  	s4 =	simm.s32 $0x1BF5;
	[smem:$0x3FB2] =	sst s0  }
0x18: {  	s0 =	sld [smem:$0x3F95];
	_ =	swait.ge [sflag:s4], $0x0  }
0x19: {  	s7 =	sld [smem:$0x3F96]  }
0x1a: {  	s8 =	sadd.s32 $0xFFFFE003, lr  }
0x1b: {  	s9 =	sadd.s32 $0xFFFFFEF7, lr;
	s5 =	simm.s32 $0xFFFFFFFF;
	p2 =	slt.u32 s8, $0xFFFFF086  }
0x1c: {  	p1 =	slt.u32 s9, $0xF7A;
	s5 =	simm.s32 @!p2 $0x0  }
0x1d: {  	s5 =	simm.s32 @p1 $0x1;
	p0 =	seq.s32 s7, s2  }
0x1e: {  	s7 =	smul.u32 @!p0 $0xF7A, s2;
	p2 =	seq.s32 @!p0 s5, $0x0  }
0x1f: {  	s9 =	smul.u32 $0xF7A, s1;
	s8 =	simm.s32 @!p0 $0x1BF5;
	p2 =	por !p2, p0  }
0x20: {  	[sflag:s8] =	ssyncset.s32 @!p0 $0xFFFFF086;
	s6 =	sadd.s32 @!p0 s3, s7;
	s7 =	simm.s32 @!p0 $0x108  }
0x21: {  	s3 =	sadd.s32 s3, s9;
	s6 =	sadd.s32 @!p0 $0x88, s6;
	s7 =	simm.s32 @p2 $0x1082  }
0x22: {  	[simem:s7], [sflag:s8] =	dma.local @!p0 [hbm:s6], $0xF7A  }
0x23: {  	s9 =	sor.u32 $0xD0000000, s2;
	s6 =	simm.s32 $0x108;
	_ =	swait.ge @!p0 [sflag:s8], $0x0  }
0x24: {  	s3 =	sadd.s32 $0x88, s3;
	s6 =	simm.s32 @!p1 $0x1082;
	[sflag:s4] =	ssyncset.s32 $0xFFFFF086  }
0x25: {  	[simem:s6], [sflag:s4] =	dma.local [hbm:s3], $0xF7A  }
0x26: {  	[smem:$0x3F96] =	sst s1;
	(tag) =	ssettag s2;
	_ =	strace s9  }
0x27: {  	s1 =	sld [smem:$0x3FA6]  }
0x28: {  	s2 =	sld [smem:$0x3FA7]  }
0x29: {  	s4 =	sld [smem:$0x3FA9]  }
0x2a: {  	p0 =	seq.s32 s5, $0x0;
	s5 =	sld [smem:$0x3FAA]  }
0x2b: {  	s6 =	sld [smem:$0x3FAB]  }
0x2c: {  	s7 =	sld [smem:$0x3FAC]  }
0x2d: {  	s3 =	simm.s32 $0x108;
	s8 =	sld [smem:$0x3FAD]  }
0x2e: {  	s3 =	simm.s32 @!p0 $0x1082;
	s9 =	sld [smem:$0x3FAE]  }
0x2f: {  	lr =	sadd.s32 s0, s3;
	s0 =	sld [smem:$0x3FA5]  }
0x30: {  	s3 =	sld [smem:$0x3FA8]  }
0x31: {  	[smem:$0x3FB1] =	sst s10  }
0x32: {  	s10 =	sld [smem:$0x3FAF];
	_ =	sdelay $0x3  }
0x33: {  	p0 =	seq.s32 s10, $0x1;
	s10 =	sld [smem:$0x3FB1];
	_ =	sdelay $0x3  }
0x34: {  	[smem:$0x3FB1] =	sst s10  }
0x35: {  	s10 =	sld [smem:$0x3FB0];
	_ =	sdelay $0x3  }
0x36: {  	p1 =	seq.s32 s10, $0x1;
	s10 =	sld [smem:$0x3FB1];
	_ =	sdelay $0x3  }
0x37: {  	[smem:$0x3FB1] =	sst s10  }
0x38: {  	s10 =	sld [smem:$0x3FB2]  }
0x39: {  	_ = 	snop;
	(pc) =	sbr.ind lr, $3  }
0x3a: {  	_ = 	snop  }
0x3b: {  	_ = 	snop  }
0x3c: {  	p2 =	seq.s32 s10, $0x1;
	s10 =	sld [smem:$0x3FB1]  }
0x3d: {  	_ =	shalt  }
0x3e: {  	_ =	shalt  }
0x3f: {  	_ =	shalt  }
0x40: {  	_ =	shalt  }
0x41: {  	_ =	shalt  }
0x42: {  	_ =	shalt  }
0x43: {  	_ =	shalt  }
0x44: {  	_ =	shalt  }
0x45: {  	_ =	shalt  }
0x46: {  	_ =	shalt  }
0x47: {  	_ =	shalt  }
0x48: {  	_ =	shalt  }
0x49: {  	_ =	shalt  }
0x4a: {  	_ =	shalt  }
0x4b: {  	_ =	shalt  }
0x4c: {  	_ =	shalt  }
0x4d: {  	_ =	shalt  }
0x4e: {  	_ =	shalt  }
0x4f: {  	_ =	shalt  }
0x50: {  	_ =	shalt  }
0x51: {  	_ =	shalt  }
0x52: {  	_ =	shalt  }
0x53: {  	_ =	shalt  }
0x54: {  	_ =	shalt  }
0x55: {  	_ =	shalt  }
0x56: {  	_ =	shalt  }
0x57: {  	_ =	shalt  }
0x58: {  	_ =	shalt  }
0x59: {  	_ =	shalt  }
0x5a: {  	_ =	shalt  }
0x5b: {  	_ =	shalt  }
0x5c: {  	_ =	shalt  }
0x5d: {  	_ =	shalt  }
0x5e: {  	_ =	shalt  }
0x5f: {  	_ =	shalt  }
0x60: {  	_ =	shalt  }
0x61: {  	_ =	shalt  }
0x62: {  	_ =	shalt  }
0x63: {  	_ =	shalt  }
0x64: {  	_ =	shalt  }
0x65: {  	_ =	shalt  }
0x66: {  	_ =	shalt  }
0x67: {  	_ =	shalt  }
0x68: {  	_ =	shalt  }
0x69: {  	_ =	shalt  }
0x6a: {  	_ =	shalt  }
0x6b: {  	_ =	shalt  }
0x6c: {  	_ =	shalt  }
0x6d: {  	_ =	shalt  }
0x6e: {  	_ =	shalt  }
0x6f: {  	_ =	shalt  }
0x70: {  	_ =	shalt  }
0x71: {  	_ =	shalt  }
0x72: {  	_ =	shalt  }
0x73: {  	_ =	shalt  }
0x74: {  	_ =	shalt  }
0x75: {  	_ =	shalt  }
0x76: {  	_ =	shalt  }
0x77: {  	_ =	shalt  }
0x78: {  	_ =	shalt  }
0x79: {  	_ =	shalt  }
0x7a: {  	_ =	shalt  }
0x7b: {  	_ =	shalt  }
0x7c: {  	_ =	shalt  }
0x7d: {  	_ =	shalt  }
0x7e: {  	_ =	shalt  }
0x7f: {  	_ =	shalt  }
0x80: {  	_ =	shalt  }
0x81: {  	_ =	shalt  }
0x82: {  	_ =	shalt  }
0x83: {  	_ =	shalt  }
0x84: {  	_ =	shalt  }
0x85: {  	_ =	shalt  }
0x86: {  	_ =	shalt  }
0x87: {  	_ =	shalt  }
.Lfunc_end0:
.L_simem_size_0:
called_computation.4_lowered:
.L_overlay_start_0:
0x88: {  	s2 =	sld [smem:$0x3FD9]  }
0x89: {  	s3 =	sld [smem:$0x3FFE];
	_ =	sdelay $0x1  }
0x8a: {  	s1 =	srdreg.scid  }
0x8b: {  	s0 =	sand.u32 $0x1, s1  }
0x8c: {  	s16 =	sshll.u32 s0, $0xA;
	s2 =	sadd.s32 s3, s2  }
0x8d: {  	s2 =	sadd.s32 s2, s16  }
0x8e: {  	[smem:$0x3FBD] =	sst s2  }
0x8f: {  	_ = 	snop  }
0x90: {  	(tm) =	ssettm $0x1  }
0x91: {  	s17 =	sld [smem:$0x3FFB];
	_ =	sdelay $0x3  }
0x92: {  	_ =	strace s17  }
0x93: {  	s2 =	sld [smem:$0x3FFC];
	_ =	sdelay $0x3  }
0x94: {  	_ =	strace s2  }
0x95: {  	s2 =	sld [smem:$0x3FFD];
	_ =	sdelay $0x3  }
0x96: {  	_ =	strace s2  }
0x97: {  	_ =	strace $0x8FFFFFFF  }
0x98: {  	s18 =	sld [smem:$0x3FDB];
	_ =	sdelay $0x1  }
0x99: {  	s19 =	simm.s32 $_scs_section_size  }
0x9a: {  	s4 =	simm.s32 $_size__tile_overlayer_lowered;
	s5 =	simm.s32 $_tile_overlayer_lowered  }
0x9b: {  	s22 =	simm.s32 $0x1BFF;
	s21 =	sshll.u32 s5, $0x1;
	s2 =	sadd.s32 s19, s18  }
0x9c: {  	s6 =	simm.s32 $0x0;
	s20 =	sshll.u32 s4, $0x1;
	s4 =	sadd.s32 s21, s2  }
0x9d: {  	[timem:s6], [sflag:s22] =	dma.local [hbm:s4], s20  }
0x9e: {  	_ =	swait.ge [sflag:s22], s20  }
0x9f: {  	s3 =	ssub.s32 $0x0, s20;
	[sflag:s22] =	ssyncset.done $0x0  }
0xa0: {  	[sflag:s22] =	ssyncadd.s32 s3;
	_ =	sdelay $0x1  }
0xa1: {  	s23 =	simm.s32 $0x1B8B  }
0xa2: {  	_ =	swait.ge [sflag:s23], $0x1  }
0xa3: {  	[sflag:s23] =	ssyncset.done $0x0  }
0xa4: {  	s25 =	simm.s32 $0x1B8E;
	s24 =	sld [smem:$0x3FFE];
	[sflag:s23] =	ssyncadd.s32 $0xFFFFFFFF  }
0xa5: {  	s26 =	simm.s32 $execute0_lowered;
	[smem:$0x3FD2] =	sst s25  }
0xa6: {  	s4 =	sshll.u32 s26, $0x1;
	_ =	strace $0x80000052;
	[dreg:$0x1] =	wrdreg $0xFFFFFFFF  }
0xa7: {  	s28 =	simm.s32 $_size_execute0_lowered;
	s2 =	sadd.s32 s2, s4;
	[dreg:$0x0] =	wrdreg $0x0  }
0xa8: {  	s4 =	sshll.u32 s28, $0x1;
	[dreg:$0x2] =	wrdreg s2  }
0xa9: {  	[dreg:$0x3] =	wrdreg s4  }
0xaa: {  	[dreg:$0x4] =	wrdreg $0xC0  }
0xab: {  	_ =	task [dreg:s6], $0x5FFFF  }
0xac: {  	[dreg:$0x1] =	wrdreg $0xFFFFFFFF  }
0xad: {  	[dreg:$0x0] =	wrdreg $0x60  }
0xae: {  	[dreg:$0x2] =	wrdreg s24  }
0xaf: {  	[dreg:$0x3] =	wrdreg $0x9  }
0xb0: {  	_ =	task.clear_ibuf [dreg:s6], $0x4FFFF;
	_ =	strace $0x90000052  }
0xb1: {  	s29 =	simm.s32 $0x9;
	_ =	strace $0x80000054  }
0xb2: {  	_ =	swait.ge [sflag:s29], $0x1  }
0xb3: {  	[sflag:s29] =	ssyncadd.s32 $0xFFFFFFFF  }
0xb4: {  	_ =	strace $0x90000054  }
0xb5: {  	_ =	sfence  }
0xb6: {  	s30 =	sld [smem:$0x0];
	_ =	sdelay $0x2  }
0xb7: {  	s31 =	sshll.u32 s1, $0xD;
	s1 =	sshrl.u32 s1, $0x2  }
0xb8: {  	s3 =	sand.u32 $0x4000, s31;
	s1 =	sadd.s32 s1, s30  }
0xb9: {  	s0 =	sor.u32 s3, s0;
	s1 =	sshll.u32 s1, $0x11  }
0xba: {  	s0 =	sor.u32 s1, s0  }
0xbb: {  	s0 =	sadd.s32 $0x8F2B, s0  }
0xbc: {  	[sflag:s0] =	ssyncadd.remote.s32 $0x1  }
0xbd: {  	_ =	sfence.sel $0xFFFF  }
0xbe: {  	[dreg:$0x0] =	wrdreg $0xFFFFFFFF;
	(pc) =	sbr.abs _section_cstart, $3  }
0xbf: {  	[dreg:$0x1] =	wrdreg $0xFFFFFFFF  }
0xc0: {  	_ =	task.clear_ibuf [dreg:s6], $0x2FFFF;
	_ =	strace $0x9FFFFFFF  }
0xc1: {  	(tm) =	ssettm $0x7FFFFFFF  }
tec
execute0_lowered:
.L_overlay_start_1:
0x0: {  	(tag) =	ssettag $0x1  }
0x1: {  	s0 =	rddreg [dreg:$0x0]  }
0x2: {  	s1 =	simm.s32 $0x0;
	s3 =	srdreg.scid;
	s30 =	stileid.u32  }
0x3: {  	s20 =	simm.s32 $0xC080;
	s14 =	simm.s32 $0x1;
	s16 =	simm.s32 $0xA080  }
0x4: {  	s22 =	simm.s32 $0x0;
	s23 =	simm.s32 $0x0;
	[smem:$0x7FF] =	sst s1  }
0x5: {  	s2 =	sadd.s32 $0x15E00, s0;
	s4 =	sadd.s32 $0xBE00, s0;
	s29 =	sadd.s32 $0x153800, s0  }
0x6: {  	s3 =	sand.u32 $0x1, s3;
	s6 =	sadd.s32 $0x10E00, s0;
	s5 =	sadd.s32 $0x4E00, s0  }
0x7: {  	s10 =	sshll.u32 s30, $0x8;
	_ =	strace $0x80000053;
	[dreg:$0x2] =	wrdreg s4  }
0x8: {  	s8 =	sadd.s32 $0x291000, s0;
	s11 =	sadd.s32 $0x16100, s0;
	[dreg:$0x3] =	wrdreg s29  }
.Ltmp0:
0x9: {  	s7 =	ssub.s32 $0x2, s3;
	s3 =	sshll.u32 s3, $0x9;
	(pc) =	sbr.rel .LBB2_1-.Ltmp0, $4  }
0xa: {  	s12 =	sor.u32 $0xC080, s10;
	s9 =	sshrl.u32 s7, $0x1;
	s31 =	sshrl.u32 s3, $0x2  }
0xb: {  	v3 =	vlaneseq.u32;
	[dreg:$0x4] =	wrdreg s5;
	s7 =	ssub.s32 s7, s9;
	s21 =	sadd.s32 s31, s12  }
0xc: {  	v0 =	vimm.f32 $0.0e+00;
	vm0 =	vmmov $0xffff;
	v2 =	vshrl.u32 v3, $0x3;
	s10 =	sadd.s32 $0x16000, s0;
	s4 =	smax.u32 s7, $0x1;
	[dreg:$0x6] =	wrdreg s21  }
0xd: {  	v1 =	vand.u32 $0x7, v3;
	v3 =	vor.u32 $0x8, v3;
	v2 =	vmul.u32 $0x8, v2;
	s9 =	sadd.s32 $0x15F00, s0;
	s12 =	simm.s32 $0x8080;
	[dreg:$0x5] =	wrdreg s4  }
.LBB2_48:
0xe: {  	s0 =	sshll.u32 s26, $0xA  }
0xf: {  	s0 =	sand.u32 $0x1FFFFC00, s0  }
0x10: {  	s0 =	sadd.s32 s8, s0  }
0x11: {  	[hbm4b:s0+s1] =	stream.linear.scatter [tilespmem:s12], [sflag:$0x1], $0x2000, $0x38;
	[tilespmem:$0xD180] =	vst v63  }
0x12: {  	_ =	swait.ge [sflag:s14], $0x2000  }
0x13: {  	s5 =	rddreg [dreg:$0x4]  }
0x14: {  	s4 =	rddreg [dreg:$0x5]  }
0x15: {  	[sflag:s14] =	ssyncset.done $0x0;
	s21 =	rddreg [dreg:$0x6]  }
0x16: {  	s20 =	simm.s32 $0xC080;
	s22 =	rddreg [dreg:$0x7];
	[sflag:s14] =	ssyncadd.s32 $0xFFFFE000  }
.LBB2_49:
0x17: {  	s22 =	sadd.s32 $0x1, s22  }
0x18: {  	p0 =	sne.s32 s22, s4  }
.Ltmp1:
0x19: {  	_ = 	snop;
	(pc) =	sbr.rel @!p0 .LBB2_50-.Ltmp1, $1  }
0x1a: {  	_ =	sdelay $0x3  }
.LBB2_1:
0x1b: {  	[tilespmem:s20], [sflag:$0x1] =	stream.linear.gather [hbm4b:s5+s1], $0x1000, $0x38;
	[tilespmem:$0xD180] =	vst v63  }
0x1c: {  	_ =	swait.ge [sflag:s14], $0x1000  }
0x1d: {  	s0 =	sand.u32 $0x1C00, s1;
	s3 =	sand.u32 $0x70, s1;
	[sflag:s14] =	ssyncset.done $0x0  }
0x1e: {  	s0 =	sor.u32 s3, s0;
	[sflag:s14] =	ssyncadd.s32 $0xFFFFF000  }
0x1f: {  	v4 =	vld [tilespmem:s21+$0x0];
	[tilespmem:s0+$0x8080] =	vst v0  }
0x20: {  	s7 =	simm.s32 $0x0;
	s3 =	simm.s32 $0x80;
	[tilespmem:s0+$0xA080] =	vst v0  }
.LBB2_2:
0x21: {  	p0 =	sne.s32 s3, $0x1F80  }
.Ltmp2:
0x22: {  	s0 =	sand.u32 $0x1C00, s3;
	s7 =	sadd.s32 $0x10, s7;
	(pc) =	sbr.rel @p0 .LBB2_2-.Ltmp2, $4  }
0x23: {  	s3 =	sadd.s32 $0x80, s3;
	s13 =	sand.u32 $0x70, s7  }
0x24: {  	s13 =	sor.u32 s13, s0  }
0x25: {  	s0 =	simm.s32 $0x0;
	[tilespmem:s13+$0x8080] =	vst v0  }
0x26: {  	[tilespmem:s13+$0xA080] =	vst v0  }
0x27: {  	s3 =	sand.u32 $0x1C00, s0;
	s7 =	sand.u32 $0x70, s0  }
0x28: {  	s3 =	sor.u32 s7, s3  }
0x29: {  	[tilespmem:s3+$0x8100] =	vst v0  }
0x2a: {  	s13 =	simm.s32 $0x0;
	s7 =	simm.s32 $0x80;
	[tilespmem:s3+$0xA100] =	vst v0  }
.LBB2_4:
0x2b: {  	p0 =	sne.s32 s7, $0x1F80  }
.Ltmp3:
0x2c: {  	s15 =	sand.u32 $0x1C00, s7;
	s13 =	sadd.s32 $0x10, s13;
	(pc) =	sbr.rel @p0 .LBB2_4-.Ltmp3, $4  }
0x2d: {  	s7 =	sadd.s32 $0x80, s7;
	s17 =	sand.u32 $0x70, s13  }
0x2e: {  	s15 =	sor.u32 s17, s15  }
0x2f: {  	[tilespmem:s15+$0x8100] =	vst v0  }
0x30: {  	[tilespmem:s15+$0xA100] =	vst v0  }
0x31: {  	[tilespmem:s3+$0x8180] =	vst v0  }
0x32: {  	s7 =	simm.s32 $0x80;
	[tilespmem:s3+$0xA180] =	vst v0  }
.LBB2_6:
0x33: {  	p0 =	sne.s32 s7, $0x1F80  }
.Ltmp4:
0x34: {  	s3 =	sand.u32 $0x1C00, s7;
	s0 =	sadd.s32 $0x10, s0;
	(pc) =	sbr.rel @p0 .LBB2_6-.Ltmp4, $4  }
0x35: {  	s7 =	sadd.s32 $0x80, s7;
	s13 =	sand.u32 $0x70, s0  }
0x36: {  	s13 =	sor.u32 s13, s3  }
0x37: {  	s3 =	simm.s32 $0x0;
	[tilespmem:s13+$0x8180] =	vst v0  }
0x38: {  	[tilespmem:s13+$0xA180] =	vst v0  }
0x39: {  	s0 =	sand.u32 $0x1C00, s3;
	s7 =	sand.u32 $0x70, s3  }
0x3a: {  	s0 =	sor.u32 s7, s0  }
0x3b: {  	[tilespmem:s0+$0x8200] =	vst v0  }
0x3c: {  	s13 =	simm.s32 $0x0;
	s7 =	simm.s32 $0x80;
	[tilespmem:s0+$0xA200] =	vst v0  }
.LBB2_8:
0x3d: {  	p0 =	sne.s32 s7, $0x1F80  }
.Ltmp5:
0x3e: {  	s15 =	sand.u32 $0x1C00, s7;
	s13 =	sadd.s32 $0x10, s13;
	(pc) =	sbr.rel @p0 .LBB2_8-.Ltmp5, $4  }
0x3f: {  	s7 =	sadd.s32 $0x80, s7;
	s17 =	sand.u32 $0x70, s13  }
0x40: {  	s15 =	sor.u32 s17, s15  }
0x41: {  	[tilespmem:s15+$0x8200] =	vst v0  }
0x42: {  	[tilespmem:s15+$0xA200] =	vst v0  }
0x43: {  	[tilespmem:s0+$0x8280] =	vst v0  }
0x44: {  	s7 =	simm.s32 $0x80;
	[tilespmem:s0+$0xA280] =	vst v0  }
.LBB2_10:
0x45: {  	p0 =	sne.s32 s7, $0x1F80  }
.Ltmp6:
0x46: {  	s0 =	sand.u32 $0x1C00, s7;
	s3 =	sadd.s32 $0x10, s3;
	(pc) =	sbr.rel @p0 .LBB2_10-.Ltmp6, $4  }
0x47: {  	s7 =	sadd.s32 $0x80, s7;
	s13 =	sand.u32 $0x70, s3  }
0x48: {  	s13 =	sor.u32 s13, s0  }
0x49: {  	s0 =	simm.s32 $0x0;
	[tilespmem:s13+$0x8280] =	vst v0  }
0x4a: {  	[tilespmem:s13+$0xA280] =	vst v0  }
0x4b: {  	s3 =	sand.u32 $0x1C00, s0;
	s7 =	sand.u32 $0x70, s0  }
0x4c: {  	s7 =	sor.u32 s7, s3  }
0x4d: {  	[tilespmem:s7+$0x8300] =	vst v0  }
0x4e: {  	s3 =	simm.s32 $0x80;
	[tilespmem:s7+$0xA300] =	vst v0;
	s7 =	simm.s32 $0x0  }
.LBB2_12:
0x4f: {  	p0 =	sne.s32 s3, $0x1F80  }
.Ltmp7:
0x50: {  	s13 =	sand.u32 $0x1C00, s3;
	s7 =	sadd.s32 $0x10, s7;
	(pc) =	sbr.rel @p0 .LBB2_12-.Ltmp7, $4  }
0x51: {  	s3 =	sadd.s32 $0x80, s3;
	s15 =	sand.u32 $0x70, s7  }
0x52: {  	s13 =	sor.u32 s15, s13  }
0x53: {  	[tilespmem:s13+$0x8300] =	vst v0  }
0x54: {  	[tilespmem:s13+$0xA300] =	vst v0  }
0x55: {  	s3 =	simm.s32 $0x0  }
.LBB2_14:
0x56: {  	p0 =	sne.s32 s3, $0x1F80  }
.Ltmp8:
0x57: {  	_ = 	snop;
	(pc) =	sbr.rel @p0 .LBB2_14-.Ltmp8, $4  }
0x58: {  	s7 =	sand.u32 $0x70, s0;
	s13 =	sand.u32 $0x1C00, s3  }
0x59: {  	s7 =	sor.u32 s7, s13  }
0x5a: {  	[tilespmem:s7+$0xA380] =	vst v0  }
0x5b: {  	s0 =	sadd.s32 $0x10, s0;
	s3 =	sadd.s32 $0x80, s3;
	[tilespmem:s7+$0x8380] =	vst v0  }
0x5c: {  	s0 =	simm.s32 $0x0  }
0x5d: {  	s3 =	sand.u32 $0x1C00, s0;
	s7 =	sand.u32 $0x70, s0  }
0x5e: {  	s7 =	sor.u32 s7, s3  }
0x5f: {  	[tilespmem:s7+$0x8400] =	vst v0  }
0x60: {  	s3 =	simm.s32 $0x80;
	[tilespmem:s7+$0xA400] =	vst v0  }
.LBB2_16:
0x61: {  	p0 =	sne.s32 s3, $0x1F80  }
.Ltmp9:
0x62: {  	s7 =	sand.u32 $0x1C00, s3;
	s0 =	sadd.s32 $0x10, s0;
	(pc) =	sbr.rel @p0 .LBB2_16-.Ltmp9, $4  }
0x63: {  	s3 =	sadd.s32 $0x80, s3;
	s13 =	sand.u32 $0x70, s0  }
0x64: {  	s7 =	sor.u32 s13, s7  }
0x65: {  	[tilespmem:s7+$0x8400] =	vst v0  }
0x66: {  	[tilespmem:s7+$0xA400] =	vst v0  }
0x67: {  	(v2sf) =	vpush v4, $0x0  }
0x68: {  	(v2sf) =	vpush v4, $0x1;
	_ =	sdelay $0x4  }
0x69: {  	(v2sf) =	vpush v4, $0x2  }
0x6a: {  	(v2sf) =	vpush v4, $0x3;
	_ =	sdelay $0x7  }
0x6b: {  	s17 =	spop (v2sf)  }
0x6c: {  	s0 =	spop (v2sf)  }
0x6d: {  	p0 =	sle.s32 s0, s17  }
.Ltmp10:
0x6e: {  	_ = 	snop;
	(pc) =	sbr.rel @p0 .LBB2_49-.Ltmp10, $3  }
0x6f: {  	_ =	sdelay $0x1  }
0x70: {  	s18 =	spop (v2sf)  }
0x71: {  	s19 =	spop (v2sf)  }
0x72: {  	s3 =	ssub.s32 s0, s17  }
0x73: {  	s3 =	sadd.s32 $0x7, s3  }
0x74: {  	p0 =	slt.s32 s3, $0x8  }
.Ltmp11:
0x75: {  	_ = 	snop;
	(pc) =	sbr.rel @p0 .LBB2_22-.Ltmp11, $1  }
0x76: {  	_ =	sdelay $0x3  }
0x77: {  	s7 =	sshra.s32 s3, $0x1F  }
0x78: {  	s7 =	sshrl.u32 s7, $0x1D  }
0x79: {  	s30 =	sadd.s32 s7, s3  }
0x7a: {  	s3 =	sshra.s32 s30, $0x3  }
0x7b: {  	s13 =	sshll.u32 s17, $0x7;
	p0 =	sne.s32 s3, $0x1  }
.Ltmp12:
0x7c: {  	s13 =	sand.u32 $0xFFFFFC00, s13;
	(pc) =	sbr.rel @!p0 .LBB2_21-.Ltmp12, $4  }
0x7d: {  	s31 =	sand.u32 $0x1FFFFC00, s13  }
0x7e: {  	s7 =	sadd.s32 s8, s31  }
0x7f: {  	[hbm4b:s7+s1] =	stream.linear.scatter [tilespmem:s16], [sflag:$0x1], $0x2000, $0x38;
	[tilespmem:$0xD180] =	vst v63  }
0x80: {  	s3 =	sadd.s32 $0xFFFFFFFF, s3;
	s7 =	sadd.s32 $0x400, s13;
	_ =	swait.ge [sflag:s14], $0x2000  }
.LBB2_20:
0x81: {  	s13 =	sand.u32 $0x1FFFFC00, s7;
	[sflag:s14] =	ssyncset.done $0x0;
	p0 =	sne.s32 s3, $0x1  }
.Ltmp13:
0x82: {  	s13 =	sadd.s32 s8, s13;
	[sflag:s14] =	ssyncadd.s32 $0xFFFFE000;
	(pc) =	sbr.rel @p0 .LBB2_20-.Ltmp13, $3  }
0x83: {  	[hbm4b:s13+s1] =	stream.linear.scatter [tilespmem:s16], [sflag:$0x1], $0x2000, $0x38;
	[tilespmem:$0xD180] =	vst v63  }
0x84: {  	s3 =	sadd.s32 $0xFFFFFFFF, s3;
	_ =	sdelay $0x1  }
0x85: {  	s7 =	sadd.s32 $0x400, s7;
	_ =	swait.ge [sflag:s14], $0x2000  }
.LBB2_21:
0x86: {  	[sflag:s14] =	ssyncset.done $0x0  }
0x87: {  	[sflag:s14] =	ssyncadd.s32 $0xFFFFE000  }
.LBB2_22:
0x88: {  	s3 =	sand.u32 $0x7, s18  }
0x89: {  	s7 =	sshra.s32 s18, $0x1F;
	p0 =	slt.s32 s18, $0x1;
	p1 =	sne.s32 s3, $0x0  }
0x8a: {  	s25 =	sshrl.u32 s7, $0x1D;
	p0 =	por !p0, !p1  }
0x8b: {  	s7 =	simm.s32 $0x1;
	s3 =	sadd.s32 s25, s18;
	p0 =	por !p0, !p0  }
0x8c: {  	s3 =	sshrl.u32 s3, $0x3;
	s7 =	simm.s32 @!p0 $0x0  }
0x8d: {  	s3 =	ssub.s32 s3, s7  }
0x8e: {  	s20 =	sshll.u32 s3, $0x3  }
0x8f: {  	s3 =	ssub.s32 s19, s20  }
0x90: {  	s3 =	sadd.s32 $0x1F, s3  }
0x91: {  	s29 =	sand.u32 $0x7, s17;
	p6 =	slt.s32 s17, $0x1;
	s26 =	sand.u32 $0x1F, s3  }
0x92: {  	s13 =	sshra.s32 s3, $0x1F;
	p3 =	slt.s32 s3, $0x1;
	p4 =	sne.s32 s26, $0x0  }
0x93: {  	p5 =	sne.s32 s29, $0x0;
	s28 =	sshrl.u32 s13, $0x1B;
	p0 =	por !p3, !p4  }
0x94: {  	s7 =	simm.s32 $0x1;
	s3 =	sadd.s32 s28, s3;
	p0 =	por !p0, !p0  }
0x95: {  	s3 =	sshra.s32 s3, $0x5;
	s7 =	simm.s32 @!p0 $0x0;
	p0 =	por !p6, !p5  }
0x96: {  	s21 =	ssub.s32 s3, s7;
	p0 =	por !p0, !p0;
	s7 =	simm.s32 $0x1  }
0x97: {  	s7 =	simm.s32 @!p0 $0x0;
	p0 =	slt.s32 s21, $0x1  }
.Ltmp14:
0x98: {  	s30 =	sshra.s32 s17, $0x1F;
	(pc) =	sbr.rel @p0 .LBB2_48-.Ltmp14, $4  }
0x99: {  	s31 =	sshrl.u32 s30, $0x1D  }
0x9a: {  	s3 =	sadd.s32 s31, s17  }
0x9b: {  	s3 =	sshra.s32 s3, $0x3  }
0x9c: {  	[dreg:$0x7] =	wrdreg s22;
	s26 =	ssub.s32 s3, s7  }
.Ltmp15:
0x9d: {  	(pc) =	sbr.rel .LBB2_24-.Ltmp15, $2  }
0x9e: {  	_ =	sdelay $0x2  }
0x9f: {  	s22 =	sadd.s32 $0xFFFFFFFF, s0;
	s24 =	simm.s32 $0x0  }
.LBB2_47:
0xa0: {  	s24 =	sadd.s32 $0x1, s24  }
0xa1: {  	p0 =	sne.s32 s24, s21  }
.Ltmp16:
0xa2: {  	_ = 	snop;
	(pc) =	sbr.rel @!p0 .LBB2_48-.Ltmp16, $1  }
0xa3: {  	_ =	sdelay $0x3  }
.LBB2_24:
0xa4: {  	s0 =	sshll.u32 s24, $0x5  }
0xa5: {  	s25 =	sadd.s32 s20, s0  }
0xa6: {  	s3 =	rddreg [dreg:$0x2];
	s0 =	sshrl.u32 s25, $0x3  }
0xa7: {  	s3 =	sadd.s32 s3, s0  }
0xa8: {  	[tilespmem:s23], [sflag:$0x1] =	stream.linear.gather [hbm4b:s3+s23], $0x20, $0x38;
	[tilespmem:$0xD180] =	vst v63  }
0xa9: {  	_ =	swait.ge [sflag:s14], $0x20  }
0xaa: {  	[sflag:s14] =	ssyncset.done $0x0;
	s7 =	rddreg [dreg:$0x3]  }
0xab: {  	s4 =	simm.s32 $0xD080;
	[sflag:s14] =	ssyncadd.s32 $0xFFFFFFE0;
	s3 =	sadd.s32 s7, s0  }
0xac: {  	[tilespmem:s4], [sflag:$0x1] =	stream.linear.gather [hbm4b:s3+s23], $0x20, $0x38;
	[tilespmem:$0xD180] =	vst v63  }
0xad: {  	_ =	swait.ge [sflag:s14], $0x20  }
0xae: {  	[sflag:s14] =	ssyncset.done $0x0  }
0xaf: {  	s13 =	simm.s32 $0xD100;
	s0 =	sadd.s32 s6, s0;
	[sflag:s14] =	ssyncadd.s32 $0xFFFFFFE0  }
0xb0: {  	[tilespmem:s13], [sflag:$0x1] =	stream.linear.gather [hbm4b:s0+s23], $0x20, $0x38;
	[tilespmem:$0xD180] =	vst v63  }
0xb1: {  	_ =	swait.ge [sflag:s14], $0x20  }
0xb2: {  	[sflag:s14] =	ssyncset.done $0x0  }
0xb3: {  	[sflag:s14] =	ssyncadd.s32 $0xFFFFFFE0  }
0xb4: {  	v4 =	vld [tilespmem:$0x0];
	_ =	sdelay $0x4  }
0xb5: {  	v5 =	vshll.u32 v4, $0x3  }
0xb6: {  	v4 =	vand.u32 $0x7, v4;
	v5 =	vand.u32 $0xFFFFFFC0, v5  }
0xb7: {  	v4 =	vor.u32 v4, v5  }
0xb8: {  	v5 =	vperm.xlane v4, v1;
	_ =	sdelay $0x1  }
0xb9: {  	v5 =	vadd.s32 v2, v5;
	_ =	sdelay $0x3  }
0xba: {  	s15 =	simm.s32 $0x80  }
0xbb: {  	[tilespmem:s15], [sflag:$0x1] =	stream.indirect_vreg.gather [hbm4b:s2+s23], $0x80, v5, vm0, $0xb8;
	[tilespmem:$0xD180] =	vst v63  }
0xbc: {  	s31 =	simm.s32 $0x880;
	v4 =	vperm.xlane v4, v3  }
0xbd: {  	[tilespmem:s31], [sflag:$0x1] =	stream.indirect_vreg.gather [hbm4b:s9+s23], $0x80, v5, vm0, $0xb8;
	[tilespmem:$0xD180] =	vst v63  }
0xbe: {  	s3 =	simm.s32 $0x1080;
	v4 =	vadd.s32 v2, v4  }
0xbf: {  	[tilespmem:s3], [sflag:$0x1] =	stream.indirect_vreg.gather [hbm4b:s10+s23], $0x80, v5, vm0, $0xb8;
	[tilespmem:$0xD180] =	vst v63  }
0xc0: {  	s4 =	simm.s32 $0x1880  }
0xc1: {  	[tilespmem:s4], [sflag:$0x1] =	stream.indirect_vreg.gather [hbm4b:s11+s23], $0x80, v5, vm0, $0xb8;
	[tilespmem:$0xD180] =	vst v63  }
0xc2: {  	s5 =	simm.s32 $0x2080  }
0xc3: {  	[tilespmem:s5], [sflag:$0x1] =	stream.indirect_vreg.gather [hbm4b:s2+s23], $0x80, v4, vm0, $0xb8;
	[tilespmem:$0xD180] =	vst v63  }
0xc4: {  	s7 =	simm.s32 $0x2880  }
0xc5: {  	[tilespmem:s7], [sflag:$0x1] =	stream.indirect_vreg.gather [hbm4b:s9+s23], $0x80, v4, vm0, $0xb8;
	[tilespmem:$0xD180] =	vst v63  }
0xc6: {  	s13 =	simm.s32 $0x3080  }
0xc7: {  	[tilespmem:s13], [sflag:$0x1] =	stream.indirect_vreg.gather [hbm4b:s10+s23], $0x80, v4, vm0, $0xb8;
	[tilespmem:$0xD180] =	vst v63  }
0xc8: {  	s15 =	simm.s32 $0x3880  }
0xc9: {  	[tilespmem:s15], [sflag:$0x1] =	stream.indirect_vreg.gather [hbm4b:s11+s23], $0x80, v4, vm0, $0xb8;
	[tilespmem:$0xD180] =	vst v63  }
0xca: {  	v4 =	vld [tilespmem:$0x10];
	_ =	sdelay $0x4  }
0xcb: {  	v5 =	vshll.u32 v4, $0x3  }
0xcc: {  	v4 =	vand.u32 $0x7, v4;
	v5 =	vand.u32 $0xFFFFFFC0, v5  }
0xcd: {  	v4 =	vor.u32 v4, v5  }
0xce: {  	v5 =	vperm.xlane v4, v1;
	_ =	sdelay $0x1  }
0xcf: {  	v5 =	vadd.s32 v2, v5;
	_ =	sdelay $0x3  }
0xd0: {  	s31 =	simm.s32 $0x4080  }
0xd1: {  	[tilespmem:s31], [sflag:$0x1] =	stream.indirect_vreg.gather [hbm4b:s2+s23], $0x80, v5, vm0, $0xb8;
	[tilespmem:$0xD180] =	vst v63  }
0xd2: {  	s3 =	simm.s32 $0x4880;
	v4 =	vperm.xlane v4, v3  }
0xd3: {  	[tilespmem:s3], [sflag:$0x1] =	stream.indirect_vreg.gather [hbm4b:s9+s23], $0x80, v5, vm0, $0xb8;
	[tilespmem:$0xD180] =	vst v63  }
0xd4: {  	s4 =	simm.s32 $0x5080;
	v4 =	vadd.s32 v2, v4  }
0xd5: {  	[tilespmem:s4], [sflag:$0x1] =	stream.indirect_vreg.gather [hbm4b:s10+s23], $0x80, v5, vm0, $0xb8;
	[tilespmem:$0xD180] =	vst v63  }
0xd6: {  	s5 =	simm.s32 $0x5880  }
0xd7: {  	[tilespmem:s5], [sflag:$0x1] =	stream.indirect_vreg.gather [hbm4b:s11+s23], $0x80, v5, vm0, $0xb8;
	[tilespmem:$0xD180] =	vst v63  }
0xd8: {  	s7 =	simm.s32 $0x6080  }
0xd9: {  	[tilespmem:s7], [sflag:$0x1] =	stream.indirect_vreg.gather [hbm4b:s2+s23], $0x80, v4, vm0, $0xb8;
	[tilespmem:$0xD180] =	vst v63  }
0xda: {  	s13 =	simm.s32 $0x6880  }
0xdb: {  	[tilespmem:s13], [sflag:$0x1] =	stream.indirect_vreg.gather [hbm4b:s9+s23], $0x80, v4, vm0, $0xb8;
	[tilespmem:$0xD180] =	vst v63  }
0xdc: {  	s15 =	simm.s32 $0x7080  }
0xdd: {  	[tilespmem:s15], [sflag:$0x1] =	stream.indirect_vreg.gather [hbm4b:s10+s23], $0x80, v4, vm0, $0xb8;
	[tilespmem:$0xD180] =	vst v63  }
.Ltmp17:
0xde: {  	s31 =	simm.s32 $0x7880;
	(pc) =	sbr.rel .LBB2_25-.Ltmp17, $4  }
0xdf: {  	[tilespmem:s31], [sflag:$0x1] =	stream.indirect_vreg.gather [hbm4b:s11+s23], $0x80, v4, vm0, $0xb8;
	[tilespmem:$0xD180] =	vst v63  }
0xe0: {  	_ =	swait.ge [sflag:s14], $0x8000  }
0xe1: {  	s28 =	simm.s32 $0x0;
	s29 =	simm.s32 $0x0;
	[sflag:s14] =	ssyncset.done $0x0  }
0xe2: {  	s30 =	simm.s32 $0x0;
	s3 =	smov.u32 s26;
	[sflag:s14] =	ssyncadd.s32 $0xFFFF8000  }
.LBB2_46:
0xe3: {  	s30 =	sadd.s32 $0x1, s30  }
0xe4: {  	p0 =	sne.s32 s30, $0x20  }
.Ltmp18:
0xe5: {  	_ = 	snop;
	(pc) =	sbr.rel @!p0 .LBB2_47-.Ltmp18, $2  }
0xe6: {  	_ =	sdelay $0x2  }
0xe7: {  	s29 =	sadd.s32 $0x400, s29;
	s28 =	sadd.s32 $0x1, s28;
	s3 =	smov.u32 s26  }
.LBB2_25:
0xe8: {  	v4 =	vld [tilespmem:s30+$0xD100]  }
0xe9: {  	v5 =	vld [tilespmem:s30+$0xD080];
	_ =	sdelay $0x3  }
0xea: {  	(v2sf) =	vpush v4, $0x0  }
0xeb: {  	(v2sf) =	vpush v5, $0x0;
	_ =	sdelay $0xb  }
0xec: {  	s0 =	sadd.s32 s25, s30  }
0xed: {  	p0 =	sge.s32 s0, s18;
	p1 =	slt.s32 s0, s19  }
0xee: {  	p0 =	por !p0, !p1;
	s31 =	spop (v2sf)  }
0xef: {  	s0 =	sshll.u32 s3, $0x3;
	p0 =	por !p0, !p0;
	s7 =	spop (v2sf)  }
0xf0: {  	s0 =	smov.u32 @p0 s7  }
0xf1: {  	p1 =	sgt.s32 s17, s0  }
0xf2: {  	s0 =	smov.u32 @p1 s17  }
0xf3: {  	p1 =	slt.s32 s22, s0  }
0xf4: {  	s0 =	smov.u32 @p1 s22  }
0xf5: {  	s15 =	sand.u32 $0x7, s0  }
0xf6: {  	s13 =	sshra.s32 s0, $0x1F;
	p1 =	slt.s32 s0, $0x1;
	p2 =	sne.s32 s15, $0x0  }
0xf7: {  	s26 =	sshrl.u32 s13, $0x1D;
	p1 =	por !p1, !p2  }
0xf8: {  	s13 =	simm.s32 $0x1;
	s7 =	sadd.s32 s26, s0;
	p1 =	por !p1, !p1  }
0xf9: {  	s7 =	sshra.s32 s7, $0x3;
	s13 =	simm.s32 @!p1 $0x0  }
0xfa: {  	s26 =	ssub.s32 s7, s13  }
0xfb: {  	p1 =	seq.s32 s26, s3  }
.Ltmp19:
0xfc: {  	_ = 	snop;
	(pc) =	sbr.rel @p1 .LBB2_42-.Ltmp19, $1  }
0xfd: {  	_ =	sdelay $0x3  }
0xfe: {  	s3 =	sshll.u32 s3, $0xA  }
0xff: {  	s3 =	sand.u32 $0x1FFFFC00, s3  }
0x100: {  	s7 =	sadd.s32 s8, s3;
	s3 =	simm.s32 $0x0  }
0x101: {  	[hbm4b:s7+s3] =	stream.linear.scatter [tilespmem:s12], [sflag:$0x1], $0x2000, $0x38;
	[tilespmem:$0xD180] =	vst v63  }
0x102: {  	_ =	swait.ge [sflag:s14], $0x2000  }
0x103: {  	s15 =	sand.u32 $0x70, s3;
	s13 =	sand.u32 $0x1C00, s3;
	[sflag:s14] =	ssyncset.done $0x0  }
0x104: {  	s7 =	sor.u32 s15, s13;
	[sflag:s14] =	ssyncadd.s32 $0xFFFFE000  }
0x105: {  	s13 =	simm.s32 $0x10;
	s15 =	simm.s32 $0x0;
	[tilespmem:s7+$0x8080] =	vst v0  }
.LBB2_27:
0x106: {  	p1 =	sne.s32 s13, $0x3F0  }
.Ltmp20:
0x107: {  	_ = 	snop;
	(pc) =	sbr.rel @p1 .LBB2_27-.Ltmp20, $4  }
0x108: {  	s15 =	sadd.s32 $0x80, s15  }
0x109: {  	s4 =	sand.u32 $0x70, s13;
	s5 =	sand.u32 $0x1C00, s15  }
0x10a: {  	s4 =	sor.u32 s4, s5  }
0x10b: {  	s13 =	sadd.s32 $0x10, s13;
	[tilespmem:s4+$0x8080] =	vst v0  }
0x10c: {  	s13 =	simm.s32 $0x10;
	[tilespmem:s7+$0x8100] =	vst v0  }
.LBB2_29:
0x10d: {  	p1 =	sne.s32 s13, $0x3F0  }
.Ltmp21:
0x10e: {  	_ = 	snop;
	(pc) =	sbr.rel @p1 .LBB2_29-.Ltmp21, $4  }
0x10f: {  	s3 =	sadd.s32 $0x80, s3  }
0x110: {  	s4 =	sand.u32 $0x70, s13;
	s5 =	sand.u32 $0x1C00, s3  }
0x111: {  	s4 =	sor.u32 s4, s5  }
0x112: {  	s13 =	sadd.s32 $0x10, s13;
	s7 =	simm.s32 $0x0;
	[tilespmem:s4+$0x8100] =	vst v0  }
0x113: {  	s3 =	sand.u32 $0x70, s7;
	s4 =	sand.u32 $0x1C00, s7  }
0x114: {  	s3 =	sor.u32 s3, s4  }
0x115: {  	s13 =	simm.s32 $0x10;
	s15 =	simm.s32 $0x0;
	[tilespmem:s3+$0x8180] =	vst v0  }
.LBB2_31:
0x116: {  	p1 =	sne.s32 s13, $0x3F0  }
.Ltmp22:
0x117: {  	_ = 	snop;
	(pc) =	sbr.rel @p1 .LBB2_31-.Ltmp22, $4  }
0x118: {  	s15 =	sadd.s32 $0x80, s15  }
0x119: {  	s4 =	sand.u32 $0x70, s13;
	s5 =	sand.u32 $0x1C00, s15  }
0x11a: {  	s4 =	sor.u32 s4, s5  }
0x11b: {  	s13 =	sadd.s32 $0x10, s13;
	[tilespmem:s4+$0x8180] =	vst v0  }
0x11c: {  	s13 =	simm.s32 $0x10;
	[tilespmem:s3+$0x8200] =	vst v0  }
.LBB2_33:
0x11d: {  	p1 =	sne.s32 s13, $0x3F0  }
.Ltmp23:
0x11e: {  	_ = 	snop;
	(pc) =	sbr.rel @p1 .LBB2_33-.Ltmp23, $4  }
0x11f: {  	s7 =	sadd.s32 $0x80, s7  }
0x120: {  	s3 =	sand.u32 $0x70, s13;
	s4 =	sand.u32 $0x1C00, s7  }
0x121: {  	s3 =	sor.u32 s3, s4  }
0x122: {  	s13 =	sadd.s32 $0x10, s13;
	[tilespmem:s3+$0x8200] =	vst v0;
	s3 =	simm.s32 $0x0  }
0x123: {  	s4 =	sand.u32 $0x70, s3;
	s5 =	sand.u32 $0x1C00, s3  }
0x124: {  	s7 =	sor.u32 s4, s5  }
0x125: {  	s13 =	simm.s32 $0x10;
	s15 =	simm.s32 $0x0;
	[tilespmem:s7+$0x8280] =	vst v0  }
.LBB2_35:
0x126: {  	p1 =	sne.s32 s13, $0x3F0  }
.Ltmp24:
0x127: {  	_ = 	snop;
	(pc) =	sbr.rel @p1 .LBB2_35-.Ltmp24, $4  }
0x128: {  	s15 =	sadd.s32 $0x80, s15  }
0x129: {  	s4 =	sand.u32 $0x70, s13;
	s5 =	sand.u32 $0x1C00, s15  }
0x12a: {  	s4 =	sor.u32 s4, s5  }
0x12b: {  	s13 =	sadd.s32 $0x10, s13;
	[tilespmem:s4+$0x8280] =	vst v0  }
0x12c: {  	s13 =	simm.s32 $0x10;
	[tilespmem:s7+$0x8300] =	vst v0  }
.LBB2_37:
0x12d: {  	p1 =	sne.s32 s13, $0x3F0  }
.Ltmp25:
0x12e: {  	_ = 	snop;
	(pc) =	sbr.rel @p1 .LBB2_37-.Ltmp25, $4  }
0x12f: {  	s3 =	sadd.s32 $0x80, s3  }
0x130: {  	s4 =	sand.u32 $0x70, s13;
	s5 =	sand.u32 $0x1C00, s3  }
0x131: {  	s4 =	sor.u32 s4, s5  }
0x132: {  	s13 =	sadd.s32 $0x10, s13;
	s7 =	simm.s32 $0x0;
	[tilespmem:s4+$0x8300] =	vst v0  }
0x133: {  	s3 =	sand.u32 $0x70, s7;
	s4 =	sand.u32 $0x1C00, s7  }
0x134: {  	s3 =	sor.u32 s3, s4  }
0x135: {  	s13 =	simm.s32 $0x10;
	s15 =	simm.s32 $0x0;
	[tilespmem:s3+$0x8380] =	vst v0  }
.LBB2_39:
0x136: {  	p1 =	sne.s32 s13, $0x3F0  }
.Ltmp26:
0x137: {  	_ = 	snop;
	(pc) =	sbr.rel @p1 .LBB2_39-.Ltmp26, $4  }
0x138: {  	s15 =	sadd.s32 $0x80, s15  }
0x139: {  	s4 =	sand.u32 $0x70, s13;
	s5 =	sand.u32 $0x1C00, s15  }
0x13a: {  	s4 =	sor.u32 s4, s5  }
0x13b: {  	s13 =	sadd.s32 $0x10, s13;
	[tilespmem:s4+$0x8380] =	vst v0  }
0x13c: {  	s13 =	simm.s32 $0x10;
	[tilespmem:s3+$0x8400] =	vst v0  }
.LBB2_41:
0x13d: {  	p1 =	sne.s32 s13, $0x3F0  }
.Ltmp27:
0x13e: {  	_ = 	snop;
	(pc) =	sbr.rel @p1 .LBB2_41-.Ltmp27, $4  }
0x13f: {  	s7 =	sadd.s32 $0x80, s7  }
0x140: {  	s3 =	sand.u32 $0x70, s13;
	s4 =	sand.u32 $0x1C00, s7  }
0x141: {  	s3 =	sor.u32 s3, s4  }
0x142: {  	s13 =	sadd.s32 $0x10, s13;
	[tilespmem:s3+$0x8400] =	vst v0  }
.LBB2_42:
0x143: {  	s31 =	simm.s32 @!p0 $0x0  }
0x144: {  	p0 =	slt.f32 s31, $0.0e+00;
	p1 =	sgt.f32 s31, $0.0e+00  }
0x145: {  	_ = 	snop  }
0x146: {  	p0 =	por p1, p0  }
0x147: {  	p0 =	por !p0, !p0  }
.Ltmp28:
0x148: {  	_ = 	snop;
	(pc) =	sbr.rel @p0 .LBB2_46-.Ltmp28, $1  }
0x149: {  	_ =	sdelay $0x3  }
0x14a: {  	s3 =	sshll.u32 s29, $0x2;
	s4 =	sand.u32 $0x7, s28  }
0x14b: {  	s3 =	sand.u32 $0xFFFF8000, s3;
	s4 =	sshll.u32 s4, $0x9  }
0x14c: {  	s3 =	sor.u32 s4, s3  }
0x14d: {  	s3 =	sshrl.u32 s3, $0x2  }
0x14e: {  	s3 =	sadd.s32 $0xC0, s3  }
0x14f: {  	v4 =	vmov s3;
	_ =	sdelay $0x3  }
0x150: {  	s7 =	simm.s32 $0x0  }
0x151: {  	v6 =	vld.idx.msk [tilespmem:v4+s7+$0xFFFFFFC0 ss:$0x1], $0xffff  }
0x152: {  	s13 =	sshll.u32 s26, $0xD;
	s5 =	sshll.u32 s0, $0xA  }
0x153: {  	s15 =	sshll.u32 s0, $0x7;
	s4 =	ssub.s32 s5, s13  }
0x154: {  	s0 =	sand.u32 $0x380, s15;
	s4 =	sand.u32 $0xFFFFE000, s4  }
0x155: {  	v5 =	vmov s31;
	s0 =	sor.u32 s0, s4  }
0x156: {  	s0 =	sadd.s32 $0x8080, s0;
	v6 =	vmul.f32 v6, v5  }
0x157: {  	s31 =	sadd.s32 $0x0, s0  }
0x158: {  	[tilespmem:s31+$0x0] =	vst.add.f32.msk $0xffff, v6  }
0x159: {  	v6 =	vld.idx.msk [tilespmem:v4+s7+$0xFFFFFFD0 ss:$0x1], $0xffff;
	_ =	sdelay $0x4  }
0x15a: {  	v6 =	vmul.f32 v6, v5;
	_ =	sdelay $0x1  }
0x15b: {  	[tilespmem:s31+$0x10] =	vst.add.f32.msk $0xffff, v6  }
0x15c: {  	v6 =	vld.idx.msk [tilespmem:v4+s7+$0xFFFFFFE0 ss:$0x1], $0xffff;
	_ =	sdelay $0x4  }
0x15d: {  	v6 =	vmul.f32 v6, v5;
	_ =	sdelay $0x1  }
0x15e: {  	[tilespmem:s31+$0x20] =	vst.add.f32.msk $0xffff, v6  }
0x15f: {  	v6 =	vld.idx.msk [tilespmem:v4+s7+$0xFFFFFFF0 ss:$0x1], $0xffff;
	_ =	sdelay $0x4  }
0x160: {  	v6 =	vmul.f32 v6, v5;
	_ =	sdelay $0x1  }
0x161: {  	[tilespmem:s31+$0x30] =	vst.add.f32.msk $0xffff, v6  }
0x162: {  	v6 =	vld.idx.msk [tilespmem:v4+s7+$0x0 ss:$0x1], $0xffff;
	_ =	sdelay $0x4  }
0x163: {  	v6 =	vmul.f32 v6, v5;
	_ =	sdelay $0x1  }
0x164: {  	[tilespmem:s31+$0x40] =	vst.add.f32.msk $0xffff, v6  }
0x165: {  	v6 =	vld.idx.msk [tilespmem:v4+s7+$0x10 ss:$0x1], $0xffff;
	_ =	sdelay $0x4  }
0x166: {  	v6 =	vmul.f32 v6, v5;
	_ =	sdelay $0x1  }
0x167: {  	[tilespmem:s31+$0x50] =	vst.add.f32.msk $0xffff, v6  }
0x168: {  	v6 =	vld.idx.msk [tilespmem:v4+s7+$0x20 ss:$0x1], $0xffff;
	_ =	sdelay $0x4  }
0x169: {  	v6 =	vmul.f32 v6, v5;
	_ =	sdelay $0x1  }
0x16a: {  	[tilespmem:s31+$0x60] =	vst.add.f32.msk $0xffff, v6  }
0x16b: {  	v6 =	vld.idx.msk [tilespmem:v4+s7+$0x30 ss:$0x1], $0xffff;
	_ =	sdelay $0x4  }
0x16c: {  	v6 =	vmul.f32 v6, v5  }
0x16d: {  	s13 =	simm.s32 $0x1000;
	s3 =	simm.s32 $0x0  }
.LBB2_44:
0x16e: {  	s7 =	sshra.s32 s13, $0x2;
	s3 =	sadd.s32 $0x8, s3;
	[tilespmem:s31+$0x70] =	vst.add.f32.msk $0xffff, v6  }
0x16f: {  	v6 =	vld.idx.msk [tilespmem:v4+s7+$0xFFFFFFC0 ss:$0x1], $0xffff;
	p0 =	slt.u32 s3, $0x38;
	_ =	sdelay $0x5  }
0x170: {  	v6 =	vmul.f32 v6, v5  }
0x171: {  	s31 =	sadd.s32 s7, s0  }
0x172: {  	[tilespmem:s31+$0x0] =	vst.add.f32.msk $0xffff, v6  }
0x173: {  	v6 =	vld.idx.msk [tilespmem:v4+s7+$0xFFFFFFD0 ss:$0x1], $0xffff;
	_ =	sdelay $0x5  }
0x174: {  	v6 =	vmul.f32 v6, v5;
	_ =	sdelay $0x1  }
0x175: {  	[tilespmem:s31+$0x10] =	vst.add.f32.msk $0xffff, v6  }
0x176: {  	v6 =	vld.idx.msk [tilespmem:v4+s7+$0xFFFFFFE0 ss:$0x1], $0xffff;
	_ =	sdelay $0x5  }
0x177: {  	v6 =	vmul.f32 v6, v5;
	_ =	sdelay $0x1  }
0x178: {  	[tilespmem:s31+$0x20] =	vst.add.f32.msk $0xffff, v6  }
0x179: {  	v6 =	vld.idx.msk [tilespmem:v4+s7+$0xFFFFFFF0 ss:$0x1], $0xffff;
	_ =	sdelay $0x5  }
0x17a: {  	v6 =	vmul.f32 v6, v5;
	_ =	sdelay $0x1  }
0x17b: {  	[tilespmem:s31+$0x30] =	vst.add.f32.msk $0xffff, v6  }
0x17c: {  	v6 =	vld.idx.msk [tilespmem:v4+s7+$0x0 ss:$0x1], $0xffff;
	_ =	sdelay $0x5  }
0x17d: {  	v6 =	vmul.f32 v6, v5;
	_ =	sdelay $0x1  }
0x17e: {  	[tilespmem:s31+$0x40] =	vst.add.f32.msk $0xffff, v6  }
0x17f: {  	v6 =	vld.idx.msk [tilespmem:v4+s7+$0x10 ss:$0x1], $0xffff;
	_ =	sdelay $0x5  }
0x180: {  	v6 =	vmul.f32 v6, v5;
	_ =	sdelay $0x1  }
0x181: {  	[tilespmem:s31+$0x50] =	vst.add.f32.msk $0xffff, v6  }
0x182: {  	v6 =	vld.idx.msk [tilespmem:v4+s7+$0x20 ss:$0x1], $0xffff;
	_ =	sdelay $0x5  }
0x183: {  	v6 =	vmul.f32 v6, v5;
	_ =	sdelay $0x1  }
0x184: {  	[tilespmem:s31+$0x60] =	vst.add.f32.msk $0xffff, v6  }
0x185: {  	v6 =	vld.idx.msk [tilespmem:v4+s7+$0x30 ss:$0x1], $0xffff;
	_ =	sdelay $0x2  }
.Ltmp29:
0x186: {  	(pc) =	sbr.rel @p0 .LBB2_44-.Ltmp29, $3  }
0x187: {  	_ =	sdelay $0x1  }
0x188: {  	v6 =	vmul.f32 v6, v5  }
0x189: {  	s13 =	sadd.s32 $0x1000, s13  }
.Ltmp30:
0x18a: {  	(pc) =	sbr.rel .LBB2_46-.Ltmp30, $2  }
0x18b: {  	_ =	sdelay $0x2  }
0x18c: {  	[tilespmem:s31+$0x70] =	vst.add.f32.msk $0xffff, v6  }
.LBB2_50:
0x18d: {  	_ =	sfence.sel $0x180000  }
0x18e: {  	[bflag:$0x0] =	sbarrier.arrive $0xFFFF  }
0x18f: {  	_ =	strace $0x90000053  }
0x190: {  	s0 =	stileid.u32;
	[bflag:$0x2] =	sbarrier.arrive $0xFFFF  }
0x191: {  	p0 =	sne.s32 s0, $0x0;
	s0 =	rddreg [dreg:$0x1]  }
0x192: {  	s0 =	sadd.s32 @!p0 $0x100000, s0  }
0x193: {  	[sflag:s0] =	ssyncadd.tile.s32 @!p0 $0x1;
	_ =	shalt  }
.Lfunc_end2:
_tile_overlayer_lowered:
.L_overlay_start_2:
0x194: {  	(tag) =	ssettag $0x2  }
0x195: {  	s0 =	rddreg [dreg:$0x0];
	s2 =	stileid.u32  }
0x196: {  	s1 =	rddreg [dreg:$0x1];
	p0 =	sne.s32 s2, $0x0  }
0x197: {  	s3 =	rddreg [dreg:$0x2];
	[bflag:$0x3] =	sbarrier.arrive $0xFFFF;
	s2 =	simm.s32 @!p0 $0x1C01  }
0x198: {  	[timem:s3], [sflag:s2] =	dma.local @!p0 [hbm:s0], s1  }
0x199: {  	s0 =	simm.s32 @!p0 $0x1  }
0x19a: {  	_ =	swait.ge @!p0 [sflag:s0], s1  }
0x19b: {  	s1 =	ssub.s32 @!p0 $0x0, s1;
	[sflag:s0] =	ssyncset.done @!p0 $0x0  }
0x19c: {  	[sflag:s0] =	ssyncadd.s32 @!p0 s1  }
0x19d: {  	[bflag:$0x3] =	sbarrier.arrive $0xFFFF  }
0x19e: {  	_ =	shalt  }

// kernel: kernel.17.cloned.1.call-start
scs
__scs_entry_jumppad:
0x0: {  	(pc) =	sbr.rel $0x88, $3  }
0x1: {  	(tag) =	ssettag $0x0;
	lr =	simm.s32 $0x1  }
0x2: {  	[smem:$0x3F96] =	sst lr;
	_ =	strace $0xD0000000  }
0x3: {  	_ = 	snop  }
0x4: {  	_ = 	snop  }
0x5: {  	_ = 	snop  }
0x6: {  	_ = 	snop  }
0x7: {  	_ = 	snop  }
__scs_overlays_trampoline_lowered:
0x8: {  	[smem:$0x3FA5] =	sst s0  }
0x9: {  	[smem:$0x3FA6] =	sst s1  }
0xa: {  	[smem:$0x3FA7] =	sst s2  }
0xb: {  	[smem:$0x3FA8] =	sst s3  }
0xc: {  	[smem:$0x3FA9] =	sst s4  }
0xd: {  	[smem:$0x3FAA] =	sst s5  }
0xe: {  	[smem:$0x3FAB] =	sst s6  }
0xf: {  	[smem:$0x3FAC] =	sst s7  }
0x10: {  	[smem:$0x3FAD] =	sst s8  }
0x11: {  	[smem:$0x3FAE] =	sst s9;
	s0 =	simm.s32 @!p0 $0x0  }
0x12: {  	s1 =	sld [smem:$0x3F94];
	s0 =	simm.s32 @p0 $0x1  }
0x13: {  	[smem:$0x3FAF] =	sst s0;
	s0 =	simm.s32 @!p1 $0x0  }
0x14: {  	s2 =	sld [smem:$0x3F93];
	s0 =	simm.s32 @p1 $0x1  }
0x15: {  	[smem:$0x3FB0] =	sst s0;
	s0 =	simm.s32 @!p2 $0x0  }
0x16: {  	s3 =	sld [smem:$0x3FDB];
	s0 =	simm.s32 @p2 $0x1  }
0x17: {  	s4 =	simm.s32 $0x1BF5;
	[smem:$0x3FB2] =	sst s0  }
0x18: {  	s0 =	sld [smem:$0x3F95];
	_ =	swait.ge [sflag:s4], $0x0  }
0x19: {  	s7 =	sld [smem:$0x3F96]  }
0x1a: {  	s8 =	sadd.s32 $0xFFFFE003, lr  }
0x1b: {  	s9 =	sadd.s32 $0xFFFFFEF7, lr;
	s5 =	simm.s32 $0xFFFFFFFF;
	p2 =	slt.u32 s8, $0xFFFFF086  }
0x1c: {  	p1 =	slt.u32 s9, $0xF7A;
	s5 =	simm.s32 @!p2 $0x0  }
0x1d: {  	s5 =	simm.s32 @p1 $0x1;
	p0 =	seq.s32 s7, s2  }
0x1e: {  	s7 =	smul.u32 @!p0 $0xF7A, s2;
	p2 =	seq.s32 @!p0 s5, $0x0  }
0x1f: {  	s9 =	smul.u32 $0xF7A, s1;
	s8 =	simm.s32 @!p0 $0x1BF5;
	p2 =	por !p2, p0  }
0x20: {  	[sflag:s8] =	ssyncset.s32 @!p0 $0xFFFFF086;
	s6 =	sadd.s32 @!p0 s3, s7;
	s7 =	simm.s32 @!p0 $0x108  }
0x21: {  	s3 =	sadd.s32 s3, s9;
	s6 =	sadd.s32 @!p0 $0x88, s6;
	s7 =	simm.s32 @p2 $0x1082  }
0x22: {  	[simem:s7], [sflag:s8] =	dma.local @!p0 [hbm:s6], $0xF7A  }
0x23: {  	s9 =	sor.u32 $0xD0000000, s2;
	s6 =	simm.s32 $0x108;
	_ =	swait.ge @!p0 [sflag:s8], $0x0  }
0x24: {  	s3 =	sadd.s32 $0x88, s3;
	s6 =	simm.s32 @!p1 $0x1082;
	[sflag:s4] =	ssyncset.s32 $0xFFFFF086  }
0x25: {  	[simem:s6], [sflag:s4] =	dma.local [hbm:s3], $0xF7A  }
0x26: {  	[smem:$0x3F96] =	sst s1;
	(tag) =	ssettag s2;
	_ =	strace s9  }
0x27: {  	s1 =	sld [smem:$0x3FA6]  }
0x28: {  	s2 =	sld [smem:$0x3FA7]  }
0x29: {  	s4 =	sld [smem:$0x3FA9]  }
0x2a: {  	p0 =	seq.s32 s5, $0x0;
	s5 =	sld [smem:$0x3FAA]  }
0x2b: {  	s6 =	sld [smem:$0x3FAB]  }
0x2c: {  	s7 =	sld [smem:$0x3FAC]  }
0x2d: {  	s3 =	simm.s32 $0x108;
	s8 =	sld [smem:$0x3FAD]  }
0x2e: {  	s3 =	simm.s32 @!p0 $0x1082;
	s9 =	sld [smem:$0x3FAE]  }
0x2f: {  	lr =	sadd.s32 s0, s3;
	s0 =	sld [smem:$0x3FA5]  }
0x30: {  	s3 =	sld [smem:$0x3FA8]  }
0x31: {  	[smem:$0x3FB1] =	sst s10  }
0x32: {  	s10 =	sld [smem:$0x3FAF];
	_ =	sdelay $0x3  }
0x33: {  	p0 =	seq.s32 s10, $0x1;
	s10 =	sld [smem:$0x3FB1];
	_ =	sdelay $0x3  }
0x34: {  	[smem:$0x3FB1] =	sst s10  }
0x35: {  	s10 =	sld [smem:$0x3FB0];
	_ =	sdelay $0x3  }
0x36: {  	p1 =	seq.s32 s10, $0x1;
	s10 =	sld [smem:$0x3FB1];
	_ =	sdelay $0x3  }
0x37: {  	[smem:$0x3FB1] =	sst s10  }
0x38: {  	s10 =	sld [smem:$0x3FB2]  }
0x39: {  	_ = 	snop;
	(pc) =	sbr.ind lr, $3  }
0x3a: {  	_ = 	snop  }
0x3b: {  	_ = 	snop  }
0x3c: {  	p2 =	seq.s32 s10, $0x1;
	s10 =	sld [smem:$0x3FB1]  }
0x3d: {  	_ =	shalt  }
0x3e: {  	_ =	shalt  }
0x3f: {  	_ =	shalt  }
0x40: {  	_ =	shalt  }
0x41: {  	_ =	shalt  }
0x42: {  	_ =	shalt  }
0x43: {  	_ =	shalt  }
0x44: {  	_ =	shalt  }
0x45: {  	_ =	shalt  }
0x46: {  	_ =	shalt  }
0x47: {  	_ =	shalt  }
0x48: {  	_ =	shalt  }
0x49: {  	_ =	shalt  }
0x4a: {  	_ =	shalt  }
0x4b: {  	_ =	shalt  }
0x4c: {  	_ =	shalt  }
0x4d: {  	_ =	shalt  }
0x4e: {  	_ =	shalt  }
0x4f: {  	_ =	shalt  }
0x50: {  	_ =	shalt  }
0x51: {  	_ =	shalt  }
0x52: {  	_ =	shalt  }
0x53: {  	_ =	shalt  }
0x54: {  	_ =	shalt  }
0x55: {  	_ =	shalt  }
0x56: {  	_ =	shalt  }
0x57: {  	_ =	shalt  }
0x58: {  	_ =	shalt  }
0x59: {  	_ =	shalt  }
0x5a: {  	_ =	shalt  }
0x5b: {  	_ =	shalt  }
0x5c: {  	_ =	shalt  }
0x5d: {  	_ =	shalt  }
0x5e: {  	_ =	shalt  }
0x5f: {  	_ =	shalt  }
0x60: {  	_ =	shalt  }
0x61: {  	_ =	shalt  }
0x62: {  	_ =	shalt  }
0x63: {  	_ =	shalt  }
0x64: {  	_ =	shalt  }
0x65: {  	_ =	shalt  }
0x66: {  	_ =	shalt  }
0x67: {  	_ =	shalt  }
0x68: {  	_ =	shalt  }
0x69: {  	_ =	shalt  }
0x6a: {  	_ =	shalt  }
0x6b: {  	_ =	shalt  }
0x6c: {  	_ =	shalt  }
0x6d: {  	_ =	shalt  }
0x6e: {  	_ =	shalt  }
0x6f: {  	_ =	shalt  }
0x70: {  	_ =	shalt  }
0x71: {  	_ =	shalt  }
0x72: {  	_ =	shalt  }
0x73: {  	_ =	shalt  }
0x74: {  	_ =	shalt  }
0x75: {  	_ =	shalt  }
0x76: {  	_ =	shalt  }
0x77: {  	_ =	shalt  }
0x78: {  	_ =	shalt  }
0x79: {  	_ =	shalt  }
0x7a: {  	_ =	shalt  }
0x7b: {  	_ =	shalt  }
0x7c: {  	_ =	shalt  }
0x7d: {  	_ =	shalt  }
0x7e: {  	_ =	shalt  }
0x7f: {  	_ =	shalt  }
0x80: {  	_ =	shalt  }
0x81: {  	_ =	shalt  }
0x82: {  	_ =	shalt  }
0x83: {  	_ =	shalt  }
0x84: {  	_ =	shalt  }
0x85: {  	_ =	shalt  }
0x86: {  	_ =	shalt  }
0x87: {  	_ =	shalt  }
.Lfunc_end0:
.L_simem_size_0:
called_computation.5_lowered:
.L_overlay_start_0:
0x88: {  	s2 =	sld [smem:$0x3FD9]  }
0x89: {  	s3 =	sld [smem:$0x3FFE];
	_ =	sdelay $0x1  }
0x8a: {  	s1 =	srdreg.scid  }
0x8b: {  	s0 =	sand.u32 $0x1, s1  }
0x8c: {  	s14 =	sshll.u32 s0, $0xA;
	s2 =	sadd.s32 s3, s2  }
0x8d: {  	s2 =	sadd.s32 s2, s14  }
0x8e: {  	[smem:$0x3FBD] =	sst s2  }
0x8f: {  	_ = 	snop  }
0x90: {  	s2 =	sld [smem:$0x3FD0];
	_ =	sdelay $0x2  }
0x91: {  	s15 =	simm.s32 $0xA;
	s4 =	simm.s32 $0x10  }
0x92: {  	[smem:s4], [sflag:s15] =	dma.local [hbm:s2], $0x1  }
0x93: {  	_ =	swait.eq [sflag:s15], $0x1  }
0x94: {  	[sflag:s15] =	ssyncset.done $0x0  }
0x95: {  	[sflag:s15] =	ssyncadd.s32 $0xFFFFFFFF  }
0x96: {  	s16 =	sld [smem:$0x10];
	(tm) =	ssettm $0x1  }
0x97: {  	s17 =	sld [smem:$0x3FFB];
	_ =	sdelay $0x3  }
0x98: {  	_ =	strace s17  }
0x99: {  	s3 =	sld [smem:$0x3FFC];
	_ =	sdelay $0x3  }
0x9a: {  	_ =	strace s3  }
0x9b: {  	s3 =	sld [smem:$0x3FFD];
	_ =	sdelay $0x3  }
0x9c: {  	_ =	strace s3  }
0x9d: {  	_ =	strace $0x8FFFFFFF  }
0x9e: {  	s18 =	sld [smem:$0x3FDB];
	_ =	sdelay $0x1  }
0x9f: {  	s19 =	simm.s32 $_scs_section_size  }
0xa0: {  	s5 =	simm.s32 $_size__tile_overlayer_lowered;
	s6 =	simm.s32 $_tile_overlayer_lowered  }
0xa1: {  	s22 =	simm.s32 $0x1BFF;
	s21 =	sshll.u32 s6, $0x1;
	s3 =	sadd.s32 s19, s18  }
0xa2: {  	s7 =	simm.s32 $0x0;
	s20 =	sshll.u32 s5, $0x1;
	s5 =	sadd.s32 s21, s3  }
0xa3: {  	[timem:s7], [sflag:s22] =	dma.local [hbm:s5], s20  }
0xa4: {  	_ =	swait.ge [sflag:s22], s20  }
0xa5: {  	s4 =	ssub.s32 $0x0, s20;
	[sflag:s22] =	ssyncset.done $0x0  }
0xa6: {  	[sflag:s22] =	ssyncadd.s32 s4;
	_ =	sdelay $0x1  }
0xa7: {  	s23 =	simm.s32 $0x1B8B  }
0xa8: {  	_ =	swait.ge [sflag:s23], $0x1  }
0xa9: {  	[sflag:s23] =	ssyncset.done $0x0  }
0xaa: {  	s25 =	simm.s32 $0x1B8E;
	s24 =	sld [smem:$0x3FFE];
	[sflag:s23] =	ssyncadd.s32 $0xFFFFFFFF  }
0xab: {  	s26 =	simm.s32 $execute0_lowered;
	[smem:$0x3FD2] =	sst s25  }
0xac: {  	s5 =	sshll.u32 s26, $0x1;
	_ =	strace $0x80000055;
	[dreg:$0x1] =	wrdreg $0xFFFFFFFF  }
0xad: {  	s28 =	simm.s32 $_size_execute0_lowered;
	s3 =	sadd.s32 s3, s5;
	[dreg:$0x0] =	wrdreg $0x0  }
0xae: {  	s5 =	sshll.u32 s28, $0x1;
	[dreg:$0x2] =	wrdreg s3  }
0xaf: {  	[dreg:$0x3] =	wrdreg s5  }
0xb0: {  	[dreg:$0x4] =	wrdreg $0xC0  }
0xb1: {  	_ =	task [dreg:s7], $0x5FFFF  }
0xb2: {  	[dreg:$0x1] =	wrdreg $0xFFFFFFFF  }
0xb3: {  	[dreg:$0x0] =	wrdreg $0x60  }
0xb4: {  	[dreg:$0x2] =	wrdreg s24  }
0xb5: {  	[dreg:$0x3] =	wrdreg s16  }
0xb6: {  	[dreg:$0x4] =	wrdreg $0x9  }
0xb7: {  	_ =	task.clear_ibuf [dreg:s7], $0x5FFFF;
	_ =	strace $0x90000055  }
0xb8: {  	s29 =	simm.s32 $0x9;
	_ =	strace $0x80000057  }
0xb9: {  	_ =	swait.ge [sflag:s29], $0x1  }
0xba: {  	[sflag:s29] =	ssyncadd.s32 $0xFFFFFFFF  }
0xbb: {  	_ =	strace $0x90000057  }
0xbc: {  	_ =	sfence  }
0xbd: {  	s30 =	sld [smem:$0x0];
	_ =	sdelay $0x2  }
0xbe: {  	s31 =	sshll.u32 s1, $0xD;
	s1 =	sshrl.u32 s1, $0x2  }
0xbf: {  	s3 =	sand.u32 $0x4000, s31;
	s1 =	sadd.s32 s1, s30  }
0xc0: {  	s0 =	sor.u32 s3, s0;
	s1 =	sshll.u32 s1, $0x11  }
0xc1: {  	s0 =	sor.u32 s1, s0  }
0xc2: {  	s0 =	sadd.s32 $0x8F2B, s0  }
0xc3: {  	[sflag:s0] =	ssyncadd.remote.s32 $0x1  }
0xc4: {  	_ =	sfence.sel $0xFFFF  }
0xc5: {  	[dreg:$0x0] =	wrdreg $0xFFFFFFFF;
	(pc) =	sbr.abs _section_cstart, $3  }
0xc6: {  	[dreg:$0x1] =	wrdreg $0xFFFFFFFF  }
0xc7: {  	_ =	task.clear_ibuf [dreg:s7], $0x2FFFF;
	_ =	strace $0x9FFFFFFF  }
0xc8: {  	(tm) =	ssettm $0x7FFFFFFF  }
0xc9: {  	_ =	shalt  }
tec
execute0_lowered:
.L_overlay_start_1:
0x0: {  	(tag) =	ssettag $0x1  }
0x1: {  	s0 =	rddreg [dreg:$0x0]  }
0x2: {  	s1 =	rddreg [dreg:$0x1];
	s2 =	simm.s32 $0x0;
	s30 =	srdreg.scid  }
0x3: {  	s5 =	stileid.u32;
	s20 =	simm.s32 $0xC080;
	s14 =	simm.s32 $0x1  }
0x4: {  	s16 =	simm.s32 $0xA080;
	s22 =	simm.s32 $0x0;
	s23 =	simm.s32 $0x0  }
0x5: {  	[smem:$0x7FF] =	sst s2;
	s3 =	sadd.s32 $0x158800, s0;
	s4 =	sadd.s32 $0xBE00, s0  }
0x6: {  	s29 =	sadd.s32 $0x153800, s0;
	s7 =	sadd.s32 $0x10E00, s0;
	s6 =	sadd.s32 $0x4E00, s0  }
0x7: {  	s9 =	sshll.u32 s5, $0x8;
	_ =	strace $0x80000056;
	[dreg:$0x3] =	wrdreg s4  }
0x8: {  	s11 =	sadd.s32 $0x158B00, s0;
	[dreg:$0x4] =	wrdreg s29;
	s4 =	sand.u32 $0x1, s30  }
.Ltmp0:
0x9: {  	s8 =	ssub.s32 $0x2, s4;
	s4 =	sshll.u32 s4, $0x9;
	(pc) =	sbr.rel .LBB2_1-.Ltmp0, $4  }
0xa: {  	s12 =	sor.u32 $0xC080, s9;
	s10 =	sshrl.u32 s8, $0x1;
	s31 =	sshrl.u32 s4, $0x2  }
0xb: {  	v3 =	vlaneseq.u32;
	[dreg:$0x5] =	wrdreg s6;
	s8 =	ssub.s32 s8, s10;
	s21 =	sadd.s32 s31, s12  }
0xc: {  	v0 =	vimm.f32 $0.0e+00;
	vm0 =	vmmov $0xffff;
	v2 =	vshrl.u32 v3, $0x3;
	s9 =	sadd.s32 $0x158900, s0;
	s5 =	smax.u32 s8, $0x1;
	[dreg:$0x7] =	wrdreg s21  }
0xd: {  	v1 =	vand.u32 $0x7, v3;
	v3 =	vor.u32 $0x8, v3;
	v2 =	vmul.u32 $0x8, v2;
	s10 =	sadd.s32 $0x158A00, s0;
	s12 =	simm.s32 $0x8080;
	[dreg:$0x6] =	wrdreg s5  }
.LBB2_48:
0xe: {  	s0 =	sshll.u32 s26, $0xA  }
0xf: {  	s0 =	sand.u32 $0x1FFFFC00, s0  }
0x10: {  	s0 =	sadd.s32 s1, s0  }
0x11: {  	[hbm4b:s0+s2] =	stream.linear.scatter [tilespmem:s12], [sflag:$0x1], $0x2000, $0x38;
	[tilespmem:$0xD180] =	vst v63  }
0x12: {  	_ =	swait.ge [sflag:s14], $0x2000  }
0x13: {  	s6 =	rddreg [dreg:$0x5]  }
0x14: {  	s5 =	rddreg [dreg:$0x6]  }
0x15: {  	[sflag:s14] =	ssyncset.done $0x0;
	s21 =	rddreg [dreg:$0x7]  }
0x16: {  	s20 =	simm.s32 $0xC080;
	s22 =	rddreg [dreg:$0x8];
	[sflag:s14] =	ssyncadd.s32 $0xFFFFE000  }
.LBB2_49:
0x17: {  	s22 =	sadd.s32 $0x1, s22  }
0x18: {  	p0 =	sne.s32 s22, s5  }
.Ltmp1:
0x19: {  	_ = 	snop;
	(pc) =	sbr.rel @!p0 .LBB2_50-.Ltmp1, $1  }
0x1a: {  	_ =	sdelay $0x3  }
.LBB2_1:
0x1b: {  	[tilespmem:s20], [sflag:$0x1] =	stream.linear.gather [hbm4b:s6+s2], $0x1000, $0x38;
	[tilespmem:$0xD180] =	vst v63  }
0x1c: {  	_ =	swait.ge [sflag:s14], $0x1000  }
0x1d: {  	s0 =	sand.u32 $0x1C00, s2;
	s4 =	sand.u32 $0x70, s2;
	[sflag:s14] =	ssyncset.done $0x0  }
0x1e: {  	s0 =	sor.u32 s4, s0;
	[sflag:s14] =	ssyncadd.s32 $0xFFFFF000  }
0x1f: {  	v4 =	vld [tilespmem:s21+$0x0];
	[tilespmem:s0+$0x8080] =	vst v0  }
0x20: {  	s8 =	simm.s32 $0x0;
	s4 =	simm.s32 $0x80;
	[tilespmem:s0+$0xA080] =	vst v0  }
.LBB2_2:
0x21: {  	p0 =	sne.s32 s4, $0x1F80  }
.Ltmp2:
0x22: {  	s0 =	sand.u32 $0x1C00, s4;
	s8 =	sadd.s32 $0x10, s8;
	(pc) =	sbr.rel @p0 .LBB2_2-.Ltmp2, $4  }
0x23: {  	s4 =	sadd.s32 $0x80, s4;
	s13 =	sand.u32 $0x70, s8  }
0x24: {  	s13 =	sor.u32 s13, s0  }
0x25: {  	s0 =	simm.s32 $0x0;
	[tilespmem:s13+$0x8080] =	vst v0  }
0x26: {  	[tilespmem:s13+$0xA080] =	vst v0  }
0x27: {  	s4 =	sand.u32 $0x1C00, s0;
	s8 =	sand.u32 $0x70, s0  }
0x28: {  	s4 =	sor.u32 s8, s4  }
0x29: {  	[tilespmem:s4+$0x8100] =	vst v0  }
0x2a: {  	s13 =	simm.s32 $0x0;
	s8 =	simm.s32 $0x80;
	[tilespmem:s4+$0xA100] =	vst v0  }
.LBB2_4:
0x2b: {  	p0 =	sne.s32 s8, $0x1F80  }
.Ltmp3:
0x2c: {  	s15 =	sand.u32 $0x1C00, s8;
	s13 =	sadd.s32 $0x10, s13;
	(pc) =	sbr.rel @p0 .LBB2_4-.Ltmp3, $4  }
0x2d: {  	s8 =	sadd.s32 $0x80, s8;
	s17 =	sand.u32 $0x70, s13  }
0x2e: {  	s15 =	sor.u32 s17, s15  }
0x2f: {  	[tilespmem:s15+$0x8100] =	vst v0  }
0x30: {  	[tilespmem:s15+$0xA100] =	vst v0  }
0x31: {  	[tilespmem:s4+$0x8180] =	vst v0  }
0x32: {  	s8 =	simm.s32 $0x80;
	[tilespmem:s4+$0xA180] =	vst v0  }
.LBB2_6:
0x33: {  	p0 =	sne.s32 s8, $0x1F80  }
.Ltmp4:
0x34: {  	s4 =	sand.u32 $0x1C00, s8;
	s0 =	sadd.s32 $0x10, s0;
	(pc) =	sbr.rel @p0 .LBB2_6-.Ltmp4, $4  }
0x35: {  	s8 =	sadd.s32 $0x80, s8;
	s13 =	sand.u32 $0x70, s0  }
0x36: {  	s13 =	sor.u32 s13, s4  }
0x37: {  	s4 =	simm.s32 $0x0;
	[tilespmem:s13+$0x8180] =	vst v0  }
0x38: {  	[tilespmem:s13+$0xA180] =	vst v0  }
0x39: {  	s0 =	sand.u32 $0x1C00, s4;
	s8 =	sand.u32 $0x70, s4  }
0x3a: {  	s0 =	sor.u32 s8, s0  }
0x3b: {  	[tilespmem:s0+$0x8200] =	vst v0  }
0x3c: {  	s13 =	simm.s32 $0x0;
	s8 =	simm.s32 $0x80;
	[tilespmem:s0+$0xA200] =	vst v0  }
.LBB2_8:
0x3d: {  	p0 =	sne.s32 s8, $0x1F80  }
.Ltmp5:
0x3e: {  	s15 =	sand.u32 $0x1C00, s8;
	s13 =	sadd.s32 $0x10, s13;
	(pc) =	sbr.rel @p0 .LBB2_8-.Ltmp5, $4  }
0x3f: {  	s8 =	sadd.s32 $0x80, s8;
	s17 =	sand.u32 $0x70, s13  }
0x40: {  	s15 =	sor.u32 s17, s15  }
0x41: {  	[tilespmem:s15+$0x8200] =	vst v0  }
0x42: {  	[tilespmem:s15+$0xA200] =	vst v0  }
0x43: {  	[tilespmem:s0+$0x8280] =	vst v0  }
0x44: {  	s8 =	simm.s32 $0x80;
	[tilespmem:s0+$0xA280] =	vst v0  }
.LBB2_10:
0x45: {  	p0 =	sne.s32 s8, $0x1F80  }
.Ltmp6:
0x46: {  	s0 =	sand.u32 $0x1C00, s8;
	s4 =	sadd.s32 $0x10, s4;
	(pc) =	sbr.rel @p0 .LBB2_10-.Ltmp6, $4  }
0x47: {  	s8 =	sadd.s32 $0x80, s8;
	s13 =	sand.u32 $0x70, s4  }
0x48: {  	s13 =	sor.u32 s13, s0  }
0x49: {  	s0 =	simm.s32 $0x0;
	[tilespmem:s13+$0x8280] =	vst v0  }
0x4a: {  	[tilespmem:s13+$0xA280] =	vst v0  }
0x4b: {  	s4 =	sand.u32 $0x1C00, s0;
	s8 =	sand.u32 $0x70, s0  }
0x4c: {  	s8 =	sor.u32 s8, s4  }
0x4d: {  	[tilespmem:s8+$0x8300] =	vst v0  }
0x4e: {  	s4 =	simm.s32 $0x80;
	[tilespmem:s8+$0xA300] =	vst v0;
	s8 =	simm.s32 $0x0  }
.LBB2_12:
0x4f: {  	p0 =	sne.s32 s4, $0x1F80  }
.Ltmp7:
0x50: {  	s13 =	sand.u32 $0x1C00, s4;
	s8 =	sadd.s32 $0x10, s8;
	(pc) =	sbr.rel @p0 .LBB2_12-.Ltmp7, $4  }
0x51: {  	s4 =	sadd.s32 $0x80, s4;
	s15 =	sand.u32 $0x70, s8  }
0x52: {  	s13 =	sor.u32 s15, s13  }
0x53: {  	[tilespmem:s13+$0x8300] =	vst v0  }
0x54: {  	[tilespmem:s13+$0xA300] =	vst v0  }
0x55: {  	s4 =	simm.s32 $0x0  }
.LBB2_14:
0x56: {  	p0 =	sne.s32 s4, $0x1F80  }
.Ltmp8:
0x57: {  	_ = 	snop;
	(pc) =	sbr.rel @p0 .LBB2_14-.Ltmp8, $4  }
0x58: {  	s8 =	sand.u32 $0x70, s0;
	s13 =	sand.u32 $0x1C00, s4  }
0x59: {  	s8 =	sor.u32 s8, s13  }
0x5a: {  	[tilespmem:s8+$0xA380] =	vst v0  }
0x5b: {  	s0 =	sadd.s32 $0x10, s0;
	s4 =	sadd.s32 $0x80, s4;
	[tilespmem:s8+$0x8380] =	vst v0  }
0x5c: {  	s0 =	simm.s32 $0x0  }
0x5d: {  	s4 =	sand.u32 $0x1C00, s0;
	s8 =	sand.u32 $0x70, s0  }
0x5e: {  	s8 =	sor.u32 s8, s4  }
0x5f: {  	[tilespmem:s8+$0x8400] =	vst v0  }
0x60: {  	s4 =	simm.s32 $0x80;
	[tilespmem:s8+$0xA400] =	vst v0  }
.LBB2_16:
0x61: {  	p0 =	sne.s32 s4, $0x1F80  }
.Ltmp9:
0x62: {  	s8 =	sand.u32 $0x1C00, s4;
	s0 =	sadd.s32 $0x10, s0;
	(pc) =	sbr.rel @p0 .LBB2_16-.Ltmp9, $4  }
0x63: {  	s4 =	sadd.s32 $0x80, s4;
	s13 =	sand.u32 $0x70, s0  }
0x64: {  	s8 =	sor.u32 s13, s8  }
0x65: {  	[tilespmem:s8+$0x8400] =	vst v0  }
0x66: {  	[tilespmem:s8+$0xA400] =	vst v0  }
0x67: {  	(v2sf) =	vpush v4, $0x0  }
0x68: {  	(v2sf) =	vpush v4, $0x1;
	_ =	sdelay $0x4  }
0x69: {  	(v2sf) =	vpush v4, $0x2  }
0x6a: {  	(v2sf) =	vpush v4, $0x3;
	_ =	sdelay $0x7  }
0x6b: {  	s17 =	spop (v2sf)  }
0x6c: {  	s0 =	spop (v2sf)  }
0x6d: {  	p0 =	sle.s32 s0, s17  }
.Ltmp10:
0x6e: {  	_ = 	snop;
	(pc) =	sbr.rel @p0 .LBB2_49-.Ltmp10, $3  }
0x6f: {  	_ =	sdelay $0x1  }
0x70: {  	s18 =	spop (v2sf)  }
0x71: {  	s19 =	spop (v2sf)  }
0x72: {  	s4 =	ssub.s32 s0, s17  }
0x73: {  	s4 =	sadd.s32 $0x7, s4  }
0x74: {  	p0 =	slt.s32 s4, $0x8  }
.Ltmp11:
0x75: {  	_ = 	snop;
	(pc) =	sbr.rel @p0 .LBB2_22-.Ltmp11, $1  }
0x76: {  	_ =	sdelay $0x3  }
0x77: {  	s8 =	sshra.s32 s4, $0x1F  }
0x78: {  	s8 =	sshrl.u32 s8, $0x1D  }
0x79: {  	s30 =	sadd.s32 s8, s4  }
0x7a: {  	s4 =	sshra.s32 s30, $0x3  }
0x7b: {  	s13 =	sshll.u32 s17, $0x7;
	p0 =	sne.s32 s4, $0x1  }
.Ltmp12:
0x7c: {  	s13 =	sand.u32 $0xFFFFFC00, s13;
	(pc) =	sbr.rel @!p0 .LBB2_21-.Ltmp12, $4  }
0x7d: {  	s31 =	sand.u32 $0x1FFFFC00, s13  }
0x7e: {  	s8 =	sadd.s32 s1, s31  }
0x7f: {  	[hbm4b:s8+s2] =	stream.linear.scatter [tilespmem:s16], [sflag:$0x1], $0x2000, $0x38;
	[tilespmem:$0xD180] =	vst v63  }
0x80: {  	s4 =	sadd.s32 $0xFFFFFFFF, s4;
	s8 =	sadd.s32 $0x400, s13;
	_ =	swait.ge [sflag:s14], $0x2000  }
.LBB2_20:
0x81: {  	s13 =	sand.u32 $0x1FFFFC00, s8;
	[sflag:s14] =	ssyncset.done $0x0;
	p0 =	sne.s32 s4, $0x1  }
.Ltmp13:
0x82: {  	s13 =	sadd.s32 s1, s13;
	[sflag:s14] =	ssyncadd.s32 $0xFFFFE000;
	(pc) =	sbr.rel @p0 .LBB2_20-.Ltmp13, $3  }
0x83: {  	[hbm4b:s13+s2] =	stream.linear.scatter [tilespmem:s16], [sflag:$0x1], $0x2000, $0x38;
	[tilespmem:$0xD180] =	vst v63  }
0x84: {  	s4 =	sadd.s32 $0xFFFFFFFF, s4;
	_ =	sdelay $0x1  }
0x85: {  	s8 =	sadd.s32 $0x400, s8;
	_ =	swait.ge [sflag:s14], $0x2000  }
.LBB2_21:
0x86: {  	[sflag:s14] =	ssyncset.done $0x0  }
0x87: {  	[sflag:s14] =	ssyncadd.s32 $0xFFFFE000  }
.LBB2_22:
0x88: {  	s4 =	sand.u32 $0x7, s18  }
0x89: {  	s8 =	sshra.s32 s18, $0x1F;
	p0 =	slt.s32 s18, $0x1;
	p1 =	sne.s32 s4, $0x0  }
0x8a: {  	s25 =	sshrl.u32 s8, $0x1D;
	p0 =	por !p0, !p1  }
0x8b: {  	s8 =	simm.s32 $0x1;
	s4 =	sadd.s32 s25, s18;
	p0 =	por !p0, !p0  }
0x8c: {  	s4 =	sshrl.u32 s4, $0x3;
	s8 =	simm.s32 @!p0 $0x0  }
0x8d: {  	s4 =	ssub.s32 s4, s8  }
0x8e: {  	s20 =	sshll.u32 s4, $0x3  }
0x8f: {  	s4 =	ssub.s32 s19, s20  }
0x90: {  	s4 =	sadd.s32 $0x1F, s4  }
0x91: {  	s29 =	sand.u32 $0x7, s17;
	p6 =	slt.s32 s17, $0x1;
	s26 =	sand.u32 $0x1F, s4  }
0x92: {  	s13 =	sshra.s32 s4, $0x1F;
	p3 =	slt.s32 s4, $0x1;
	p4 =	sne.s32 s26, $0x0  }
0x93: {  	p5 =	sne.s32 s29, $0x0;
	s28 =	sshrl.u32 s13, $0x1B;
	p0 =	por !p3, !p4  }
0x94: {  	s8 =	simm.s32 $0x1;
	s4 =	sadd.s32 s28, s4;
	p0 =	por !p0, !p0  }
0x95: {  	s4 =	sshra.s32 s4, $0x5;
	s8 =	simm.s32 @!p0 $0x0;
	p0 =	por !p6, !p5  }
0x96: {  	s21 =	ssub.s32 s4, s8;
	p0 =	por !p0, !p0;
	s8 =	simm.s32 $0x1  }
0x97: {  	s8 =	simm.s32 @!p0 $0x0;
	p0 =	slt.s32 s21, $0x1  }
.Ltmp14:
0x98: {  	s30 =	sshra.s32 s17, $0x1F;
	(pc) =	sbr.rel @p0 .LBB2_48-.Ltmp14, $4  }
0x99: {  	s31 =	sshrl.u32 s30, $0x1D  }
0x9a: {  	s4 =	sadd.s32 s31, s17  }
0x9b: {  	s4 =	sshra.s32 s4, $0x3  }
0x9c: {  	[dreg:$0x8] =	wrdreg s22;
	s26 =	ssub.s32 s4, s8  }
.Ltmp15:
0x9d: {  	(pc) =	sbr.rel .LBB2_24-.Ltmp15, $2  }
0x9e: {  	_ =	sdelay $0x2  }
0x9f: {  	s22 =	sadd.s32 $0xFFFFFFFF, s0;
	s24 =	simm.s32 $0x0  }
.LBB2_47:
0xa0: {  	s24 =	sadd.s32 $0x1, s24  }
0xa1: {  	p0 =	sne.s32 s24, s21  }
.Ltmp16:
0xa2: {  	_ = 	snop;
	(pc) =	sbr.rel @!p0 .LBB2_48-.Ltmp16, $1  }
0xa3: {  	_ =	sdelay $0x3  }
.LBB2_24:
0xa4: {  	s0 =	sshll.u32 s24, $0x5  }
0xa5: {  	s25 =	sadd.s32 s20, s0  }
0xa6: {  	s4 =	rddreg [dreg:$0x3];
	s0 =	sshrl.u32 s25, $0x3  }
0xa7: {  	s4 =	sadd.s32 s4, s0  }
0xa8: {  	[tilespmem:s23], [sflag:$0x1] =	stream.linear.gather [hbm4b:s4+s23], $0x20, $0x38;
	[tilespmem:$0xD180] =	vst v63  }
0xa9: {  	_ =	swait.ge [sflag:s14], $0x20  }
0xaa: {  	[sflag:s14] =	ssyncset.done $0x0;
	s8 =	rddreg [dreg:$0x4]  }
0xab: {  	s5 =	simm.s32 $0xD080;
	[sflag:s14] =	ssyncadd.s32 $0xFFFFFFE0;
	s4 =	sadd.s32 s8, s0  }
0xac: {  	[tilespmem:s5], [sflag:$0x1] =	stream.linear.gather [hbm4b:s4+s23], $0x20, $0x38;
	[tilespmem:$0xD180] =	vst v63  }
0xad: {  	_ =	swait.ge [sflag:s14], $0x20  }
0xae: {  	[sflag:s14] =	ssyncset.done $0x0  }
0xaf: {  	s13 =	simm.s32 $0xD100;
	s0 =	sadd.s32 s7, s0;
	[sflag:s14] =	ssyncadd.s32 $0xFFFFFFE0  }
0xb0: {  	[tilespmem:s13], [sflag:$0x1] =	stream.linear.gather [hbm4b:s0+s23], $0x20, $0x38;
	[tilespmem:$0xD180] =	vst v63  }
0xb1: {  	_ =	swait.ge [sflag:s14], $0x20  }
0xb2: {  	[sflag:s14] =	ssyncset.done $0x0  }
0xb3: {  	[sflag:s14] =	ssyncadd.s32 $0xFFFFFFE0  }
0xb4: {  	v4 =	vld [tilespmem:$0x0];
	_ =	sdelay $0x4  }
0xb5: {  	v5 =	vshll.u32 v4, $0x3  }
0xb6: {  	v4 =	vand.u32 $0x7, v4;
	v5 =	vand.u32 $0xFFFFFFC0, v5  }
0xb7: {  	v4 =	vor.u32 v4, v5  }
0xb8: {  	v5 =	vperm.xlane v4, v1;
	_ =	sdelay $0x1  }
0xb9: {  	v5 =	vadd.s32 v2, v5;
	_ =	sdelay $0x3  }
0xba: {  	s15 =	simm.s32 $0x80  }
0xbb: {  	[tilespmem:s15], [sflag:$0x1] =	stream.indirect_vreg.gather [hbm4b:s3+s23], $0x80, v5, vm0, $0xb8;
	[tilespmem:$0xD180] =	vst v63  }
0xbc: {  	s31 =	simm.s32 $0x880;
	v4 =	vperm.xlane v4, v3  }
0xbd: {  	[tilespmem:s31], [sflag:$0x1] =	stream.indirect_vreg.gather [hbm4b:s9+s23], $0x80, v5, vm0, $0xb8;
	[tilespmem:$0xD180] =	vst v63  }
0xbe: {  	s4 =	simm.s32 $0x1080;
	v4 =	vadd.s32 v2, v4  }
0xbf: {  	[tilespmem:s4], [sflag:$0x1] =	stream.indirect_vreg.gather [hbm4b:s10+s23], $0x80, v5, vm0, $0xb8;
	[tilespmem:$0xD180] =	vst v63  }
0xc0: {  	s5 =	simm.s32 $0x1880  }
0xc1: {  	[tilespmem:s5], [sflag:$0x1] =	stream.indirect_vreg.gather [hbm4b:s11+s23], $0x80, v5, vm0, $0xb8;
	[tilespmem:$0xD180] =	vst v63  }
0xc2: {  	s6 =	simm.s32 $0x2080  }
0xc3: {  	[tilespmem:s6], [sflag:$0x1] =	stream.indirect_vreg.gather [hbm4b:s3+s23], $0x80, v4, vm0, $0xb8;
	[tilespmem:$0xD180] =	vst v63  }
0xc4: {  	s8 =	simm.s32 $0x2880  }
0xc5: {  	[tilespmem:s8], [sflag:$0x1] =	stream.indirect_vreg.gather [hbm4b:s9+s23], $0x80, v4, vm0, $0xb8;
	[tilespmem:$0xD180] =	vst v63  }
0xc6: {  	s13 =	simm.s32 $0x3080  }
0xc7: {  	[tilespmem:s13], [sflag:$0x1] =	stream.indirect_vreg.gather [hbm4b:s10+s23], $0x80, v4, vm0, $0xb8;
	[tilespmem:$0xD180] =	vst v63  }
0xc8: {  	s15 =	simm.s32 $0x3880  }
0xc9: {  	[tilespmem:s15], [sflag:$0x1] =	stream.indirect_vreg.gather [hbm4b:s11+s23], $0x80, v4, vm0, $0xb8;
	[tilespmem:$0xD180] =	vst v63  }
0xca: {  	v4 =	vld [tilespmem:$0x10];
	_ =	sdelay $0x4  }
0xcb: {  	v5 =	vshll.u32 v4, $0x3  }
0xcc: {  	v4 =	vand.u32 $0x7, v4;
	v5 =	vand.u32 $0xFFFFFFC0, v5  }
0xcd: {  	v4 =	vor.u32 v4, v5  }
0xce: {  	v5 =	vperm.xlane v4, v1;
	_ =	sdelay $0x1  }
0xcf: {  	v5 =	vadd.s32 v2, v5;
	_ =	sdelay $0x3  }
0xd0: {  	s31 =	simm.s32 $0x4080  }
0xd1: {  	[tilespmem:s31], [sflag:$0x1] =	stream.indirect_vreg.gather [hbm4b:s3+s23], $0x80, v5, vm0, $0xb8;
	[tilespmem:$0xD180] =	vst v63  }
0xd2: {  	s4 =	simm.s32 $0x4880;
	v4 =	vperm.xlane v4, v3  }
0xd3: {  	[tilespmem:s4], [sflag:$0x1] =	stream.indirect_vreg.gather [hbm4b:s9+s23], $0x80, v5, vm0, $0xb8;
	[tilespmem:$0xD180] =	vst v63  }
0xd4: {  	s5 =	simm.s32 $0x5080;
	v4 =	vadd.s32 v2, v4  }
0xd5: {  	[tilespmem:s5], [sflag:$0x1] =	stream.indirect_vreg.gather [hbm4b:s10+s23], $0x80, v5, vm0, $0xb8;
	[tilespmem:$0xD180] =	vst v63  }
0xd6: {  	s6 =	simm.s32 $0x5880  }
0xd7: {  	[tilespmem:s6], [sflag:$0x1] =	stream.indirect_vreg.gather [hbm4b:s11+s23], $0x80, v5, vm0, $0xb8;
	[tilespmem:$0xD180] =	vst v63  }
0xd8: {  	s8 =	simm.s32 $0x6080  }
0xd9: {  	[tilespmem:s8], [sflag:$0x1] =	stream.indirect_vreg.gather [hbm4b:s3+s23], $0x80, v4, vm0, $0xb8;
	[tilespmem:$0xD180] =	vst v63  }
0xda: {  	s13 =	simm.s32 $0x6880  }
0xdb: {  	[tilespmem:s13], [sflag:$0x1] =	stream.indirect_vreg.gather [hbm4b:s9+s23], $0x80, v4, vm0, $0xb8;
	[tilespmem:$0xD180] =	vst v63  }
0xdc: {  	s15 =	simm.s32 $0x7080  }
0xdd: {  	[tilespmem:s15], [sflag:$0x1] =	stream.indirect_vreg.gather [hbm4b:s10+s23], $0x80, v4, vm0, $0xb8;
	[tilespmem:$0xD180] =	vst v63  }
.Ltmp17:
0xde: {  	s31 =	simm.s32 $0x7880;
	(pc) =	sbr.rel .LBB2_25-.Ltmp17, $4  }
0xdf: {  	[tilespmem:s31], [sflag:$0x1] =	stream.indirect_vreg.gather [hbm4b:s11+s23], $0x80, v4, vm0, $0xb8;
	[tilespmem:$0xD180] =	vst v63  }
0xe0: {  	_ =	swait.ge [sflag:s14], $0x8000  }
0xe1: {  	s28 =	simm.s32 $0x0;
	s29 =	simm.s32 $0x0;
	[sflag:s14] =	ssyncset.done $0x0  }
0xe2: {  	s30 =	simm.s32 $0x0;
	s4 =	smov.u32 s26;
	[sflag:s14] =	ssyncadd.s32 $0xFFFF8000  }
.LBB2_46:
0xe3: {  	s30 =	sadd.s32 $0x1, s30  }
0xe4: {  	p0 =	sne.s32 s30, $0x20  }
.Ltmp18:
0xe5: {  	_ = 	snop;
	(pc) =	sbr.rel @!p0 .LBB2_47-.Ltmp18, $2  }
0xe6: {  	_ =	sdelay $0x2  }
0xe7: {  	s29 =	sadd.s32 $0x400, s29;
	s28 =	sadd.s32 $0x1, s28;
	s4 =	smov.u32 s26  }
.LBB2_25:
0xe8: {  	v4 =	vld [tilespmem:s30+$0xD100]  }
0xe9: {  	v5 =	vld [tilespmem:s30+$0xD080];
	_ =	sdelay $0x3  }
0xea: {  	(v2sf) =	vpush v4, $0x0  }
0xeb: {  	(v2sf) =	vpush v5, $0x0;
	_ =	sdelay $0xb  }
0xec: {  	s0 =	sadd.s32 s25, s30  }
0xed: {  	p0 =	sge.s32 s0, s18;
	p1 =	slt.s32 s0, s19  }
0xee: {  	p0 =	por !p0, !p1;
	s31 =	spop (v2sf)  }
0xef: {  	s0 =	sshll.u32 s4, $0x3;
	p0 =	por !p0, !p0;
	s8 =	spop (v2sf)  }
0xf0: {  	s0 =	smov.u32 @p0 s8  }
0xf1: {  	p1 =	sgt.s32 s17, s0  }
0xf2: {  	s0 =	smov.u32 @p1 s17  }
0xf3: {  	p1 =	slt.s32 s22, s0  }
0xf4: {  	s0 =	smov.u32 @p1 s22  }
0xf5: {  	s15 =	sand.u32 $0x7, s0  }
0xf6: {  	s13 =	sshra.s32 s0, $0x1F;
	p1 =	slt.s32 s0, $0x1;
	p2 =	sne.s32 s15, $0x0  }
0xf7: {  	s26 =	sshrl.u32 s13, $0x1D;
	p1 =	por !p1, !p2  }
0xf8: {  	s13 =	simm.s32 $0x1;
	s8 =	sadd.s32 s26, s0;
	p1 =	por !p1, !p1  }
0xf9: {  	s8 =	sshra.s32 s8, $0x3;
	s13 =	simm.s32 @!p1 $0x0  }
0xfa: {  	s26 =	ssub.s32 s8, s13  }
0xfb: {  	p1 =	seq.s32 s26, s4  }
.Ltmp19:
0xfc: {  	_ = 	snop;
	(pc) =	sbr.rel @p1 .LBB2_42-.Ltmp19, $1  }
0xfd: {  	_ =	sdelay $0x3  }
0xfe: {  	s4 =	sshll.u32 s4, $0xA  }
0xff: {  	s4 =	sand.u32 $0x1FFFFC00, s4  }
0x100: {  	s8 =	sadd.s32 s1, s4;
	s4 =	simm.s32 $0x0  }
0x101: {  	[hbm4b:s8+s4] =	stream.linear.scatter [tilespmem:s12], [sflag:$0x1], $0x2000, $0x38;
	[tilespmem:$0xD180] =	vst v63  }
0x102: {  	_ =	swait.ge [sflag:s14], $0x2000  }
0x103: {  	s15 =	sand.u32 $0x70, s4;
	s13 =	sand.u32 $0x1C00, s4;
	[sflag:s14] =	ssyncset.done $0x0  }
0x104: {  	s8 =	sor.u32 s15, s13;
	[sflag:s14] =	ssyncadd.s32 $0xFFFFE000  }
0x105: {  	s13 =	simm.s32 $0x10;
	s15 =	simm.s32 $0x0;
	[tilespmem:s8+$0x8080] =	vst v0  }
.LBB2_27:
0x106: {  	p1 =	sne.s32 s13, $0x3F0  }
.Ltmp20:
0x107: {  	_ = 	snop;
	(pc) =	sbr.rel @p1 .LBB2_27-.Ltmp20, $4  }
0x108: {  	s15 =	sadd.s32 $0x80, s15  }
0x109: {  	s5 =	sand.u32 $0x70, s13;
	s6 =	sand.u32 $0x1C00, s15  }
0x10a: {  	s5 =	sor.u32 s5, s6  }
0x10b: {  	s13 =	sadd.s32 $0x10, s13;
	[tilespmem:s5+$0x8080] =	vst v0  }
0x10c: {  	s13 =	simm.s32 $0x10;
	[tilespmem:s8+$0x8100] =	vst v0  }
.LBB2_29:
0x10d: {  	p1 =	sne.s32 s13, $0x3F0  }
.Ltmp21:
0x10e: {  	_ = 	snop;
	(pc) =	sbr.rel @p1 .LBB2_29-.Ltmp21, $4  }
0x10f: {  	s4 =	sadd.s32 $0x80, s4  }
0x110: {  	s5 =	sand.u32 $0x70, s13;
	s6 =	sand.u32 $0x1C00, s4  }
0x111: {  	s5 =	sor.u32 s5, s6  }
0x112: {  	s13 =	sadd.s32 $0x10, s13;
	s8 =	simm.s32 $0x0;
	[tilespmem:s5+$0x8100] =	vst v0  }
0x113: {  	s4 =	sand.u32 $0x70, s8;
	s5 =	sand.u32 $0x1C00, s8  }
0x114: {  	s4 =	sor.u32 s4, s5  }
0x115: {  	s13 =	simm.s32 $0x10;
	s15 =	simm.s32 $0x0;
	[tilespmem:s4+$0x8180] =	vst v0  }
.LBB2_31:
0x116: {  	p1 =	sne.s32 s13, $0x3F0  }
.Ltmp22:
0x117: {  	_ = 	snop;
	(pc) =	sbr.rel @p1 .LBB2_31-.Ltmp22, $4  }
0x118: {  	s15 =	sadd.s32 $0x80, s15  }
0x119: {  	s5 =	sand.u32 $0x70, s13;
	s6 =	sand.u32 $0x1C00, s15  }
0x11a: {  	s5 =	sor.u32 s5, s6  }
0x11b: {  	s13 =	sadd.s32 $0x10, s13;
	[tilespmem:s5+$0x8180] =	vst v0  }
0x11c: {  	s13 =	simm.s32 $0x10;
	[tilespmem:s4+$0x8200] =	vst v0  }
.LBB2_33:
0x11d: {  	p1 =	sne.s32 s13, $0x3F0  }
.Ltmp23:
0x11e: {  	_ = 	snop;
	(pc) =	sbr.rel @p1 .LBB2_33-.Ltmp23, $4  }
0x11f: {  	s8 =	sadd.s32 $0x80, s8  }
0x120: {  	s4 =	sand.u32 $0x70, s13;
	s5 =	sand.u32 $0x1C00, s8  }
0x121: {  	s4 =	sor.u32 s4, s5  }
0x122: {  	s13 =	sadd.s32 $0x10, s13;
	[tilespmem:s4+$0x8200] =	vst v0;
	s4 =	simm.s32 $0x0  }
0x123: {  	s5 =	sand.u32 $0x70, s4;
	s6 =	sand.u32 $0x1C00, s4  }
0x124: {  	s8 =	sor.u32 s5, s6  }
0x125: {  	s13 =	simm.s32 $0x10;
	s15 =	simm.s32 $0x0;
	[tilespmem:s8+$0x8280] =	vst v0  }
.LBB2_35:
0x126: {  	p1 =	sne.s32 s13, $0x3F0  }
.Ltmp24:
0x127: {  	_ = 	snop;
	(pc) =	sbr.rel @p1 .LBB2_35-.Ltmp24, $4  }
0x128: {  	s15 =	sadd.s32 $0x80, s15  }
0x129: {  	s5 =	sand.u32 $0x70, s13;
	s6 =	sand.u32 $0x1C00, s15  }
0x12a: {  	s5 =	sor.u32 s5, s6  }
0x12b: {  	s13 =	sadd.s32 $0x10, s13;
	[tilespmem:s5+$0x8280] =	vst v0  }
0x12c: {  	s13 =	simm.s32 $0x10;
	[tilespmem:s8+$0x8300] =	vst v0  }
.LBB2_37:
0x12d: {  	p1 =	sne.s32 s13, $0x3F0  }
.Ltmp25:
0x12e: {  	_ = 	snop;
	(pc) =	sbr.rel @p1 .LBB2_37-.Ltmp25, $4  }
0x12f: {  	s4 =	sadd.s32 $0x80, s4  }
0x130: {  	s5 =	sand.u32 $0x70, s13;
	s6 =	sand.u32 $0x1C00, s4  }
0x131: {  	s5 =	sor.u32 s5, s6  }
0x132: {  	s13 =	sadd.s32 $0x10, s13;
	s8 =	simm.s32 $0x0;
	[tilespmem:s5+$0x8300] =	vst v0  }
0x133: {  	s4 =	sand.u32 $0x70, s8;
	s5 =	sand.u32 $0x1C00, s8  }
0x134: {  	s4 =	sor.u32 s4, s5  }
0x135: {  	s13 =	simm.s32 $0x10;
	s15 =	simm.s32 $0x0;
	[tilespmem:s4+$0x8380] =	vst v0  }
.LBB2_39:
0x136: {  	p1 =	sne.s32 s13, $0x3F0  }
.Ltmp26:
0x137: {  	_ = 	snop;
	(pc) =	sbr.rel @p1 .LBB2_39-.Ltmp26, $4  }
0x138: {  	s15 =	sadd.s32 $0x80, s15  }
0x139: {  	s5 =	sand.u32 $0x70, s13;
	s6 =	sand.u32 $0x1C00, s15  }
0x13a: {  	s5 =	sor.u32 s5, s6  }
0x13b: {  	s13 =	sadd.s32 $0x10, s13;
	[tilespmem:s5+$0x8380] =	vst v0  }
0x13c: {  	s13 =	simm.s32 $0x10;
	[tilespmem:s4+$0x8400] =	vst v0  }
.LBB2_41:
0x13d: {  	p1 =	sne.s32 s13, $0x3F0  }
.Ltmp27:
0x13e: {  	_ = 	snop;
	(pc) =	sbr.rel @p1 .LBB2_41-.Ltmp27, $4  }
0x13f: {  	s8 =	sadd.s32 $0x80, s8  }
0x140: {  	s4 =	sand.u32 $0x70, s13;
	s5 =	sand.u32 $0x1C00, s8  }
0x141: {  	s4 =	sor.u32 s4, s5  }
0x142: {  	s13 =	sadd.s32 $0x10, s13;
	[tilespmem:s4+$0x8400] =	vst v0  }
.LBB2_42:
0x143: {  	s31 =	simm.s32 @!p0 $0x0  }
0x144: {  	p0 =	slt.f32 s31, $0.0e+00;
	p1 =	sgt.f32 s31, $0.0e+00  }
0x145: {  	_ = 	snop  }
0x146: {  	p0 =	por p1, p0  }
0x147: {  	p0 =	por !p0, !p0  }
.Ltmp28:
0x148: {  	_ = 	snop;
	(pc) =	sbr.rel @p0 .LBB2_46-.Ltmp28, $1  }
0x149: {  	_ =	sdelay $0x3  }
0x14a: {  	s4 =	sshll.u32 s29, $0x2;
	s5 =	sand.u32 $0x7, s28  }
0x14b: {  	s4 =	sand.u32 $0xFFFF8000, s4;
	s5 =	sshll.u32 s5, $0x9  }
0x14c: {  	s4 =	sor.u32 s5, s4  }
0x14d: {  	s4 =	sshrl.u32 s4, $0x2  }
0x14e: {  	s4 =	sadd.s32 $0xC0, s4  }
0x14f: {  	v4 =	vmov s4;
	_ =	sdelay $0x3  }
0x150: {  	s8 =	simm.s32 $0x0  }
0x151: {  	v6 =	vld.idx.msk [tilespmem:v4+s8+$0xFFFFFFC0 ss:$0x1], $0xffff  }
0x152: {  	s13 =	sshll.u32 s26, $0xD;
	s6 =	sshll.u32 s0, $0xA  }
0x153: {  	s15 =	sshll.u32 s0, $0x7;
	s5 =	ssub.s32 s6, s13  }
0x154: {  	s0 =	sand.u32 $0x380, s15;
	s5 =	sand.u32 $0xFFFFE000, s5  }
0x155: {  	v5 =	vmov s31;
	s0 =	sor.u32 s0, s5  }
0x156: {  	s0 =	sadd.s32 $0x8080, s0;
	v6 =	vmul.f32 v6, v5  }
0x157: {  	s31 =	sadd.s32 $0x0, s0  }
0x158: {  	[tilespmem:s31+$0x0] =	vst.add.f32.msk $0xffff, v6  }
0x159: {  	v6 =	vld.idx.msk [tilespmem:v4+s8+$0xFFFFFFD0 ss:$0x1], $0xffff;
	_ =	sdelay $0x4  }
0x15a: {  	v6 =	vmul.f32 v6, v5;
	_ =	sdelay $0x1  }
0x15b: {  	[tilespmem:s31+$0x10] =	vst.add.f32.msk $0xffff, v6  }
0x15c: {  	v6 =	vld.idx.msk [tilespmem:v4+s8+$0xFFFFFFE0 ss:$0x1], $0xffff;
	_ =	sdelay $0x4  }
0x15d: {  	v6 =	vmul.f32 v6, v5;
	_ =	sdelay $0x1  }
0x15e: {  	[tilespmem:s31+$0x20] =	vst.add.f32.msk $0xffff, v6  }
0x15f: {  	v6 =	vld.idx.msk [tilespmem:v4+s8+$0xFFFFFFF0 ss:$0x1], $0xffff;
	_ =	sdelay $0x4  }
0x160: {  	v6 =	vmul.f32 v6, v5;
	_ =	sdelay $0x1  }
0x161: {  	[tilespmem:s31+$0x30] =	vst.add.f32.msk $0xffff, v6  }
0x162: {  	v6 =	vld.idx.msk [tilespmem:v4+s8+$0x0 ss:$0x1], $0xffff;
	_ =	sdelay $0x4  }
0x163: {  	v6 =	vmul.f32 v6, v5;
	_ =	sdelay $0x1  }
0x164: {  	[tilespmem:s31+$0x40] =	vst.add.f32.msk $0xffff, v6  }
0x165: {  	v6 =	vld.idx.msk [tilespmem:v4+s8+$0x10 ss:$0x1], $0xffff;
	_ =	sdelay $0x4  }
0x166: {  	v6 =	vmul.f32 v6, v5;
	_ =	sdelay $0x1  }
0x167: {  	[tilespmem:s31+$0x50] =	vst.add.f32.msk $0xffff, v6  }
0x168: {  	v6 =	vld.idx.msk [tilespmem:v4+s8+$0x20 ss:$0x1], $0xffff;
	_ =	sdelay $0x4  }
0x169: {  	v6 =	vmul.f32 v6, v5;
	_ =	sdelay $0x1  }
0x16a: {  	[tilespmem:s31+$0x60] =	vst.add.f32.msk $0xffff, v6  }
0x16b: {  	v6 =	vld.idx.msk [tilespmem:v4+s8+$0x30 ss:$0x1], $0xffff;
	_ =	sdelay $0x4  }
0x16c: {  	v6 =	vmul.f32 v6, v5  }
0x16d: {  	s13 =	simm.s32 $0x1000;
	s4 =	simm.s32 $0x0  }
.LBB2_44:
0x16e: {  	s8 =	sshra.s32 s13, $0x2;
	s4 =	sadd.s32 $0x8, s4;
	[tilespmem:s31+$0x70] =	vst.add.f32.msk $0xffff, v6  }
0x16f: {  	v6 =	vld.idx.msk [tilespmem:v4+s8+$0xFFFFFFC0 ss:$0x1], $0xffff;
	p0 =	slt.u32 s4, $0x38;
	_ =	sdelay $0x5  }
0x170: {  	v6 =	vmul.f32 v6, v5  }
0x171: {  	s31 =	sadd.s32 s8, s0  }
0x172: {  	[tilespmem:s31+$0x0] =	vst.add.f32.msk $0xffff, v6  }
0x173: {  	v6 =	vld.idx.msk [tilespmem:v4+s8+$0xFFFFFFD0 ss:$0x1], $0xffff;
	_ =	sdelay $0x5  }
0x174: {  	v6 =	vmul.f32 v6, v5;
	_ =	sdelay $0x1  }
0x175: {  	[tilespmem:s31+$0x10] =	vst.add.f32.msk $0xffff, v6  }
0x176: {  	v6 =	vld.idx.msk [tilespmem:v4+s8+$0xFFFFFFE0 ss:$0x1], $0xffff;
	_ =	sdelay $0x5  }
0x177: {  	v6 =	vmul.f32 v6, v5;
	_ =	sdelay $0x1  }
0x178: {  	[tilespmem:s31+$0x20] =	vst.add.f32.msk $0xffff, v6  }
0x179: {  	v6 =	vld.idx.msk [tilespmem:v4+s8+$0xFFFFFFF0 ss:$0x1], $0xffff;
	_ =	sdelay $0x5  }
0x17a: {  	v6 =	vmul.f32 v6, v5;
	_ =	sdelay $0x1  }
0x17b: {  	[tilespmem:s31+$0x30] =	vst.add.f32.msk $0xffff, v6  }
0x17c: {  	v6 =	vld.idx.msk [tilespmem:v4+s8+$0x0 ss:$0x1], $0xffff;
	_ =	sdelay $0x5  }
0x17d: {  	v6 =	vmul.f32 v6, v5;
	_ =	sdelay $0x1  }
0x17e: {  	[tilespmem:s31+$0x40] =	vst.add.f32.msk $0xffff, v6  }
0x17f: {  	v6 =	vld.idx.msk [tilespmem:v4+s8+$0x10 ss:$0x1], $0xffff;
	_ =	sdelay $0x5  }
0x180: {  	v6 =	vmul.f32 v6, v5;
	_ =	sdelay $0x1  }
0x181: {  	[tilespmem:s31+$0x50] =	vst.add.f32.msk $0xffff, v6  }
0x182: {  	v6 =	vld.idx.msk [tilespmem:v4+s8+$0x20 ss:$0x1], $0xffff;
	_ =	sdelay $0x5  }
0x183: {  	v6 =	vmul.f32 v6, v5;
	_ =	sdelay $0x1  }
0x184: {  	[tilespmem:s31+$0x60] =	vst.add.f32.msk $0xffff, v6  }
0x185: {  	v6 =	vld.idx.msk [tilespmem:v4+s8+$0x30 ss:$0x1], $0xffff;
	_ =	sdelay $0x2  }
.Ltmp29:
0x186: {  	(pc) =	sbr.rel @p0 .LBB2_44-.Ltmp29, $3  }
0x187: {  	_ =	sdelay $0x1  }
0x188: {  	v6 =	vmul.f32 v6, v5  }
0x189: {  	s13 =	sadd.s32 $0x1000, s13  }
.Ltmp30:
0x18a: {  	(pc) =	sbr.rel .LBB2_46-.Ltmp30, $2  }
0x18b: {  	_ =	sdelay $0x2  }
0x18c: {  	[tilespmem:s31+$0x70] =	vst.add.f32.msk $0xffff, v6  }
.LBB2_50:
0x18d: {  	_ =	sfence.sel $0x180000  }
0x18e: {  	[bflag:$0x0] =	sbarrier.arrive $0xFFFF  }
0x18f: {  	_ =	strace $0x90000056  }
0x190: {  	s0 =	stileid.u32;
	[bflag:$0x2] =	sbarrier.arrive $0xFFFF  }
0x191: {  	p0 =	sne.s32 s0, $0x0;
	s0 =	rddreg [dreg:$0x2]  }
0x192: {  	s0 =	sadd.s32 @!p0 $0x100000, s0  }
0x193: {  	[sflag:s0] =	ssyncadd.tile.s32 @!p0 $0x1;
	_ =	shalt  }
.Lfunc_end2:
_tile_overlayer_lowered:
.L_overlay_start_2:
0x194: {  	(tag) =	ssettag $0x2  }
0x195: {  	s0 =	rddreg [dreg:$0x0];
	s2 =	stileid.u32  }
0x196: {  	s1 =	rddreg [dreg:$0x1];
	p0 =	sne.s32 s2, $0x0  }
0x197: {  	s3 =	rddreg [dreg:$0x2];
	[bflag:$0x3] =	sbarrier.arrive $0xFFFF;
	s2 =	simm.s32 @!p0 $0x1C01  }
0x198: {  	[timem:s3], [sflag:s2] =	dma.local @!p0 [hbm:s0], s1  }
0x199: {  	s0 =	simm.s32 @!p0 $0x1  }
0x19a: {  	_ =	swait.ge @!p0 [sflag:s0], s1  }
0x19b: {  	s1 =	ssub.s32 @!p0 $0x0, s1;
	[sflag:s0] =	ssyncset.done @!p0 $0x0  }
0x19c: {  	[sflag:s0] =	ssyncadd.s32 @!p0 s1  }
0x19d: {  	[bflag:$0x3] =	sbarrier.arrive $0xFFFF  }
0x19e: {  	_ =	shalt  }

</sc_bundles>
